<compile_context>
chip_gen: v7x
topology: tpu7x:2x2x1
jax: 0.10.2.dev20260603
libtpu: 0.0.44.dev20260713+nightly
codegen_flags: <defaults>
</compile_context>

<pallas_src>
import functools

import jax
import jax.numpy as jnp
from jax import lax
from jax.experimental import pallas as pl
from jax.experimental.pallas import tpu as pltpu
from jax.experimental.pallas import tpu_sc as plsc
from jax.experimental.pallas import tpu_sc as plsc

_B, _NMAX = 4, 2500
_N = _B * _NMAX
_D_NODE, _D_ROLE, _D_EDGE = 256, 64, 16
_PROJ, _HID, _HEADS = 256, 256, 8
_HD = _HID // _HEADS
_E = 160000

_ROWS = 1000
_EROWS = 2000

_NSC, _NTILE = 2, 16
_NH = _N // _NSC
_RPT = 312
_NHP = 5008
_RPT_LAST = _NHP - (_NTILE - 1) * _RPT
_DROWS = 640
_DRPT = _DROWS // _NTILE
_EPT = _E // _NTILE
_C = 32
_NCHUNK = _EPT // _C




def _matmul_bias_kernel(x_ref, w_ref, b_ref, o_ref):
    o_ref[...] = (
        jnp.dot(x_ref[...], w_ref[...], preferred_element_type=jnp.float32)
        + b_ref[...]
    )


def _matmul_bias(x, w, b, rows=_ROWS):
    n, k = x.shape
    m = w.shape[1]
    return pl.pallas_call(
        _matmul_bias_kernel,
        grid=(n // rows,),
        in_specs=[
            pl.BlockSpec((rows, k), lambda i: (i, 0)),
            pl.BlockSpec((k, m), lambda i: (0, 0)),
            pl.BlockSpec((1, m), lambda i: (0, 0)),
        ],
        out_specs=pl.BlockSpec((rows, m), lambda i: (i, 0)),
        out_shape=jax.ShapeDtypeStruct((n, m), jnp.float32),
    )(x, w, b.reshape(1, m))


def _prep_kernel(x_ref, w_ref, am_ref, xs_ref, at_ref):
    xs = jnp.dot(x_ref[...], w_ref[...], preferred_element_type=jnp.float32)
    xs_ref[...] = jnp.concatenate(
        [xs, jnp.ones((xs.shape[0], 16), jnp.float32)], axis=1
    )
    at_ref[...] = jnp.dot(xs, am_ref[...], preferred_element_type=jnp.float32)


def _prep(x, w_src, a_mat):
    n, d = x.shape
    return pl.pallas_call(
        _prep_kernel,
        grid=(n // _ROWS,),
        in_specs=[
            pl.BlockSpec((_ROWS, d), lambda i: (i, 0)),
            pl.BlockSpec((d, _HID), lambda i: (0, 0)),
            pl.BlockSpec((_HID, 128), lambda i: (0, 0)),
        ],
        out_specs=[
            pl.BlockSpec((_ROWS, _HID + 16), lambda i: (i, 0)),
            pl.BlockSpec((_ROWS, 128), lambda i: (i, 0)),
        ],
        out_shape=[
            jax.ShapeDtypeStruct((n, _HID + 16), jnp.float32),
            jax.ShapeDtypeStruct((n, 128), jnp.float32),
        ],
    )(x, w_src, a_mat)


def _ae_kernel(ea_ref, we_ref, aem_ref, ae_ref, loop_ref):
    i = pl.program_id(0)
    nsteps = pl.num_programs(0)
    we_att = jnp.dot(
        we_ref[...], aem_ref[...], preferred_element_type=jnp.float32
    )
    ae_ref[...] = jnp.dot(
        ea_ref[...], we_att, preferred_element_type=jnp.float32
    )
    bsum = jnp.sum(ea_ref[...], axis=0, keepdims=True)

    @pl.when(i == 0)
    def _():
        loop_ref[...] = jnp.zeros_like(loop_ref)

    loop_ref[...] += bsum

    @pl.when(i == nsteps - 1)
    def _():
        mean = loop_ref[...] / float(_E)
        loop_ref[...] = jnp.dot(mean, we_att, preferred_element_type=jnp.float32)


def _ae_table(edge_attr, w_edge, ae_mat):
    return pl.pallas_call(
        _ae_kernel,
        grid=(_E // _EROWS,),
        in_specs=[
            pl.BlockSpec((_EROWS, _D_EDGE), lambda i: (i, 0)),
            pl.BlockSpec((_D_EDGE, _HID), lambda i: (0, 0)),
            pl.BlockSpec((_HID, 16), lambda i: (0, 0)),
        ],
        out_specs=[
            pl.BlockSpec((_EROWS, 16), lambda i: (i, 0)),
            pl.BlockSpec((1, 16), lambda i: (0, 0)),
        ],
        out_shape=[
            jax.ShapeDtypeStruct((_E, 16), jnp.float32),
            jax.ShapeDtypeStruct((1, 16), jnp.float32),
        ],
    )(edge_attr, w_edge, ae_mat)


def _fin_kernel(
    s_ref, xs_ref, at_ref, aeloop_ref, exp_ref,
    bias_ref, g_ref, b_ref, w1_ref, b1_ref, w2_ref, b2_ref, o_ref,
):
    at = at_ref[...]
    alv = at[:, 0:16] + at[:, 16:32] + aeloop_ref[...]
    alv = jnp.maximum(alv, 0.2 * alv)
    wl = jnp.exp(alv)
    den = s_ref[:, _HID : _HID + 16] + wl
    dw = jnp.dot(wl, exp_ref[...], preferred_element_type=jnp.float32)
    dd = jnp.dot(den, exp_ref[...], preferred_element_type=jnp.float32)
    xs = xs_ref[:, 0:_HID]
    x = (s_ref[:, 0:_HID] + dw * xs) / dd + bias_ref[...]
    mu = jnp.mean(x, axis=-1, keepdims=True)
    var = jnp.mean((x - mu) ** 2, axis=-1, keepdims=True)
    h = (x - mu) * jax.lax.rsqrt(var + 1e-5) * g_ref[...] + b_ref[...]
    h1 = jnp.dot(h, w1_ref[...], preferred_element_type=jnp.float32) + b1_ref[...]
    h1 = h1 * 0.5 * (1.0 + jax.lax.erf(h1 * 0.7071067811865476))
    o_ref[...] = (
        jnp.dot(h1, w2_ref[...], preferred_element_type=jnp.float32) + b2_ref[...]
    )


def _finalize_ffn(s_acc, xs, at, ae_loop, expand, p):
    n = s_acc.shape[0]
    d, dh = _HID, 4 * _HID
    return pl.pallas_call(
        _fin_kernel,
        grid=(n // _ROWS,),
        in_specs=[
            pl.BlockSpec((_ROWS, d + 16), lambda i: (i, 0)),
            pl.BlockSpec((_ROWS, d + 16), lambda i: (i, 0)),
            pl.BlockSpec((_ROWS, 128), lambda i: (i, 0)),
            pl.BlockSpec((1, 16), lambda i: (0, 0)),
            pl.BlockSpec((16, d), lambda i: (0, 0)),
            pl.BlockSpec((1, d), lambda i: (0, 0)),
            pl.BlockSpec((1, d), lambda i: (0, 0)),
            pl.BlockSpec((1, d), lambda i: (0, 0)),
            pl.BlockSpec((d, dh), lambda i: (0, 0)),
            pl.BlockSpec((1, dh), lambda i: (0, 0)),
            pl.BlockSpec((dh, d), lambda i: (0, 0)),
            pl.BlockSpec((1, d), lambda i: (0, 0)),
        ],
        out_specs=pl.BlockSpec((_ROWS, d), lambda i: (i, 0)),
        out_shape=jax.ShapeDtypeStruct((n, d), jnp.float32),
    )(
        s_acc, xs, at, ae_loop, expand,
        p["bias"].reshape(1, d),
        p["ln_g"].reshape(1, d),
        p["ln_b"].reshape(1, d),
        p["ffn_W1"],
        p["ffn_b1"].reshape(1, dh),
        p["ffn_W2"],
        p["ffn_b2"].reshape(1, d),
    )



_CW = 160
_WCHUNKS = _E // _CW


def _scw_body(at_hbm, ae_hbm, src_hbm, dst_hbm, w_out,
              src_v, dst_v, asrc_v, adst_v, ae_v, w_v, sem):
    c = lax.axis_index("c")
    s = lax.axis_index("s")
    wid = s * 2 + c
    base = _WCHUNKS // 32
    extra = _WCHUNKS - base * 32
    nchunk = jnp.where(wid < extra, base + 1, base)

    def chunk_body(j, carry):
        ebase = (wid + j * 32) * _CW
        pltpu.sync_copy(src_hbm.at[pl.ds(ebase, _CW)], src_v)
        pltpu.sync_copy(dst_hbm.at[pl.ds(ebase, _CW)], dst_v)
        pltpu.sync_copy(ae_hbm.at[pl.ds(ebase, _CW)], ae_v)
        pltpu.async_copy(at_hbm.at[src_v], asrc_v, sem).wait()
        pltpu.async_copy(at_hbm.at[dst_v], adst_v, sem).wait()

        def edge_body(r, ecarry):
            al = asrc_v[r, pl.ds(0, 16)] + adst_v[r, pl.ds(16, 16)] \
                + ae_v[r, pl.ds(0, 16)]
            al = jnp.maximum(al, al * 0.2)
            w_v[r, pl.ds(0, 16)] = jnp.exp(al)
            return ecarry

        lax.fori_loop(0, _CW, edge_body, 0)
        pltpu.sync_copy(w_v, w_out.at[pl.ds(ebase, _CW)])
        return carry

    lax.fori_loop(0, nchunk, chunk_body, 0)


_scw = pl.kernel(
    _scw_body,
    out_type=[jax.ShapeDtypeStruct((_E, 16), jnp.float32)],
    mesh=plsc.VectorSubcoreMesh(core_axis_name="c", subcore_axis_name="s"),
    scratch_types=[
        pltpu.VMEM((_CW,), jnp.int32),
        pltpu.VMEM((_CW,), jnp.int32),
        pltpu.VMEM((_CW, 128), jnp.float32),
        pltpu.VMEM((_CW, 128), jnp.float32),
        pltpu.VMEM((_CW, 16), jnp.float32),
        pltpu.VMEM((_CW, 16), jnp.float32),
        pltpu.SemaphoreType.DMA,
    ],
)



_EIN = 128


def _edge_kernel(src_ref, dst_ref, w_ref, xs_ref, exp_ref, s_ref):
    s_ref[...] = jnp.zeros_like(s_ref)
    expm = exp_ref[...]

    def row_body(r, carry):
        srow = src_ref[pl.ds(r, 1), :]
        drow = dst_ref[pl.ds(r, 1), :]
        wrow = w_ref[pl.ds(r, 1), :]
        for j in range(_EIN):
            sv = srow[0, j]
            dv = drow[0, j]
            w = wrow[:, j * 16 : (j + 1) * 16]
            dw = jnp.dot(w, expm, preferred_element_type=jnp.float32)
            xsr = xs_ref[pl.ds(sv, 1), :]
            s_ref[pl.ds(dv, 1), :] += xsr * dw
        return carry

    lax.fori_loop(0, _E // _EIN, row_body, 0)


def _edge_pass(src2d, dst2d, w2d, xs, expand):
    return pl.pallas_call(
        _edge_kernel,
        grid=(1,),
        in_specs=[
            pl.BlockSpec((_E // _EIN, _EIN), lambda i: (0, 0)),
            pl.BlockSpec((_E // _EIN, _EIN), lambda i: (0, 0)),
            pl.BlockSpec((_E // _EIN, _EIN * 16), lambda i: (0, 0)),
            pl.BlockSpec((_N, _HID + 16), lambda i: (0, 0)),
            pl.BlockSpec((16, _HID + 16), lambda i: (0, 0)),
        ],
        out_specs=pl.BlockSpec((_N, _HID + 16), lambda i: (0, 0)),
        out_shape=jax.ShapeDtypeStruct((_N, _HID + 16), jnp.float32),
    )(src2d, dst2d, w2d, xs, expand)




def _dup_head_expand(att):
    eye = jnp.eye(_HEADS, dtype=jnp.float32)
    cols = jnp.concatenate([eye, eye], axis=1)
    return (att[:, :, None] * cols[:, None, :]).reshape(_HID, 16)


def kernel(node_feat, role_emb, edge_index, edge_attr, node_mask, params):
    x = jnp.concatenate([node_feat, role_emb], axis=-1).reshape(_B * _NMAX, -1)
    x = _matmul_bias(x, params["fuse_W"], params["fuse_b"])
    src = edge_index[0]
    dst = edge_index[1]
    src2d = src.reshape(_E // _EIN, _EIN)
    dst2d = dst.reshape(_E // _EIN, _EIN)

    expand = jnp.concatenate(
        [
            jnp.repeat(jnp.eye(_HEADS, dtype=jnp.float32), _HD, axis=1),
            jnp.zeros((_HEADS, _HID), jnp.float32),
        ],
        axis=0,
    )
    den_cols = jnp.concatenate(
        [jnp.eye(_HEADS, dtype=jnp.float32),
         jnp.zeros((_HEADS, _HEADS), jnp.float32)],
        axis=1,
    )
    expand_ext = jnp.concatenate(
        [
            expand,
            jnp.concatenate(
                [den_cols, jnp.zeros((_HEADS, 16), jnp.float32)], axis=0
            ),
        ],
        axis=1,
    )

    for p in params["layers"]:
        a_mat = jnp.concatenate(
            [_dup_head_expand(p["att_src"]), _dup_head_expand(p["att_dst"])],
            axis=1,
        )
        ae_mat = _dup_head_expand(p["att_edge"])
        xs, at = _prep(x, p["W_src"], a_mat)
        ae_t, ae_loop = _ae_table(edge_attr, p["W_edge"], ae_mat)
        (w_tab,) = _scw(at, ae_t, src, dst)
        s_acc = _edge_pass(
            src2d, dst2d, w_tab.reshape(_E // _EIN, _EIN * 16), xs,
            expand_ext,
        )
        x = _finalize_ffn(s_acc, xs, at, ae_loop, expand, p)

    return x.reshape(_B, _NMAX, _HID)

# --- scband reference (transcript-rebuilt; emitter-appended) ---
"""Pipeline reference for scband-gnnencoder-70025146794158 (READ-ONLY COPY).

The authoritative reference and input builder live on the scoring server;
editing this copy changes nothing except your own understanding.
"""

import jax, jax.numpy as jnp
import numpy as np

B, NMAX = 4, 2500
N = B * NMAX
D_NODE, D_ROLE, D_EDGE = 256, 64, 16
PROJ, HIDDEN, HEADS, LAYERS = 256, 256, 8, 2
HEAD_DIM = HIDDEN // HEADS
E = 160000


def setup_inputs(seed: int = 0) -> dict:
    key = jax.random.key(seed)
    ks = jax.random.split(key, 64)
    inp = {}
    inp["node_feat"] = jax.random.normal(ks[0], (B, NMAX, D_NODE), jnp.float32)
    inp["role_emb"] = jax.random.normal(ks[1], (B, NMAX, D_ROLE), jnp.float32)
    inp["edge_index"] = jax.random.randint(ks[2], (2, E), 0, N, dtype=jnp.int32)
    inp["edge_attr"] = jax.random.normal(ks[3], (E, D_EDGE), jnp.float32)
    inp["node_mask"] = jnp.ones((B, NMAX), dtype=bool)

    def w(k, shape):
        fan_in = shape[0]
        return jax.random.normal(k, shape, jnp.float32) * (1.0 / np.sqrt(fan_in))

    params = {
        "fuse_W": w(ks[4], (D_NODE + D_ROLE, PROJ)),
        "fuse_b": jnp.zeros((PROJ,), jnp.float32),
        "layers": [],
    }
    ki = 5
    in_dim = PROJ
    for _ in range(LAYERS):
        layer = {
            "W_src": w(ks[ki + 0], (in_dim, HIDDEN)),
            "att_src": jax.random.normal(ks[ki + 1], (HEADS, HEAD_DIM), jnp.float32) * 0.1,
            "att_dst": jax.random.normal(ks[ki + 2], (HEADS, HEAD_DIM), jnp.float32) * 0.1,
            "W_edge": w(ks[ki + 3], (D_EDGE, HIDDEN)),
            "att_edge": jax.random.normal(ks[ki + 4], (HEADS, HEAD_DIM), jnp.float32) * 0.1,
            "bias": jnp.zeros((HIDDEN,), jnp.float32),
            "ln_g": jnp.ones((HIDDEN,), jnp.float32),
            "ln_b": jnp.zeros((HIDDEN,), jnp.float32),
            "ffn_W1": w(ks[ki + 5], (HIDDEN, 4 * HIDDEN)),
            "ffn_b1": jnp.zeros((4 * HIDDEN,), jnp.float32),
            "ffn_W2": w(ks[ki + 6], (4 * HIDDEN, HIDDEN)),
            "ffn_b2": jnp.zeros((HIDDEN,), jnp.float32),
        }
        params["layers"].append(layer)
        ki += 7
        in_dim = HIDDEN
    inp["params"] = params
    return inp


def _gat_conv(x, src, dst, edge_attr, p):
    n = x.shape[0]
    loop = jnp.arange(n, dtype=src.dtype)
    src2 = jnp.concatenate([src, loop])
    dst2 = jnp.concatenate([dst, loop])
    mean_attr = jnp.mean(edge_attr, axis=0)
    ea = jnp.concatenate([edge_attr, jnp.broadcast_to(mean_attr, (n, edge_attr.shape[1]))], axis=0)
    xs = (x @ p["W_src"]).reshape(n, HEADS, HEAD_DIM)
    a_src = jnp.sum(xs * p["att_src"], axis=-1)
    a_dst = jnp.sum(xs * p["att_dst"], axis=-1)
    ef = (ea @ p["W_edge"]).reshape(-1, HEADS, HEAD_DIM)
    a_e = jnp.sum(ef * p["att_edge"], axis=-1)
    alpha = a_src[src2] + a_dst[dst2] + a_e
    alpha = jax.nn.leaky_relu(alpha, negative_slope=0.2)
    amax = jax.ops.segment_max(alpha, dst2, num_segments=n)
    amax = jnp.where(jnp.isfinite(amax), amax, 0.0)
    ex = jnp.exp(alpha - amax[dst2])
    denom = jax.ops.segment_sum(ex, dst2, num_segments=n)
    attn = ex / (denom[dst2] + 1e-16)
    msg = xs[src2] * attn[:, :, None]
    out = jax.ops.segment_sum(msg, dst2, num_segments=n)
    return out.reshape(n, HIDDEN) + p["bias"]


def _ffn(x, p):
    mu = jnp.mean(x, axis=-1, keepdims=True)
    var = jnp.var(x, axis=-1, keepdims=True)
    h = (x - mu) / jnp.sqrt(var + 1e-5) * p["ln_g"] + p["ln_b"]
    h = h @ p["ffn_W1"] + p["ffn_b1"]
    h = jax.nn.gelu(h, approximate=False)
    h = h @ p["ffn_W2"] + p["ffn_b2"]
    return h


def reference(node_feat, role_emb, edge_index, edge_attr, node_mask, params):
    # node_mask is all-True, so the per-batch compaction (index_flat) is the identity
    x = jnp.concatenate([node_feat, role_emb], axis=-1).reshape(B * NMAX, -1)
    x = x @ params["fuse_W"] + params["fuse_b"]
    src, dst = edge_index[0], edge_index[1]
    for p in params["layers"]:
        x = _gat_conv(x, src, dst, edge_attr, p)
        x = _ffn(x, p)
    H = x.reshape(B, NMAX, HIDDEN)
    return H

if __name__ == "__main__":
    import jax
    _d = setup_inputs()
    print(jax.jit(kernel)(*tuple(_d.values())))

</pallas_src>

<mosaic_0001>
#map = affine_map<(d0, d1) -> (0, 0)>
#map1 = affine_map<(d0, d1) -> (0)>
module attributes {stable_mosaic.version = 14 : i64} {
  func.func @_scw_body(%arg0: i32, %arg1: i32, %arg2: memref<10000x128xf32, #tpu.memory_space<hbm>>, %arg3: memref<160000x16xf32, #tpu.memory_space<hbm>>, %arg4: memref<160000xi32, #tpu.memory_space<hbm>>, %arg5: memref<160000xi32, #tpu.memory_space<hbm>>, %arg6: memref<160000x16xf32, #tpu.memory_space<hbm>>, %arg7: memref<160xi32, #tpu.memory_space<vmem>>, %arg8: memref<160xi32, #tpu.memory_space<vmem>>, %arg9: memref<160x128xf32, #tpu.memory_space<vmem>>, %arg10: memref<160x128xf32, #tpu.memory_space<vmem>>, %arg11: memref<160x16xf32, #tpu.memory_space<vmem>>, %arg12: memref<160x16xf32, #tpu.memory_space<vmem>>, %arg13: memref<!tpu.dma_semaphore, #tpu.memory_space<semaphore_mem>>) attributes {dimension_semantics = [#tpu.dimension_semantics<core_parallel>, #tpu.dimension_semantics<subcore_parallel>], iteration_bounds = array<i64: 2, 16>, scalar_prefetch = 0 : i64, scratch_operands = 7 : i64, tpu.core_type = #tpu.core_type<sc_vector_subcore>, window_params = [{transform_indices = #map}, {transform_indices = #map}, {transform_indices = #map1}, {transform_indices = #map1}, {transform_indices = #map}]} {
    %mul3A = arith.constant 2 : i32
    %mul3A_0 = arith.muli %arg1, %mul3A : i32
    %add3A = arith.addi %mul3A_0, %arg0 : i32
    %lt3A = arith.constant 8 : i32
    %lt3A_1 = arith.cmpi slt, %add3A, %lt3A : i32
    %jit3A = arith.constant 32 : i32
    %jit3A_2 = arith.constant 31 : i32
    %select_n3A = arith.select %lt3A_1, %jit3A, %jit3A_2 : i32
    %while3A = arith.constant 0 : i32
    %while3A_3 = arith.constant 0 : i32
    %while3A_4 = arith.subi %select_n3A, %while3A_3 : i32
    %while3A_5 = arith.addi %while3A_3, %while3A_4 : i32
    %while3A_6 = arith.constant 1 : i32
    %while3A_7 = arith.divsi %while3A_4, %while3A_6 : i32
    %while3A_8 = arith.muli %while3A_7, %while3A_6 : i32
    %while3A_9 = arith.addi %while3A_3, %while3A_8 : i32
    %while3A_10 = arith.constant 1 : i32
    scf.for %while3A_12 = %while3A_3 to %while3A_9 step %while3A_10  : i32 {
      %mul3A_13 = arith.constant 32 : i32
      %mul3A_14 = arith.muli %while3A_12, %mul3A_13 : i32
      %add3A_15 = arith.addi %add3A, %mul3A_14 : i32
      %mul3A_16 = arith.constant 160 : i32
      %mul3A_17 = arith.muli %add3A_15, %mul3A_16 : i32
      "tpu.region"() ({
        %run_scoped3A = tpu.sem_alloc : memref<!tpu.dma_semaphore, #tpu.memory_space<semaphore_mem>>
        %dma_start3A_33 = tpu.memref_slice %arg4[%mul3A_17] : memref<160000xi32, #tpu.memory_space<hbm>> -> memref<160xi32, #tpu.memory_space<hbm>>
        %dma_start3A_34 = tpu.memref_slice %arg4[%mul3A_17] : memref<160000xi32, #tpu.memory_space<hbm>> -> memref<160xi32, #tpu.memory_space<hbm>>
        tpu.enqueue_dma source(%dma_start3A_34 : memref<160xi32, #tpu.memory_space<hbm>>) target(%arg7 : memref<160xi32, #tpu.memory_space<vmem>>) target_semaphore(%run_scoped3A : memref<!tpu.dma_semaphore, #tpu.memory_space<semaphore_mem>>)
        %dma_wait3A_35 = tpu.memref_slice %arg4[%mul3A_17] : memref<160000xi32, #tpu.memory_space<hbm>> -> memref<160xi32, #tpu.memory_space<hbm>>
        %dma_wait3A_36 = tpu.memref_slice %arg4[%mul3A_17] : memref<160000xi32, #tpu.memory_space<hbm>> -> memref<160xi32, #tpu.memory_space<hbm>>
        tpu.wait_dma2 semaphore(%run_scoped3A : memref<!tpu.dma_semaphore, #tpu.memory_space<semaphore_mem>>) src(%dma_wait3A_36 : memref<160xi32, #tpu.memory_space<hbm>>) dst(%arg7 : memref<160xi32, #tpu.memory_space<vmem>>)
        tpu.yield
      }) : () -> ()
      "tpu.region"() ({
        %run_scoped3A = tpu.sem_alloc : memref<!tpu.dma_semaphore, #tpu.memory_space<semaphore_mem>>
        %dma_start3A_33 = tpu.memref_slice %arg5[%mul3A_17] : memref<160000xi32, #tpu.memory_space<hbm>> -> memref<160xi32, #tpu.memory_space<hbm>>
        %dma_start3A_34 = tpu.memref_slice %arg5[%mul3A_17] : memref<160000xi32, #tpu.memory_space<hbm>> -> memref<160xi32, #tpu.memory_space<hbm>>
        tpu.enqueue_dma source(%dma_start3A_34 : memref<160xi32, #tpu.memory_space<hbm>>) target(%arg8 : memref<160xi32, #tpu.memory_space<vmem>>) target_semaphore(%run_scoped3A : memref<!tpu.dma_semaphore, #tpu.memory_space<semaphore_mem>>)
        %dma_wait3A_35 = tpu.memref_slice %arg5[%mul3A_17] : memref<160000xi32, #tpu.memory_space<hbm>> -> memref<160xi32, #tpu.memory_space<hbm>>
        %dma_wait3A_36 = tpu.memref_slice %arg5[%mul3A_17] : memref<160000xi32, #tpu.memory_space<hbm>> -> memref<160xi32, #tpu.memory_space<hbm>>
        tpu.wait_dma2 semaphore(%run_scoped3A : memref<!tpu.dma_semaphore, #tpu.memory_space<semaphore_mem>>) src(%dma_wait3A_36 : memref<160xi32, #tpu.memory_space<hbm>>) dst(%arg8 : memref<160xi32, #tpu.memory_space<vmem>>)
        tpu.yield
      }) : () -> ()
      "tpu.region"() ({
        %run_scoped3A = tpu.sem_alloc : memref<!tpu.dma_semaphore, #tpu.memory_space<semaphore_mem>>
        %dma_start3A_33 = arith.constant 0 : i32
        %dma_start3A_34 = tpu.memref_slice %arg3[%mul3A_17, %dma_start3A_33] : memref<160000x16xf32, #tpu.memory_space<hbm>> -> memref<160x16xf32, #tpu.memory_space<hbm>>
        %dma_start3A_35 = arith.constant 0 : i32
        %dma_start3A_36 = tpu.memref_slice %arg3[%mul3A_17, %dma_start3A_35] : memref<160000x16xf32, #tpu.memory_space<hbm>> -> memref<160x16xf32, #tpu.memory_space<hbm>>
        tpu.enqueue_dma source(%dma_start3A_36 : memref<160x16xf32, #tpu.memory_space<hbm>>) target(%arg11 : memref<160x16xf32, #tpu.memory_space<vmem>>) target_semaphore(%run_scoped3A : memref<!tpu.dma_semaphore, #tpu.memory_space<semaphore_mem>>)
        %dma_wait3A_37 = arith.constant 0 : i32
        %dma_wait3A_38 = tpu.memref_slice %arg3[%mul3A_17, %dma_wait3A_37] : memref<160000x16xf32, #tpu.memory_space<hbm>> -> memref<160x16xf32, #tpu.memory_space<hbm>>
        %dma_wait3A_39 = arith.constant 0 : i32
        %dma_wait3A_40 = tpu.memref_slice %arg3[%mul3A_17, %dma_wait3A_39] : memref<160000x16xf32, #tpu.memory_space<hbm>> -> memref<160x16xf32, #tpu.memory_space<hbm>>
        tpu.wait_dma2 semaphore(%run_scoped3A : memref<!tpu.dma_semaphore, #tpu.memory_space<semaphore_mem>>) src(%dma_wait3A_40 : memref<160x16xf32, #tpu.memory_space<hbm>>) dst(%arg11 : memref<160x16xf32, #tpu.memory_space<vmem>>)
        tpu.yield
      }) : () -> ()
      %dma_start3A = arith.constant 0 : i32
      %dma_start3A_18 = arith.constant 0 : i32
      %dma_start3A_19 = tpu.memref_slice %arg2[%dma_start3A, %dma_start3A_18] : memref<10000x128xf32, #tpu.memory_space<hbm>> -> memref<10000x128xf32, #tpu.memory_space<hbm>>
      tpu.enqueue_indirect_dma source(%dma_start3A_19 : memref<10000x128xf32, #tpu.memory_space<hbm>>) target(%arg9 : memref<160x128xf32, #tpu.memory_space<vmem>>) offsets(%arg7 : memref<160xi32, #tpu.memory_space<vmem>>) semaphore(%arg13 : memref<!tpu.dma_semaphore, #tpu.memory_space<semaphore_mem>>)
      %dma_wait3A = arith.constant 0 : i32
      %dma_wait3A_20 = arith.constant 0 : i32
      %dma_wait3A_21 = tpu.memref_slice %arg2[%dma_wait3A, %dma_wait3A_20] : memref<10000x128xf32, #tpu.memory_space<hbm>> -> memref<10000x128xf32, #tpu.memory_space<hbm>>
      tpu.wait_indirect_dma semaphore(%arg13 : memref<!tpu.dma_semaphore, #tpu.memory_space<semaphore_mem>>) src(%dma_wait3A_21 : memref<10000x128xf32, #tpu.memory_space<hbm>>) dst(%arg9 : memref<160x128xf32, #tpu.memory_space<vmem>>)
      %dma_start3A_22 = arith.constant 0 : i32
      %dma_start3A_23 = arith.constant 0 : i32
      %dma_start3A_24 = tpu.memref_slice %arg2[%dma_start3A_22, %dma_start3A_23] : memref<10000x128xf32, #tpu.memory_space<hbm>> -> memref<10000x128xf32, #tpu.memory_space<hbm>>
      tpu.enqueue_indirect_dma source(%dma_start3A_24 : memref<10000x128xf32, #tpu.memory_space<hbm>>) target(%arg10 : memref<160x128xf32, #tpu.memory_space<vmem>>) offsets(%arg8 : memref<160xi32, #tpu.memory_space<vmem>>) semaphore(%arg13 : memref<!tpu.dma_semaphore, #tpu.memory_space<semaphore_mem>>)
      %dma_wait3A_25 = arith.constant 0 : i32
      %dma_wait3A_26 = arith.constant 0 : i32
      %dma_wait3A_27 = tpu.memref_slice %arg2[%dma_wait3A_25, %dma_wait3A_26] : memref<10000x128xf32, #tpu.memory_space<hbm>> -> memref<10000x128xf32, #tpu.memory_space<hbm>>
      tpu.wait_indirect_dma semaphore(%arg13 : memref<!tpu.dma_semaphore, #tpu.memory_space<semaphore_mem>>) src(%dma_wait3A_27 : memref<10000x128xf32, #tpu.memory_space<hbm>>) dst(%arg10 : memref<160x128xf32, #tpu.memory_space<vmem>>)
      %scan3A = arith.constant 0 : i32
      %scan3A_28 = arith.constant 0 : i32
      %scan3A_29 = arith.constant 160 : i32
      %scan3A_30 = arith.addi %scan3A_28, %scan3A_29 : i32
      %scan3A_31 = arith.constant 1 : i32
      scf.for %scan3A_33 = %scan3A_28 to %scan3A_30 step %scan3A_31  : i32 {
        %get3A = arith.index_cast %scan3A_33 : i32 to index
        %get3A_34 = arith.constant 0 : index
        %get3A_35 = tpu.vector_load %arg9[%get3A, %get3A_34] {strides = array<i32>} : memref<160x128xf32, #tpu.memory_space<vmem>>, vector<1x16xf32>,
        %get3A_36 = vector.shape_cast %get3A_35 : vector<1x16xf32> to vector<16xf32>
        %get3A_37 = arith.index_cast %scan3A_33 : i32 to index
        %get3A_38 = arith.constant 16 : index
        %get3A_39 = tpu.vector_load %arg10[%get3A_37, %get3A_38] {strides = array<i32>} : memref<160x128xf32, #tpu.memory_space<vmem>>, vector<1x16xf32>,
        %get3A_40 = vector.shape_cast %get3A_39 : vector<1x16xf32> to vector<16xf32>
        %add3A_41 = arith.addf %get3A_36, %get3A_40 : vector<16xf32>
        %get3A_42 = arith.index_cast %scan3A_33 : i32 to index
        %get3A_43 = arith.constant 0 : index
        %get3A_44 = tpu.vector_load %arg11[%get3A_42, %get3A_43] {strides = array<i32>} : memref<160x16xf32, #tpu.memory_space<vmem>>, vector<1x16xf32>,
        %get3A_45 = vector.shape_cast %get3A_44 : vector<1x16xf32> to vector<16xf32>
        %add3A_46 = arith.addf %add3A_41, %get3A_45 : vector<16xf32>
        %mul3A_47 = arith.constant 2.000000e-01 : f32
        %mul3A_48 = vector.broadcast %mul3A_47 : f32 to vector<16xf32>
        %mul3A_49 = arith.mulf %add3A_46, %mul3A_48 : vector<16xf32>
        %max3A = arith.maximumf %add3A_46, %mul3A_49 : vector<16xf32>
        %exp3A = math.exp %max3A : vector<16xf32>
        %swap3A = arith.index_cast %scan3A_33 : i32 to index
        %swap3A_50 = arith.constant 0 : index
        %swap3A_51 = tpu.vector_load %arg12[%swap3A, %swap3A_50] {strides = array<i32>} : memref<160x16xf32, #tpu.memory_space<vmem>>, vector<1x16xf32>,
        %swap3A_52 = vector.shape_cast %swap3A_51 : vector<1x16xf32> to vector<16xf32>
        %swap3A_53 = vector.shape_cast %exp3A : vector<16xf32> to vector<1x16xf32>
        tpu.vector_store %arg12[%swap3A, %swap3A_50], %swap3A_53 {strides = array<i32>} : memref<160x16xf32, #tpu.memory_space<vmem>>, vector<1x16xf32>,
      }
      %scan3A_32 = arith.constant 160 : i32
      "tpu.region"() ({
        %run_scoped3A = tpu.sem_alloc : memref<!tpu.dma_semaphore, #tpu.memory_space<semaphore_mem>>
        %dma_start3A_33 = arith.constant 0 : i32
        %dma_start3A_34 = tpu.memref_slice %arg6[%mul3A_17, %dma_start3A_33] : memref<160000x16xf32, #tpu.memory_space<hbm>> -> memref<160x16xf32, #tpu.memory_space<hbm>>
        %dma_start3A_35 = arith.constant 0 : i32
        %dma_start3A_36 = tpu.memref_slice %arg6[%mul3A_17, %dma_start3A_35] : memref<160000x16xf32, #tpu.memory_space<hbm>> -> memref<160x16xf32, #tpu.memory_space<hbm>>
        tpu.enqueue_dma source(%arg12 : memref<160x16xf32, #tpu.memory_space<vmem>>) target(%dma_start3A_36 : memref<160x16xf32, #tpu.memory_space<hbm>>) target_semaphore(%run_scoped3A : memref<!tpu.dma_semaphore, #tpu.memory_space<semaphore_mem>>)
        %dma_wait3A_37 = arith.constant 0 : i32
        %dma_wait3A_38 = tpu.memref_slice %arg6[%mul3A_17, %dma_wait3A_37] : memref<160000x16xf32, #tpu.memory_space<hbm>> -> memref<160x16xf32, #tpu.memory_space<hbm>>
        %dma_wait3A_39 = arith.constant 0 : i32
        %dma_wait3A_40 = tpu.memref_slice %arg6[%mul3A_17, %dma_wait3A_39] : memref<160000x16xf32, #tpu.memory_space<hbm>> -> memref<160x16xf32, #tpu.memory_space<hbm>>
        tpu.wait_dma2 semaphore(%run_scoped3A : memref<!tpu.dma_semaphore, #tpu.memory_space<semaphore_mem>>) src(%arg12 : memref<160x16xf32, #tpu.memory_space<vmem>>) dst(%dma_wait3A_40 : memref<160x16xf32, #tpu.memory_space<hbm>>)
        tpu.yield
      }) : () -> ()
    }
    %while3A_11 = arith.constant 1 : i32
    scf.for %while3A_12 = %while3A_9 to %while3A_5 step %while3A_11  : i32 {
      %mul3A_13 = arith.constant 32 : i32
      %mul3A_14 = arith.muli %while3A_12, %mul3A_13 : i32
      %add3A_15 = arith.addi %add3A, %mul3A_14 : i32
      %mul3A_16 = arith.constant 160 : i32
      %mul3A_17 = arith.muli %add3A_15, %mul3A_16 : i32
      "tpu.region"() ({
        %run_scoped3A = tpu.sem_alloc : memref<!tpu.dma_semaphore, #tpu.memory_space<semaphore_mem>>
        %dma_start3A_33 = tpu.memref_slice %arg4[%mul3A_17] : memref<160000xi32, #tpu.memory_space<hbm>> -> memref<160xi32, #tpu.memory_space<hbm>>
        %dma_start3A_34 = tpu.memref_slice %arg4[%mul3A_17] : memref<160000xi32, #tpu.memory_space<hbm>> -> memref<160xi32, #tpu.memory_space<hbm>>
        tpu.enqueue_dma source(%dma_start3A_34 : memref<160xi32, #tpu.memory_space<hbm>>) target(%arg7 : memref<160xi32, #tpu.memory_space<vmem>>) target_semaphore(%run_scoped3A : memref<!tpu.dma_semaphore, #tpu.memory_space<semaphore_mem>>)
        %dma_wait3A_35 = tpu.memref_slice %arg4[%mul3A_17] : memref<160000xi32, #tpu.memory_space<hbm>> -> memref<160xi32, #tpu.memory_space<hbm>>
        %dma_wait3A_36 = tpu.memref_slice %arg4[%mul3A_17] : memref<160000xi32, #tpu.memory_space<hbm>> -> memref<160xi32, #tpu.memory_space<hbm>>
        tpu.wait_dma2 semaphore(%run_scoped3A : memref<!tpu.dma_semaphore, #tpu.memory_space<semaphore_mem>>) src(%dma_wait3A_36 : memref<160xi32, #tpu.memory_space<hbm>>) dst(%arg7 : memref<160xi32, #tpu.memory_space<vmem>>)
        tpu.yield
      }) : () -> ()
      "tpu.region"() ({
        %run_scoped3A = tpu.sem_alloc : memref<!tpu.dma_semaphore, #tpu.memory_space<semaphore_mem>>
        %dma_start3A_33 = tpu.memref_slice %arg5[%mul3A_17] : memref<160000xi32, #tpu.memory_space<hbm>> -> memref<160xi32, #tpu.memory_space<hbm>>
        %dma_start3A_34 = tpu.memref_slice %arg5[%mul3A_17] : memref<160000xi32, #tpu.memory_space<hbm>> -> memref<160xi32, #tpu.memory_space<hbm>>
        tpu.enqueue_dma source(%dma_start3A_34 : memref<160xi32, #tpu.memory_space<hbm>>) target(%arg8 : memref<160xi32, #tpu.memory_space<vmem>>) target_semaphore(%run_scoped3A : memref<!tpu.dma_semaphore, #tpu.memory_space<semaphore_mem>>)
        %dma_wait3A_35 = tpu.memref_slice %arg5[%mul3A_17] : memref<160000xi32, #tpu.memory_space<hbm>> -> memref<160xi32, #tpu.memory_space<hbm>>
        %dma_wait3A_36 = tpu.memref_slice %arg5[%mul3A_17] : memref<160000xi32, #tpu.memory_space<hbm>> -> memref<160xi32, #tpu.memory_space<hbm>>
        tpu.wait_dma2 semaphore(%run_scoped3A : memref<!tpu.dma_semaphore, #tpu.memory_space<semaphore_mem>>) src(%dma_wait3A_36 : memref<160xi32, #tpu.memory_space<hbm>>) dst(%arg8 : memref<160xi32, #tpu.memory_space<vmem>>)
        tpu.yield
      }) : () -> ()
      "tpu.region"() ({
        %run_scoped3A = tpu.sem_alloc : memref<!tpu.dma_semaphore, #tpu.memory_space<semaphore_mem>>
        %dma_start3A_33 = arith.constant 0 : i32
        %dma_start3A_34 = tpu.memref_slice %arg3[%mul3A_17, %dma_start3A_33] : memref<160000x16xf32, #tpu.memory_space<hbm>> -> memref<160x16xf32, #tpu.memory_space<hbm>>
        %dma_start3A_35 = arith.constant 0 : i32
        %dma_start3A_36 = tpu.memref_slice %arg3[%mul3A_17, %dma_start3A_35] : memref<160000x16xf32, #tpu.memory_space<hbm>> -> memref<160x16xf32, #tpu.memory_space<hbm>>
        tpu.enqueue_dma source(%dma_start3A_36 : memref<160x16xf32, #tpu.memory_space<hbm>>) target(%arg11 : memref<160x16xf32, #tpu.memory_space<vmem>>) target_semaphore(%run_scoped3A : memref<!tpu.dma_semaphore, #tpu.memory_space<semaphore_mem>>)
        %dma_wait3A_37 = arith.constant 0 : i32
        %dma_wait3A_38 = tpu.memref_slice %arg3[%mul3A_17, %dma_wait3A_37] : memref<160000x16xf32, #tpu.memory_space<hbm>> -> memref<160x16xf32, #tpu.memory_space<hbm>>
        %dma_wait3A_39 = arith.constant 0 : i32
        %dma_wait3A_40 = tpu.memref_slice %arg3[%mul3A_17, %dma_wait3A_39] : memref<160000x16xf32, #tpu.memory_space<hbm>> -> memref<160x16xf32, #tpu.memory_space<hbm>>
        tpu.wait_dma2 semaphore(%run_scoped3A : memref<!tpu.dma_semaphore, #tpu.memory_space<semaphore_mem>>) src(%dma_wait3A_40 : memref<160x16xf32, #tpu.memory_space<hbm>>) dst(%arg11 : memref<160x16xf32, #tpu.memory_space<vmem>>)
        tpu.yield
      }) : () -> ()
      %dma_start3A = arith.constant 0 : i32
      %dma_start3A_18 = arith.constant 0 : i32
      %dma_start3A_19 = tpu.memref_slice %arg2[%dma_start3A, %dma_start3A_18] : memref<10000x128xf32, #tpu.memory_space<hbm>> -> memref<10000x128xf32, #tpu.memory_space<hbm>>
      tpu.enqueue_indirect_dma source(%dma_start3A_19 : memref<10000x128xf32, #tpu.memory_space<hbm>>) target(%arg9 : memref<160x128xf32, #tpu.memory_space<vmem>>) offsets(%arg7 : memref<160xi32, #tpu.memory_space<vmem>>) semaphore(%arg13 : memref<!tpu.dma_semaphore, #tpu.memory_space<semaphore_mem>>)
      %dma_wait3A = arith.constant 0 : i32
      %dma_wait3A_20 = arith.constant 0 : i32
      %dma_wait3A_21 = tpu.memref_slice %arg2[%dma_wait3A, %dma_wait3A_20] : memref<10000x128xf32, #tpu.memory_space<hbm>> -> memref<10000x128xf32, #tpu.memory_space<hbm>>
      tpu.wait_indirect_dma semaphore(%arg13 : memref<!tpu.dma_semaphore, #tpu.memory_space<semaphore_mem>>) src(%dma_wait3A_21 : memref<10000x128xf32, #tpu.memory_space<hbm>>) dst(%arg9 : memref<160x128xf32, #tpu.memory_space<vmem>>)
      %dma_start3A_22 = arith.constant 0 : i32
      %dma_start3A_23 = arith.constant 0 : i32
      %dma_start3A_24 = tpu.memref_slice %arg2[%dma_start3A_22, %dma_start3A_23] : memref<10000x128xf32, #tpu.memory_space<hbm>> -> memref<10000x128xf32, #tpu.memory_space<hbm>>
      tpu.enqueue_indirect_dma source(%dma_start3A_24 : memref<10000x128xf32, #tpu.memory_space<hbm>>) target(%arg10 : memref<160x128xf32, #tpu.memory_space<vmem>>) offsets(%arg8 : memref<160xi32, #tpu.memory_space<vmem>>) semaphore(%arg13 : memref<!tpu.dma_semaphore, #tpu.memory_space<semaphore_mem>>)
      %dma_wait3A_25 = arith.constant 0 : i32
      %dma_wait3A_26 = arith.constant 0 : i32
      %dma_wait3A_27 = tpu.memref_slice %arg2[%dma_wait3A_25, %dma_wait3A_26] : memref<10000x128xf32, #tpu.memory_space<hbm>> -> memref<10000x128xf32, #tpu.memory_space<hbm>>
      tpu.wait_indirect_dma semaphore(%arg13 : memref<!tpu.dma_semaphore, #tpu.memory_space<semaphore_mem>>) src(%dma_wait3A_27 : memref<10000x128xf32, #tpu.memory_space<hbm>>) dst(%arg10 : memref<160x128xf32, #tpu.memory_space<vmem>>)
      %scan3A = arith.constant 0 : i32
      %scan3A_28 = arith.constant 0 : i32
      %scan3A_29 = arith.constant 160 : i32
      %scan3A_30 = arith.addi %scan3A_28, %scan3A_29 : i32
      %scan3A_31 = arith.constant 1 : i32
      scf.for %scan3A_33 = %scan3A_28 to %scan3A_30 step %scan3A_31  : i32 {
        %get3A = arith.index_cast %scan3A_33 : i32 to index
        %get3A_34 = arith.constant 0 : index
        %get3A_35 = tpu.vector_load %arg9[%get3A, %get3A_34] {strides = array<i32>} : memref<160x128xf32, #tpu.memory_space<vmem>>, vector<1x16xf32>,
        %get3A_36 = vector.shape_cast %get3A_35 : vector<1x16xf32> to vector<16xf32>
        %get3A_37 = arith.index_cast %scan3A_33 : i32 to index
        %get3A_38 = arith.constant 16 : index
        %get3A_39 = tpu.vector_load %arg10[%get3A_37, %get3A_38] {strides = array<i32>} : memref<160x128xf32, #tpu.memory_space<vmem>>, vector<1x16xf32>,
        %get3A_40 = vector.shape_cast %get3A_39 : vector<1x16xf32> to vector<16xf32>
        %add3A_41 = arith.addf %get3A_36, %get3A_40 : vector<16xf32>
        %get3A_42 = arith.index_cast %scan3A_33 : i32 to index
        %get3A_43 = arith.constant 0 : index
        %get3A_44 = tpu.vector_load %arg11[%get3A_42, %get3A_43] {strides = array<i32>} : memref<160x16xf32, #tpu.memory_space<vmem>>, vector<1x16xf32>,
        %get3A_45 = vector.shape_cast %get3A_44 : vector<1x16xf32> to vector<16xf32>
        %add3A_46 = arith.addf %add3A_41, %get3A_45 : vector<16xf32>
        %mul3A_47 = arith.constant 2.000000e-01 : f32
        %mul3A_48 = vector.broadcast %mul3A_47 : f32 to vector<16xf32>
        %mul3A_49 = arith.mulf %add3A_46, %mul3A_48 : vector<16xf32>
        %max3A = arith.maximumf %add3A_46, %mul3A_49 : vector<16xf32>
        %exp3A = math.exp %max3A : vector<16xf32>
        %swap3A = arith.index_cast %scan3A_33 : i32 to index
        %swap3A_50 = arith.constant 0 : index
        %swap3A_51 = tpu.vector_load %arg12[%swap3A, %swap3A_50] {strides = array<i32>} : memref<160x16xf32, #tpu.memory_space<vmem>>, vector<1x16xf32>,
        %swap3A_52 = vector.shape_cast %swap3A_51 : vector<1x16xf32> to vector<16xf32>
        %swap3A_53 = vector.shape_cast %exp3A : vector<16xf32> to vector<1x16xf32>
        tpu.vector_store %arg12[%swap3A, %swap3A_50], %swap3A_53 {strides = array<i32>} : memref<160x16xf32, #tpu.memory_space<vmem>>, vector<1x16xf32>,
      }
      %scan3A_32 = arith.constant 160 : i32
      "tpu.region"() ({
        %run_scoped3A = tpu.sem_alloc : memref<!tpu.dma_semaphore, #tpu.memory_space<semaphore_mem>>
        %dma_start3A_33 = arith.constant 0 : i32
        %dma_start3A_34 = tpu.memref_slice %arg6[%mul3A_17, %dma_start3A_33] : memref<160000x16xf32, #tpu.memory_space<hbm>> -> memref<160x16xf32, #tpu.memory_space<hbm>>
        %dma_start3A_35 = arith.constant 0 : i32
        %dma_start3A_36 = tpu.memref_slice %arg6[%mul3A_17, %dma_start3A_35] : memref<160000x16xf32, #tpu.memory_space<hbm>> -> memref<160x16xf32, #tpu.memory_space<hbm>>
        tpu.enqueue_dma source(%arg12 : memref<160x16xf32, #tpu.memory_space<vmem>>) target(%dma_start3A_36 : memref<160x16xf32, #tpu.memory_space<hbm>>) target_semaphore(%run_scoped3A : memref<!tpu.dma_semaphore, #tpu.memory_space<semaphore_mem>>)
        %dma_wait3A_37 = arith.constant 0 : i32
        %dma_wait3A_38 = tpu.memref_slice %arg6[%mul3A_17, %dma_wait3A_37] : memref<160000x16xf32, #tpu.memory_space<hbm>> -> memref<160x16xf32, #tpu.memory_space<hbm>>
        %dma_wait3A_39 = arith.constant 0 : i32
        %dma_wait3A_40 = tpu.memref_slice %arg6[%mul3A_17, %dma_wait3A_39] : memref<160000x16xf32, #tpu.memory_space<hbm>> -> memref<160x16xf32, #tpu.memory_space<hbm>>
        tpu.wait_dma2 semaphore(%run_scoped3A : memref<!tpu.dma_semaphore, #tpu.memory_space<semaphore_mem>>) src(%arg12 : memref<160x16xf32, #tpu.memory_space<vmem>>) dst(%dma_wait3A_40 : memref<160x16xf32, #tpu.memory_space<hbm>>)
        tpu.yield
      }) : () -> ()
    }
    return
  }
}

#map = affine_map<(d0, d1) -> (0, 0)>
#map1 = affine_map<(d0, d1) -> (0)>
module attributes {stable_mosaic.version = 14 : i64} {
  func.func @_scw_body(%arg0: i32, %arg1: i32, %arg2: memref<10000x128xf32, #tpu.memory_space<hbm>>, %arg3: memref<160000x16xf32, #tpu.memory_space<hbm>>, %arg4: memref<160000xi32, #tpu.memory_space<hbm>>, %arg5: memref<160000xi32, #tpu.memory_space<hbm>>, %arg6: memref<160000x16xf32, #tpu.memory_space<hbm>>, %arg7: memref<160xi32, #tpu.memory_space<vmem>>, %arg8: memref<160xi32, #tpu.memory_space<vmem>>, %arg9: memref<160x128xf32, #tpu.memory_space<vmem>>, %arg10: memref<160x128xf32, #tpu.memory_space<vmem>>, %arg11: memref<160x16xf32, #tpu.memory_space<vmem>>, %arg12: memref<160x16xf32, #tpu.memory_space<vmem>>, %arg13: memref<!tpu.dma_semaphore, #tpu.memory_space<semaphore_mem>>) attributes {dimension_semantics = [#tpu.dimension_semantics<core_parallel>, #tpu.dimension_semantics<subcore_parallel>], iteration_bounds = array<i64: 2, 16>, scalar_prefetch = 0 : i64, scratch_operands = 7 : i64, tpu.core_type = #tpu.core_type<sc_vector_subcore>, window_params = [{transform_indices = #map}, {transform_indices = #map}, {transform_indices = #map1}, {transform_indices = #map1}, {transform_indices = #map}]} {
    %mul3A = arith.constant 2 : i32
    %mul3A_0 = arith.muli %arg1, %mul3A : i32
    %add3A = arith.addi %mul3A_0, %arg0 : i32
    %lt3A = arith.constant 8 : i32
    %lt3A_1 = arith.cmpi slt, %add3A, %lt3A : i32
    %jit3A = arith.constant 32 : i32
    %jit3A_2 = arith.constant 31 : i32
    %select_n3A = arith.select %lt3A_1, %jit3A, %jit3A_2 : i32
    %while3A = arith.constant 0 : i32
    %while3A_3 = arith.constant 0 : i32
    %while3A_4 = arith.subi %select_n3A, %while3A_3 : i32
    %while3A_5 = arith.addi %while3A_3, %while3A_4 : i32
    %while3A_6 = arith.constant 1 : i32
    %while3A_7 = arith.divsi %while3A_4, %while3A_6 : i32
    %while3A_8 = arith.muli %while3A_7, %while3A_6 : i32
    %while3A_9 = arith.addi %while3A_3, %while3A_8 : i32
    %while3A_10 = arith.constant 1 : i32
    scf.for %while3A_12 = %while3A_3 to %while3A_9 step %while3A_10  : i32 {
      %mul3A_13 = arith.constant 32 : i32
      %mul3A_14 = arith.muli %while3A_12, %mul3A_13 : i32
      %add3A_15 = arith.addi %add3A, %mul3A_14 : i32
      %mul3A_16 = arith.constant 160 : i32
      %mul3A_17 = arith.muli %add3A_15, %mul3A_16 : i32
      "tpu.region"() ({
        %run_scoped3A = tpu.sem_alloc : memref<!tpu.dma_semaphore, #tpu.memory_space<semaphore_mem>>
        %dma_start3A_33 = tpu.memref_slice %arg4[%mul3A_17] : memref<160000xi32, #tpu.memory_space<hbm>> -> memref<160xi32, #tpu.memory_space<hbm>>
        %dma_start3A_34 = tpu.memref_slice %arg4[%mul3A_17] : memref<160000xi32, #tpu.memory_space<hbm>> -> memref<160xi32, #tpu.memory_space<hbm>>
        tpu.enqueue_dma source(%dma_start3A_34 : memref<160xi32, #tpu.memory_space<hbm>>) target(%arg7 : memref<160xi32, #tpu.memory_space<vmem>>) target_semaphore(%run_scoped3A : memref<!tpu.dma_semaphore, #tpu.memory_space<semaphore_mem>>)
        %dma_wait3A_35 = tpu.memref_slice %arg4[%mul3A_17] : memref<160000xi32, #tpu.memory_space<hbm>> -> memref<160xi32, #tpu.memory_space<hbm>>
        %dma_wait3A_36 = tpu.memref_slice %arg4[%mul3A_17] : memref<160000xi32, #tpu.memory_space<hbm>> -> memref<160xi32, #tpu.memory_space<hbm>>
        tpu.wait_dma2 semaphore(%run_scoped3A : memref<!tpu.dma_semaphore, #tpu.memory_space<semaphore_mem>>) src(%dma_wait3A_36 : memref<160xi32, #tpu.memory_space<hbm>>) dst(%arg7 : memref<160xi32, #tpu.memory_space<vmem>>)
        tpu.yield
      }) : () -> ()
      "tpu.region"() ({
        %run_scoped3A = tpu.sem_alloc : memref<!tpu.dma_semaphore, #tpu.memory_space<semaphore_mem>>
        %dma_start3A_33 = tpu.memref_slice %arg5[%mul3A_17] : memref<160000xi32, #tpu.memory_space<hbm>> -> memref<160xi32, #tpu.memory_space<hbm>>
        %dma_start3A_34 = tpu.memref_slice %arg5[%mul3A_17] : memref<160000xi32, #tpu.memory_space<hbm>> -> memref<160xi32, #tpu.memory_space<hbm>>
        tpu.enqueue_dma source(%dma_start3A_34 : memref<160xi32, #tpu.memory_space<hbm>>) target(%arg8 : memref<160xi32, #tpu.memory_space<vmem>>) target_semaphore(%run_scoped3A : memref<!tpu.dma_semaphore, #tpu.memory_space<semaphore_mem>>)
        %dma_wait3A_35 = tpu.memref_slice %arg5[%mul3A_17] : memref<160000xi32, #tpu.memory_space<hbm>> -> memref<160xi32, #tpu.memory_space<hbm>>
        %dma_wait3A_36 = tpu.memref_slice %arg5[%mul3A_17] : memref<160000xi32, #tpu.memory_space<hbm>> -> memref<160xi32, #tpu.memory_space<hbm>>
        tpu.wait_dma2 semaphore(%run_scoped3A : memref<!tpu.dma_semaphore, #tpu.memory_space<semaphore_mem>>) src(%dma_wait3A_36 : memref<160xi32, #tpu.memory_space<hbm>>) dst(%arg8 : memref<160xi32, #tpu.memory_space<vmem>>)
        tpu.yield
      }) : () -> ()
      "tpu.region"() ({
        %run_scoped3A = tpu.sem_alloc : memref<!tpu.dma_semaphore, #tpu.memory_space<semaphore_mem>>
        %dma_start3A_33 = arith.constant 0 : i32
        %dma_start3A_34 = tpu.memref_slice %arg3[%mul3A_17, %dma_start3A_33] : memref<160000x16xf32, #tpu.memory_space<hbm>> -> memref<160x16xf32, #tpu.memory_space<hbm>>
        %dma_start3A_35 = arith.constant 0 : i32
        %dma_start3A_36 = tpu.memref_slice %arg3[%mul3A_17, %dma_start3A_35] : memref<160000x16xf32, #tpu.memory_space<hbm>> -> memref<160x16xf32, #tpu.memory_space<hbm>>
        tpu.enqueue_dma source(%dma_start3A_36 : memref<160x16xf32, #tpu.memory_space<hbm>>) target(%arg11 : memref<160x16xf32, #tpu.memory_space<vmem>>) target_semaphore(%run_scoped3A : memref<!tpu.dma_semaphore, #tpu.memory_space<semaphore_mem>>)
        %dma_wait3A_37 = arith.constant 0 : i32
        %dma_wait3A_38 = tpu.memref_slice %arg3[%mul3A_17, %dma_wait3A_37] : memref<160000x16xf32, #tpu.memory_space<hbm>> -> memref<160x16xf32, #tpu.memory_space<hbm>>
        %dma_wait3A_39 = arith.constant 0 : i32
        %dma_wait3A_40 = tpu.memref_slice %arg3[%mul3A_17, %dma_wait3A_39] : memref<160000x16xf32, #tpu.memory_space<hbm>> -> memref<160x16xf32, #tpu.memory_space<hbm>>
        tpu.wait_dma2 semaphore(%run_scoped3A : memref<!tpu.dma_semaphore, #tpu.memory_space<semaphore_mem>>) src(%dma_wait3A_40 : memref<160x16xf32, #tpu.memory_space<hbm>>) dst(%arg11 : memref<160x16xf32, #tpu.memory_space<vmem>>)
        tpu.yield
      }) : () -> ()
      %dma_start3A = arith.constant 0 : i32
      %dma_start3A_18 = arith.constant 0 : i32
      %dma_start3A_19 = tpu.memref_slice %arg2[%dma_start3A, %dma_start3A_18] : memref<10000x128xf32, #tpu.memory_space<hbm>> -> memref<10000x128xf32, #tpu.memory_space<hbm>>
      tpu.enqueue_indirect_dma source(%dma_start3A_19 : memref<10000x128xf32, #tpu.memory_space<hbm>>) target(%arg9 : memref<160x128xf32, #tpu.memory_space<vmem>>) offsets(%arg7 : memref<160xi32, #tpu.memory_space<vmem>>) semaphore(%arg13 : memref<!tpu.dma_semaphore, #tpu.memory_space<semaphore_mem>>)
      %dma_wait3A = arith.constant 0 : i32
      %dma_wait3A_20 = arith.constant 0 : i32
      %dma_wait3A_21 = tpu.memref_slice %arg2[%dma_wait3A, %dma_wait3A_20] : memref<10000x128xf32, #tpu.memory_space<hbm>> -> memref<10000x128xf32, #tpu.memory_space<hbm>>
      tpu.wait_indirect_dma semaphore(%arg13 : memref<!tpu.dma_semaphore, #tpu.memory_space<semaphore_mem>>) src(%dma_wait3A_21 : memref<10000x128xf32, #tpu.memory_space<hbm>>) dst(%arg9 : memref<160x128xf32, #tpu.memory_space<vmem>>)
      %dma_start3A_22 = arith.constant 0 : i32
      %dma_start3A_23 = arith.constant 0 : i32
      %dma_start3A_24 = tpu.memref_slice %arg2[%dma_start3A_22, %dma_start3A_23] : memref<10000x128xf32, #tpu.memory_space<hbm>> -> memref<10000x128xf32, #tpu.memory_space<hbm>>
      tpu.enqueue_indirect_dma source(%dma_start3A_24 : memref<10000x128xf32, #tpu.memory_space<hbm>>) target(%arg10 : memref<160x128xf32, #tpu.memory_space<vmem>>) offsets(%arg8 : memref<160xi32, #tpu.memory_space<vmem>>) semaphore(%arg13 : memref<!tpu.dma_semaphore, #tpu.memory_space<semaphore_mem>>)
      %dma_wait3A_25 = arith.constant 0 : i32
      %dma_wait3A_26 = arith.constant 0 : i32
      %dma_wait3A_27 = tpu.memref_slice %arg2[%dma_wait3A_25, %dma_wait3A_26] : memref<10000x128xf32, #tpu.memory_space<hbm>> -> memref<10000x128xf32, #tpu.memory_space<hbm>>
      tpu.wait_indirect_dma semaphore(%arg13 : memref<!tpu.dma_semaphore, #tpu.memory_space<semaphore_mem>>) src(%dma_wait3A_27 : memref<10000x128xf32, #tpu.memory_space<hbm>>) dst(%arg10 : memref<160x128xf32, #tpu.memory_space<vmem>>)
      %scan3A = arith.constant 0 : i32
      %scan3A_28 = arith.constant 0 : i32
      %scan3A_29 = arith.constant 160 : i32
      %scan3A_30 = arith.addi %scan3A_28, %scan3A_29 : i32
      %scan3A_31 = arith.constant 1 : i32
      scf.for %scan3A_33 = %scan3A_28 to %scan3A_30 step %scan3A_31  : i32 {
        %get3A = arith.index_cast %scan3A_33 : i32 to index
        %get3A_34 = arith.constant 0 : index
        %get3A_35 = tpu.vector_load %arg9[%get3A, %get3A_34] {strides = array<i32>} : memref<160x128xf32, #tpu.memory_space<vmem>>, vector<1x16xf32>,
        %get3A_36 = vector.shape_cast %get3A_35 : vector<1x16xf32> to vector<16xf32>
        %get3A_37 = arith.index_cast %scan3A_33 : i32 to index
        %get3A_38 = arith.constant 16 : index
        %get3A_39 = tpu.vector_load %arg10[%get3A_37, %get3A_38] {strides = array<i32>} : memref<160x128xf32, #tpu.memory_space<vmem>>, vector<1x16xf32>,
        %get3A_40 = vector.shape_cast %get3A_39 : vector<1x16xf32> to vector<16xf32>
        %add3A_41 = arith.addf %get3A_36, %get3A_40 : vector<16xf32>
        %get3A_42 = arith.index_cast %scan3A_33 : i32 to index
        %get3A_43 = arith.constant 0 : index
        %get3A_44 = tpu.vector_load %arg11[%get3A_42, %get3A_43] {strides = array<i32>} : memref<160x16xf32, #tpu.memory_space<vmem>>, vector<1x16xf32>,
        %get3A_45 = vector.shape_cast %get3A_44 : vector<1x16xf32> to vector<16xf32>
        %add3A_46 = arith.addf %add3A_41, %get3A_45 : vector<16xf32>
        %mul3A_47 = arith.constant 2.000000e-01 : f32
        %mul3A_48 = vector.broadcast %mul3A_47 : f32 to vector<16xf32>
        %mul3A_49 = arith.mulf %add3A_46, %mul3A_48 : vector<16xf32>
        %max3A = arith.maximumf %add3A_46, %mul3A_49 : vector<16xf32>
        %exp3A = math.exp %max3A : vector<16xf32>
        %swap3A = arith.index_cast %scan3A_33 : i32 to index
        %swap3A_50 = arith.constant 0 : index
        %swap3A_51 = tpu.vector_load %arg12[%swap3A, %swap3A_50] {strides = array<i32>} : memref<160x16xf32, #tpu.memory_space<vmem>>, vector<1x16xf32>,
        %swap3A_52 = vector.shape_cast %swap3A_51 : vector<1x16xf32> to vector<16xf32>
        %swap3A_53 = vector.shape_cast %exp3A : vector<16xf32> to vector<1x16xf32>
        tpu.vector_store %arg12[%swap3A, %swap3A_50], %swap3A_53 {strides = array<i32>} : memref<160x16xf32, #tpu.memory_space<vmem>>, vector<1x16xf32>,
      }
      %scan3A_32 = arith.constant 160 : i32
      "tpu.region"() ({
        %run_scoped3A = tpu.sem_alloc : memref<!tpu.dma_semaphore, #tpu.memory_space<semaphore_mem>>
        %dma_start3A_33 = arith.constant 0 : i32
        %dma_start3A_34 = tpu.memref_slice %arg6[%mul3A_17, %dma_start3A_33] : memref<160000x16xf32, #tpu.memory_space<hbm>> -> memref<160x16xf32, #tpu.memory_space<hbm>>
        %dma_start3A_35 = arith.constant 0 : i32
        %dma_start3A_36 = tpu.memref_slice %arg6[%mul3A_17, %dma_start3A_35] : memref<160000x16xf32, #tpu.memory_space<hbm>> -> memref<160x16xf32, #tpu.memory_space<hbm>>
        tpu.enqueue_dma source(%arg12 : memref<160x16xf32, #tpu.memory_space<vmem>>) target(%dma_start3A_36 : memref<160x16xf32, #tpu.memory_space<hbm>>) target_semaphore(%run_scoped3A : memref<!tpu.dma_semaphore, #tpu.memory_space<semaphore_mem>>)
        %dma_wait3A_37 = arith.constant 0 : i32
        %dma_wait3A_38 = tpu.memref_slice %arg6[%mul3A_17, %dma_wait3A_37] : memref<160000x16xf32, #tpu.memory_space<hbm>> -> memref<160x16xf32, #tpu.memory_space<hbm>>
        %dma_wait3A_39 = arith.constant 0 : i32
        %dma_wait3A_40 = tpu.memref_slice %arg6[%mul3A_17, %dma_wait3A_39] : memref<160000x16xf32, #tpu.memory_space<hbm>> -> memref<160x16xf32, #tpu.memory_space<hbm>>
        tpu.wait_dma2 semaphore(%run_scoped3A : memref<!tpu.dma_semaphore, #tpu.memory_space<semaphore_mem>>) src(%arg12 : memref<160x16xf32, #tpu.memory_space<vmem>>) dst(%dma_wait3A_40 : memref<160x16xf32, #tpu.memory_space<hbm>>)
        tpu.yield
      }) : () -> ()
    }
    %while3A_11 = arith.constant 1 : i32
    scf.for %while3A_12 = %while3A_9 to %while3A_5 step %while3A_11  : i32 {
      %mul3A_13 = arith.constant 32 : i32
      %mul3A_14 = arith.muli %while3A_12, %mul3A_13 : i32
      %add3A_15 = arith.addi %add3A, %mul3A_14 : i32
      %mul3A_16 = arith.constant 160 : i32
      %mul3A_17 = arith.muli %add3A_15, %mul3A_16 : i32
      "tpu.region"() ({
        %run_scoped3A = tpu.sem_alloc : memref<!tpu.dma_semaphore, #tpu.memory_space<semaphore_mem>>
        %dma_start3A_33 = tpu.memref_slice %arg4[%mul3A_17] : memref<160000xi32, #tpu.memory_space<hbm>> -> memref<160xi32, #tpu.memory_space<hbm>>
        %dma_start3A_34 = tpu.memref_slice %arg4[%mul3A_17] : memref<160000xi32, #tpu.memory_space<hbm>> -> memref<160xi32, #tpu.memory_space<hbm>>
        tpu.enqueue_dma source(%dma_start3A_34 : memref<160xi32, #tpu.memory_space<hbm>>) target(%arg7 : memref<160xi32, #tpu.memory_space<vmem>>) target_semaphore(%run_scoped3A : memref<!tpu.dma_semaphore, #tpu.memory_space<semaphore_mem>>)
        %dma_wait3A_35 = tpu.memref_slice %arg4[%mul3A_17] : memref<160000xi32, #tpu.memory_space<hbm>> -> memref<160xi32, #tpu.memory_space<hbm>>
        %dma_wait3A_36 = tpu.memref_slice %arg4[%mul3A_17] : memref<160000xi32, #tpu.memory_space<hbm>> -> memref<160xi32, #tpu.memory_space<hbm>>
        tpu.wait_dma2 semaphore(%run_scoped3A : memref<!tpu.dma_semaphore, #tpu.memory_space<semaphore_mem>>) src(%dma_wait3A_36 : memref<160xi32, #tpu.memory_space<hbm>>) dst(%arg7 : memref<160xi32, #tpu.memory_space<vmem>>)
        tpu.yield
      }) : () -> ()
      "tpu.region"() ({
        %run_scoped3A = tpu.sem_alloc : memref<!tpu.dma_semaphore, #tpu.memory_space<semaphore_mem>>
        %dma_start3A_33 = tpu.memref_slice %arg5[%mul3A_17] : memref<160000xi32, #tpu.memory_space<hbm>> -> memref<160xi32, #tpu.memory_space<hbm>>
        %dma_start3A_34 = tpu.memref_slice %arg5[%mul3A_17] : memref<160000xi32, #tpu.memory_space<hbm>> -> memref<160xi32, #tpu.memory_space<hbm>>
        tpu.enqueue_dma source(%dma_start3A_34 : memref<160xi32, #tpu.memory_space<hbm>>) target(%arg8 : memref<160xi32, #tpu.memory_space<vmem>>) target_semaphore(%run_scoped3A : memref<!tpu.dma_semaphore, #tpu.memory_space<semaphore_mem>>)
        %dma_wait3A_35 = tpu.memref_slice %arg5[%mul3A_17] : memref<160000xi32, #tpu.memory_space<hbm>> -> memref<160xi32, #tpu.memory_space<hbm>>
        %dma_wait3A_36 = tpu.memref_slice %arg5[%mul3A_17] : memref<160000xi32, #tpu.memory_space<hbm>> -> memref<160xi32, #tpu.memory_space<hbm>>
        tpu.wait_dma2 semaphore(%run_scoped3A : memref<!tpu.dma_semaphore, #tpu.memory_space<semaphore_mem>>) src(%dma_wait3A_36 : memref<160xi32, #tpu.memory_space<hbm>>) dst(%arg8 : memref<160xi32, #tpu.memory_space<vmem>>)
        tpu.yield
      }) : () -> ()
      "tpu.region"() ({
        %run_scoped3A = tpu.sem_alloc : memref<!tpu.dma_semaphore, #tpu.memory_space<semaphore_mem>>
        %dma_start3A_33 = arith.constant 0 : i32
        %dma_start3A_34 = tpu.memref_slice %arg3[%mul3A_17, %dma_start3A_33] : memref<160000x16xf32, #tpu.memory_space<hbm>> -> memref<160x16xf32, #tpu.memory_space<hbm>>
        %dma_start3A_35 = arith.constant 0 : i32
        %dma_start3A_36 = tpu.memref_slice %arg3[%mul3A_17, %dma_start3A_35] : memref<160000x16xf32, #tpu.memory_space<hbm>> -> memref<160x16xf32, #tpu.memory_space<hbm>>
        tpu.enqueue_dma source(%dma_start3A_36 : memref<160x16xf32, #tpu.memory_space<hbm>>) target(%arg11 : memref<160x16xf32, #tpu.memory_space<vmem>>) target_semaphore(%run_scoped3A : memref<!tpu.dma_semaphore, #tpu.memory_space<semaphore_mem>>)
        %dma_wait3A_37 = arith.constant 0 : i32
        %dma_wait3A_38 = tpu.memref_slice %arg3[%mul3A_17, %dma_wait3A_37] : memref<160000x16xf32, #tpu.memory_space<hbm>> -> memref<160x16xf32, #tpu.memory_space<hbm>>
        %dma_wait3A_39 = arith.constant 0 : i32
        %dma_wait3A_40 = tpu.memref_slice %arg3[%mul3A_17, %dma_wait3A_39] : memref<160000x16xf32, #tpu.memory_space<hbm>> -> memref<160x16xf32, #tpu.memory_space<hbm>>
        tpu.wait_dma2 semaphore(%run_scoped3A : memref<!tpu.dma_semaphore, #tpu.memory_space<semaphore_mem>>) src(%dma_wait3A_40 : memref<160x16xf32, #tpu.memory_space<hbm>>) dst(%arg11 : memref<160x16xf32, #tpu.memory_space<vmem>>)
        tpu.yield
      }) : () -> ()
      %dma_start3A = arith.constant 0 : i32
      %dma_start3A_18 = arith.constant 0 : i32
      %dma_start3A_19 = tpu.memref_slice %arg2[%dma_start3A, %dma_start3A_18] : memref<10000x128xf32, #tpu.memory_space<hbm>> -> memref<10000x128xf32, #tpu.memory_space<hbm>>
      tpu.enqueue_indirect_dma source(%dma_start3A_19 : memref<10000x128xf32, #tpu.memory_space<hbm>>) target(%arg9 : memref<160x128xf32, #tpu.memory_space<vmem>>) offsets(%arg7 : memref<160xi32, #tpu.memory_space<vmem>>) semaphore(%arg13 : memref<!tpu.dma_semaphore, #tpu.memory_space<semaphore_mem>>)
      %dma_wait3A = arith.constant 0 : i32
      %dma_wait3A_20 = arith.constant 0 : i32
      %dma_wait3A_21 = tpu.memref_slice %arg2[%dma_wait3A, %dma_wait3A_20] : memref<10000x128xf32, #tpu.memory_space<hbm>> -> memref<10000x128xf32, #tpu.memory_space<hbm>>
      tpu.wait_indirect_dma semaphore(%arg13 : memref<!tpu.dma_semaphore, #tpu.memory_space<semaphore_mem>>) src(%dma_wait3A_21 : memref<10000x128xf32, #tpu.memory_space<hbm>>) dst(%arg9 : memref<160x128xf32, #tpu.memory_space<vmem>>)
      %dma_start3A_22 = arith.constant 0 : i32
      %dma_start3A_23 = arith.constant 0 : i32
      %dma_start3A_24 = tpu.memref_slice %arg2[%dma_start3A_22, %dma_start3A_23] : memref<10000x128xf32, #tpu.memory_space<hbm>> -> memref<10000x128xf32, #tpu.memory_space<hbm>>
      tpu.enqueue_indirect_dma source(%dma_start3A_24 : memref<10000x128xf32, #tpu.memory_space<hbm>>) target(%arg10 : memref<160x128xf32, #tpu.memory_space<vmem>>) offsets(%arg8 : memref<160xi32, #tpu.memory_space<vmem>>) semaphore(%arg13 : memref<!tpu.dma_semaphore, #tpu.memory_space<semaphore_mem>>)
      %dma_wait3A_25 = arith.constant 0 : i32
      %dma_wait3A_26 = arith.constant 0 : i32
      %dma_wait3A_27 = tpu.memref_slice %arg2[%dma_wait3A_25, %dma_wait3A_26] : memref<10000x128xf32, #tpu.memory_space<hbm>> -> memref<10000x128xf32, #tpu.memory_space<hbm>>
      tpu.wait_indirect_dma semaphore(%arg13 : memref<!tpu.dma_semaphore, #tpu.memory_space<semaphore_mem>>) src(%dma_wait3A_27 : memref<10000x128xf32, #tpu.memory_space<hbm>>) dst(%arg10 : memref<160x128xf32, #tpu.memory_space<vmem>>)
      %scan3A = arith.constant 0 : i32
      %scan3A_28 = arith.constant 0 : i32
      %scan3A_29 = arith.constant 160 : i32
      %scan3A_30 = arith.addi %scan3A_28, %scan3A_29 : i32
      %scan3A_31 = arith.constant 1 : i32
      scf.for %scan3A_33 = %scan3A_28 to %scan3A_30 step %scan3A_31  : i32 {
        %get3A = arith.index_cast %scan3A_33 : i32 to index
        %get3A_34 = arith.constant 0 : index
        %get3A_35 = tpu.vector_load %arg9[%get3A, %get3A_34] {strides = array<i32>} : memref<160x128xf32, #tpu.memory_space<vmem>>, vector<1x16xf32>,
        %get3A_36 = vector.shape_cast %get3A_35 : vector<1x16xf32> to vector<16xf32>
        %get3A_37 = arith.index_cast %scan3A_33 : i32 to index
        %get3A_38 = arith.constant 16 : index
        %get3A_39 = tpu.vector_load %arg10[%get3A_37, %get3A_38] {strides = array<i32>} : memref<160x128xf32, #tpu.memory_space<vmem>>, vector<1x16xf32>,
        %get3A_40 = vector.shape_cast %get3A_39 : vector<1x16xf32> to vector<16xf32>
        %add3A_41 = arith.addf %get3A_36, %get3A_40 : vector<16xf32>
        %get3A_42 = arith.index_cast %scan3A_33 : i32 to index
        %get3A_43 = arith.constant 0 : index
        %get3A_44 = tpu.vector_load %arg11[%get3A_42, %get3A_43] {strides = array<i32>} : memref<160x16xf32, #tpu.memory_space<vmem>>, vector<1x16xf32>,
        %get3A_45 = vector.shape_cast %get3A_44 : vector<1x16xf32> to vector<16xf32>
        %add3A_46 = arith.addf %add3A_41, %get3A_45 : vector<16xf32>
        %mul3A_47 = arith.constant 2.000000e-01 : f32
        %mul3A_48 = vector.broadcast %mul3A_47 : f32 to vector<16xf32>
        %mul3A_49 = arith.mulf %add3A_46, %mul3A_48 : vector<16xf32>
        %max3A = arith.maximumf %add3A_46, %mul3A_49 : vector<16xf32>
        %exp3A = math.exp %max3A : vector<16xf32>
        %swap3A = arith.index_cast %scan3A_33 : i32 to index
        %swap3A_50 = arith.constant 0 : index
        %swap3A_51 = tpu.vector_load %arg12[%swap3A, %swap3A_50] {strides = array<i32>} : memref<160x16xf32, #tpu.memory_space<vmem>>, vector<1x16xf32>,
        %swap3A_52 = vector.shape_cast %swap3A_51 : vector<1x16xf32> to vector<16xf32>
        %swap3A_53 = vector.shape_cast %exp3A : vector<16xf32> to vector<1x16xf32>
        tpu.vector_store %arg12[%swap3A, %swap3A_50], %swap3A_53 {strides = array<i32>} : memref<160x16xf32, #tpu.memory_space<vmem>>, vector<1x16xf32>,
      }
      %scan3A_32 = arith.constant 160 : i32
      "tpu.region"() ({
        %run_scoped3A = tpu.sem_alloc : memref<!tpu.dma_semaphore, #tpu.memory_space<semaphore_mem>>
        %dma_start3A_33 = arith.constant 0 : i32
        %dma_start3A_34 = tpu.memref_slice %arg6[%mul3A_17, %dma_start3A_33] : memref<160000x16xf32, #tpu.memory_space<hbm>> -> memref<160x16xf32, #tpu.memory_space<hbm>>
        %dma_start3A_35 = arith.constant 0 : i32
        %dma_start3A_36 = tpu.memref_slice %arg6[%mul3A_17, %dma_start3A_35] : memref<160000x16xf32, #tpu.memory_space<hbm>> -> memref<160x16xf32, #tpu.memory_space<hbm>>
        tpu.enqueue_dma source(%arg12 : memref<160x16xf32, #tpu.memory_space<vmem>>) target(%dma_start3A_36 : memref<160x16xf32, #tpu.memory_space<hbm>>) target_semaphore(%run_scoped3A : memref<!tpu.dma_semaphore, #tpu.memory_space<semaphore_mem>>)
        %dma_wait3A_37 = arith.constant 0 : i32
        %dma_wait3A_38 = tpu.memref_slice %arg6[%mul3A_17, %dma_wait3A_37] : memref<160000x16xf32, #tpu.memory_space<hbm>> -> memref<160x16xf32, #tpu.memory_space<hbm>>
        %dma_wait3A_39 = arith.constant 0 : i32
        %dma_wait3A_40 = tpu.memref_slice %arg6[%mul3A_17, %dma_wait3A_39] : memref<160000x16xf32, #tpu.memory_space<hbm>> -> memref<160x16xf32, #tpu.memory_space<hbm>>
        tpu.wait_dma2 semaphore(%run_scoped3A : memref<!tpu.dma_semaphore, #tpu.memory_space<semaphore_mem>>) src(%arg12 : memref<160x16xf32, #tpu.memory_space<vmem>>) dst(%dma_wait3A_40 : memref<160x16xf32, #tpu.memory_space<hbm>>)
        tpu.yield
      }) : () -> ()
    }
    return
  }
}

module attributes {stable_mosaic.version = 14 : i64} {
  func.func @_matmul_bias_kernel(%arg0: i32, %arg1: memref<1000x320xf32, #tpu.memory_space<vmem>>, %arg2: memref<320x256xf32, #tpu.memory_space<vmem>>, %arg3: memref<1x256xf32, #tpu.memory_space<vmem>>, %arg4: memref<1000x256xf32, #tpu.memory_space<vmem>>) attributes {dimension_semantics = [#tpu.dimension_semantics<arbitrary>], iteration_bounds = array<i64: 10>, scalar_prefetch = 0 : i64, scratch_operands = 0 : i64, tpu.core_type = #tpu.core_type<tc>, window_params = [{transform_indices = @transform_0, window_bounds = array<i64: 1000, 320>}, {pipeline_mode = #tpu.pipeline_mode<synchronous>, transform_indices = @transform_1, window_bounds = array<i64: 320, 256>}, {pipeline_mode = #tpu.pipeline_mode<synchronous>, transform_indices = @transform_2, window_bounds = array<i64: 1, 256>}, {transform_indices = @transform_3, window_bounds = array<i64: 1000, 256>}]} {
    %get3A = arith.constant 0 : index
    %get3A_0 = arith.constant 0 : index
    %get3A_1 = vector.load %arg1[%get3A, %get3A_0] : memref<1000x320xf32, #tpu.memory_space<vmem>>, vector<1000x320xf32>
    %get3A_2 = arith.constant 0 : index
    %get3A_3 = arith.constant 0 : index
    %get3A_4 = vector.load %arg2[%get3A_2, %get3A_3] : memref<320x256xf32, #tpu.memory_space<vmem>>, vector<320x256xf32>
    %dot_general3A = arith.constant dense<0.000000e+00> : vector<1000x256xf32>
    %dot_general3A_5 = tpu.matmul %get3A_1, %get3A_4, %dot_general3A {dimension_numbers = #tpu.dot_dimension_numbers<[1], [0], [0], [1], [0, 0, 1, 1], [], []>, transpose_lhs_hint = false} : vector<1000x320xf32>, vector<320x256xf32>, vector<1000x256xf32> -> vector<1000x256xf32>
    %get3A_6 = arith.constant 0 : index
    %get3A_7 = arith.constant 0 : index
    %get3A_8 = vector.load %arg3[%get3A_6, %get3A_7] : memref<1x256xf32, #tpu.memory_space<vmem>>, vector<1x256xf32>
    %add3A = vector.broadcast %get3A_8 : vector<1x256xf32> to vector<1000x256xf32>
    %add3A_9 = arith.addf %dot_general3A_5, %add3A : vector<1000x256xf32>
    %swap3A = arith.constant 0 : index
    %swap3A_10 = arith.constant 0 : index
    %swap3A_11 = vector.load %arg4[%swap3A, %swap3A_10] : memref<1000x256xf32, #tpu.memory_space<vmem>>, vector<1000x256xf32>
    tpu.vector_store %arg4[%swap3A, %swap3A_10], %add3A_9 {strides = array<i32>} : memref<1000x256xf32, #tpu.memory_space<vmem>>, vector<1000x256xf32>,
    return
  }
  func.func @transform_0(%arg0: i32) -> (i32, i32) {
    %c0_i32 = arith.constant 0 : i32
    %c0_i32_0 = arith.constant 0 : i32
    return %arg0, %c0_i32 : i32, i32
  }
  func.func @transform_1(%arg0: i32) -> (i32, i32) {
    %c0_i32 = arith.constant 0 : i32
    %c0_i32_0 = arith.constant 0 : i32
    %c0_i32_1 = arith.constant 0 : i32
    return %c0_i32, %c0_i32_0 : i32, i32
  }
  func.func @transform_2(%arg0: i32) -> (i32, i32) {
    %c0_i32 = arith.constant 0 : i32
    %c0_i32_0 = arith.constant 0 : i32
    %c0_i32_1 = arith.constant 0 : i32
    return %c0_i32, %c0_i32_0 : i32, i32
  }
  func.func @transform_3(%arg0: i32) -> (i32, i32) {
    %c0_i32 = arith.constant 0 : i32
    %c0_i32_0 = arith.constant 0 : i32
    return %arg0, %c0_i32 : i32, i32
  }
}

module attributes {stable_mosaic.version = 14 : i64} {
  func.func @_prep_kernel(%arg0: i32, %arg1: memref<1000x256xf32, #tpu.memory_space<vmem>>, %arg2: memref<256x256xf32, #tpu.memory_space<vmem>>, %arg3: memref<256x128xf32, #tpu.memory_space<vmem>>, %arg4: memref<1000x272xf32, #tpu.memory_space<vmem>>, %arg5: memref<1000x128xf32, #tpu.memory_space<vmem>>) attributes {dimension_semantics = [#tpu.dimension_semantics<arbitrary>], iteration_bounds = array<i64: 10>, scalar_prefetch = 0 : i64, scratch_operands = 0 : i64, tpu.core_type = #tpu.core_type<tc>, window_params = [{transform_indices = @transform_0, window_bounds = array<i64: 1000, 256>}, {pipeline_mode = #tpu.pipeline_mode<synchronous>, transform_indices = @transform_1, window_bounds = array<i64: 256, 256>}, {transform_indices = @transform_2, window_bounds = array<i64: 256, 128>}, {transform_indices = @transform_3, window_bounds = array<i64: 1000, 272>}, {transform_indices = @transform_4, window_bounds = array<i64: 1000, 128>}]} {
    %get3A = arith.constant 0 : index
    %get3A_0 = arith.constant 0 : index
    %get3A_1 = vector.load %arg1[%get3A, %get3A_0] : memref<1000x256xf32, #tpu.memory_space<vmem>>, vector<1000x256xf32>
    %get3A_2 = arith.constant 0 : index
    %get3A_3 = arith.constant 0 : index
    %get3A_4 = vector.load %arg2[%get3A_2, %get3A_3] : memref<256x256xf32, #tpu.memory_space<vmem>>, vector<256x256xf32>
    %dot_general3A = arith.constant dense<0.000000e+00> : vector<1000x256xf32>
    %dot_general3A_5 = tpu.matmul %get3A_1, %get3A_4, %dot_general3A {dimension_numbers = #tpu.dot_dimension_numbers<[1], [0], [0], [1], [0, 0, 1, 1], [], []>, transpose_lhs_hint = false} : vector<1000x256xf32>, vector<256x256xf32>, vector<1000x256xf32> -> vector<1000x256xf32>
    %broadcast_in_dim3A = arith.constant 1.000000e+00 : f32
    %broadcast_in_dim3A_6 = vector.broadcast %broadcast_in_dim3A : f32 to vector<1000x16xf32>
    %concatenate3A = tpu.concatenate %dot_general3A_5, %broadcast_in_dim3A_6 in 1 : vector<1000x256xf32>, vector<1000x16xf32> -> vector<1000x272xf32>
    %swap3A = arith.constant 0 : index
    %swap3A_7 = arith.constant 0 : index
    %swap3A_8 = vector.load %arg4[%swap3A, %swap3A_7] : memref<1000x272xf32, #tpu.memory_space<vmem>>, vector<1000x272xf32>
    tpu.vector_store %arg4[%swap3A, %swap3A_7], %concatenate3A {strides = array<i32>} : memref<1000x272xf32, #tpu.memory_space<vmem>>, vector<1000x272xf32>,
    %get3A_9 = arith.constant 0 : index
    %get3A_10 = arith.constant 0 : index
    %get3A_11 = vector.load %arg3[%get3A_9, %get3A_10] : memref<256x128xf32, #tpu.memory_space<vmem>>, vector<256x128xf32>
    %dot_general3A_12 = arith.constant dense<0.000000e+00> : vector<1000x128xf32>
    %dot_general3A_13 = tpu.matmul %dot_general3A_5, %get3A_11, %dot_general3A_12 {dimension_numbers = #tpu.dot_dimension_numbers<[1], [0], [0], [1], [0, 0, 1, 1], [], []>, transpose_lhs_hint = false} : vector<1000x256xf32>, vector<256x128xf32>, vector<1000x128xf32> -> vector<1000x128xf32>
    %swap3A_14 = arith.constant 0 : index
    %swap3A_15 = arith.constant 0 : index
    %swap3A_16 = vector.load %arg5[%swap3A_14, %swap3A_15] : memref<1000x128xf32, #tpu.memory_space<vmem>>, vector<1000x128xf32>
    tpu.vector_store %arg5[%swap3A_14, %swap3A_15], %dot_general3A_13 {strides = array<i32>} : memref<1000x128xf32, #tpu.memory_space<vmem>>, vector<1000x128xf32>,
    return
  }
  func.func @transform_0(%arg0: i32) -> (i32, i32) {
    %c0_i32 = arith.constant 0 : i32
    %c0_i32_0 = arith.constant 0 : i32
    return %arg0, %c0_i32 : i32, i32
  }
  func.func @transform_1(%arg0: i32) -> (i32, i32) {
    %c0_i32 = arith.constant 0 : i32
    %c0_i32_0 = arith.constant 0 : i32
    %c0_i32_1 = arith.constant 0 : i32
    return %c0_i32, %c0_i32_0 : i32, i32
  }
  func.func @transform_2(%arg0: i32) -> (i32, i32) {
    %c0_i32 = arith.constant 0 : i32
    %c0_i32_0 = arith.constant 0 : i32
    %c0_i32_1 = arith.constant 0 : i32
    return %c0_i32, %c0_i32_0 : i32, i32
  }
  func.func @transform_3(%arg0: i32) -> (i32, i32) {
    %c0_i32 = arith.constant 0 : i32
    %c0_i32_0 = arith.constant 0 : i32
    return %arg0, %c0_i32 : i32, i32
  }
  func.func @transform_4(%arg0: i32) -> (i32, i32) {
    %c0_i32 = arith.constant 0 : i32
    %c0_i32_0 = arith.constant 0 : i32
    return %arg0, %c0_i32 : i32, i32
  }
}

module attributes {stable_mosaic.version = 14 : i64} {
  func.func @_ae_kernel(%arg0: i32, %arg1: memref<2000x16xf32, #tpu.memory_space<vmem>>, %arg2: memref<16x256xf32, #tpu.memory_space<vmem>>, %arg3: memref<256x16xf32, #tpu.memory_space<vmem>>, %arg4: memref<2000x16xf32, #tpu.memory_space<vmem>>, %arg5: memref<1x16xf32, #tpu.memory_space<vmem>>) attributes {dimension_semantics = [#tpu.dimension_semantics<arbitrary>], iteration_bounds = array<i64: 80>, scalar_prefetch = 0 : i64, scratch_operands = 0 : i64, tpu.core_type = #tpu.core_type<tc>, window_params = [{transform_indices = @transform_0, window_bounds = array<i64: 2000, 16>}, {pipeline_mode = #tpu.pipeline_mode<synchronous>, transform_indices = @transform_1, window_bounds = array<i64: 16, 256>}, {pipeline_mode = #tpu.pipeline_mode<synchronous>, transform_indices = @transform_2, window_bounds = array<i64: 256, 16>}, {transform_indices = @transform_3, window_bounds = array<i64: 2000, 16>}, {pipeline_mode = #tpu.pipeline_mode<synchronous>, transform_indices = @transform_4, window_bounds = array<i64: 1, 16>}]} {
    %get3A = arith.constant 0 : index
    %get3A_0 = arith.constant 0 : index
    %get3A_1 = vector.load %arg2[%get3A, %get3A_0] : memref<16x256xf32, #tpu.memory_space<vmem>>, vector<16x256xf32>
    %get3A_2 = arith.constant 0 : index
    %get3A_3 = arith.constant 0 : index
    %get3A_4 = vector.load %arg3[%get3A_2, %get3A_3] : memref<256x16xf32, #tpu.memory_space<vmem>>, vector<256x16xf32>
    %dot_general3A = arith.constant dense<0.000000e+00> : vector<16x16xf32>
    %dot_general3A_5 = tpu.matmul %get3A_1, %get3A_4, %dot_general3A {dimension_numbers = #tpu.dot_dimension_numbers<[1], [0], [0], [1], [0, 0, 1, 1], [], []>, transpose_lhs_hint = false} : vector<16x256xf32>, vector<256x16xf32>, vector<16x16xf32> -> vector<16x16xf32>
    %get3A_6 = arith.constant 0 : index
    %get3A_7 = arith.constant 0 : index
    %get3A_8 = vector.load %arg1[%get3A_6, %get3A_7] : memref<2000x16xf32, #tpu.memory_space<vmem>>, vector<2000x16xf32>
    %dot_general3A_9 = arith.constant dense<0.000000e+00> : vector<2000x16xf32>
    %dot_general3A_10 = tpu.matmul %get3A_8, %dot_general3A_5, %dot_general3A_9 {dimension_numbers = #tpu.dot_dimension_numbers<[1], [0], [0], [1], [0, 0, 1, 1], [], []>, transpose_lhs_hint = false} : vector<2000x16xf32>, vector<16x16xf32>, vector<2000x16xf32> -> vector<2000x16xf32>
    %swap3A = arith.constant 0 : index
    %swap3A_11 = arith.constant 0 : index
    %swap3A_12 = vector.load %arg4[%swap3A, %swap3A_11] : memref<2000x16xf32, #tpu.memory_space<vmem>>, vector<2000x16xf32>
    tpu.vector_store %arg4[%swap3A, %swap3A_11], %dot_general3A_10 {strides = array<i32>} : memref<2000x16xf32, #tpu.memory_space<vmem>>, vector<2000x16xf32>,
    %get3A_13 = arith.constant 0 : index
    %get3A_14 = arith.constant 0 : index
    %get3A_15 = vector.load %arg1[%get3A_13, %get3A_14] : memref<2000x16xf32, #tpu.memory_space<vmem>>, vector<2000x16xf32>
    %reduce_sum3A = arith.constant dense<0.000000e+00> : vector<16xf32>
    %reduce_sum3A_16 = vector.multi_reduction <add>, %get3A_15, %reduce_sum3A [0] : vector<2000x16xf32> to vector<16xf32>
    %broadcast_in_dim3A = vector.shape_cast %reduce_sum3A_16 : vector<16xf32> to vector<1x16xf32>
    %eq3A = arith.constant 0 : i32
    %eq3A_17 = arith.cmpi eq, %arg0, %eq3A : i32
    %convert_element_type3A = arith.extui %eq3A_17 : i1 to i32
    %cond3A = arith.constant 0 : i32
    %cond3A_18 = arith.cmpi ne, %convert_element_type3A, %cond3A : i32
    scf.if %cond3A_18 {
      %broadcast_in_dim3A_30 = arith.constant 0.000000e+00 : f32
      %broadcast_in_dim3A_31 = vector.broadcast %broadcast_in_dim3A_30 : f32 to vector<1x16xf32>
      %swap3A_32 = arith.constant 0 : index
      %swap3A_33 = arith.constant 0 : index
      %swap3A_34 = vector.load %arg5[%swap3A_32, %swap3A_33] : memref<1x16xf32, #tpu.memory_space<vmem>>, vector<1x16xf32>
      tpu.vector_store %arg5[%swap3A_32, %swap3A_33], %broadcast_in_dim3A_31 {strides = array<i32>} : memref<1x16xf32, #tpu.memory_space<vmem>>, vector<1x16xf32>,
    } else {
    }
    %get3A_19 = arith.constant 0 : index
    %get3A_20 = arith.constant 0 : index
    %get3A_21 = vector.load %arg5[%get3A_19, %get3A_20] : memref<1x16xf32, #tpu.memory_space<vmem>>, vector<1x16xf32>
    %add3A = arith.addf %get3A_21, %broadcast_in_dim3A : vector<1x16xf32>
    %swap3A_22 = arith.constant 0 : index
    %swap3A_23 = arith.constant 0 : index
    %swap3A_24 = vector.load %arg5[%swap3A_22, %swap3A_23] : memref<1x16xf32, #tpu.memory_space<vmem>>, vector<1x16xf32>
    tpu.vector_store %arg5[%swap3A_22, %swap3A_23], %add3A {strides = array<i32>} : memref<1x16xf32, #tpu.memory_space<vmem>>, vector<1x16xf32>,
    %eq3A_25 = arith.constant 79 : i32
    %eq3A_26 = arith.cmpi eq, %arg0, %eq3A_25 : i32
    %convert_element_type3A_27 = arith.extui %eq3A_26 : i1 to i32
    %cond3A_28 = arith.constant 0 : i32
    %cond3A_29 = arith.cmpi ne, %convert_element_type3A_27, %cond3A_28 : i32
    scf.if %cond3A_29 {
      %get3A_30 = arith.constant 0 : index
      %get3A_31 = arith.constant 0 : index
      %get3A_32 = vector.load %arg5[%get3A_30, %get3A_31] : memref<1x16xf32, #tpu.memory_space<vmem>>, vector<1x16xf32>
      %div3A = arith.constant 1.600000e+05 : f32
      %div3A_33 = vector.broadcast %div3A : f32 to vector<1x16xf32>
      %div3A_34 = arith.divf %get3A_32, %div3A_33 : vector<1x16xf32>
      %dot_general3A_35 = arith.constant dense<0.000000e+00> : vector<1x16xf32>
      %dot_general3A_36 = tpu.matmul %div3A_34, %dot_general3A_5, %dot_general3A_35 {dimension_numbers = #tpu.dot_dimension_numbers<[1], [0], [0], [1], [0, 0, 1, 1], [], []>, transpose_lhs_hint = false} : vector<1x16xf32>, vector<16x16xf32>, vector<1x16xf32> -> vector<1x16xf32>
      %swap3A_37 = arith.constant 0 : index
      %swap3A_38 = arith.constant 0 : index
      %swap3A_39 = vector.load %arg5[%swap3A_37, %swap3A_38] : memref<1x16xf32, #tpu.memory_space<vmem>>, vector<1x16xf32>
      tpu.vector_store %arg5[%swap3A_37, %swap3A_38], %dot_general3A_36 {strides = array<i32>} : memref<1x16xf32, #tpu.memory_space<vmem>>, vector<1x16xf32>,
    } else {
    }
    return
  }
  func.func @transform_0(%arg0: i32) -> (i32, i32) {
    %c0_i32 = arith.constant 0 : i32
    %c0_i32_0 = arith.constant 0 : i32
    return %arg0, %c0_i32 : i32, i32
  }
  func.func @transform_1(%arg0: i32) -> (i32, i32) {
    %c0_i32 = arith.constant 0 : i32
    %c0_i32_0 = arith.constant 0 : i32
    %c0_i32_1 = arith.constant 0 : i32
    return %c0_i32, %c0_i32_0 : i32, i32
  }
  func.func @transform_2(%arg0: i32) -> (i32, i32) {
    %c0_i32 = arith.constant 0 : i32
    %c0_i32_0 = arith.constant 0 : i32
    %c0_i32_1 = arith.constant 0 : i32
    return %c0_i32, %c0_i32_0 : i32, i32
  }
  func.func @transform_3(%arg0: i32) -> (i32, i32) {
    %c0_i32 = arith.constant 0 : i32
    %c0_i32_0 = arith.constant 0 : i32
    return %arg0, %c0_i32 : i32, i32
  }
  func.func @transform_4(%arg0: i32) -> (i32, i32) {
    %c0_i32 = arith.constant 0 : i32
    %c0_i32_0 = arith.constant 0 : i32
    %c0_i32_1 = arith.constant 0 : i32
    return %c0_i32, %c0_i32_0 : i32, i32
  }
}

module attributes {stable_mosaic.version = 14 : i64} {
  func.func @_edge_kernel(%arg0: i32, %arg1: memref<1250x128xi32, #tpu.memory_space<vmem>>, %arg2: memref<1250x128xi32, #tpu.memory_space<vmem>>, %arg3: memref<1250x2048xf32, #tpu.memory_space<vmem>>, %arg4: memref<10000x272xf32, #tpu.memory_space<vmem>>, %arg5: memref<16x272xf32, #tpu.memory_space<vmem>>, %arg6: memref<10000x272xf32, #tpu.memory_space<vmem>>) attributes {dimension_semantics = [#tpu.dimension_semantics<arbitrary>], iteration_bounds = array<i64: 1>, scalar_prefetch = 0 : i64, scratch_operands = 0 : i64, tpu.core_type = #tpu.core_type<tc>, window_params = [{pipeline_mode = #tpu.pipeline_mode<synchronous>, transform_indices = @transform_0, window_bounds = array<i64: 1250, 128>}, {pipeline_mode = #tpu.pipeline_mode<synchronous>, transform_indices = @transform_1, window_bounds = array<i64: 1250, 128>}, {pipeline_mode = #tpu.pipeline_mode<synchronous>, transform_indices = @transform_2, window_bounds = array<i64: 1250, 2048>}, {pipeline_mode = #tpu.pipeline_mode<synchronous>, transform_indices = @transform_3, window_bounds = array<i64: 10000, 272>}, {pipeline_mode = #tpu.pipeline_mode<synchronous>, transform_indices = @transform_4, window_bounds = array<i64: 16, 272>}, {pipeline_mode = #tpu.pipeline_mode<synchronous>, transform_indices = @transform_5, window_bounds = array<i64: 10000, 272>}]} {
    %broadcast_in_dim3A = arith.constant 0.000000e+00 : f32
    %broadcast_in_dim3A_0 = vector.broadcast %broadcast_in_dim3A : f32 to vector<10000x272xf32>
    %swap3A = arith.constant 0 : index
    %swap3A_1 = arith.constant 0 : index
    %swap3A_2 = vector.load %arg6[%swap3A, %swap3A_1] : memref<10000x272xf32, #tpu.memory_space<vmem>>, vector<10000x272xf32>
    tpu.vector_store %arg6[%swap3A, %swap3A_1], %broadcast_in_dim3A_0 {strides = array<i32>} : memref<10000x272xf32, #tpu.memory_space<vmem>>, vector<10000x272xf32>,
    %get3A = arith.constant 0 : index
    %get3A_3 = arith.constant 0 : index
    %get3A_4 = vector.load %arg5[%get3A, %get3A_3] : memref<16x272xf32, #tpu.memory_space<vmem>>, vector<16x272xf32>
    %scan3A = arith.constant 0 : i32
    %scan3A_5 = arith.constant 1250 : i32
    %scan3A_6 = arith.addi %scan3A, %scan3A_5 : i32
    %scan3A_7 = arith.constant 1 : i32
    scf.for %scan3A_9 = %scan3A to %scan3A_6 step %scan3A_7  : i32 {
      %get3A_10 = arith.index_cast %scan3A_9 : i32 to index
      %get3A_11 = arith.constant 0 : index
      %get3A_12 = vector.load %arg1[%get3A_10, %get3A_11] : memref<1250x128xi32, #tpu.memory_space<vmem>>, vector<1x128xi32>
      %get3A_13 = arith.index_cast %scan3A_9 : i32 to index
      %get3A_14 = arith.constant 0 : index
      %get3A_15 = vector.load %arg2[%get3A_13, %get3A_14] : memref<1250x128xi32, #tpu.memory_space<vmem>>, vector<1x128xi32>
      %get3A_16 = arith.index_cast %scan3A_9 : i32 to index
      %get3A_17 = arith.constant 0 : index
      %get3A_18 = vector.load %arg3[%get3A_16, %get3A_17] : memref<1250x2048xf32, #tpu.memory_space<vmem>>, vector<1x2048xf32>
      %slice3A = vector.extract_strided_slice %get3A_12 {offsets = [0, 0], sizes = [1, 1], strides = [1, 1]} : vector<1x128xi32> to vector<1x1xi32>
      %squeeze3A = vector.extract %slice3A[0, 0] : i32 from vector<1x1xi32>
      %slice3A_19 = vector.extract_strided_slice %get3A_15 {offsets = [0, 0], sizes = [1, 1], strides = [1, 1]} : vector<1x128xi32> to vector<1x1xi32>
      %squeeze3A_20 = vector.extract %slice3A_19[0, 0] : i32 from vector<1x1xi32>
      %slice3A_21 = vector.extract_strided_slice %get3A_18 {offsets = [0, 0], sizes = [1, 16], strides = [1, 1]} : vector<1x2048xf32> to vector<1x16xf32>
      %dot_general3A = arith.constant dense<0.000000e+00> : vector<1x272xf32>
      %dot_general3A_22 = tpu.matmul %slice3A_21, %get3A_4, %dot_general3A {dimension_numbers = #tpu.dot_dimension_numbers<[1], [0], [0], [1], [0, 0, 1, 1], [], []>, transpose_lhs_hint = false} : vector<1x16xf32>, vector<16x272xf32>, vector<1x272xf32> -> vector<1x272xf32>
      %get3A_23 = arith.index_cast %squeeze3A : i32 to index
      %get3A_24 = arith.constant 0 : index
      %get3A_25 = vector.load %arg4[%get3A_23, %get3A_24] : memref<10000x272xf32, #tpu.memory_space<vmem>>, vector<1x272xf32>
      %get3A_26 = arith.index_cast %squeeze3A_20 : i32 to index
      %get3A_27 = arith.constant 0 : index
      %get3A_28 = vector.load %arg6[%get3A_26, %get3A_27] : memref<10000x272xf32, #tpu.memory_space<vmem>>, vector<1x272xf32>
      %mul3A = arith.mulf %get3A_25, %dot_general3A_22 : vector<1x272xf32>
      %add3A = arith.addf %get3A_28, %mul3A : vector<1x272xf32>
      %swap3A_29 = arith.index_cast %squeeze3A_20 : i32 to index
      %swap3A_30 = arith.constant 0 : index
      %swap3A_31 = vector.load %arg6[%swap3A_29, %swap3A_30] : memref<10000x272xf32, #tpu.memory_space<vmem>>, vector<1x272xf32>
      tpu.vector_store %arg6[%swap3A_29, %swap3A_30], %add3A {strides = array<i32>} : memref<10000x272xf32, #tpu.memory_space<vmem>>, vector<1x272xf32>,
      %slice3A_32 = vector.extract_strided_slice %get3A_12 {offsets = [0, 1], sizes = [1, 1], strides = [1, 1]} : vector<1x128xi32> to vector<1x1xi32>
      %squeeze3A_33 = vector.extract %slice3A_32[0, 0] : i32 from vector<1x1xi32>
      %slice3A_34 = vector.extract_strided_slice %get3A_15 {offsets = [0, 1], sizes = [1, 1], strides = [1, 1]} : vector<1x128xi32> to vector<1x1xi32>
      %squeeze3A_35 = vector.extract %slice3A_34[0, 0] : i32 from vector<1x1xi32>
      %slice3A_36 = vector.extract_strided_slice %get3A_18 {offsets = [0, 16], sizes = [1, 16], strides = [1, 1]} : vector<1x2048xf32> to vector<1x16xf32>
      %dot_general3A_37 = arith.constant dense<0.000000e+00> : vector<1x272xf32>
      %dot_general3A_38 = tpu.matmul %slice3A_36, %get3A_4, %dot_general3A_37 {dimension_numbers = #tpu.dot_dimension_numbers<[1], [0], [0], [1], [0, 0, 1, 1], [], []>, transpose_lhs_hint = false} : vector<1x16xf32>, vector<16x272xf32>, vector<1x272xf32> -> vector<1x272xf32>
      %get3A_39 = arith.index_cast %squeeze3A_33 : i32 to index
      %get3A_40 = arith.constant 0 : index
      %get3A_41 = vector.load %arg4[%get3A_39, %get3A_40] : memref<10000x272xf32, #tpu.memory_space<vmem>>, vector<1x272xf32>
      %get3A_42 = arith.index_cast %squeeze3A_35 : i32 to index
      %get3A_43 = arith.constant 0 : index
      %get3A_44 = vector.load %arg6[%get3A_42, %get3A_43] : memref<10000x272xf32, #tpu.memory_space<vmem>>, vector<1x272xf32>
      %mul3A_45 = arith.mulf %get3A_41, %dot_general3A_38 : vector<1x272xf32>
      %add3A_46 = arith.addf %get3A_44, %mul3A_45 : vector<1x272xf32>
      %swap3A_47 = arith.index_cast %squeeze3A_35 : i32 to index
      %swap3A_48 = arith.constant 0 : index
      %swap3A_49 = vector.load %arg6[%swap3A_47, %swap3A_48] : memref<10000x272xf32, #tpu.memory_space<vmem>>, vector<1x272xf32>
      tpu.vector_store %arg6[%swap3A_47, %swap3A_48], %add3A_46 {strides = array<i32>} : memref<10000x272xf32, #tpu.memory_space<vmem>>, vector<1x272xf32>,
      %slice3A_50 = vector.extract_strided_slice %get3A_12 {offsets = [0, 2], sizes = [1, 1], strides = [1, 1]} : vector<1x128xi32> to vector<1x1xi32>
      %squeeze3A_51 = vector.extract %slice3A_50[0, 0] : i32 from vector<1x1xi32>
      %slice3A_52 = vector.extract_strided_slice %get3A_15 {offsets = [0, 2], sizes = [1, 1], strides = [1, 1]} : vector<1x128xi32> to vector<1x1xi32>
      %squeeze3A_53 = vector.extract %slice3A_52[0, 0] : i32 from vector<1x1xi32>
      %slice3A_54 = vector.extract_strided_slice %get3A_18 {offsets = [0, 32], sizes = [1, 16], strides = [1, 1]} : vector<1x2048xf32> to vector<1x16xf32>
      %dot_general3A_55 = arith.constant dense<0.000000e+00> : vector<1x272xf32>
      %dot_general3A_56 = tpu.matmul %slice3A_54, %get3A_4, %dot_general3A_55 {dimension_numbers = #tpu.dot_dimension_numbers<[1], [0], [0], [1], [0, 0, 1, 1], [], []>, transpose_lhs_hint = false} : vector<1x16xf32>, vector<16x272xf32>, vector<1x272xf32> -> vector<1x272xf32>
      %get3A_57 = arith.index_cast %squeeze3A_51 : i32 to index
      %get3A_58 = arith.constant 0 : index
      %get3A_59 = vector.load %arg4[%get3A_57, %get3A_58] : memref<10000x272xf32, #tpu.memory_space<vmem>>, vector<1x272xf32>
      %get3A_60 = arith.index_cast %squeeze3A_53 : i32 to index
      %get3A_61 = arith.constant 0 : index
      %get3A_62 = vector.load %arg6[%get3A_60, %get3A_61] : memref<10000x272xf32, #tpu.memory_space<vmem>>, vector<1x272xf32>
      %mul3A_63 = arith.mulf %get3A_59, %dot_general3A_56 : vector<1x272xf32>
      %add3A_64 = arith.addf %get3A_62, %mul3A_63 : vector<1x272xf32>
      %swap3A_65 = arith.index_cast %squeeze3A_53 : i32 to index
      %swap3A_66 = arith.constant 0 : index
      %swap3A_67 = vector.load %arg6[%swap3A_65, %swap3A_66] : memref<10000x272xf32, #tpu.memory_space<vmem>>, vector<1x272xf32>
      tpu.vector_store %arg6[%swap3A_65, %swap3A_66], %add3A_64 {strides = array<i32>} : memref<10000x272xf32, #tpu.memory_space<vmem>>, vector<1x272xf32>,
      %slice3A_68 = vector.extract_strided_slice %get3A_12 {offsets = [0, 3], sizes = [1, 1], strides = [1, 1]} : vector<1x128xi32> to vector<1x1xi32>
      %squeeze3A_69 = vector.extract %slice3A_68[0, 0] : i32 from vector<1x1xi32>
      %slice3A_70 = vector.extract_strided_slice %get3A_15 {offsets = [0, 3], sizes = [1, 1], strides = [1, 1]} : vector<1x128xi32> to vector<1x1xi32>
      %squeeze3A_71 = vector.extract %slice3A_70[0, 0] : i32 from vector<1x1xi32>
      %slice3A_72 = vector.extract_strided_slice %get3A_18 {offsets = [0, 48], sizes = [1, 16], strides = [1, 1]} : vector<1x2048xf32> to vector<1x16xf32>
      %dot_general3A_73 = arith.constant dense<0.000000e+00> : vector<1x272xf32>
      %dot_general3A_74 = tpu.matmul %slice3A_72, %get3A_4, %dot_general3A_73 {dimension_numbers = #tpu.dot_dimension_numbers<[1], [0], [0], [1], [0, 0, 1, 1], [], []>, transpose_lhs_hint = false} : vector<1x16xf32>, vector<16x272xf32>, vector<1x272xf32> -> vector<1x272xf32>
      %get3A_75 = arith.index_cast %squeeze3A_69 : i32 to index
      %get3A_76 = arith.constant 0 : index
      %get3A_77 = vector.load %arg4[%get3A_75, %get3A_76] : memref<10000x272xf32, #tpu.memory_space<vmem>>, vector<1x272xf32>
      %get3A_78 = arith.index_cast %squeeze3A_71 : i32 to index
      %get3A_79 = arith.constant 0 : index
      %get3A_80 = vector.load %arg6[%get3A_78, %get3A_79] : memref<10000x272xf32, #tpu.memory_space<vmem>>, vector<1x272xf32>
      %mul3A_81 = arith.mulf %get3A_77, %dot_general3A_74 : vector<1x272xf32>
      %add3A_82 = arith.addf %get3A_80, %mul3A_81 : vector<1x272xf32>
      %swap3A_83 = arith.index_cast %squeeze3A_71 : i32 to index
      %swap3A_84 = arith.constant 0 : index
      %swap3A_85 = vector.load %arg6[%swap3A_83, %swap3A_84] : memref<10000x272xf32, #tpu.memory_space<vmem>>, vector<1x272xf32>
      tpu.vector_store %arg6[%swap3A_83, %swap3A_84], %add3A_82 {strides = array<i32>} : memref<10000x272xf32, #tpu.memory_space<vmem>>, vector<1x272xf32>,
      %slice3A_86 = vector.extract_strided_slice %get3A_12 {offsets = [0, 4], sizes = [1, 1], strides = [1, 1]} : vector<1x128xi32> to vector<1x1xi32>
      %squeeze3A_87 = vector.extract %slice3A_86[0, 0] : i32 from vector<1x1xi32>
      %slice3A_88 = vector.extract_strided_slice %get3A_15 {offsets = [0, 4], sizes = [1, 1], strides = [1, 1]} : vector<1x128xi32> to vector<1x1xi32>
      %squeeze3A_89 = vector.extract %slice3A_88[0, 0] : i32 from vector<1x1xi32>
      %slice3A_90 = vector.extract_strided_slice %get3A_18 {offsets = [0, 64], sizes = [1, 16], strides = [1, 1]} : vector<1x2048xf32> to vector<1x16xf32>
      %dot_general3A_91 = arith.constant dense<0.000000e+00> : vector<1x272xf32>
      %dot_general3A_92 = tpu.matmul %slice3A_90, %get3A_4, %dot_general3A_91 {dimension_numbers = #tpu.dot_dimension_numbers<[1], [0], [0], [1], [0, 0, 1, 1], [], []>, transpose_lhs_hint = false} : vector<1x16xf32>, vector<16x272xf32>, vector<1x272xf32> -> vector<1x272xf32>
      %get3A_93 = arith.index_cast %squeeze3A_87 : i32 to index
      %get3A_94 = arith.constant 0 : index
      %get3A_95 = vector.load %arg4[%get3A_93, %get3A_94] : memref<10000x272xf32, #tpu.memory_space<vmem>>, vector<1x272xf32>
      %get3A_96 = arith.index_cast %squeeze3A_89 : i32 to index
      %get3A_97 = arith.constant 0 : index
      %get3A_98 = vector.load %arg6[%get3A_96, %get3A_97] : memref<10000x272xf32, #tpu.memory_space<vmem>>, vector<1x272xf32>
      %mul3A_99 = arith.mulf %get3A_95, %dot_general3A_92 : vector<1x272xf32>
      %add3A_100 = arith.addf %get3A_98, %mul3A_99 : vector<1x272xf32>
      %swap3A_101 = arith.index_cast %squeeze3A_89 : i32 to index
      %swap3A_102 = arith.constant 0 : index
      %swap3A_103 = vector.load %arg6[%swap3A_101, %swap3A_102] : memref<10000x272xf32, #tpu.memory_space<vmem>>, vector<1x272xf32>
      tpu.vector_store %arg6[%swap3A_101, %swap3A_102], %add3A_100 {strides = array<i32>} : memref<10000x272xf32, #tpu.memory_space<vmem>>, vector<1x272xf32>,
      %slice3A_104 = vector.extract_strided_slice %get3A_12 {offsets = [0, 5], sizes = [1, 1], strides = [1, 1]} : vector<1x128xi32> to vector<1x1xi32>
      %squeeze3A_105 = vector.extract %slice3A_104[0, 0] : i32 from vector<1x1xi32>
      %slice3A_106 = vector.extract_strided_slice %get3A_15 {offsets = [0, 5], sizes = [1, 1], strides = [1, 1]} : vector<1x128xi32> to vector<1x1xi32>
      %squeeze3A_107 = vector.extract %slice3A_106[0, 0] : i32 from vector<1x1xi32>
      %slice3A_108 = vector.extract_strided_slice %get3A_18 {offsets = [0, 80], sizes = [1, 16], strides = [1, 1]} : vector<1x2048xf32> to vector<1x16xf32>
      %dot_general3A_109 = arith.constant dense<0.000000e+00> : vector<1x272xf32>
      %dot_general3A_110 = tpu.matmul %slice3A_108, %get3A_4, %dot_general3A_109 {dimension_numbers = #tpu.dot_dimension_numbers<[1], [0], [0], [1], [0, 0, 1, 1], [], []>, transpose_lhs_hint = false} : vector<1x16xf32>, vector<16x272xf32>, vector<1x272xf32> -> vector<1x272xf32>
      %get3A_111 = arith.index_cast %squeeze3A_105 : i32 to index
      %get3A_112 = arith.constant 0 : index
      %get3A_113 = vector.load %arg4[%get3A_111, %get3A_112] : memref<10000x272xf32, #tpu.memory_space<vmem>>, vector<1x272xf32>
      %get3A_114 = arith.index_cast %squeeze3A_107 : i32 to index
      %get3A_115 = arith.constant 0 : index
      %get3A_116 = vector.load %arg6[%get3A_114, %get3A_115] : memref<10000x272xf32, #tpu.memory_space<vmem>>, vector<1x272xf32>
      %mul3A_117 = arith.mulf %get3A_113, %dot_general3A_110 : vector<1x272xf32>
      %add3A_118 = arith.addf %get3A_116, %mul3A_117 : vector<1x272xf32>
      %swap3A_119 = arith.index_cast %squeeze3A_107 : i32 to index
      %swap3A_120 = arith.constant 0 : index
      %swap3A_121 = vector.load %arg6[%swap3A_119, %swap3A_120] : memref<10000x272xf32, #tpu.memory_space<vmem>>, vector<1x272xf32>
      tpu.vector_store %arg6[%swap3A_119, %swap3A_120], %add3A_118 {strides = array<i32>} : memref<10000x272xf32, #tpu.memory_space<vmem>>, vector<1x272xf32>,
      %slice3A_122 = vector.extract_strided_slice %get3A_12 {offsets = [0, 6], sizes = [1, 1], strides = [1, 1]} : vector<1x128xi32> to vector<1x1xi32>
      %squeeze3A_123 = vector.extract %slice3A_122[0, 0] : i32 from vector<1x1xi32>
      %slice3A_124 = vector.extract_strided_slice %get3A_15 {offsets = [0, 6], sizes = [1, 1], strides = [1, 1]} : vector<1x128xi32> to vector<1x1xi32>
      %squeeze3A_125 = vector.extract %slice3A_124[0, 0] : i32 from vector<1x1xi32>
      %slice3A_126 = vector.extract_strided_slice %get3A_18 {offsets = [0, 96], sizes = [1, 16], strides = [1, 1]} : vector<1x2048xf32> to vector<1x16xf32>
      %dot_general3A_127 = arith.constant dense<0.000000e+00> : vector<1x272xf32>
      %dot_general3A_128 = tpu.matmul %slice3A_126, %get3A_4, %dot_general3A_127 {dimension_numbers = #tpu.dot_dimension_numbers<[1], [0], [0], [1], [0, 0, 1, 1], [], []>, transpose_lhs_hint = false} : vector<1x16xf32>, vector<16x272xf32>, vector<1x272xf32> -> vector<1x272xf32>
      %get3A_129 = arith.index_cast %squeeze3A_123 : i32 to index
      %get3A_130 = arith.constant 0 : index
      %get3A_131 = vector.load %arg4[%get3A_129, %get3A_130] : memref<10000x272xf32, #tpu.memory_space<vmem>>, vector<1x272xf32>
      %get3A_132 = arith.index_cast %squeeze3A_125 : i32 to index
      %get3A_133 = arith.constant 0 : index
      %get3A_134 = vector.load %arg6[%get3A_132, %get3A_133] : memref<10000x272xf32, #tpu.memory_space<vmem>>, vector<1x272xf32>
      %mul3A_135 = arith.mulf %get3A_131, %dot_general3A_128 : vector<1x272xf32>
      %add3A_136 = arith.addf %get3A_134, %mul3A_135 : vector<1x272xf32>
      %swap3A_137 = arith.index_cast %squeeze3A_125 : i32 to index
      %swap3A_138 = arith.constant 0 : index
      %swap3A_139 = vector.load %arg6[%swap3A_137, %swap3A_138] : memref<10000x272xf32, #tpu.memory_space<vmem>>, vector<1x272xf32>
      tpu.vector_store %arg6[%swap3A_137, %swap3A_138], %add3A_136 {strides = array<i32>} : memref<10000x272xf32, #tpu.memory_space<vmem>>, vector<1x272xf32>,
      %slice3A_140 = vector.extract_strided_slice %get3A_12 {offsets = [0, 7], sizes = [1, 1], strides = [1, 1]} : vector<1x128xi32> to vector<1x1xi32>
      %squeeze3A_141 = vector.extract %slice3A_140[0, 0] : i32 from vector<1x1xi32>
      %slice3A_142 = vector.extract_strided_slice %get3A_15 {offsets = [0, 7], sizes = [1, 1], strides = [1, 1]} : vector<1x128xi32> to vector<1x1xi32>
      %squeeze3A_143 = vector.extract %slice3A_142[0, 0] : i32 from vector<1x1xi32>
      %slice3A_144 = vector.extract_strided_slice %get3A_18 {offsets = [0, 112], sizes = [1, 16], strides = [1, 1]} : vector<1x2048xf32> to vector<1x16xf32>
      %dot_general3A_145 = arith.constant dense<0.000000e+00> : vector<1x272xf32>
      %dot_general3A_146 = tpu.matmul %slice3A_144, %get3A_4, %dot_general3A_145 {dimension_numbers = #tpu.dot_dimension_numbers<[1], [0], [0], [1], [0, 0, 1, 1], [], []>, transpose_lhs_hint = false} : vector<1x16xf32>, vector<16x272xf32>, vector<1x272xf32> -> vector<1x272xf32>
      %get3A_147 = arith.index_cast %squeeze3A_141 : i32 to index
      %get3A_148 = arith.constant 0 : index
      %get3A_149 = vector.load %arg4[%get3A_147, %get3A_148] : memref<10000x272xf32, #tpu.memory_space<vmem>>, vector<1x272xf32>
      %get3A_150 = arith.index_cast %squeeze3A_143 : i32 to index
      %get3A_151 = arith.constant 0 : index
      %get3A_152 = vector.load %arg6[%get3A_150, %get3A_151] : memref<10000x272xf32, #tpu.memory_space<vmem>>, vector<1x272xf32>
      %mul3A_153 = arith.mulf %get3A_149, %dot_general3A_146 : vector<1x272xf32>
      %add3A_154 = arith.addf %get3A_152, %mul3A_153 : vector<1x272xf32>
      %swap3A_155 = arith.index_cast %squeeze3A_143 : i32 to index
      %swap3A_156 = arith.constant 0 : index
      %swap3A_157 = vector.load %arg6[%swap3A_155, %swap3A_156] : memref<10000x272xf32, #tpu.memory_space<vmem>>, vector<1x272xf32>
      tpu.vector_store %arg6[%swap3A_155, %swap3A_156], %add3A_154 {strides = array<i32>} : memref<10000x272xf32, #tpu.memory_space<vmem>>, vector<1x272xf32>,
      %slice3A_158 = vector.extract_strided_slice %get3A_12 {offsets = [0, 8], sizes = [1, 1], strides = [1, 1]} : vector<1x128xi32> to vector<1x1xi32>
      %squeeze3A_159 = vector.extract %slice3A_158[0, 0] : i32 from vector<1x1xi32>
      %slice3A_160 = vector.extract_strided_slice %get3A_15 {offsets = [0, 8], sizes = [1, 1], strides = [1, 1]} : vector<1x128xi32> to vector<1x1xi32>
      %squeeze3A_161 = vector.extract %slice3A_160[0, 0] : i32 from vector<1x1xi32>
      %slice3A_162 = vector.extract_strided_slice %get3A_18 {offsets = [0, 128], sizes = [1, 16], strides = [1, 1]} : vector<1x2048xf32> to vector<1x16xf32>
      %dot_general3A_163 = arith.constant dense<0.000000e+00> : vector<1x272xf32>
      %dot_general3A_164 = tpu.matmul %slice3A_162, %get3A_4, %dot_general3A_163 {dimension_numbers = #tpu.dot_dimension_numbers<[1], [0], [0], [1], [0, 0, 1, 1], [], []>, transpose_lhs_hint = false} : vector<1x16xf32>, vector<16x272xf32>, vector<1x272xf32> -> vector<1x272xf32>
      %get3A_165 = arith.index_cast %squeeze3A_159 : i32 to index
      %get3A_166 = arith.constant 0 : index
      %get3A_167 = vector.load %arg4[%get3A_165, %get3A_166] : memref<10000x272xf32, #tpu.memory_space<vmem>>, vector<1x272xf32>
      %get3A_168 = arith.index_cast %squeeze3A_161 : i32 to index
      %get3A_169 = arith.constant 0 : index
      %get3A_170 = vector.load %arg6[%get3A_168, %get3A_169] : memref<10000x272xf32, #tpu.memory_space<vmem>>, vector<1x272xf32>
      %mul3A_171 = arith.mulf %get3A_167, %dot_general3A_164 : vector<1x272xf32>
      %add3A_172 = arith.addf %get3A_170, %mul3A_171 : vector<1x272xf32>
      %swap3A_173 = arith.index_cast %squeeze3A_161 : i32 to index
      %swap3A_174 = arith.constant 0 : index
      %swap3A_175 = vector.load %arg6[%swap3A_173, %swap3A_174] : memref<10000x272xf32, #tpu.memory_space<vmem>>, vector<1x272xf32>
      tpu.vector_store %arg6[%swap3A_173, %swap3A_174], %add3A_172 {strides = array<i32>} : memref<10000x272xf32, #tpu.memory_space<vmem>>, vector<1x272xf32>,
      %slice3A_176 = vector.extract_strided_slice %get3A_12 {offsets = [0, 9], sizes = [1, 1], strides = [1, 1]} : vector<1x128xi32> to vector<1x1xi32>
      %squeeze3A_177 = vector.extract %slice3A_176[0, 0] : i32 from vector<1x1xi32>
      %slice3A_178 = vector.extract_strided_slice %get3A_15 {offsets = [0, 9], sizes = [1, 1], strides = [1, 1]} : vector<1x128xi32> to vector<1x1xi32>
      %squeeze3A_179 = vector.extract %slice3A_178[0, 0] : i32 from vector<1x1xi32>
      %slice3A_180 = vector.extract_strided_slice %get3A_18 {offsets = [0, 144], sizes = [1, 16], strides = [1, 1]} : vector<1x2048xf32> to vector<1x16xf32>
      %dot_general3A_181 = arith.constant dense<0.000000e+00> : vector<1x272xf32>
      %dot_general3A_182 = tpu.matmul %slice3A_180, %get3A_4, %dot_general3A_181 {dimension_numbers = #tpu.dot_dimension_numbers<[1], [0], [0], [1], [0, 0, 1, 1], [], []>, transpose_lhs_hint = false} : vector<1x16xf32>, vector<16x272xf32>, vector<1x272xf32> -> vector<1x272xf32>
      %get3A_183 = arith.index_cast %squeeze3A_177 : i32 to index
      %get3A_184 = arith.constant 0 : index
      %get3A_185 = vector.load %arg4[%get3A_183, %get3A_184] : memref<10000x272xf32, #tpu.memory_space<vmem>>, vector<1x272xf32>
      %get3A_186 = arith.index_cast %squeeze3A_179 : i32 to index
      %get3A_187 = arith.constant 0 : index
      %get3A_188 = vector.load %arg6[%get3A_186, %get3A_187] : memref<10000x272xf32, #tpu.memory_space<vmem>>, vector<1x272xf32>
      %mul3A_189 = arith.mulf %get3A_185, %dot_general3A_182 : vector<1x272xf32>
      %add3A_190 = arith.addf %get3A_188, %mul3A_189 : vector<1x272xf32>
      %swap3A_191 = arith.index_cast %squeeze3A_179 : i32 to index
      %swap3A_192 = arith.constant 0 : index
      %swap3A_193 = vector.load %arg6[%swap3A_191, %swap3A_192] : memref<10000x272xf32, #tpu.memory_space<vmem>>, vector<1x272xf32>
      tpu.vector_store %arg6[%swap3A_191, %swap3A_192], %add3A_190 {strides = array<i32>} : memref<10000x272xf32, #tpu.memory_space<vmem>>, vector<1x272xf32>,
      %slice3A_194 = vector.extract_strided_slice %get3A_12 {offsets = [0, 10], sizes = [1, 1], strides = [1, 1]} : vector<1x128xi32> to vector<1x1xi32>
      %squeeze3A_195 = vector.extract %slice3A_194[0, 0] : i32 from vector<1x1xi32>
      %slice3A_196 = vector.extract_strided_slice %get3A_15 {offsets = [0, 10], sizes = [1, 1], strides = [1, 1]} : vector<1x128xi32> to vector<1x1xi32>
      %squeeze3A_197 = vector.extract %slice3A_196[0, 0] : i32 from vector<1x1xi32>
      %slice3A_198 = vector.extract_strided_slice %get3A_18 {offsets = [0, 160], sizes = [1, 16], strides = [1, 1]} : vector<1x2048xf32> to vector<1x16xf32>
      %dot_general3A_199 = arith.constant dense<0.000000e+00> : vector<1x272xf32>
      %dot_general3A_200 = tpu.matmul %slice3A_198, %get3A_4, %dot_general3A_199 {dimension_numbers = #tpu.dot_dimension_numbers<[1], [0], [0], [1], [0, 0, 1, 1], [], []>, transpose_lhs_hint = false} : vector<1x16xf32>, vector<16x272xf32>, vector<1x272xf32> -> vector<1x272xf32>
      %get3A_201 = arith.index_cast %squeeze3A_195 : i32 to index
      %get3A_202 = arith.constant 0 : index
      %get3A_203 = vector.load %arg4[%get3A_201, %get3A_202] : memref<10000x272xf32, #tpu.memory_space<vmem>>, vector<1x272xf32>
      %get3A_204 = arith.index_cast %squeeze3A_197 : i32 to index
      %get3A_205 = arith.constant 0 : index
      %get3A_206 = vector.load %arg6[%get3A_204, %get3A_205] : memref<10000x272xf32, #tpu.memory_space<vmem>>, vector<1x272xf32>
      %mul3A_207 = arith.mulf %get3A_203, %dot_general3A_200 : vector<1x272xf32>
      %add3A_208 = arith.addf %get3A_206, %mul3A_207 : vector<1x272xf32>
      %swap3A_209 = arith.index_cast %squeeze3A_197 : i32 to index
      %swap3A_210 = arith.constant 0 : index
      %swap3A_211 = vector.load %arg6[%swap3A_209, %swap3A_210] : memref<10000x272xf32, #tpu.memory_space<vmem>>, vector<1x272xf32>
      tpu.vector_store %arg6[%swap3A_209, %swap3A_210], %add3A_208 {strides = array<i32>} : memref<10000x272xf32, #tpu.memory_space<vmem>>, vector<1x272xf32>,
      %slice3A_212 = vector.extract_strided_slice %get3A_12 {offsets = [0, 11], sizes = [1, 1], strides = [1, 1]} : vector<1x128xi32> to vector<1x1xi32>
      %squeeze3A_213 = vector.extract %slice3A_212[0, 0] : i32 from vector<1x1xi32>
      %slice3A_214 = vector.extract_strided_slice %get3A_15 {offsets = [0, 11], sizes = [1, 1], strides = [1, 1]} : vector<1x128xi32> to vector<1x1xi32>
      %squeeze3A_215 = vector.extract %slice3A_214[0, 0] : i32 from vector<1x1xi32>
      %slice3A_216 = vector.extract_strided_slice %get3A_18 {offsets = [0, 176], sizes = [1, 16], strides = [1, 1]} : vector<1x2048xf32> to vector<1x16xf32>
      %dot_general3A_217 = arith.constant dense<0.000000e+00> : vector<1x272xf32>
      %dot_general3A_218 = tpu.matmul %slice3A_216, %get3A_4, %dot_general3A_217 {dimension_numbers = #tpu.dot_dimension_numbers<[1], [0], [0], [1], [0, 0, 1, 1], [], []>, transpose_lhs_hint = false} : vector<1x16xf32>, vector<16x272xf32>, vector<1x272xf32> -> vector<1x272xf32>
      %get3A_219 = arith.index_cast %squeeze3A_213 : i32 to index
      %get3A_220 = arith.constant 0 : index
      %get3A_221 = vector.load %arg4[%get3A_219, %get3A_220] : memref<10000x272xf32, #tpu.memory_space<vmem>>, vector<1x272xf32>
      %get3A_222 = arith.index_cast %squeeze3A_215 : i32 to index
      %get3A_223 = arith.constant 0 : index
      %get3A_224 = vector.load %arg6[%get3A_222, %get3A_223] : memref<10000x272xf32, #tpu.memory_space<vmem>>, vector<1x272xf32>
      %mul3A_225 = arith.mulf %get3A_221, %dot_general3A_218 : vector<1x272xf32>
      %add3A_226 = arith.addf %get3A_224, %mul3A_225 : vector<1x272xf32>
      %swap3A_227 = arith.index_cast %squeeze3A_215 : i32 to index
      %swap3A_228 = arith.constant 0 : index
      %swap3A_229 = vector.load %arg6[%swap3A_227, %swap3A_228] : memref<10000x272xf32, #tpu.memory_space<vmem>>, vector<1x272xf32>
      tpu.vector_store %arg6[%swap3A_227, %swap3A_228], %add3A_226 {strides = array<i32>} : memref<10000x272xf32, #tpu.memory_space<vmem>>, vector<1x272xf32>,
      %slice3A_230 = vector.extract_strided_slice %get3A_12 {offsets = [0, 12], sizes = [1, 1], strides = [1, 1]} : vector<1x128xi32> to vector<1x1xi32>
      %squeeze3A_231 = vector.extract %slice3A_230[0, 0] : i32 from vector<1x1xi32>
      %slice3A_232 = vector.extract_strided_slice %get3A_15 {offsets = [0, 12], sizes = [1, 1], strides = [1, 1]} : vector<1x128xi32> to vector<1x1xi32>
      %squeeze3A_233 = vector.extract %slice3A_232[0, 0] : i32 from vector<1x1xi32>
      %slice3A_234 = vector.extract_strided_slice %get3A_18 {offsets = [0, 192], sizes = [1, 16], strides = [1, 1]} : vector<1x2048xf32> to vector<1x16xf32>
      %dot_general3A_235 = arith.constant dense<0.000000e+00> : vector<1x272xf32>
      %dot_general3A_236 = tpu.matmul %slice3A_234, %get3A_4, %dot_general3A_235 {dimension_numbers = #tpu.dot_dimension_numbers<[1], [0], [0], [1], [0, 0, 1, 1], [], []>, transpose_lhs_hint = false} : vector<1x16xf32>, vector<16x272xf32>, vector<1x272xf32> -> vector<1x272xf32>
      %get3A_237 = arith.index_cast %squeeze3A_231 : i32 to index
      %get3A_238 = arith.constant 0 : index
      %get3A_239 = vector.load %arg4[%get3A_237, %get3A_238] : memref<10000x272xf32, #tpu.memory_space<vmem>>, vector<1x272xf32>
      %get3A_240 = arith.index_cast %squeeze3A_233 : i32 to index
      %get3A_241 = arith.constant 0 : index
      %get3A_242 = vector.load %arg6[%get3A_240, %get3A_241] : memref<10000x272xf32, #tpu.memory_space<vmem>>, vector<1x272xf32>
      %mul3A_243 = arith.mulf %get3A_239, %dot_general3A_236 : vector<1x272xf32>
      %add3A_244 = arith.addf %get3A_242, %mul3A_243 : vector<1x272xf32>
      %swap3A_245 = arith.index_cast %squeeze3A_233 : i32 to index
      %swap3A_246 = arith.constant 0 : index
      %swap3A_247 = vector.load %arg6[%swap3A_245, %swap3A_246] : memref<10000x272xf32, #tpu.memory_space<vmem>>, vector<1x272xf32>
      tpu.vector_store %arg6[%swap3A_245, %swap3A_246], %add3A_244 {strides = array<i32>} : memref<10000x272xf32, #tpu.memory_space<vmem>>, vector<1x272xf32>,
      %slice3A_248 = vector.extract_strided_slice %get3A_12 {offsets = [0, 13], sizes = [1, 1], strides = [1, 1]} : vector<1x128xi32> to vector<1x1xi32>
      %squeeze3A_249 = vector.extract %slice3A_248[0, 0] : i32 from vector<1x1xi32>
      %slice3A_250 = vector.extract_strided_slice %get3A_15 {offsets = [0, 13], sizes = [1, 1], strides = [1, 1]} : vector<1x128xi32> to vector<1x1xi32>
      %squeeze3A_251 = vector.extract %slice3A_250[0, 0] : i32 from vector<1x1xi32>
      %slice3A_252 = vector.extract_strided_slice %get3A_18 {offsets = [0, 208], sizes = [1, 16], strides = [1, 1]} : vector<1x2048xf32> to vector<1x16xf32>
      %dot_general3A_253 = arith.constant dense<0.000000e+00> : vector<1x272xf32>
      %dot_general3A_254 = tpu.matmul %slice3A_252, %get3A_4, %dot_general3A_253 {dimension_numbers = #tpu.dot_dimension_numbers<[1], [0], [0], [1], [0, 0, 1, 1], [], []>, transpose_lhs_hint = false} : vector<1x16xf32>, vector<16x272xf32>, vector<1x272xf32> -> vector<1x272xf32>
      %get3A_255 = arith.index_cast %squeeze3A_249 : i32 to index
      %get3A_256 = arith.constant 0 : index
      %get3A_257 = vector.load %arg4[%get3A_255, %get3A_256] : memref<10000x272xf32, #tpu.memory_space<vmem>>, vector<1x272xf32>
      %get3A_258 = arith.index_cast %squeeze3A_251 : i32 to index
      %get3A_259 = arith.constant 0 : index
      %get3A_260 = vector.load %arg6[%get3A_258, %get3A_259] : memref<10000x272xf32, #tpu.memory_space<vmem>>, vector<1x272xf32>
      %mul3A_261 = arith.mulf %get3A_257, %dot_general3A_254 : vector<1x272xf32>
      %add3A_262 = arith.addf %get3A_260, %mul3A_261 : vector<1x272xf32>
      %swap3A_263 = arith.index_cast %squeeze3A_251 : i32 to index
      %swap3A_264 = arith.constant 0 : index
      %swap3A_265 = vector.load %arg6[%swap3A_263, %swap3A_264] : memref<10000x272xf32, #tpu.memory_space<vmem>>, vector<1x272xf32>
      tpu.vector_store %arg6[%swap3A_263, %swap3A_264], %add3A_262 {strides = array<i32>} : memref<10000x272xf32, #tpu.memory_space<vmem>>, vector<1x272xf32>,
      %slice3A_266 = vector.extract_strided_slice %get3A_12 {offsets = [0, 14], sizes = [1, 1], strides = [1, 1]} : vector<1x128xi32> to vector<1x1xi32>
      %squeeze3A_267 = vector.extract %slice3A_266[0, 0] : i32 from vector<1x1xi32>
      %slice3A_268 = vector.extract_strided_slice %get3A_15 {offsets = [0, 14], sizes = [1, 1], strides = [1, 1]} : vector<1x128xi32> to vector<1x1xi32>
      %squeeze3A_269 = vector.extract %slice3A_268[0, 0] : i32 from vector<1x1xi32>
      %slice3A_270 = vector.extract_strided_slice %get3A_18 {offsets = [0, 224], sizes = [1, 16], strides = [1, 1]} : vector<1x2048xf32> to vector<1x16xf32>
      %dot_general3A_271 = arith.constant dense<0.000000e+00> : vector<1x272xf32>
      %dot_general3A_272 = tpu.matmul %slice3A_270, %get3A_4, %dot_general3A_271 {dimension_numbers = #tpu.dot_dimension_numbers<[1], [0], [0], [1], [0, 0, 1, 1], [], []>, transpose_lhs_hint = false} : vector<1x16xf32>, vector<16x272xf32>, vector<1x272xf32> -> vector<1x272xf32>
      %get3A_273 = arith.index_cast %squeeze3A_267 : i32 to index
      %get3A_274 = arith.constant 0 : index
      %get3A_275 = vector.load %arg4[%get3A_273, %get3A_274] : memref<10000x272xf32, #tpu.memory_space<vmem>>, vector<1x272xf32>
      %get3A_276 = arith.index_cast %squeeze3A_269 : i32 to index
      %get3A_277 = arith.constant 0 : index
      %get3A_278 = vector.load %arg6[%get3A_276, %get3A_277] : memref<10000x272xf32, #tpu.memory_space<vmem>>, vector<1x272xf32>
      %mul3A_279 = arith.mulf %get3A_275, %dot_general3A_272 : vector<1x272xf32>
      %add3A_280 = arith.addf %get3A_278, %mul3A_279 : vector<1x272xf32>
      %swap3A_281 = arith.index_cast %squeeze3A_269 : i32 to index
      %swap3A_282 = arith.constant 0 : index
      %swap3A_283 = vector.load %arg6[%swap3A_281, %swap3A_282] : memref<10000x272xf32, #tpu.memory_space<vmem>>, vector<1x272xf32>
      tpu.vector_store %arg6[%swap3A_281, %swap3A_282], %add3A_280 {strides = array<i32>} : memref<10000x272xf32, #tpu.memory_space<vmem>>, vector<1x272xf32>,
      %slice3A_284 = vector.extract_strided_slice %get3A_12 {offsets = [0, 15], sizes = [1, 1], strides = [1, 1]} : vector<1x128xi32> to vector<1x1xi32>
      %squeeze3A_285 = vector.extract %slice3A_284[0, 0] : i32 from vector<1x1xi32>
      %slice3A_286 = vector.extract_strided_slice %get3A_15 {offsets = [0, 15], sizes = [1, 1], strides = [1, 1]} : vector<1x128xi32> to vector<1x1xi32>
      %squeeze3A_287 = vector.extract %slice3A_286[0, 0] : i32 from vector<1x1xi32>
      %slice3A_288 = vector.extract_strided_slice %get3A_18 {offsets = [0, 240], sizes = [1, 16], strides = [1, 1]} : vector<1x2048xf32> to vector<1x16xf32>
      %dot_general3A_289 = arith.constant dense<0.000000e+00> : vector<1x272xf32>
      %dot_general3A_290 = tpu.matmul %slice3A_288, %get3A_4, %dot_general3A_289 {dimension_numbers = #tpu.dot_dimension_numbers<[1], [0], [0], [1], [0, 0, 1, 1], [], []>, transpose_lhs_hint = false} : vector<1x16xf32>, vector<16x272xf32>, vector<1x272xf32> -> vector<1x272xf32>
      %get3A_291 = arith.index_cast %squeeze3A_285 : i32 to index
      %get3A_292 = arith.constant 0 : index
      %get3A_293 = vector.load %arg4[%get3A_291, %get3A_292] : memref<10000x272xf32, #tpu.memory_space<vmem>>, vector<1x272xf32>
      %get3A_294 = arith.index_cast %squeeze3A_287 : i32 to index
      %get3A_295 = arith.constant 0 : index
      %get3A_296 = vector.load %arg6[%get3A_294, %get3A_295] : memref<10000x272xf32, #tpu.memory_space<vmem>>, vector<1x272xf32>
      %mul3A_297 = arith.mulf %get3A_293, %dot_general3A_290 : vector<1x272xf32>
      %add3A_298 = arith.addf %get3A_296, %mul3A_297 : vector<1x272xf32>
      %swap3A_299 = arith.index_cast %squeeze3A_287 : i32 to index
      %swap3A_300 = arith.constant 0 : index
      %swap3A_301 = vector.load %arg6[%swap3A_299, %swap3A_300] : memref<10000x272xf32, #tpu.memory_space<vmem>>, vector<1x272xf32>
      tpu.vector_store %arg6[%swap3A_299, %swap3A_300], %add3A_298 {strides = array<i32>} : memref<10000x272xf32, #tpu.memory_space<vmem>>, vector<1x272xf32>,
      %slice3A_302 = vector.extract_strided_slice %get3A_12 {offsets = [0, 16], sizes = [1, 1], strides = [1, 1]} : vector<1x128xi32> to vector<1x1xi32>
      %squeeze3A_303 = vector.extract %slice3A_302[0, 0] : i32 from vector<1x1xi32>
      %slice3A_304 = vector.extract_strided_slice %get3A_15 {offsets = [0, 16], sizes = [1, 1], strides = [1, 1]} : vector<1x128xi32> to vector<1x1xi32>
      %squeeze3A_305 = vector.extract %slice3A_304[0, 0] : i32 from vector<1x1xi32>
      %slice3A_306 = vector.extract_strided_slice %get3A_18 {offsets = [0, 256], sizes = [1, 16], strides = [1, 1]} : vector<1x2048xf32> to vector<1x16xf32>
      %dot_general3A_307 = arith.constant dense<0.000000e+00> : vector<1x272xf32>
      %dot_general3A_308 = tpu.matmul %slice3A_306, %get3A_4, %dot_general3A_307 {dimension_numbers = #tpu.dot_dimension_numbers<[1], [0], [0], [1], [0, 0, 1, 1], [], []>, transpose_lhs_hint = false} : vector<1x16xf32>, vector<16x272xf32>, vector<1x272xf32> -> vector<1x272xf32>
      %get3A_309 = arith.index_cast %squeeze3A_303 : i32 to index
      %get3A_310 = arith.constant 0 : index
      %get3A_311 = vector.load %arg4[%get3A_309, %get3A_310] : memref<10000x272xf32, #tpu.memory_space<vmem>>, vector<1x272xf32>
      %get3A_312 = arith.index_cast %squeeze3A_305 : i32 to index
      %get3A_313 = arith.constant 0 : index
      %get3A_314 = vector.load %arg6[%get3A_312, %get3A_313] : memref<10000x272xf32, #tpu.memory_space<vmem>>, vector<1x272xf32>
      %mul3A_315 = arith.mulf %get3A_311, %dot_general3A_308 : vector<1x272xf32>
      %add3A_316 = arith.addf %get3A_314, %mul3A_315 : vector<1x272xf32>
      %swap3A_317 = arith.index_cast %squeeze3A_305 : i32 to index
      %swap3A_318 = arith.constant 0 : index
      %swap3A_319 = vector.load %arg6[%swap3A_317, %swap3A_318] : memref<10000x272xf32, #tpu.memory_space<vmem>>, vector<1x272xf32>
      tpu.vector_store %arg6[%swap3A_317, %swap3A_318], %add3A_316 {strides = array<i32>} : memref<10000x272xf32, #tpu.memory_space<vmem>>, vector<1x272xf32>,
      %slice3A_320 = vector.extract_strided_slice %get3A_12 {offsets = [0, 17], sizes = [1, 1], strides = [1, 1]} : vector<1x128xi32> to vector<1x1xi32>
      %squeeze3A_321 = vector.extract %slice3A_320[0, 0] : i32 from vector<1x1xi32>
      %slice3A_322 = vector.extract_strided_slice %get3A_15 {offsets = [0, 17], sizes = [1, 1], strides = [1, 1]} : vector<1x128xi32> to vector<1x1xi32>
      %squeeze3A_323 = vector.extract %slice3A_322[0, 0] : i32 from vector<1x1xi32>
      %slice3A_324 = vector.extract_strided_slice %get3A_18 {offsets = [0, 272], sizes = [1, 16], strides = [1, 1]} : vector<1x2048xf32> to vector<1x16xf32>
      %dot_general3A_325 = arith.constant dense<0.000000e+00> : vector<1x272xf32>
      %dot_general3A_326 = tpu.matmul %slice3A_324, %get3A_4, %dot_general3A_325 {dimension_numbers = #tpu.dot_dimension_numbers<[1], [0], [0], [1], [0, 0, 1, 1], [], []>, transpose_lhs_hint = false} : vector<1x16xf32>, vector<16x272xf32>, vector<1x272xf32> -> vector<1x272xf32>
      %get3A_327 = arith.index_cast %squeeze3A_321 : i32 to index
      %get3A_328 = arith.constant 0 : index
      %get3A_329 = vector.load %arg4[%get3A_327, %get3A_328] : memref<10000x272xf32, #tpu.memory_space<vmem>>, vector<1x272xf32>
      %get3A_330 = arith.index_cast %squeeze3A_323 : i32 to index
      %get3A_331 = arith.constant 0 : index
      %get3A_332 = vector.load %arg6[%get3A_330, %get3A_331] : memref<10000x272xf32, #tpu.memory_space<vmem>>, vector<1x272xf32>
      %mul3A_333 = arith.mulf %get3A_329, %dot_general3A_326 : vector<1x272xf32>
      %add3A_334 = arith.addf %get3A_332, %mul3A_333 : vector<1x272xf32>
      %swap3A_335 = arith.index_cast %squeeze3A_323 : i32 to index
      %swap3A_336 = arith.constant 0 : index
      %swap3A_337 = vector.load %arg6[%swap3A_335, %swap3A_336] : memref<10000x272xf32, #tpu.memory_space<vmem>>, vector<1x272xf32>
      tpu.vector_store %arg6[%swap3A_335, %swap3A_336], %add3A_334 {strides = array<i32>} : memref<10000x272xf32, #tpu.memory_space<vmem>>, vector<1x272xf32>,
      %slice3A_338 = vector.extract_strided_slice %get3A_12 {offsets = [0, 18], sizes = [1, 1], strides = [1, 1]} : vector<1x128xi32> to vector<1x1xi32>
      %squeeze3A_339 = vector.extract %slice3A_338[0, 0] : i32 from vector<1x1xi32>
      %slice3A_340 = vector.extract_strided_slice %get3A_15 {offsets = [0, 18], sizes = [1, 1], strides = [1, 1]} : vector<1x128xi32> to vector<1x1xi32>
      %squeeze3A_341 = vector.extract %slice3A_340[0, 0] : i32 from vector<1x1xi32>
      %slice3A_342 = vector.extract_strided_slice %get3A_18 {offsets = [0, 288], sizes = [1, 16], strides = [1, 1]} : vector<1x2048xf32> to vector<1x16xf32>
      %dot_general3A_343 = arith.constant dense<0.000000e+00> : vector<1x272xf32>
      %dot_general3A_344 = tpu.matmul %slice3A_342, %get3A_4, %dot_general3A_343 {dimension_numbers = #tpu.dot_dimension_numbers<[1], [0], [0], [1], [0, 0, 1, 1], [], []>, transpose_lhs_hint = false} : vector<1x16xf32>, vector<16x272xf32>, vector<1x272xf32> -> vector<1x272xf32>
      %get3A_345 = arith.index_cast %squeeze3A_339 : i32 to index
      %get3A_346 = arith.constant 0 : index
      %get3A_347 = vector.load %arg4[%get3A_345, %get3A_346] : memref<10000x272xf32, #tpu.memory_space<vmem>>, vector<1x272xf32>
      %get3A_348 = arith.index_cast %squeeze3A_341 : i32 to index
      %get3A_349 = arith.constant 0 : index
      %get3A_350 = vector.load %arg6[%get3A_348, %get3A_349] : memref<10000x272xf32, #tpu.memory_space<vmem>>, vector<1x272xf32>
      %mul3A_351 = arith.mulf %get3A_347, %dot_general3A_344 : vector<1x272xf32>
      %add3A_352 = arith.addf %get3A_350, %mul3A_351 : vector<1x272xf32>
      %swap3A_353 = arith.index_cast %squeeze3A_341 : i32 to index
      %swap3A_354 = arith.constant 0 : index
      %swap3A_355 = vector.load %arg6[%swap3A_353, %swap3A_354] : memref<10000x272xf32, #tpu.memory_space<vmem>>, vector<1x272xf32>
      tpu.vector_store %arg6[%swap3A_353, %swap3A_354], %add3A_352 {strides = array<i32>} : memref<10000x272xf32, #tpu.memory_space<vmem>>, vector<1x272xf32>,
      %slice3A_356 = vector.extract_strided_slice %get3A_12 {offsets = [0, 19], sizes = [1, 1], strides = [1, 1]} : vector<1x128xi32> to vector<1x1xi32>
      %squeeze3A_357 = vector.extract %slice3A_356[0, 0] : i32 from vector<1x1xi32>
      %slice3A_358 = vector.extract_strided_slice %get3A_15 {offsets = [0, 19], sizes = [1, 1], strides = [1, 1]} : vector<1x128xi32> to vector<1x1xi32>
      %squeeze3A_359 = vector.extract %slice3A_358[0, 0] : i32 from vector<1x1xi32>
      %slice3A_360 = vector.extract_strided_slice %get3A_18 {offsets = [0, 304], sizes = [1, 16], strides = [1, 1]} : vector<1x2048xf32> to vector<1x16xf32>
      %dot_general3A_361 = arith.constant dense<0.000000e+00> : vector<1x272xf32>
      %dot_general3A_362 = tpu.matmul %slice3A_360, %get3A_4, %dot_general3A_361 {dimension_numbers = #tpu.dot_dimension_numbers<[1], [0], [0], [1], [0, 0, 1, 1], [], []>, transpose_lhs_hint = false} : vector<1x16xf32>, vector<16x272xf32>, vector<1x272xf32> -> vector<1x272xf32>
      %get3A_363 = arith.index_cast %squeeze3A_357 : i32 to index
      %get3A_364 = arith.constant 0 : index
      %get3A_365 = vector.load %arg4[%get3A_363, %get3A_364] : memref<10000x272xf32, #tpu.memory_space<vmem>>, vector<1x272xf32>
      %get3A_366 = arith.index_cast %squeeze3A_359 : i32 to index
      %get3A_367 = arith.constant 0 : index
      %get3A_368 = vector.load %arg6[%get3A_366, %get3A_367] : memref<10000x272xf32, #tpu.memory_space<vmem>>, vector<1x272xf32>
      %mul3A_369 = arith.mulf %get3A_365, %dot_general3A_362 : vector<1x272xf32>
      %add3A_370 = arith.addf %get3A_368, %mul3A_369 : vector<1x272xf32>
      %swap3A_371 = arith.index_cast %squeeze3A_359 : i32 to index
      %swap3A_372 = arith.constant 0 : index
      %swap3A_373 = vector.load %arg6[%swap3A_371, %swap3A_372] : memref<10000x272xf32, #tpu.memory_space<vmem>>, vector<1x272xf32>
      tpu.vector_store %arg6[%swap3A_371, %swap3A_372], %add3A_370 {strides = array<i32>} : memref<10000x272xf32, #tpu.memory_space<vmem>>, vector<1x272xf32>,
      %slice3A_374 = vector.extract_strided_slice %get3A_12 {offsets = [0, 20], sizes = [1, 1], strides = [1, 1]} : vector<1x128xi32> to vector<1x1xi32>
      %squeeze3A_375 = vector.extract %slice3A_374[0, 0] : i32 from vector<1x1xi32>
      %slice3A_376 = vector.extract_strided_slice %get3A_15 {offsets = [0, 20], sizes = [1, 1], strides = [1, 1]} : vector<1x128xi32> to vector<1x1xi32>
      %squeeze3A_377 = vector.extract %slice3A_376[0, 0] : i32 from vector<1x1xi32>
      %slice3A_378 = vector.extract_strided_slice %get3A_18 {offsets = [0, 320], sizes = [1, 16], strides = [1, 1]} : vector<1x2048xf32> to vector<1x16xf32>
      %dot_general3A_379 = arith.constant dense<0.000000e+00> : vector<1x272xf32>
      %dot_general3A_380 = tpu.matmul %slice3A_378, %get3A_4, %dot_general3A_379 {dimension_numbers = #tpu.dot_dimension_numbers<[1], [0], [0], [1], [0, 0, 1, 1], [], []>, transpose_lhs_hint = false} : vector<1x16xf32>, vector<16x272xf32>, vector<1x272xf32> -> vector<1x272xf32>
      %get3A_381 = arith.index_cast %squeeze3A_375 : i32 to index
      %get3A_382 = arith.constant 0 : index
      %get3A_383 = vector.load %arg4[%get3A_381, %get3A_382] : memref<10000x272xf32, #tpu.memory_space<vmem>>, vector<1x272xf32>
      %get3A_384 = arith.index_cast %squeeze3A_377 : i32 to index
      %get3A_385 = arith.constant 0 : index
      %get3A_386 = vector.load %arg6[%get3A_384, %get3A_385] : memref<10000x272xf32, #tpu.memory_space<vmem>>, vector<1x272xf32>
      %mul3A_387 = arith.mulf %get3A_383, %dot_general3A_380 : vector<1x272xf32>
      %add3A_388 = arith.addf %get3A_386, %mul3A_387 : vector<1x272xf32>
      %swap3A_389 = arith.index_cast %squeeze3A_377 : i32 to index
      %swap3A_390 = arith.constant 0 : index
      %swap3A_391 = vector.load %arg6[%swap3A_389, %swap3A_390] : memref<10000x272xf32, #tpu.memory_space<vmem>>, vector<1x272xf32>
      tpu.vector_store %arg6[%swap3A_389, %swap3A_390], %add3A_388 {strides = array<i32>} : memref<10000x272xf32, #tpu.memory_space<vmem>>, vector<1x272xf32>,
      %slice3A_392 = vector.extract_strided_slice %get3A_12 {offsets = [0, 21], sizes = [1, 1], strides = [1, 1]} : vector<1x128xi32> to vector<1x1xi32>
      %squeeze3A_393 = vector.extract %slice3A_392[0, 0] : i32 from vector<1x1xi32>
      %slice3A_394 = vector.extract_strided_slice %get3A_15 {offsets = [0, 21], sizes = [1, 1], strides = [1, 1]} : vector<1x128xi32> to vector<1x1xi32>
      %squeeze3A_395 = vector.extract %slice3A_394[0, 0] : i32 from vector<1x1xi32>
      %slice3A_396 = vector.extract_strided_slice %get3A_18 {offsets = [0, 336], sizes = [1, 16], strides = [1, 1]} : vector<1x2048xf32> to vector<1x16xf32>
      %dot_general3A_397 = arith.constant dense<0.000000e+00> : vector<1x272xf32>
      %dot_general3A_398 = tpu.matmul %slice3A_396, %get3A_4, %dot_general3A_397 {dimension_numbers = #tpu.dot_dimension_numbers<[1], [0], [0], [1], [0, 0, 1, 1], [], []>, transpose_lhs_hint = false} : vector<1x16xf32>, vector<16x272xf32>, vector<1x272xf32> -> vector<1x272xf32>
      %get3A_399 = arith.index_cast %squeeze3A_393 : i32 to index
      %get3A_400 = arith.constant 0 : index
      %get3A_401 = vector.load %arg4[%get3A_399, %get3A_400] : memref<10000x272xf32, #tpu.memory_space<vmem>>, vector<1x272xf32>
      %get3A_402 = arith.index_cast %squeeze3A_395 : i32 to index
      %get3A_403 = arith.constant 0 : index
      %get3A_404 = vector.load %arg6[%get3A_402, %get3A_403] : memref<10000x272xf32, #tpu.memory_space<vmem>>, vector<1x272xf32>
      %mul3A_405 = arith.mulf %get3A_401, %dot_general3A_398 : vector<1x272xf32>
      %add3A_406 = arith.addf %get3A_404, %mul3A_405 : vector<1x272xf32>
      %swap3A_407 = arith.index_cast %squeeze3A_395 : i32 to index
      %swap3A_408 = arith.constant 0 : index
      %swap3A_409 = vector.load %arg6[%swap3A_407, %swap3A_408] : memref<10000x272xf32, #tpu.memory_space<vmem>>, vector<1x272xf32>
      tpu.vector_store %arg6[%swap3A_407, %swap3A_408], %add3A_406 {strides = array<i32>} : memref<10000x272xf32, #tpu.memory_space<vmem>>, vector<1x272xf32>,
      %slice3A_410 = vector.extract_strided_slice %get3A_12 {offsets = [0, 22], sizes = [1, 1], strides = [1, 1]} : vector<1x128xi32> to vector<1x1xi32>
      %squeeze3A_411 = vector.extract %slice3A_410[0, 0] : i32 from vector<1x1xi32>
      %slice3A_412 = vector.extract_strided_slice %get3A_15 {offsets = [0, 22], sizes = [1, 1], strides = [1, 1]} : vector<1x128xi32> to vector<1x1xi32>
      %squeeze3A_413 = vector.extract %slice3A_412[0, 0] : i32 from vector<1x1xi32>
      %slice3A_414 = vector.extract_strided_slice %get3A_18 {offsets = [0, 352], sizes = [1, 16], strides = [1, 1]} : vector<1x2048xf32> to vector<1x16xf32>
      %dot_general3A_415 = arith.constant dense<0.000000e+00> : vector<1x272xf32>
      %dot_general3A_416 = tpu.matmul %slice3A_414, %get3A_4, %dot_general3A_415 {dimension_numbers = #tpu.dot_dimension_numbers<[1], [0], [0], [1], [0, 0, 1, 1], [], []>, transpose_lhs_hint = false} : vector<1x16xf32>, vector<16x272xf32>, vector<1x272xf32> -> vector<1x272xf32>
      %get3A_417 = arith.index_cast %squeeze3A_411 : i32 to index
      %get3A_418 = arith.constant 0 : index
      %get3A_419 = vector.load %arg4[%get3A_417, %get3A_418] : memref<10000x272xf32, #tpu.memory_space<vmem>>, vector<1x272xf32>
      %get3A_420 = arith.index_cast %squeeze3A_413 : i32 to index
      %get3A_421 = arith.constant 0 : index
      %get3A_422 = vector.load %arg6[%get3A_420, %get3A_421] : memref<10000x272xf32, #tpu.memory_space<vmem>>, vector<1x272xf32>
      %mul3A_423 = arith.mulf %get3A_419, %dot_general3A_416 : vector<1x272xf32>
      %add3A_424 = arith.addf %get3A_422, %mul3A_423 : vector<1x272xf32>
      %swap3A_425 = arith.index_cast %squeeze3A_413 : i32 to index
      %swap3A_426 = arith.constant 0 : index
      %swap3A_427 = vector.load %arg6[%swap3A_425, %swap3A_426] : memref<10000x272xf32, #tpu.memory_space<vmem>>, vector<1x272xf32>
      tpu.vector_store %arg6[%swap3A_425, %swap3A_426], %add3A_424 {strides = array<i32>} : memref<10000x272xf32, #tpu.memory_space<vmem>>, vector<1x272xf32>,
      %slice3A_428 = vector.extract_strided_slice %get3A_12 {offsets = [0, 23], sizes = [1, 1], strides = [1, 1]} : vector<1x128xi32> to vector<1x1xi32>
      %squeeze3A_429 = vector.extract %slice3A_428[0, 0] : i32 from vector<1x1xi32>
      %slice3A_430 = vector.extract_strided_slice %get3A_15 {offsets = [0, 23], sizes = [1, 1], strides = [1, 1]} : vector<1x128xi32> to vector<1x1xi32>
      %squeeze3A_431 = vector.extract %slice3A_430[0, 0] : i32 from vector<1x1xi32>
      %slice3A_432 = vector.extract_strided_slice %get3A_18 {offsets = [0, 368], sizes = [1, 16], strides = [1, 1]} : vector<1x2048xf32> to vector<1x16xf32>
      %dot_general3A_433 = arith.constant dense<0.000000e+00> : vector<1x272xf32>
      %dot_general3A_434 = tpu.matmul %slice3A_432, %get3A_4, %dot_general3A_433 {dimension_numbers = #tpu.dot_dimension_numbers<[1], [0], [0], [1], [0, 0, 1, 1], [], []>, transpose_lhs_hint = false} : vector<1x16xf32>, vector<16x272xf32>, vector<1x272xf32> -> vector<1x272xf32>
      %get3A_435 = arith.index_cast %squeeze3A_429 : i32 to index
      %get3A_436 = arith.constant 0 : index
      %get3A_437 = vector.load %arg4[%get3A_435, %get3A_436] : memref<10000x272xf32, #tpu.memory_space<vmem>>, vector<1x272xf32>
      %get3A_438 = arith.index_cast %squeeze3A_431 : i32 to index
      %get3A_439 = arith.constant 0 : index
      %get3A_440 = vector.load %arg6[%get3A_438, %get3A_439] : memref<10000x272xf32, #tpu.memory_space<vmem>>, vector<1x272xf32>
      %mul3A_441 = arith.mulf %get3A_437, %dot_general3A_434 : vector<1x272xf32>
      %add3A_442 = arith.addf %get3A_440, %mul3A_441 : vector<1x272xf32>
      %swap3A_443 = arith.index_cast %squeeze3A_431 : i32 to index
      %swap3A_444 = arith.constant 0 : index
      %swap3A_445 = vector.load %arg6[%swap3A_443, %swap3A_444] : memref<10000x272xf32, #tpu.memory_space<vmem>>, vector<1x272xf32>
      tpu.vector_store %arg6[%swap3A_443, %swap3A_444], %add3A_442 {strides = array<i32>} : memref<10000x272xf32, #tpu.memory_space<vmem>>, vector<1x272xf32>,
      %slice3A_446 = vector.extract_strided_slice %get3A_12 {offsets = [0, 24], sizes = [1, 1], strides = [1, 1]} : vector<1x128xi32> to vector<1x1xi32>
      %squeeze3A_447 = vector.extract %slice3A_446[0, 0] : i32 from vector<1x1xi32>
      %slice3A_448 = vector.extract_strided_slice %get3A_15 {offsets = [0, 24], sizes = [1, 1], strides = [1, 1]} : vector<1x128xi32> to vector<1x1xi32>
      %squeeze3A_449 = vector.extract %slice3A_448[0, 0] : i32 from vector<1x1xi32>
      %slice3A_450 = vector.extract_strided_slice %get3A_18 {offsets = [0, 384], sizes = [1, 16], strides = [1, 1]} : vector<1x2048xf32> to vector<1x16xf32>
      %dot_general3A_451 = arith.constant dense<0.000000e+00> : vector<1x272xf32>
      %dot_general3A_452 = tpu.matmul %slice3A_450, %get3A_4, %dot_general3A_451 {dimension_numbers = #tpu.dot_dimension_numbers<[1], [0], [0], [1], [0, 0, 1, 1], [], []>, transpose_lhs_hint = false} : vector<1x16xf32>, vector<16x272xf32>, vector<1x272xf32> -> vector<1x272xf32>
      %get3A_453 = arith.index_cast %squeeze3A_447 : i32 to index
      %get3A_454 = arith.constant 0 : index
      %get3A_455 = vector.load %arg4[%get3A_453, %get3A_454] : memref<10000x272xf32, #tpu.memory_space<vmem>>, vector<1x272xf32>
      %get3A_456 = arith.index_cast %squeeze3A_449 : i32 to index
      %get3A_457 = arith.constant 0 : index
      %get3A_458 = vector.load %arg6[%get3A_456, %get3A_457] : memref<10000x272xf32, #tpu.memory_space<vmem>>, vector<1x272xf32>
      %mul3A_459 = arith.mulf %get3A_455, %dot_general3A_452 : vector<1x272xf32>
      %add3A_460 = arith.addf %get3A_458, %mul3A_459 : vector<1x272xf32>
      %swap3A_461 = arith.index_cast %squeeze3A_449 : i32 to index
      %swap3A_462 = arith.constant 0 : index
      %swap3A_463 = vector.load %arg6[%swap3A_461, %swap3A_462] : memref<10000x272xf32, #tpu.memory_space<vmem>>, vector<1x272xf32>
      tpu.vector_store %arg6[%swap3A_461, %swap3A_462], %add3A_460 {strides = array<i32>} : memref<10000x272xf32, #tpu.memory_space<vmem>>, vector<1x272xf32>,
      %slice3A_464 = vector.extract_strided_slice %get3A_12 {offsets = [0, 25], sizes = [1, 1], strides = [1, 1]} : vector<1x128xi32> to vector<1x1xi32>
      %squeeze3A_465 = vector.extract %slice3A_464[0, 0] : i32 from vector<1x1xi32>
      %slice3A_466 = vector.extract_strided_slice %get3A_15 {offsets = [0, 25], sizes = [1, 1], strides = [1, 1]} : vector<1x128xi32> to vector<1x1xi32>
      %squeeze3A_467 = vector.extract %slice3A_466[0, 0] : i32 from vector<1x1xi32>
      %slice3A_468 = vector.extract_strided_slice %get3A_18 {offsets = [0, 400], sizes = [1, 16], strides = [1, 1]} : vector<1x2048xf32> to vector<1x16xf32>
      %dot_general3A_469 = arith.constant dense<0.000000e+00> : vector<1x272xf32>
      %dot_general3A_470 = tpu.matmul %slice3A_468, %get3A_4, %dot_general3A_469 {dimension_numbers = #tpu.dot_dimension_numbers<[1], [0], [0], [1], [0, 0, 1, 1], [], []>, transpose_lhs_hint = false} : vector<1x16xf32>, vector<16x272xf32>, vector<1x272xf32> -> vector<1x272xf32>
      %get3A_471 = arith.index_cast %squeeze3A_465 : i32 to index
      %get3A_472 = arith.constant 0 : index
      %get3A_473 = vector.load %arg4[%get3A_471, %get3A_472] : memref<10000x272xf32, #tpu.memory_space<vmem>>, vector<1x272xf32>
      %get3A_474 = arith.index_cast %squeeze3A_467 : i32 to index
      %get3A_475 = arith.constant 0 : index
      %get3A_476 = vector.load %arg6[%get3A_474, %get3A_475] : memref<10000x272xf32, #tpu.memory_space<vmem>>, vector<1x272xf32>
      %mul3A_477 = arith.mulf %get3A_473, %dot_general3A_470 : vector<1x272xf32>
      %add3A_478 = arith.addf %get3A_476, %mul3A_477 : vector<1x272xf32>
      %swap3A_479 = arith.index_cast %squeeze3A_467 : i32 to index
      %swap3A_480 = arith.constant 0 : index
      %swap3A_481 = vector.load %arg6[%swap3A_479, %swap3A_480] : memref<10000x272xf32, #tpu.memory_space<vmem>>, vector<1x272xf32>
      tpu.vector_store %arg6[%swap3A_479, %swap3A_480], %add3A_478 {strides = array<i32>} : memref<10000x272xf32, #tpu.memory_space<vmem>>, vector<1x272xf32>,
      %slice3A_482 = vector.extract_strided_slice %get3A_12 {offsets = [0, 26], sizes = [1, 1], strides = [1, 1]} : vector<1x128xi32> to vector<1x1xi32>
      %squeeze3A_483 = vector.extract %slice3A_482[0, 0] : i32 from vector<1x1xi32>
      %slice3A_484 = vector.extract_strided_slice %get3A_15 {offsets = [0, 26], sizes = [1, 1], strides = [1, 1]} : vector<1x128xi32> to vector<1x1xi32>
      %squeeze3A_485 = vector.extract %slice3A_484[0, 0] : i32 from vector<1x1xi32>
      %slice3A_486 = vector.extract_strided_slice %get3A_18 {offsets = [0, 416], sizes = [1, 16], strides = [1, 1]} : vector<1x2048xf32> to vector<1x16xf32>
      %dot_general3A_487 = arith.constant dense<0.000000e+00> : vector<1x272xf32>
      %dot_general3A_488 = tpu.matmul %slice3A_486, %get3A_4, %dot_general3A_487 {dimension_numbers = #tpu.dot_dimension_numbers<[1], [0], [0], [1], [0, 0, 1, 1], [], []>, transpose_lhs_hint = false} : vector<1x16xf32>, vector<16x272xf32>, vector<1x272xf32> -> vector<1x272xf32>
      %get3A_489 = arith.index_cast %squeeze3A_483 : i32 to index
      %get3A_490 = arith.constant 0 : index
      %get3A_491 = vector.load %arg4[%get3A_489, %get3A_490] : memref<10000x272xf32, #tpu.memory_space<vmem>>, vector<1x272xf32>
      %get3A_492 = arith.index_cast %squeeze3A_485 : i32 to index
      %get3A_493 = arith.constant 0 : index
      %get3A_494 = vector.load %arg6[%get3A_492, %get3A_493] : memref<10000x272xf32, #tpu.memory_space<vmem>>, vector<1x272xf32>
      %mul3A_495 = arith.mulf %get3A_491, %dot_general3A_488 : vector<1x272xf32>
      %add3A_496 = arith.addf %get3A_494, %mul3A_495 : vector<1x272xf32>
      %swap3A_497 = arith.index_cast %squeeze3A_485 : i32 to index
      %swap3A_498 = arith.constant 0 : index
      %swap3A_499 = vector.load %arg6[%swap3A_497, %swap3A_498] : memref<10000x272xf32, #tpu.memory_space<vmem>>, vector<1x272xf32>
      tpu.vector_store %arg6[%swap3A_497, %swap3A_498], %add3A_496 {strides = array<i32>} : memref<10000x272xf32, #tpu.memory_space<vmem>>, vector<1x272xf32>,
      %slice3A_500 = vector.extract_strided_slice %get3A_12 {offsets = [0, 27], sizes = [1, 1], strides = [1, 1]} : vector<1x128xi32> to vector<1x1xi32>
      %squeeze3A_501 = vector.extract %slice3A_500[0, 0] : i32 from vector<1x1xi32>
      %slice3A_502 = vector.extract_strided_slice %get3A_15 {offsets = [0, 27], sizes = [1, 1], strides = [1, 1]} : vector<1x128xi32> to vector<1x1xi32>
      %squeeze3A_503 = vector.extract %slice3A_502[0, 0] : i32 from vector<1x1xi32>
      %slice3A_504 = vector.extract_strided_slice %get3A_18 {offsets = [0, 432], sizes = [1, 16], strides = [1, 1]} : vector<1x2048xf32> to vector<1x16xf32>
      %dot_general3A_505 = arith.constant dense<0.000000e+00> : vector<1x272xf32>
      %dot_general3A_506 = tpu.matmul %slice3A_504, %get3A_4, %dot_general3A_505 {dimension_numbers = #tpu.dot_dimension_numbers<[1], [0], [0], [1], [0, 0, 1, 1], [], []>, transpose_lhs_hint = false} : vector<1x16xf32>, vector<16x272xf32>, vector<1x272xf32> -> vector<1x272xf32>
      %get3A_507 = arith.index_cast %squeeze3A_501 : i32 to index
      %get3A_508 = arith.constant 0 : index
      %get3A_509 = vector.load %arg4[%get3A_507, %get3A_508] : memref<10000x272xf32, #tpu.memory_space<vmem>>, vector<1x272xf32>
      %get3A_510 = arith.index_cast %squeeze3A_503 : i32 to index
      %get3A_511 = arith.constant 0 : index
      %get3A_512 = vector.load %arg6[%get3A_510, %get3A_511] : memref<10000x272xf32, #tpu.memory_space<vmem>>, vector<1x272xf32>
      %mul3A_513 = arith.mulf %get3A_509, %dot_general3A_506 : vector<1x272xf32>
      %add3A_514 = arith.addf %get3A_512, %mul3A_513 : vector<1x272xf32>
      %swap3A_515 = arith.index_cast %squeeze3A_503 : i32 to index
      %swap3A_516 = arith.constant 0 : index
      %swap3A_517 = vector.load %arg6[%swap3A_515, %swap3A_516] : memref<10000x272xf32, #tpu.memory_space<vmem>>, vector<1x272xf32>
      tpu.vector_store %arg6[%swap3A_515, %swap3A_516], %add3A_514 {strides = array<i32>} : memref<10000x272xf32, #tpu.memory_space<vmem>>, vector<1x272xf32>,
      %slice3A_518 = vector.extract_strided_slice %get3A_12 {offsets = [0, 28], sizes = [1, 1], strides = [1, 1]} : vector<1x128xi32> to vector<1x1xi32>
      %squeeze3A_519 = vector.extract %slice3A_518[0, 0] : i32 from vector<1x1xi32>
      %slice3A_520 = vector.extract_strided_slice %get3A_15 {offsets = [0, 28], sizes = [1, 1], strides = [1, 1]} : vector<1x128xi32> to vector<1x1xi32>
      %squeeze3A_521 = vector.extract %slice3A_520[0, 0] : i32 from vector<1x1xi32>
      %slice3A_522 = vector.extract_strided_slice %get3A_18 {offsets = [0, 448], sizes = [1, 16], strides = [1, 1]} : vector<1x2048xf32> to vector<1x16xf32>
      %dot_general3A_523 = arith.constant dense<0.000000e+00> : vector<1x272xf32>
      %dot_general3A_524 = tpu.matmul %slice3A_522, %get3A_4, %dot_general3A_523 {dimension_numbers = #tpu.dot_dimension_numbers<[1], [0], [0], [1], [0, 0, 1, 1], [], []>, transpose_lhs_hint = false} : vector<1x16xf32>, vector<16x272xf32>, vector<1x272xf32> -> vector<1x272xf32>
      %get3A_525 = arith.index_cast %squeeze3A_519 : i32 to index
      %get3A_526 = arith.constant 0 : index
      %get3A_527 = vector.load %arg4[%get3A_525, %get3A_526] : memref<10000x272xf32, #tpu.memory_space<vmem>>, vector<1x272xf32>
      %get3A_528 = arith.index_cast %squeeze3A_521 : i32 to index
      %get3A_529 = arith.constant 0 : index
      %get3A_530 = vector.load %arg6[%get3A_528, %get3A_529] : memref<10000x272xf32, #tpu.memory_space<vmem>>, vector<1x272xf32>
      %mul3A_531 = arith.mulf %get3A_527, %dot_general3A_524 : vector<1x272xf32>
      %add3A_532 = arith.addf %get3A_530, %mul3A_531 : vector<1x272xf32>
      %swap3A_533 = arith.index_cast %squeeze3A_521 : i32 to index
      %swap3A_534 = arith.constant 0 : index
      %swap3A_535 = vector.load %arg6[%swap3A_533, %swap3A_534] : memref<10000x272xf32, #tpu.memory_space<vmem>>, vector<1x272xf32>
      tpu.vector_store %arg6[%swap3A_533, %swap3A_534], %add3A_532 {strides = array<i32>} : memref<10000x272xf32, #tpu.memory_space<vmem>>, vector<1x272xf32>,
      %slice3A_536 = vector.extract_strided_slice %get3A_12 {offsets = [0, 29], sizes = [1, 1], strides = [1, 1]} : vector<1x128xi32> to vector<1x1xi32>
      %squeeze3A_537 = vector.extract %slice3A_536[0, 0] : i32 from vector<1x1xi32>
      %slice3A_538 = vector.extract_strided_slice %get3A_15 {offsets = [0, 29], sizes = [1, 1], strides = [1, 1]} : vector<1x128xi32> to vector<1x1xi32>
      %squeeze3A_539 = vector.extract %slice3A_538[0, 0] : i32 from vector<1x1xi32>
      %slice3A_540 = vector.extract_strided_slice %get3A_18 {offsets = [0, 464], sizes = [1, 16], strides = [1, 1]} : vector<1x2048xf32> to vector<1x16xf32>
      %dot_general3A_541 = arith.constant dense<0.000000e+00> : vector<1x272xf32>
      %dot_general3A_542 = tpu.matmul %slice3A_540, %get3A_4, %dot_general3A_541 {dimension_numbers = #tpu.dot_dimension_numbers<[1], [0], [0], [1], [0, 0, 1, 1], [], []>, transpose_lhs_hint = false} : vector<1x16xf32>, vector<16x272xf32>, vector<1x272xf32> -> vector<1x272xf32>
      %get3A_543 = arith.index_cast %squeeze3A_537 : i32 to index
      %get3A_544 = arith.constant 0 : index
      %get3A_545 = vector.load %arg4[%get3A_543, %get3A_544] : memref<10000x272xf32, #tpu.memory_space<vmem>>, vector<1x272xf32>
      %get3A_546 = arith.index_cast %squeeze3A_539 : i32 to index
      %get3A_547 = arith.constant 0 : index
      %get3A_548 = vector.load %arg6[%get3A_546, %get3A_547] : memref<10000x272xf32, #tpu.memory_space<vmem>>, vector<1x272xf32>
      %mul3A_549 = arith.mulf %get3A_545, %dot_general3A_542 : vector<1x272xf32>
      %add3A_550 = arith.addf %get3A_548, %mul3A_549 : vector<1x272xf32>
      %swap3A_551 = arith.index_cast %squeeze3A_539 : i32 to index
      %swap3A_552 = arith.constant 0 : index
      %swap3A_553 = vector.load %arg6[%swap3A_551, %swap3A_552] : memref<10000x272xf32, #tpu.memory_space<vmem>>, vector<1x272xf32>
      tpu.vector_store %arg6[%swap3A_551, %swap3A_552], %add3A_550 {strides = array<i32>} : memref<10000x272xf32, #tpu.memory_space<vmem>>, vector<1x272xf32>,
      %slice3A_554 = vector.extract_strided_slice %get3A_12 {offsets = [0, 30], sizes = [1, 1], strides = [1, 1]} : vector<1x128xi32> to vector<1x1xi32>
      %squeeze3A_555 = vector.extract %slice3A_554[0, 0] : i32 from vector<1x1xi32>
      %slice3A_556 = vector.extract_strided_slice %get3A_15 {offsets = [0, 30], sizes = [1, 1], strides = [1, 1]} : vector<1x128xi32> to vector<1x1xi32>
      %squeeze3A_557 = vector.extract %slice3A_556[0, 0] : i32 from vector<1x1xi32>
      %slice3A_558 = vector.extract_strided_slice %get3A_18 {offsets = [0, 480], sizes = [1, 16], strides = [1, 1]} : vector<1x2048xf32> to vector<1x16xf32>
      %dot_general3A_559 = arith.constant dense<0.000000e+00> : vector<1x272xf32>
      %dot_general3A_560 = tpu.matmul %slice3A_558, %get3A_4, %dot_general3A_559 {dimension_numbers = #tpu.dot_dimension_numbers<[1], [0], [0], [1], [0, 0, 1, 1], [], []>, transpose_lhs_hint = false} : vector<1x16xf32>, vector<16x272xf32>, vector<1x272xf32> -> vector<1x272xf32>
      %get3A_561 = arith.index_cast %squeeze3A_555 : i32 to index
      %get3A_562 = arith.constant 0 : index
      %get3A_563 = vector.load %arg4[%get3A_561, %get3A_562] : memref<10000x272xf32, #tpu.memory_space<vmem>>, vector<1x272xf32>
      %get3A_564 = arith.index_cast %squeeze3A_557 : i32 to index
      %get3A_565 = arith.constant 0 : index
      %get3A_566 = vector.load %arg6[%get3A_564, %get3A_565] : memref<10000x272xf32, #tpu.memory_space<vmem>>, vector<1x272xf32>
      %mul3A_567 = arith.mulf %get3A_563, %dot_general3A_560 : vector<1x272xf32>
      %add3A_568 = arith.addf %get3A_566, %mul3A_567 : vector<1x272xf32>
      %swap3A_569 = arith.index_cast %squeeze3A_557 : i32 to index
      %swap3A_570 = arith.constant 0 : index
      %swap3A_571 = vector.load %arg6[%swap3A_569, %swap3A_570] : memref<10000x272xf32, #tpu.memory_space<vmem>>, vector<1x272xf32>
      tpu.vector_store %arg6[%swap3A_569, %swap3A_570], %add3A_568 {strides = array<i32>} : memref<10000x272xf32, #tpu.memory_space<vmem>>, vector<1x272xf32>,
      %slice3A_572 = vector.extract_strided_slice %get3A_12 {offsets = [0, 31], sizes = [1, 1], strides = [1, 1]} : vector<1x128xi32> to vector<1x1xi32>
      %squeeze3A_573 = vector.extract %slice3A_572[0, 0] : i32 from vector<1x1xi32>
      %slice3A_574 = vector.extract_strided_slice %get3A_15 {offsets = [0, 31], sizes = [1, 1], strides = [1, 1]} : vector<1x128xi32> to vector<1x1xi32>
      %squeeze3A_575 = vector.extract %slice3A_574[0, 0] : i32 from vector<1x1xi32>
      %slice3A_576 = vector.extract_strided_slice %get3A_18 {offsets = [0, 496], sizes = [1, 16], strides = [1, 1]} : vector<1x2048xf32> to vector<1x16xf32>
      %dot_general3A_577 = arith.constant dense<0.000000e+00> : vector<1x272xf32>
      %dot_general3A_578 = tpu.matmul %slice3A_576, %get3A_4, %dot_general3A_577 {dimension_numbers = #tpu.dot_dimension_numbers<[1], [0], [0], [1], [0, 0, 1, 1], [], []>, transpose_lhs_hint = false} : vector<1x16xf32>, vector<16x272xf32>, vector<1x272xf32> -> vector<1x272xf32>
      %get3A_579 = arith.index_cast %squeeze3A_573 : i32 to index
      %get3A_580 = arith.constant 0 : index
      %get3A_581 = vector.load %arg4[%get3A_579, %get3A_580] : memref<10000x272xf32, #tpu.memory_space<vmem>>, vector<1x272xf32>
      %get3A_582 = arith.index_cast %squeeze3A_575 : i32 to index
      %get3A_583 = arith.constant 0 : index
      %get3A_584 = vector.load %arg6[%get3A_582, %get3A_583] : memref<10000x272xf32, #tpu.memory_space<vmem>>, vector<1x272xf32>
      %mul3A_585 = arith.mulf %get3A_581, %dot_general3A_578 : vector<1x272xf32>
      %add3A_586 = arith.addf %get3A_584, %mul3A_585 : vector<1x272xf32>
      %swap3A_587 = arith.index_cast %squeeze3A_575 : i32 to index
      %swap3A_588 = arith.constant 0 : index
      %swap3A_589 = vector.load %arg6[%swap3A_587, %swap3A_588] : memref<10000x272xf32, #tpu.memory_space<vmem>>, vector<1x272xf32>
      tpu.vector_store %arg6[%swap3A_587, %swap3A_588], %add3A_586 {strides = array<i32>} : memref<10000x272xf32, #tpu.memory_space<vmem>>, vector<1x272xf32>,
      %slice3A_590 = vector.extract_strided_slice %get3A_12 {offsets = [0, 32], sizes = [1, 1], strides = [1, 1]} : vector<1x128xi32> to vector<1x1xi32>
      %squeeze3A_591 = vector.extract %slice3A_590[0, 0] : i32 from vector<1x1xi32>
      %slice3A_592 = vector.extract_strided_slice %get3A_15 {offsets = [0, 32], sizes = [1, 1], strides = [1, 1]} : vector<1x128xi32> to vector<1x1xi32>
      %squeeze3A_593 = vector.extract %slice3A_592[0, 0] : i32 from vector<1x1xi32>
      %slice3A_594 = vector.extract_strided_slice %get3A_18 {offsets = [0, 512], sizes = [1, 16], strides = [1, 1]} : vector<1x2048xf32> to vector<1x16xf32>
      %dot_general3A_595 = arith.constant dense<0.000000e+00> : vector<1x272xf32>
      %dot_general3A_596 = tpu.matmul %slice3A_594, %get3A_4, %dot_general3A_595 {dimension_numbers = #tpu.dot_dimension_numbers<[1], [0], [0], [1], [0, 0, 1, 1], [], []>, transpose_lhs_hint = false} : vector<1x16xf32>, vector<16x272xf32>, vector<1x272xf32> -> vector<1x272xf32>
      %get3A_597 = arith.index_cast %squeeze3A_591 : i32 to index
      %get3A_598 = arith.constant 0 : index
      %get3A_599 = vector.load %arg4[%get3A_597, %get3A_598] : memref<10000x272xf32, #tpu.memory_space<vmem>>, vector<1x272xf32>
      %get3A_600 = arith.index_cast %squeeze3A_593 : i32 to index
      %get3A_601 = arith.constant 0 : index
      %get3A_602 = vector.load %arg6[%get3A_600, %get3A_601] : memref<10000x272xf32, #tpu.memory_space<vmem>>, vector<1x272xf32>
      %mul3A_603 = arith.mulf %get3A_599, %dot_general3A_596 : vector<1x272xf32>
      %add3A_604 = arith.addf %get3A_602, %mul3A_603 : vector<1x272xf32>
      %swap3A_605 = arith.index_cast %squeeze3A_593 : i32 to index
      %swap3A_606 = arith.constant 0 : index
      %swap3A_607 = vector.load %arg6[%swap3A_605, %swap3A_606] : memref<10000x272xf32, #tpu.memory_space<vmem>>, vector<1x272xf32>
      tpu.vector_store %arg6[%swap3A_605, %swap3A_606], %add3A_604 {strides = array<i32>} : memref<10000x272xf32, #tpu.memory_space<vmem>>, vector<1x272xf32>,
      %slice3A_608 = vector.extract_strided_slice %get3A_12 {offsets = [0, 33], sizes = [1, 1], strides = [1, 1]} : vector<1x128xi32> to vector<1x1xi32>
      %squeeze3A_609 = vector.extract %slice3A_608[0, 0] : i32 from vector<1x1xi32>
      %slice3A_610 = vector.extract_strided_slice %get3A_15 {offsets = [0, 33], sizes = [1, 1], strides = [1, 1]} : vector<1x128xi32> to vector<1x1xi32>
      %squeeze3A_611 = vector.extract %slice3A_610[0, 0] : i32 from vector<1x1xi32>
      %slice3A_612 = vector.extract_strided_slice %get3A_18 {offsets = [0, 528], sizes = [1, 16], strides = [1, 1]} : vector<1x2048xf32> to vector<1x16xf32>
      %dot_general3A_613 = arith.constant dense<0.000000e+00> : vector<1x272xf32>
      %dot_general3A_614 = tpu.matmul %slice3A_612, %get3A_4, %dot_general3A_613 {dimension_numbers = #tpu.dot_dimension_numbers<[1], [0], [0], [1], [0, 0, 1, 1], [], []>, transpose_lhs_hint = false} : vector<1x16xf32>, vector<16x272xf32>, vector<1x272xf32> -> vector<1x272xf32>
      %get3A_615 = arith.index_cast %squeeze3A_609 : i32 to index
      %get3A_616 = arith.constant 0 : index
      %get3A_617 = vector.load %arg4[%get3A_615, %get3A_616] : memref<10000x272xf32, #tpu.memory_space<vmem>>, vector<1x272xf32>
      %get3A_618 = arith.index_cast %squeeze3A_611 : i32 to index
      %get3A_619 = arith.constant 0 : index
      %get3A_620 = vector.load %arg6[%get3A_618, %get3A_619] : memref<10000x272xf32, #tpu.memory_space<vmem>>, vector<1x272xf32>
      %mul3A_621 = arith.mulf %get3A_617, %dot_general3A_614 : vector<1x272xf32>
      %add3A_622 = arith.addf %get3A_620, %mul3A_621 : vector<1x272xf32>
      %swap3A_623 = arith.index_cast %squeeze3A_611 : i32 to index
      %swap3A_624 = arith.constant 0 : index
      %swap3A_625 = vector.load %arg6[%swap3A_623, %swap3A_624] : memref<10000x272xf32, #tpu.memory_space<vmem>>, vector<1x272xf32>
      tpu.vector_store %arg6[%swap3A_623, %swap3A_624], %add3A_622 {strides = array<i32>} : memref<10000x272xf32, #tpu.memory_space<vmem>>, vector<1x272xf32>,
      %slice3A_626 = vector.extract_strided_slice %get3A_12 {offsets = [0, 34], sizes = [1, 1], strides = [1, 1]} : vector<1x128xi32> to vector<1x1xi32>
      %squeeze3A_627 = vector.extract %slice3A_626[0, 0] : i32 from vector<1x1xi32>
      %slice3A_628 = vector.extract_strided_slice %get3A_15 {offsets = [0, 34], sizes = [1, 1], strides = [1, 1]} : vector<1x128xi32> to vector<1x1xi32>
      %squeeze3A_629 = vector.extract %slice3A_628[0, 0] : i32 from vector<1x1xi32>
      %slice3A_630 = vector.extract_strided_slice %get3A_18 {offsets = [0, 544], sizes = [1, 16], strides = [1, 1]} : vector<1x2048xf32> to vector<1x16xf32>
      %dot_general3A_631 = arith.constant dense<0.000000e+00> : vector<1x272xf32>
      %dot_general3A_632 = tpu.matmul %slice3A_630, %get3A_4, %dot_general3A_631 {dimension_numbers = #tpu.dot_dimension_numbers<[1], [0], [0], [1], [0, 0, 1, 1], [], []>, transpose_lhs_hint = false} : vector<1x16xf32>, vector<16x272xf32>, vector<1x272xf32> -> vector<1x272xf32>
      %get3A_633 = arith.index_cast %squeeze3A_627 : i32 to index
      %get3A_634 = arith.constant 0 : index
      %get3A_635 = vector.load %arg4[%get3A_633, %get3A_634] : memref<10000x272xf32, #tpu.memory_space<vmem>>, vector<1x272xf32>
      %get3A_636 = arith.index_cast %squeeze3A_629 : i32 to index
      %get3A_637 = arith.constant 0 : index
      %get3A_638 = vector.load %arg6[%get3A_636, %get3A_637] : memref<10000x272xf32, #tpu.memory_space<vmem>>, vector<1x272xf32>
      %mul3A_639 = arith.mulf %get3A_635, %dot_general3A_632 : vector<1x272xf32>
      %add3A_640 = arith.addf %get3A_638, %mul3A_639 : vector<1x272xf32>
      %swap3A_641 = arith.index_cast %squeeze3A_629 : i32 to index
      %swap3A_642 = arith.constant 0 : index
      %swap3A_643 = vector.load %arg6[%swap3A_641, %swap3A_642] : memref<10000x272xf32, #tpu.memory_space<vmem>>, vector<1x272xf32>
      tpu.vector_store %arg6[%swap3A_641, %swap3A_642], %add3A_640 {strides = array<i32>} : memref<10000x272xf32, #tpu.memory_space<vmem>>, vector<1x272xf32>,
      %slice3A_644 = vector.extract_strided_slice %get3A_12 {offsets = [0, 35], sizes = [1, 1], strides = [1, 1]} : vector<1x128xi32> to vector<1x1xi32>
      %squeeze3A_645 = vector.extract %slice3A_644[0, 0] : i32 from vector<1x1xi32>
      %slice3A_646 = vector.extract_strided_slice %get3A_15 {offsets = [0, 35], sizes = [1, 1], strides = [1, 1]} : vector<1x128xi32> to vector<1x1xi32>
      %squeeze3A_647 = vector.extract %slice3A_646[0, 0] : i32 from vector<1x1xi32>
      %slice3A_648 = vector.extract_strided_slice %get3A_18 {offsets = [0, 560], sizes = [1, 16], strides = [1, 1]} : vector<1x2048xf32> to vector<1x16xf32>
      %dot_general3A_649 = arith.constant dense<0.000000e+00> : vector<1x272xf32>
      %dot_general3A_650 = tpu.matmul %slice3A_648, %get3A_4, %dot_general3A_649 {dimension_numbers = #tpu.dot_dimension_numbers<[1], [0], [0], [1], [0, 0, 1, 1], [], []>, transpose_lhs_hint = false} : vector<1x16xf32>, vector<16x272xf32>, vector<1x272xf32> -> vector<1x272xf32>
      %get3A_651 = arith.index_cast %squeeze3A_645 : i32 to index
      %get3A_652 = arith.constant 0 : index
      %get3A_653 = vector.load %arg4[%get3A_651, %get3A_652] : memref<10000x272xf32, #tpu.memory_space<vmem>>, vector<1x272xf32>
      %get3A_654 = arith.index_cast %squeeze3A_647 : i32 to index
      %get3A_655 = arith.constant 0 : index
      %get3A_656 = vector.load %arg6[%get3A_654, %get3A_655] : memref<10000x272xf32, #tpu.memory_space<vmem>>, vector<1x272xf32>
      %mul3A_657 = arith.mulf %get3A_653, %dot_general3A_650 : vector<1x272xf32>
      %add3A_658 = arith.addf %get3A_656, %mul3A_657 : vector<1x272xf32>
      %swap3A_659 = arith.index_cast %squeeze3A_647 : i32 to index
      %swap3A_660 = arith.constant 0 : index
      %swap3A_661 = vector.load %arg6[%swap3A_659, %swap3A_660] : memref<10000x272xf32, #tpu.memory_space<vmem>>, vector<1x272xf32>
      tpu.vector_store %arg6[%swap3A_659, %swap3A_660], %add3A_658 {strides = array<i32>} : memref<10000x272xf32, #tpu.memory_space<vmem>>, vector<1x272xf32>,
      %slice3A_662 = vector.extract_strided_slice %get3A_12 {offsets = [0, 36], sizes = [1, 1], strides = [1, 1]} : vector<1x128xi32> to vector<1x1xi32>
      %squeeze3A_663 = vector.extract %slice3A_662[0, 0] : i32 from vector<1x1xi32>
      %slice3A_664 = vector.extract_strided_slice %get3A_15 {offsets = [0, 36], sizes = [1, 1], strides = [1, 1]} : vector<1x128xi32> to vector<1x1xi32>
      %squeeze3A_665 = vector.extract %slice3A_664[0, 0] : i32 from vector<1x1xi32>
      %slice3A_666 = vector.extract_strided_slice %get3A_18 {offsets = [0, 576], sizes = [1, 16], strides = [1, 1]} : vector<1x2048xf32> to vector<1x16xf32>
      %dot_general3A_667 = arith.constant dense<0.000000e+00> : vector<1x272xf32>
      %dot_general3A_668 = tpu.matmul %slice3A_666, %get3A_4, %dot_general3A_667 {dimension_numbers = #tpu.dot_dimension_numbers<[1], [0], [0], [1], [0, 0, 1, 1], [], []>, transpose_lhs_hint = false} : vector<1x16xf32>, vector<16x272xf32>, vector<1x272xf32> -> vector<1x272xf32>
      %get3A_669 = arith.index_cast %squeeze3A_663 : i32 to index
      %get3A_670 = arith.constant 0 : index
      %get3A_671 = vector.load %arg4[%get3A_669, %get3A_670] : memref<10000x272xf32, #tpu.memory_space<vmem>>, vector<1x272xf32>
      %get3A_672 = arith.index_cast %squeeze3A_665 : i32 to index
      %get3A_673 = arith.constant 0 : index
      %get3A_674 = vector.load %arg6[%get3A_672, %get3A_673] : memref<10000x272xf32, #tpu.memory_space<vmem>>, vector<1x272xf32>
      %mul3A_675 = arith.mulf %get3A_671, %dot_general3A_668 : vector<1x272xf32>
      %add3A_676 = arith.addf %get3A_674, %mul3A_675 : vector<1x272xf32>
      %swap3A_677 = arith.index_cast %squeeze3A_665 : i32 to index
      %swap3A_678 = arith.constant 0 : index
      %swap3A_679 = vector.load %arg6[%swap3A_677, %swap3A_678] : memref<10000x272xf32, #tpu.memory_space<vmem>>, vector<1x272xf32>
      tpu.vector_store %arg6[%swap3A_677, %swap3A_678], %add3A_676 {strides = array<i32>} : memref<10000x272xf32, #tpu.memory_space<vmem>>, vector<1x272xf32>,
      %slice3A_680 = vector.extract_strided_slice %get3A_12 {offsets = [0, 37], sizes = [1, 1], strides = [1, 1]} : vector<1x128xi32> to vector<1x1xi32>
      %squeeze3A_681 = vector.extract %slice3A_680[0, 0] : i32 from vector<1x1xi32>
      %slice3A_682 = vector.extract_strided_slice %get3A_15 {offsets = [0, 37], sizes = [1, 1], strides = [1, 1]} : vector<1x128xi32> to vector<1x1xi32>
      %squeeze3A_683 = vector.extract %slice3A_682[0, 0] : i32 from vector<1x1xi32>
      %slice3A_684 = vector.extract_strided_slice %get3A_18 {offsets = [0, 592], sizes = [1, 16], strides = [1, 1]} : vector<1x2048xf32> to vector<1x16xf32>
      %dot_general3A_685 = arith.constant dense<0.000000e+00> : vector<1x272xf32>
      %dot_general3A_686 = tpu.matmul %slice3A_684, %get3A_4, %dot_general3A_685 {dimension_numbers = #tpu.dot_dimension_numbers<[1], [0], [0], [1], [0, 0, 1, 1], [], []>, transpose_lhs_hint = false} : vector<1x16xf32>, vector<16x272xf32>, vector<1x272xf32> -> vector<1x272xf32>
      %get3A_687 = arith.index_cast %squeeze3A_681 : i32 to index
      %get3A_688 = arith.constant 0 : index
      %get3A_689 = vector.load %arg4[%get3A_687, %get3A_688] : memref<10000x272xf32, #tpu.memory_space<vmem>>, vector<1x272xf32>
      %get3A_690 = arith.index_cast %squeeze3A_683 : i32 to index
      %get3A_691 = arith.constant 0 : index
      %get3A_692 = vector.load %arg6[%get3A_690, %get3A_691] : memref<10000x272xf32, #tpu.memory_space<vmem>>, vector<1x272xf32>
      %mul3A_693 = arith.mulf %get3A_689, %dot_general3A_686 : vector<1x272xf32>
      %add3A_694 = arith.addf %get3A_692, %mul3A_693 : vector<1x272xf32>
      %swap3A_695 = arith.index_cast %squeeze3A_683 : i32 to index
      %swap3A_696 = arith.constant 0 : index
      %swap3A_697 = vector.load %arg6[%swap3A_695, %swap3A_696] : memref<10000x272xf32, #tpu.memory_space<vmem>>, vector<1x272xf32>
      tpu.vector_store %arg6[%swap3A_695, %swap3A_696], %add3A_694 {strides = array<i32>} : memref<10000x272xf32, #tpu.memory_space<vmem>>, vector<1x272xf32>,
      %slice3A_698 = vector.extract_strided_slice %get3A_12 {offsets = [0, 38], sizes = [1, 1], strides = [1, 1]} : vector<1x128xi32> to vector<1x1xi32>
      %squeeze3A_699 = vector.extract %slice3A_698[0, 0] : i32 from vector<1x1xi32>
      %slice3A_700 = vector.extract_strided_slice %get3A_15 {offsets = [0, 38], sizes = [1, 1], strides = [1, 1]} : vector<1x128xi32> to vector<1x1xi32>
      %squeeze3A_701 = vector.extract %slice3A_700[0, 0] : i32 from vector<1x1xi32>
      %slice3A_702 = vector.extract_strided_slice %get3A_18 {offsets = [0, 608], sizes = [1, 16], strides = [1, 1]} : vector<1x2048xf32> to vector<1x16xf32>
      %dot_general3A_703 = arith.constant dense<0.000000e+00> : vector<1x272xf32>
      %dot_general3A_704 = tpu.matmul %slice3A_702, %get3A_4, %dot_general3A_703 {dimension_numbers = #tpu.dot_dimension_numbers<[1], [0], [0], [1], [0, 0, 1, 1], [], []>, transpose_lhs_hint = false} : vector<1x16xf32>, vector<16x272xf32>, vector<1x272xf32> -> vector<1x272xf32>
      %get3A_705 = arith.index_cast %squeeze3A_699 : i32 to index
      %get3A_706 = arith.constant 0 : index
      %get3A_707 = vector.load %arg4[%get3A_705, %get3A_706] : memref<10000x272xf32, #tpu.memory_space<vmem>>, vector<1x272xf32>
      %get3A_708 = arith.index_cast %squeeze3A_701 : i32 to index
      %get3A_709 = arith.constant 0 : index
      %get3A_710 = vector.load %arg6[%get3A_708, %get3A_709] : memref<10000x272xf32, #tpu.memory_space<vmem>>, vector<1x272xf32>
      %mul3A_711 = arith.mulf %get3A_707, %dot_general3A_704 : vector<1x272xf32>
      %add3A_712 = arith.addf %get3A_710, %mul3A_711 : vector<1x272xf32>
      %swap3A_713 = arith.index_cast %squeeze3A_701 : i32 to index
      %swap3A_714 = arith.constant 0 : index
      %swap3A_715 = vector.load %arg6[%swap3A_713, %swap3A_714] : memref<10000x272xf32, #tpu.memory_space<vmem>>, vector<1x272xf32>
      tpu.vector_store %arg6[%swap3A_713, %swap3A_714], %add3A_712 {strides = array<i32>} : memref<10000x272xf32, #tpu.memory_space<vmem>>, vector<1x272xf32>,
      %slice3A_716 = vector.extract_strided_slice %get3A_12 {offsets = [0, 39], sizes = [1, 1], strides = [1, 1]} : vector<1x128xi32> to vector<1x1xi32>
      %squeeze3A_717 = vector.extract %slice3A_716[0, 0] : i32 from vector<1x1xi32>
      %slice3A_718 = vector.extract_strided_slice %get3A_15 {offsets = [0, 39], sizes = [1, 1], strides = [1, 1]} : vector<1x128xi32> to vector<1x1xi32>
      %squeeze3A_719 = vector.extract %slice3A_718[0, 0] : i32 from vector<1x1xi32>
      %slice3A_720 = vector.extract_strided_slice %get3A_18 {offsets = [0, 624], sizes = [1, 16], strides = [1, 1]} : vector<1x2048xf32> to vector<1x16xf32>
      %dot_general3A_721 = arith.constant dense<0.000000e+00> : vector<1x272xf32>
      %dot_general3A_722 = tpu.matmul %slice3A_720, %get3A_4, %dot_general3A_721 {dimension_numbers = #tpu.dot_dimension_numbers<[1], [0], [0], [1], [0, 0, 1, 1], [], []>, transpose_lhs_hint = false} : vector<1x16xf32>, vector<16x272xf32>, vector<1x272xf32> -> vector<1x272xf32>
      %get3A_723 = arith.index_cast %squeeze3A_717 : i32 to index
      %get3A_724 = arith.constant 0 : index
      %get3A_725 = vector.load %arg4[%get3A_723, %get3A_724] : memref<10000x272xf32, #tpu.memory_space<vmem>>, vector<1x272xf32>
      %get3A_726 = arith.index_cast %squeeze3A_719 : i32 to index
      %get3A_727 = arith.constant 0 : index
      %get3A_728 = vector.load %arg6[%get3A_726, %get3A_727] : memref<10000x272xf32, #tpu.memory_space<vmem>>, vector<1x272xf32>
      %mul3A_729 = arith.mulf %get3A_725, %dot_general3A_722 : vector<1x272xf32>
      %add3A_730 = arith.addf %get3A_728, %mul3A_729 : vector<1x272xf32>
      %swap3A_731 = arith.index_cast %squeeze3A_719 : i32 to index
      %swap3A_732 = arith.constant 0 : index
      %swap3A_733 = vector.load %arg6[%swap3A_731, %swap3A_732] : memref<10000x272xf32, #tpu.memory_space<vmem>>, vector<1x272xf32>
      tpu.vector_store %arg6[%swap3A_731, %swap3A_732], %add3A_730 {strides = array<i32>} : memref<10000x272xf32, #tpu.memory_space<vmem>>, vector<1x272xf32>,
      %slice3A_734 = vector.extract_strided_slice %get3A_12 {offsets = [0, 40], sizes = [1, 1], strides = [1, 1]} : vector<1x128xi32> to vector<1x1xi32>
      %squeeze3A_735 = vector.extract %slice3A_734[0, 0] : i32 from vector<1x1xi32>
      %slice3A_736 = vector.extract_strided_slice %get3A_15 {offsets = [0, 40], sizes = [1, 1], strides = [1, 1]} : vector<1x128xi32> to vector<1x1xi32>
      %squeeze3A_737 = vector.extract %slice3A_736[0, 0] : i32 from vector<1x1xi32>
      %slice3A_738 = vector.extract_strided_slice %get3A_18 {offsets = [0, 640], sizes = [1, 16], strides = [1, 1]} : vector<1x2048xf32> to vector<1x16xf32>
      %dot_general3A_739 = arith.constant dense<0.000000e+00> : vector<1x272xf32>
      %dot_general3A_740 = tpu.matmul %slice3A_738, %get3A_4, %dot_general3A_739 {dimension_numbers = #tpu.dot_dimension_numbers<[1], [0], [0], [1], [0, 0, 1, 1], [], []>, transpose_lhs_hint = false} : vector<1x16xf32>, vector<16x272xf32>, vector<1x272xf32> -> vector<1x272xf32>
      %get3A_741 = arith.index_cast %squeeze3A_735 : i32 to index
      %get3A_742 = arith.constant 0 : index
      %get3A_743 = vector.load %arg4[%get3A_741, %get3A_742] : memref<10000x272xf32, #tpu.memory_space<vmem>>, vector<1x272xf32>
      %get3A_744 = arith.index_cast %squeeze3A_737 : i32 to index
      %get3A_745 = arith.constant 0 : index
      %get3A_746 = vector.load %arg6[%get3A_744, %get3A_745] : memref<10000x272xf32, #tpu.memory_space<vmem>>, vector<1x272xf32>
      %mul3A_747 = arith.mulf %get3A_743, %dot_general3A_740 : vector<1x272xf32>
      %add3A_748 = arith.addf %get3A_746, %mul3A_747 : vector<1x272xf32>
      %swap3A_749 = arith.index_cast %squeeze3A_737 : i32 to index
      %swap3A_750 = arith.constant 0 : index
      %swap3A_751 = vector.load %arg6[%swap3A_749, %swap3A_750] : memref<10000x272xf32, #tpu.memory_space<vmem>>, vector<1x272xf32>
      tpu.vector_store %arg6[%swap3A_749, %swap3A_750], %add3A_748 {strides = array<i32>} : memref<10000x272xf32, #tpu.memory_space<vmem>>, vector<1x272xf32>,
      %slice3A_752 = vector.extract_strided_slice %get3A_12 {offsets = [0, 41], sizes = [1, 1], strides = [1, 1]} : vector<1x128xi32> to vector<1x1xi32>
      %squeeze3A_753 = vector.extract %slice3A_752[0, 0] : i32 from vector<1x1xi32>
      %slice3A_754 = vector.extract_strided_slice %get3A_15 {offsets = [0, 41], sizes = [1, 1], strides = [1, 1]} : vector<1x128xi32> to vector<1x1xi32>
      %squeeze3A_755 = vector.extract %slice3A_754[0, 0] : i32 from vector<1x1xi32>
      %slice3A_756 = vector.extract_strided_slice %get3A_18 {offsets = [0, 656], sizes = [1, 16], strides = [1, 1]} : vector<1x2048xf32> to vector<1x16xf32>
      %dot_general3A_757 = arith.constant dense<0.000000e+00> : vector<1x272xf32>
      %dot_general3A_758 = tpu.matmul %slice3A_756, %get3A_4, %dot_general3A_757 {dimension_numbers = #tpu.dot_dimension_numbers<[1], [0], [0], [1], [0, 0, 1, 1], [], []>, transpose_lhs_hint = false} : vector<1x16xf32>, vector<16x272xf32>, vector<1x272xf32> -> vector<1x272xf32>
      %get3A_759 = arith.index_cast %squeeze3A_753 : i32 to index
      %get3A_760 = arith.constant 0 : index
      %get3A_761 = vector.load %arg4[%get3A_759, %get3A_760] : memref<10000x272xf32, #tpu.memory_space<vmem>>, vector<1x272xf32>
      %get3A_762 = arith.index_cast %squeeze3A_755 : i32 to index
      %get3A_763 = arith.constant 0 : index
      %get3A_764 = vector.load %arg6[%get3A_762, %get3A_763] : memref<10000x272xf32, #tpu.memory_space<vmem>>, vector<1x272xf32>
      %mul3A_765 = arith.mulf %get3A_761, %dot_general3A_758 : vector<1x272xf32>
      %add3A_766 = arith.addf %get3A_764, %mul3A_765 : vector<1x272xf32>
      %swap3A_767 = arith.index_cast %squeeze3A_755 : i32 to index
      %swap3A_768 = arith.constant 0 : index
      %swap3A_769 = vector.load %arg6[%swap3A_767, %swap3A_768] : memref<10000x272xf32, #tpu.memory_space<vmem>>, vector<1x272xf32>
      tpu.vector_store %arg6[%swap3A_767, %swap3A_768], %add3A_766 {strides = array<i32>} : memref<10000x272xf32, #tpu.memory_space<vmem>>, vector<1x272xf32>,
      %slice3A_770 = vector.extract_strided_slice %get3A_12 {offsets = [0, 42], sizes = [1, 1], strides = [1, 1]} : vector<1x128xi32> to vector<1x1xi32>
      %squeeze3A_771 = vector.extract %slice3A_770[0, 0] : i32 from vector<1x1xi32>
      %slice3A_772 = vector.extract_strided_slice %get3A_15 {offsets = [0, 42], sizes = [1, 1], strides = [1, 1]} : vector<1x128xi32> to vector<1x1xi32>
      %squeeze3A_773 = vector.extract %slice3A_772[0, 0] : i32 from vector<1x1xi32>
      %slice3A_774 = vector.extract_strided_slice %get3A_18 {offsets = [0, 672], sizes = [1, 16], strides = [1, 1]} : vector<1x2048xf32> to vector<1x16xf32>
      %dot_general3A_775 = arith.constant dense<0.000000e+00> : vector<1x272xf32>
      %dot_general3A_776 = tpu.matmul %slice3A_774, %get3A_4, %dot_general3A_775 {dimension_numbers = #tpu.dot_dimension_numbers<[1], [0], [0], [1], [0, 0, 1, 1], [], []>, transpose_lhs_hint = false} : vector<1x16xf32>, vector<16x272xf32>, vector<1x272xf32> -> vector<1x272xf32>
      %get3A_777 = arith.index_cast %squeeze3A_771 : i32 to index
      %get3A_778 = arith.constant 0 : index
      %get3A_779 = vector.load %arg4[%get3A_777, %get3A_778] : memref<10000x272xf32, #tpu.memory_space<vmem>>, vector<1x272xf32>
      %get3A_780 = arith.index_cast %squeeze3A_773 : i32 to index
      %get3A_781 = arith.constant 0 : index
      %get3A_782 = vector.load %arg6[%get3A_780, %get3A_781] : memref<10000x272xf32, #tpu.memory_space<vmem>>, vector<1x272xf32>
      %mul3A_783 = arith.mulf %get3A_779, %dot_general3A_776 : vector<1x272xf32>
      %add3A_784 = arith.addf %get3A_782, %mul3A_783 : vector<1x272xf32>
      %swap3A_785 = arith.index_cast %squeeze3A_773 : i32 to index
      %swap3A_786 = arith.constant 0 : index
      %swap3A_787 = vector.load %arg6[%swap3A_785, %swap3A_786] : memref<10000x272xf32, #tpu.memory_space<vmem>>, vector<1x272xf32>
      tpu.vector_store %arg6[%swap3A_785, %swap3A_786], %add3A_784 {strides = array<i32>} : memref<10000x272xf32, #tpu.memory_space<vmem>>, vector<1x272xf32>,
      %slice3A_788 = vector.extract_strided_slice %get3A_12 {offsets = [0, 43], sizes = [1, 1], strides = [1, 1]} : vector<1x128xi32> to vector<1x1xi32>
      %squeeze3A_789 = vector.extract %slice3A_788[0, 0] : i32 from vector<1x1xi32>
      %slice3A_790 = vector.extract_strided_slice %get3A_15 {offsets = [0, 43], sizes = [1, 1], strides = [1, 1]} : vector<1x128xi32> to vector<1x1xi32>
      %squeeze3A_791 = vector.extract %slice3A_790[0, 0] : i32 from vector<1x1xi32>
      %slice3A_792 = vector.extract_strided_slice %get3A_18 {offsets = [0, 688], sizes = [1, 16], strides = [1, 1]} : vector<1x2048xf32> to vector<1x16xf32>
      %dot_general3A_793 = arith.constant dense<0.000000e+00> : vector<1x272xf32>
      %dot_general3A_794 = tpu.matmul %slice3A_792, %get3A_4, %dot_general3A_793 {dimension_numbers = #tpu.dot_dimension_numbers<[1], [0], [0], [1], [0, 0, 1, 1], [], []>, transpose_lhs_hint = false} : vector<1x16xf32>, vector<16x272xf32>, vector<1x272xf32> -> vector<1x272xf32>
      %get3A_795 = arith.index_cast %squeeze3A_789 : i32 to index
      %get3A_796 = arith.constant 0 : index
      %get3A_797 = vector.load %arg4[%get3A_795, %get3A_796] : memref<10000x272xf32, #tpu.memory_space<vmem>>, vector<1x272xf32>
      %get3A_798 = arith.index_cast %squeeze3A_791 : i32 to index
      %get3A_799 = arith.constant 0 : index
      %get3A_800 = vector.load %arg6[%get3A_798, %get3A_799] : memref<10000x272xf32, #tpu.memory_space<vmem>>, vector<1x272xf32>
      %mul3A_801 = arith.mulf %get3A_797, %dot_general3A_794 : vector<1x272xf32>
      %add3A_802 = arith.addf %get3A_800, %mul3A_801 : vector<1x272xf32>
      %swap3A_803 = arith.index_cast %squeeze3A_791 : i32 to index
      %swap3A_804 = arith.constant 0 : index
      %swap3A_805 = vector.load %arg6[%swap3A_803, %swap3A_804] : memref<10000x272xf32, #tpu.memory_space<vmem>>, vector<1x272xf32>
      tpu.vector_store %arg6[%swap3A_803, %swap3A_804], %add3A_802 {strides = array<i32>} : memref<10000x272xf32, #tpu.memory_space<vmem>>, vector<1x272xf32>,
      %slice3A_806 = vector.extract_strided_slice %get3A_12 {offsets = [0, 44], sizes = [1, 1], strides = [1, 1]} : vector<1x128xi32> to vector<1x1xi32>
      %squeeze3A_807 = vector.extract %slice3A_806[0, 0] : i32 from vector<1x1xi32>
      %slice3A_808 = vector.extract_strided_slice %get3A_15 {offsets = [0, 44], sizes = [1, 1], strides = [1, 1]} : vector<1x128xi32> to vector<1x1xi32>
      %squeeze3A_809 = vector.extract %slice3A_808[0, 0] : i32 from vector<1x1xi32>
      %slice3A_810 = vector.extract_strided_slice %get3A_18 {offsets = [0, 704], sizes = [1, 16], strides = [1, 1]} : vector<1x2048xf32> to vector<1x16xf32>
      %dot_general3A_811 = arith.constant dense<0.000000e+00> : vector<1x272xf32>
      %dot_general3A_812 = tpu.matmul %slice3A_810, %get3A_4, %dot_general3A_811 {dimension_numbers = #tpu.dot_dimension_numbers<[1], [0], [0], [1], [0, 0, 1, 1], [], []>, transpose_lhs_hint = false} : vector<1x16xf32>, vector<16x272xf32>, vector<1x272xf32> -> vector<1x272xf32>
      %get3A_813 = arith.index_cast %squeeze3A_807 : i32 to index
      %get3A_814 = arith.constant 0 : index
      %get3A_815 = vector.load %arg4[%get3A_813, %get3A_814] : memref<10000x272xf32, #tpu.memory_space<vmem>>, vector<1x272xf32>
      %get3A_816 = arith.index_cast %squeeze3A_809 : i32 to index
      %get3A_817 = arith.constant 0 : index
      %get3A_818 = vector.load %arg6[%get3A_816, %get3A_817] : memref<10000x272xf32, #tpu.memory_space<vmem>>, vector<1x272xf32>
      %mul3A_819 = arith.mulf %get3A_815, %dot_general3A_812 : vector<1x272xf32>
      %add3A_820 = arith.addf %get3A_818, %mul3A_819 : vector<1x272xf32>
      %swap3A_821 = arith.index_cast %squeeze3A_809 : i32 to index
      %swap3A_822 = arith.constant 0 : index
      %swap3A_823 = vector.load %arg6[%swap3A_821, %swap3A_822] : memref<10000x272xf32, #tpu.memory_space<vmem>>, vector<1x272xf32>
      tpu.vector_store %arg6[%swap3A_821, %swap3A_822], %add3A_820 {strides = array<i32>} : memref<10000x272xf32, #tpu.memory_space<vmem>>, vector<1x272xf32>,
      %slice3A_824 = vector.extract_strided_slice %get3A_12 {offsets = [0, 45], sizes = [1, 1], strides = [1, 1]} : vector<1x128xi32> to vector<1x1xi32>
      %squeeze3A_825 = vector.extract %slice3A_824[0, 0] : i32 from vector<1x1xi32>
      %slice3A_826 = vector.extract_strided_slice %get3A_15 {offsets = [0, 45], sizes = [1, 1], strides = [1, 1]} : vector<1x128xi32> to vector<1x1xi32>
      %squeeze3A_827 = vector.extract %slice3A_826[0, 0] : i32 from vector<1x1xi32>
      %slice3A_828 = vector.extract_strided_slice %get3A_18 {offsets = [0, 720], sizes = [1, 16], strides = [1, 1]} : vector<1x2048xf32> to vector<1x16xf32>
      %dot_general3A_829 = arith.constant dense<0.000000e+00> : vector<1x272xf32>
      %dot_general3A_830 = tpu.matmul %slice3A_828, %get3A_4, %dot_general3A_829 {dimension_numbers = #tpu.dot_dimension_numbers<[1], [0], [0], [1], [0, 0, 1, 1], [], []>, transpose_lhs_hint = false} : vector<1x16xf32>, vector<16x272xf32>, vector<1x272xf32> -> vector<1x272xf32>
      %get3A_831 = arith.index_cast %squeeze3A_825 : i32 to index
      %get3A_832 = arith.constant 0 : index
      %get3A_833 = vector.load %arg4[%get3A_831, %get3A_832] : memref<10000x272xf32, #tpu.memory_space<vmem>>, vector<1x272xf32>
      %get3A_834 = arith.index_cast %squeeze3A_827 : i32 to index
      %get3A_835 = arith.constant 0 : index
      %get3A_836 = vector.load %arg6[%get3A_834, %get3A_835] : memref<10000x272xf32, #tpu.memory_space<vmem>>, vector<1x272xf32>
      %mul3A_837 = arith.mulf %get3A_833, %dot_general3A_830 : vector<1x272xf32>
      %add3A_838 = arith.addf %get3A_836, %mul3A_837 : vector<1x272xf32>
      %swap3A_839 = arith.index_cast %squeeze3A_827 : i32 to index
      %swap3A_840 = arith.constant 0 : index
      %swap3A_841 = vector.load %arg6[%swap3A_839, %swap3A_840] : memref<10000x272xf32, #tpu.memory_space<vmem>>, vector<1x272xf32>
      tpu.vector_store %arg6[%swap3A_839, %swap3A_840], %add3A_838 {strides = array<i32>} : memref<10000x272xf32, #tpu.memory_space<vmem>>, vector<1x272xf32>,
      %slice3A_842 = vector.extract_strided_slice %get3A_12 {offsets = [0, 46], sizes = [1, 1], strides = [1, 1]} : vector<1x128xi32> to vector<1x1xi32>
      %squeeze3A_843 = vector.extract %slice3A_842[0, 0] : i32 from vector<1x1xi32>
      %slice3A_844 = vector.extract_strided_slice %get3A_15 {offsets = [0, 46], sizes = [1, 1], strides = [1, 1]} : vector<1x128xi32> to vector<1x1xi32>
      %squeeze3A_845 = vector.extract %slice3A_844[0, 0] : i32 from vector<1x1xi32>
      %slice3A_846 = vector.extract_strided_slice %get3A_18 {offsets = [0, 736], sizes = [1, 16], strides = [1, 1]} : vector<1x2048xf32> to vector<1x16xf32>
      %dot_general3A_847 = arith.constant dense<0.000000e+00> : vector<1x272xf32>
      %dot_general3A_848 = tpu.matmul %slice3A_846, %get3A_4, %dot_general3A_847 {dimension_numbers = #tpu.dot_dimension_numbers<[1], [0], [0], [1], [0, 0, 1, 1], [], []>, transpose_lhs_hint = false} : vector<1x16xf32>, vector<16x272xf32>, vector<1x272xf32> -> vector<1x272xf32>
      %get3A_849 = arith.index_cast %squeeze3A_843 : i32 to index
      %get3A_850 = arith.constant 0 : index
      %get3A_851 = vector.load %arg4[%get3A_849, %get3A_850] : memref<10000x272xf32, #tpu.memory_space<vmem>>, vector<1x272xf32>
      %get3A_852 = arith.index_cast %squeeze3A_845 : i32 to index
      %get3A_853 = arith.constant 0 : index
      %get3A_854 = vector.load %arg6[%get3A_852, %get3A_853] : memref<10000x272xf32, #tpu.memory_space<vmem>>, vector<1x272xf32>
      %mul3A_855 = arith.mulf %get3A_851, %dot_general3A_848 : vector<1x272xf32>
      %add3A_856 = arith.addf %get3A_854, %mul3A_855 : vector<1x272xf32>
      %swap3A_857 = arith.index_cast %squeeze3A_845 : i32 to index
      %swap3A_858 = arith.constant 0 : index
      %swap3A_859 = vector.load %arg6[%swap3A_857, %swap3A_858] : memref<10000x272xf32, #tpu.memory_space<vmem>>, vector<1x272xf32>
      tpu.vector_store %arg6[%swap3A_857, %swap3A_858], %add3A_856 {strides = array<i32>} : memref<10000x272xf32, #tpu.memory_space<vmem>>, vector<1x272xf32>,
      %slice3A_860 = vector.extract_strided_slice %get3A_12 {offsets = [0, 47], sizes = [1, 1], strides = [1, 1]} : vector<1x128xi32> to vector<1x1xi32>
      %squeeze3A_861 = vector.extract %slice3A_860[0, 0] : i32 from vector<1x1xi32>
      %slice3A_862 = vector.extract_strided_slice %get3A_15 {offsets = [0, 47], sizes = [1, 1], strides = [1, 1]} : vector<1x128xi32> to vector<1x1xi32>
      %squeeze3A_863 = vector.extract %slice3A_862[0, 0] : i32 from vector<1x1xi32>
      %slice3A_864 = vector.extract_strided_slice %get3A_18 {offsets = [0, 752], sizes = [1, 16], strides = [1, 1]} : vector<1x2048xf32> to vector<1x16xf32>
      %dot_general3A_865 = arith.constant dense<0.000000e+00> : vector<1x272xf32>
      %dot_general3A_866 = tpu.matmul %slice3A_864, %get3A_4, %dot_general3A_865 {dimension_numbers = #tpu.dot_dimension_numbers<[1], [0], [0], [1], [0, 0, 1, 1], [], []>, transpose_lhs_hint = false} : vector<1x16xf32>, vector<16x272xf32>, vector<1x272xf32> -> vector<1x272xf32>
      %get3A_867 = arith.index_cast %squeeze3A_861 : i32 to index
      %get3A_868 = arith.constant 0 : index
      %get3A_869 = vector.load %arg4[%get3A_867, %get3A_868] : memref<10000x272xf32, #tpu.memory_space<vmem>>, vector<1x272xf32>
      %get3A_870 = arith.index_cast %squeeze3A_863 : i32 to index
      %get3A_871 = arith.constant 0 : index
      %get3A_872 = vector.load %arg6[%get3A_870, %get3A_871] : memref<10000x272xf32, #tpu.memory_space<vmem>>, vector<1x272xf32>
      %mul3A_873 = arith.mulf %get3A_869, %dot_general3A_866 : vector<1x272xf32>
      %add3A_874 = arith.addf %get3A_872, %mul3A_873 : vector<1x272xf32>
      %swap3A_875 = arith.index_cast %squeeze3A_863 : i32 to index
      %swap3A_876 = arith.constant 0 : index
      %swap3A_877 = vector.load %arg6[%swap3A_875, %swap3A_876] : memref<10000x272xf32, #tpu.memory_space<vmem>>, vector<1x272xf32>
      tpu.vector_store %arg6[%swap3A_875, %swap3A_876], %add3A_874 {strides = array<i32>} : memref<10000x272xf32, #tpu.memory_space<vmem>>, vector<1x272xf32>,
      %slice3A_878 = vector.extract_strided_slice %get3A_12 {offsets = [0, 48], sizes = [1, 1], strides = [1, 1]} : vector<1x128xi32> to vector<1x1xi32>
      %squeeze3A_879 = vector.extract %slice3A_878[0, 0] : i32 from vector<1x1xi32>
      %slice3A_880 = vector.extract_strided_slice %get3A_15 {offsets = [0, 48], sizes = [1, 1], strides = [1, 1]} : vector<1x128xi32> to vector<1x1xi32>
      %squeeze3A_881 = vector.extract %slice3A_880[0, 0] : i32 from vector<1x1xi32>
      %slice3A_882 = vector.extract_strided_slice %get3A_18 {offsets = [0, 768], sizes = [1, 16], strides = [1, 1]} : vector<1x2048xf32> to vector<1x16xf32>
      %dot_general3A_883 = arith.constant dense<0.000000e+00> : vector<1x272xf32>
      %dot_general3A_884 = tpu.matmul %slice3A_882, %get3A_4, %dot_general3A_883 {dimension_numbers = #tpu.dot_dimension_numbers<[1], [0], [0], [1], [0, 0, 1, 1], [], []>, transpose_lhs_hint = false} : vector<1x16xf32>, vector<16x272xf32>, vector<1x272xf32> -> vector<1x272xf32>
      %get3A_885 = arith.index_cast %squeeze3A_879 : i32 to index
      %get3A_886 = arith.constant 0 : index
      %get3A_887 = vector.load %arg4[%get3A_885, %get3A_886] : memref<10000x272xf32, #tpu.memory_space<vmem>>, vector<1x272xf32>
      %get3A_888 = arith.index_cast %squeeze3A_881 : i32 to index
      %get3A_889 = arith.constant 0 : index
      %get3A_890 = vector.load %arg6[%get3A_888, %get3A_889] : memref<10000x272xf32, #tpu.memory_space<vmem>>, vector<1x272xf32>
      %mul3A_891 = arith.mulf %get3A_887, %dot_general3A_884 : vector<1x272xf32>
      %add3A_892 = arith.addf %get3A_890, %mul3A_891 : vector<1x272xf32>
      %swap3A_893 = arith.index_cast %squeeze3A_881 : i32 to index
      %swap3A_894 = arith.constant 0 : index
      %swap3A_895 = vector.load %arg6[%swap3A_893, %swap3A_894] : memref<10000x272xf32, #tpu.memory_space<vmem>>, vector<1x272xf32>
      tpu.vector_store %arg6[%swap3A_893, %swap3A_894], %add3A_892 {strides = array<i32>} : memref<10000x272xf32, #tpu.memory_space<vmem>>, vector<1x272xf32>,
      %slice3A_896 = vector.extract_strided_slice %get3A_12 {offsets = [0, 49], sizes = [1, 1], strides = [1, 1]} : vector<1x128xi32> to vector<1x1xi32>
      %squeeze3A_897 = vector.extract %slice3A_896[0, 0] : i32 from vector<1x1xi32>
      %slice3A_898 = vector.extract_strided_slice %get3A_15 {offsets = [0, 49], sizes = [1, 1], strides = [1, 1]} : vector<1x128xi32> to vector<1x1xi32>
      %squeeze3A_899 = vector.extract %slice3A_898[0, 0] : i32 from vector<1x1xi32>
      %slice3A_900 = vector.extract_strided_slice %get3A_18 {offsets = [0, 784], sizes = [1, 16], strides = [1, 1]} : vector<1x2048xf32> to vector<1x16xf32>
      %dot_general3A_901 = arith.constant dense<0.000000e+00> : vector<1x272xf32>
      %dot_general3A_902 = tpu.matmul %slice3A_900, %get3A_4, %dot_general3A_901 {dimension_numbers = #tpu.dot_dimension_numbers<[1], [0], [0], [1], [0, 0, 1, 1], [], []>, transpose_lhs_hint = false} : vector<1x16xf32>, vector<16x272xf32>, vector<1x272xf32> -> vector<1x272xf32>
      %get3A_903 = arith.index_cast %squeeze3A_897 : i32 to index
      %get3A_904 = arith.constant 0 : index
      %get3A_905 = vector.load %arg4[%get3A_903, %get3A_904] : memref<10000x272xf32, #tpu.memory_space<vmem>>, vector<1x272xf32>
      %get3A_906 = arith.index_cast %squeeze3A_899 : i32 to index
      %get3A_907 = arith.constant 0 : index
      %get3A_908 = vector.load %arg6[%get3A_906, %get3A_907] : memref<10000x272xf32, #tpu.memory_space<vmem>>, vector<1x272xf32>
      %mul3A_909 = arith.mulf %get3A_905, %dot_general3A_902 : vector<1x272xf32>
      %add3A_910 = arith.addf %get3A_908, %mul3A_909 : vector<1x272xf32>
      %swap3A_911 = arith.index_cast %squeeze3A_899 : i32 to index
      %swap3A_912 = arith.constant 0 : index
      %swap3A_913 = vector.load %arg6[%swap3A_911, %swap3A_912] : memref<10000x272xf32, #tpu.memory_space<vmem>>, vector<1x272xf32>
      tpu.vector_store %arg6[%swap3A_911, %swap3A_912], %add3A_910 {strides = array<i32>} : memref<10000x272xf32, #tpu.memory_space<vmem>>, vector<1x272xf32>,
      %slice3A_914 = vector.extract_strided_slice %get3A_12 {offsets = [0, 50], sizes = [1, 1], strides = [1, 1]} : vector<1x128xi32> to vector<1x1xi32>
      %squeeze3A_915 = vector.extract %slice3A_914[0, 0] : i32 from vector<1x1xi32>
      %slice3A_916 = vector.extract_strided_slice %get3A_15 {offsets = [0, 50], sizes = [1, 1], strides = [1, 1]} : vector<1x128xi32> to vector<1x1xi32>
      %squeeze3A_917 = vector.extract %slice3A_916[0, 0] : i32 from vector<1x1xi32>
      %slice3A_918 = vector.extract_strided_slice %get3A_18 {offsets = [0, 800], sizes = [1, 16], strides = [1, 1]} : vector<1x2048xf32> to vector<1x16xf32>
      %dot_general3A_919 = arith.constant dense<0.000000e+00> : vector<1x272xf32>
      %dot_general3A_920 = tpu.matmul %slice3A_918, %get3A_4, %dot_general3A_919 {dimension_numbers = #tpu.dot_dimension_numbers<[1], [0], [0], [1], [0, 0, 1, 1], [], []>, transpose_lhs_hint = false} : vector<1x16xf32>, vector<16x272xf32>, vector<1x272xf32> -> vector<1x272xf32>
      %get3A_921 = arith.index_cast %squeeze3A_915 : i32 to index
      %get3A_922 = arith.constant 0 : index
      %get3A_923 = vector.load %arg4[%get3A_921, %get3A_922] : memref<10000x272xf32, #tpu.memory_space<vmem>>, vector<1x272xf32>
      %get3A_924 = arith.index_cast %squeeze3A_917 : i32 to index
      %get3A_925 = arith.constant 0 : index
      %get3A_926 = vector.load %arg6[%get3A_924, %get3A_925] : memref<10000x272xf32, #tpu.memory_space<vmem>>, vector<1x272xf32>
      %mul3A_927 = arith.mulf %get3A_923, %dot_general3A_920 : vector<1x272xf32>
      %add3A_928 = arith.addf %get3A_926, %mul3A_927 : vector<1x272xf32>
      %swap3A_929 = arith.index_cast %squeeze3A_917 : i32 to index
      %swap3A_930 = arith.constant 0 : index
      %swap3A_931 = vector.load %arg6[%swap3A_929, %swap3A_930] : memref<10000x272xf32, #tpu.memory_space<vmem>>, vector<1x272xf32>
      tpu.vector_store %arg6[%swap3A_929, %swap3A_930], %add3A_928 {strides = array<i32>} : memref<10000x272xf32, #tpu.memory_space<vmem>>, vector<1x272xf32>,
      %slice3A_932 = vector.extract_strided_slice %get3A_12 {offsets = [0, 51], sizes = [1, 1], strides = [1, 1]} : vector<1x128xi32> to vector<1x1xi32>
      %squeeze3A_933 = vector.extract %slice3A_932[0, 0] : i32 from vector<1x1xi32>
      %slice3A_934 = vector.extract_strided_slice %get3A_15 {offsets = [0, 51], sizes = [1, 1], strides = [1, 1]} : vector<1x128xi32> to vector<1x1xi32>
      %squeeze3A_935 = vector.extract %slice3A_934[0, 0] : i32 from vector<1x1xi32>
      %slice3A_936 = vector.extract_strided_slice %get3A_18 {offsets = [0, 816], sizes = [1, 16], strides = [1, 1]} : vector<1x2048xf32> to vector<1x16xf32>
      %dot_general3A_937 = arith.constant dense<0.000000e+00> : vector<1x272xf32>
      %dot_general3A_938 = tpu.matmul %slice3A_936, %get3A_4, %dot_general3A_937 {dimension_numbers = #tpu.dot_dimension_numbers<[1], [0], [0], [1], [0, 0, 1, 1], [], []>, transpose_lhs_hint = false} : vector<1x16xf32>, vector<16x272xf32>, vector<1x272xf32> -> vector<1x272xf32>
      %get3A_939 = arith.index_cast %squeeze3A_933 : i32 to index
      %get3A_940 = arith.constant 0 : index
      %get3A_941 = vector.load %arg4[%get3A_939, %get3A_940] : memref<10000x272xf32, #tpu.memory_space<vmem>>, vector<1x272xf32>
      %get3A_942 = arith.index_cast %squeeze3A_935 : i32 to index
      %get3A_943 = arith.constant 0 : index
      %get3A_944 = vector.load %arg6[%get3A_942, %get3A_943] : memref<10000x272xf32, #tpu.memory_space<vmem>>, vector<1x272xf32>
      %mul3A_945 = arith.mulf %get3A_941, %dot_general3A_938 : vector<1x272xf32>
      %add3A_946 = arith.addf %get3A_944, %mul3A_945 : vector<1x272xf32>
      %swap3A_947 = arith.index_cast %squeeze3A_935 : i32 to index
      %swap3A_948 = arith.constant 0 : index
      %swap3A_949 = vector.load %arg6[%swap3A_947, %swap3A_948] : memref<10000x272xf32, #tpu.memory_space<vmem>>, vector<1x272xf32>
      tpu.vector_store %arg6[%swap3A_947, %swap3A_948], %add3A_946 {strides = array<i32>} : memref<10000x272xf32, #tpu.memory_space<vmem>>, vector<1x272xf32>,
      %slice3A_950 = vector.extract_strided_slice %get3A_12 {offsets = [0, 52], sizes = [1, 1], strides = [1, 1]} : vector<1x128xi32> to vector<1x1xi32>
      %squeeze3A_951 = vector.extract %slice3A_950[0, 0] : i32 from vector<1x1xi32>
      %slice3A_952 = vector.extract_strided_slice %get3A_15 {offsets = [0, 52], sizes = [1, 1], strides = [1, 1]} : vector<1x128xi32> to vector<1x1xi32>
      %squeeze3A_953 = vector.extract %slice3A_952[0, 0] : i32 from vector<1x1xi32>
      %slice3A_954 = vector.extract_strided_slice %get3A_18 {offsets = [0, 832], sizes = [1, 16], strides = [1, 1]} : vector<1x2048xf32> to vector<1x16xf32>
      %dot_general3A_955 = arith.constant dense<0.000000e+00> : vector<1x272xf32>
      %dot_general3A_956 = tpu.matmul %slice3A_954, %get3A_4, %dot_general3A_955 {dimension_numbers = #tpu.dot_dimension_numbers<[1], [0], [0], [1], [0, 0, 1, 1], [], []>, transpose_lhs_hint = false} : vector<1x16xf32>, vector<16x272xf32>, vector<1x272xf32> -> vector<1x272xf32>
      %get3A_957 = arith.index_cast %squeeze3A_951 : i32 to index
      %get3A_958 = arith.constant 0 : index
      %get3A_959 = vector.load %arg4[%get3A_957, %get3A_958] : memref<10000x272xf32, #tpu.memory_space<vmem>>, vector<1x272xf32>
      %get3A_960 = arith.index_cast %squeeze3A_953 : i32 to index
      %get3A_961 = arith.constant 0 : index
      %get3A_962 = vector.load %arg6[%get3A_960, %get3A_961] : memref<10000x272xf32, #tpu.memory_space<vmem>>, vector<1x272xf32>
      %mul3A_963 = arith.mulf %get3A_959, %dot_general3A_956 : vector<1x272xf32>
      %add3A_964 = arith.addf %get3A_962, %mul3A_963 : vector<1x272xf32>
      %swap3A_965 = arith.index_cast %squeeze3A_953 : i32 to index
      %swap3A_966 = arith.constant 0 : index
      %swap3A_967 = vector.load %arg6[%swap3A_965, %swap3A_966] : memref<10000x272xf32, #tpu.memory_space<vmem>>, vector<1x272xf32>
      tpu.vector_store %arg6[%swap3A_965, %swap3A_966], %add3A_964 {strides = array<i32>} : memref<10000x272xf32, #tpu.memory_space<vmem>>, vector<1x272xf32>,
      %slice3A_968 = vector.extract_strided_slice %get3A_12 {offsets = [0, 53], sizes = [1, 1], strides = [1, 1]} : vector<1x128xi32> to vector<1x1xi32>
      %squeeze3A_969 = vector.extract %slice3A_968[0, 0] : i32 from vector<1x1xi32>
      %slice3A_970 = vector.extract_strided_slice %get3A_15 {offsets = [0, 53], sizes = [1, 1], strides = [1, 1]} : vector<1x128xi32> to vector<1x1xi32>
      %squeeze3A_971 = vector.extract %slice3A_970[0, 0] : i32 from vector<1x1xi32>
      %slice3A_972 = vector.extract_strided_slice %get3A_18 {offsets = [0, 848], sizes = [1, 16], strides = [1, 1]} : vector<1x2048xf32> to vector<1x16xf32>
      %dot_general3A_973 = arith.constant dense<0.000000e+00> : vector<1x272xf32>
      %dot_general3A_974 = tpu.matmul %slice3A_972, %get3A_4, %dot_general3A_973 {dimension_numbers = #tpu.dot_dimension_numbers<[1], [0], [0], [1], [0, 0, 1, 1], [], []>, transpose_lhs_hint = false} : vector<1x16xf32>, vector<16x272xf32>, vector<1x272xf32> -> vector<1x272xf32>
      %get3A_975 = arith.index_cast %squeeze3A_969 : i32 to index
      %get3A_976 = arith.constant 0 : index
      %get3A_977 = vector.load %arg4[%get3A_975, %get3A_976] : memref<10000x272xf32, #tpu.memory_space<vmem>>, vector<1x272xf32>
      %get3A_978 = arith.index_cast %squeeze3A_971 : i32 to index
      %get3A_979 = arith.constant 0 : index
      %get3A_980 = vector.load %arg6[%get3A_978, %get3A_979] : memref<10000x272xf32, #tpu.memory_space<vmem>>, vector<1x272xf32>
      %mul3A_981 = arith.mulf %get3A_977, %dot_general3A_974 : vector<1x272xf32>
      %add3A_982 = arith.addf %get3A_980, %mul3A_981 : vector<1x272xf32>
      %swap3A_983 = arith.index_cast %squeeze3A_971 : i32 to index
      %swap3A_984 = arith.constant 0 : index
      %swap3A_985 = vector.load %arg6[%swap3A_983, %swap3A_984] : memref<10000x272xf32, #tpu.memory_space<vmem>>, vector<1x272xf32>
      tpu.vector_store %arg6[%swap3A_983, %swap3A_984], %add3A_982 {strides = array<i32>} : memref<10000x272xf32, #tpu.memory_space<vmem>>, vector<1x272xf32>,
      %slice3A_986 = vector.extract_strided_slice %get3A_12 {offsets = [0, 54], sizes = [1, 1], strides = [1, 1]} : vector<1x128xi32> to vector<1x1xi32>
      %squeeze3A_987 = vector.extract %slice3A_986[0, 0] : i32 from vector<1x1xi32>
      %slice3A_988 = vector.extract_strided_slice %get3A_15 {offsets = [0, 54], sizes = [1, 1], strides = [1, 1]} : vector<1x128xi32> to vector<1x1xi32>
      %squeeze3A_989 = vector.extract %slice3A_988[0, 0] : i32 from vector<1x1xi32>
      %slice3A_990 = vector.extract_strided_slice %get3A_18 {offsets = [0, 864], sizes = [1, 16], strides = [1, 1]} : vector<1x2048xf32> to vector<1x16xf32>
      %dot_general3A_991 = arith.constant dense<0.000000e+00> : vector<1x272xf32>
      %dot_general3A_992 = tpu.matmul %slice3A_990, %get3A_4, %dot_general3A_991 {dimension_numbers = #tpu.dot_dimension_numbers<[1], [0], [0], [1], [0, 0, 1, 1], [], []>, transpose_lhs_hint = false} : vector<1x16xf32>, vector<16x272xf32>, vector<1x272xf32> -> vector<1x272xf32>
      %get3A_993 = arith.index_cast %squeeze3A_987 : i32 to index
      %get3A_994 = arith.constant 0 : index
      %get3A_995 = vector.load %arg4[%get3A_993, %get3A_994] : memref<10000x272xf32, #tpu.memory_space<vmem>>, vector<1x272xf32>
      %get3A_996 = arith.index_cast %squeeze3A_989 : i32 to index
      %get3A_997 = arith.constant 0 : index
      %get3A_998 = vector.load %arg6[%get3A_996, %get3A_997] : memref<10000x272xf32, #tpu.memory_space<vmem>>, vector<1x272xf32>
      %mul3A_999 = arith.mulf %get3A_995, %dot_general3A_992 : vector<1x272xf32>
      %add3A_1000 = arith.addf %get3A_998, %mul3A_999 : vector<1x272xf32>
      %swap3A_1001 = arith.index_cast %squeeze3A_989 : i32 to index
      %swap3A_1002 = arith.constant 0 : index
      %swap3A_1003 = vector.load %arg6[%swap3A_1001, %swap3A_1002] : memref<10000x272xf32, #tpu.memory_space<vmem>>, vector<1x272xf32>
      tpu.vector_store %arg6[%swap3A_1001, %swap3A_1002], %add3A_1000 {strides = array<i32>} : memref<10000x272xf32, #tpu.memory_space<vmem>>, vector<1x272xf32>,
      %slice3A_1004 = vector.extract_strided_slice %get3A_12 {offsets = [0, 55], sizes = [1, 1], strides = [1, 1]} : vector<1x128xi32> to vector<1x1xi32>
      %squeeze3A_1005 = vector.extract %slice3A_1004[0, 0] : i32 from vector<1x1xi32>
      %slice3A_1006 = vector.extract_strided_slice %get3A_15 {offsets = [0, 55], sizes = [1, 1], strides = [1, 1]} : vector<1x128xi32> to vector<1x1xi32>
      %squeeze3A_1007 = vector.extract %slice3A_1006[0, 0] : i32 from vector<1x1xi32>
      %slice3A_1008 = vector.extract_strided_slice %get3A_18 {offsets = [0, 880], sizes = [1, 16], strides = [1, 1]} : vector<1x2048xf32> to vector<1x16xf32>
      %dot_general3A_1009 = arith.constant dense<0.000000e+00> : vector<1x272xf32>
      %dot_general3A_1010 = tpu.matmul %slice3A_1008, %get3A_4, %dot_general3A_1009 {dimension_numbers = #tpu.dot_dimension_numbers<[1], [0], [0], [1], [0, 0, 1, 1], [], []>, transpose_lhs_hint = false} : vector<1x16xf32>, vector<16x272xf32>, vector<1x272xf32> -> vector<1x272xf32>
      %get3A_1011 = arith.index_cast %squeeze3A_1005 : i32 to index
      %get3A_1012 = arith.constant 0 : index
      %get3A_1013 = vector.load %arg4[%get3A_1011, %get3A_1012] : memref<10000x272xf32, #tpu.memory_space<vmem>>, vector<1x272xf32>
      %get3A_1014 = arith.index_cast %squeeze3A_1007 : i32 to index
      %get3A_1015 = arith.constant 0 : index
      %get3A_1016 = vector.load %arg6[%get3A_1014, %get3A_1015] : memref<10000x272xf32, #tpu.memory_space<vmem>>, vector<1x272xf32>
      %mul3A_1017 = arith.mulf %get3A_1013, %dot_general3A_1010 : vector<1x272xf32>
      %add3A_1018 = arith.addf %get3A_1016, %mul3A_1017 : vector<1x272xf32>
      %swap3A_1019 = arith.index_cast %squeeze3A_1007 : i32 to index
      %swap3A_1020 = arith.constant 0 : index
      %swap3A_1021 = vector.load %arg6[%swap3A_1019, %swap3A_1020] : memref<10000x272xf32, #tpu.memory_space<vmem>>, vector<1x272xf32>
      tpu.vector_store %arg6[%swap3A_1019, %swap3A_1020], %add3A_1018 {strides = array<i32>} : memref<10000x272xf32, #tpu.memory_space<vmem>>, vector<1x272xf32>,
      %slice3A_1022 = vector.extract_strided_slice %get3A_12 {offsets = [0, 56], sizes = [1, 1], strides = [1, 1]} : vector<1x128xi32> to vector<1x1xi32>
      %squeeze3A_1023 = vector.extract %slice3A_1022[0, 0] : i32 from vector<1x1xi32>
      %slice3A_1024 = vector.extract_strided_slice %get3A_15 {offsets = [0, 56], sizes = [1, 1], strides = [1, 1]} : vector<1x128xi32> to vector<1x1xi32>
      %squeeze3A_1025 = vector.extract %slice3A_1024[0, 0] : i32 from vector<1x1xi32>
      %slice3A_1026 = vector.extract_strided_slice %get3A_18 {offsets = [0, 896], sizes = [1, 16], strides = [1, 1]} : vector<1x2048xf32> to vector<1x16xf32>
      %dot_general3A_1027 = arith.constant dense<0.000000e+00> : vector<1x272xf32>
      %dot_general3A_1028 = tpu.matmul %slice3A_1026, %get3A_4, %dot_general3A_1027 {dimension_numbers = #tpu.dot_dimension_numbers<[1], [0], [0], [1], [0, 0, 1, 1], [], []>, transpose_lhs_hint = false} : vector<1x16xf32>, vector<16x272xf32>, vector<1x272xf32> -> vector<1x272xf32>
      %get3A_1029 = arith.index_cast %squeeze3A_1023 : i32 to index
      %get3A_1030 = arith.constant 0 : index
      %get3A_1031 = vector.load %arg4[%get3A_1029, %get3A_1030] : memref<10000x272xf32, #tpu.memory_space<vmem>>, vector<1x272xf32>
      %get3A_1032 = arith.index_cast %squeeze3A_1025 : i32 to index
      %get3A_1033 = arith.constant 0 : index
      %get3A_1034 = vector.load %arg6[%get3A_1032, %get3A_1033] : memref<10000x272xf32, #tpu.memory_space<vmem>>, vector<1x272xf32>
      %mul3A_1035 = arith.mulf %get3A_1031, %dot_general3A_1028 : vector<1x272xf32>
      %add3A_1036 = arith.addf %get3A_1034, %mul3A_1035 : vector<1x272xf32>
      %swap3A_1037 = arith.index_cast %squeeze3A_1025 : i32 to index
      %swap3A_1038 = arith.constant 0 : index
      %swap3A_1039 = vector.load %arg6[%swap3A_1037, %swap3A_1038] : memref<10000x272xf32, #tpu.memory_space<vmem>>, vector<1x272xf32>
      tpu.vector_store %arg6[%swap3A_1037, %swap3A_1038], %add3A_1036 {strides = array<i32>} : memref<10000x272xf32, #tpu.memory_space<vmem>>, vector<1x272xf32>,
      %slice3A_1040 = vector.extract_strided_slice %get3A_12 {offsets = [0, 57], sizes = [1, 1], strides = [1, 1]} : vector<1x128xi32> to vector<1x1xi32>
      %squeeze3A_1041 = vector.extract %slice3A_1040[0, 0] : i32 from vector<1x1xi32>
      %slice3A_1042 = vector.extract_strided_slice %get3A_15 {offsets = [0, 57], sizes = [1, 1], strides = [1, 1]} : vector<1x128xi32> to vector<1x1xi32>
      %squeeze3A_1043 = vector.extract %slice3A_1042[0, 0] : i32 from vector<1x1xi32>
      %slice3A_1044 = vector.extract_strided_slice %get3A_18 {offsets = [0, 912], sizes = [1, 16], strides = [1, 1]} : vector<1x2048xf32> to vector<1x16xf32>
      %dot_general3A_1045 = arith.constant dense<0.000000e+00> : vector<1x272xf32>
      %dot_general3A_1046 = tpu.matmul %slice3A_1044, %get3A_4, %dot_general3A_1045 {dimension_numbers = #tpu.dot_dimension_numbers<[1], [0], [0], [1], [0, 0, 1, 1], [], []>, transpose_lhs_hint = false} : vector<1x16xf32>, vector<16x272xf32>, vector<1x272xf32> -> vector<1x272xf32>
      %get3A_1047 = arith.index_cast %squeeze3A_1041 : i32 to index
      %get3A_1048 = arith.constant 0 : index
      %get3A_1049 = vector.load %arg4[%get3A_1047, %get3A_1048] : memref<10000x272xf32, #tpu.memory_space<vmem>>, vector<1x272xf32>
      %get3A_1050 = arith.index_cast %squeeze3A_1043 : i32 to index
      %get3A_1051 = arith.constant 0 : index
      %get3A_1052 = vector.load %arg6[%get3A_1050, %get3A_1051] : memref<10000x272xf32, #tpu.memory_space<vmem>>, vector<1x272xf32>
      %mul3A_1053 = arith.mulf %get3A_1049, %dot_general3A_1046 : vector<1x272xf32>
      %add3A_1054 = arith.addf %get3A_1052, %mul3A_1053 : vector<1x272xf32>
      %swap3A_1055 = arith.index_cast %squeeze3A_1043 : i32 to index
      %swap3A_1056 = arith.constant 0 : index
      %swap3A_1057 = vector.load %arg6[%swap3A_1055, %swap3A_1056] : memref<10000x272xf32, #tpu.memory_space<vmem>>, vector<1x272xf32>
      tpu.vector_store %arg6[%swap3A_1055, %swap3A_1056], %add3A_1054 {strides = array<i32>} : memref<10000x272xf32, #tpu.memory_space<vmem>>, vector<1x272xf32>,
      %slice3A_1058 = vector.extract_strided_slice %get3A_12 {offsets = [0, 58], sizes = [1, 1], strides = [1, 1]} : vector<1x128xi32> to vector<1x1xi32>
      %squeeze3A_1059 = vector.extract %slice3A_1058[0, 0] : i32 from vector<1x1xi32>
      %slice3A_1060 = vector.extract_strided_slice %get3A_15 {offsets = [0, 58], sizes = [1, 1], strides = [1, 1]} : vector<1x128xi32> to vector<1x1xi32>
      %squeeze3A_1061 = vector.extract %slice3A_1060[0, 0] : i32 from vector<1x1xi32>
      %slice3A_1062 = vector.extract_strided_slice %get3A_18 {offsets = [0, 928], sizes = [1, 16], strides = [1, 1]} : vector<1x2048xf32> to vector<1x16xf32>
      %dot_general3A_1063 = arith.constant dense<0.000000e+00> : vector<1x272xf32>
      %dot_general3A_1064 = tpu.matmul %slice3A_1062, %get3A_4, %dot_general3A_1063 {dimension_numbers = #tpu.dot_dimension_numbers<[1], [0], [0], [1], [0, 0, 1, 1], [], []>, transpose_lhs_hint = false} : vector<1x16xf32>, vector<16x272xf32>, vector<1x272xf32> -> vector<1x272xf32>
      %get3A_1065 = arith.index_cast %squeeze3A_1059 : i32 to index
      %get3A_1066 = arith.constant 0 : index
      %get3A_1067 = vector.load %arg4[%get3A_1065, %get3A_1066] : memref<10000x272xf32, #tpu.memory_space<vmem>>, vector<1x272xf32>
      %get3A_1068 = arith.index_cast %squeeze3A_1061 : i32 to index
      %get3A_1069 = arith.constant 0 : index
      %get3A_1070 = vector.load %arg6[%get3A_1068, %get3A_1069] : memref<10000x272xf32, #tpu.memory_space<vmem>>, vector<1x272xf32>
      %mul3A_1071 = arith.mulf %get3A_1067, %dot_general3A_1064 : vector<1x272xf32>
      %add3A_1072 = arith.addf %get3A_1070, %mul3A_1071 : vector<1x272xf32>
      %swap3A_1073 = arith.index_cast %squeeze3A_1061 : i32 to index
      %swap3A_1074 = arith.constant 0 : index
      %swap3A_1075 = vector.load %arg6[%swap3A_1073, %swap3A_1074] : memref<10000x272xf32, #tpu.memory_space<vmem>>, vector<1x272xf32>
      tpu.vector_store %arg6[%swap3A_1073, %swap3A_1074], %add3A_1072 {strides = array<i32>} : memref<10000x272xf32, #tpu.memory_space<vmem>>, vector<1x272xf32>,
      %slice3A_1076 = vector.extract_strided_slice %get3A_12 {offsets = [0, 59], sizes = [1, 1], strides = [1, 1]} : vector<1x128xi32> to vector<1x1xi32>
      %squeeze3A_1077 = vector.extract %slice3A_1076[0, 0] : i32 from vector<1x1xi32>
      %slice3A_1078 = vector.extract_strided_slice %get3A_15 {offsets = [0, 59], sizes = [1, 1], strides = [1, 1]} : vector<1x128xi32> to vector<1x1xi32>
      %squeeze3A_1079 = vector.extract %slice3A_1078[0, 0] : i32 from vector<1x1xi32>
      %slice3A_1080 = vector.extract_strided_slice %get3A_18 {offsets = [0, 944], sizes = [1, 16], strides = [1, 1]} : vector<1x2048xf32> to vector<1x16xf32>
      %dot_general3A_1081 = arith.constant dense<0.000000e+00> : vector<1x272xf32>
      %dot_general3A_1082 = tpu.matmul %slice3A_1080, %get3A_4, %dot_general3A_1081 {dimension_numbers = #tpu.dot_dimension_numbers<[1], [0], [0], [1], [0, 0, 1, 1], [], []>, transpose_lhs_hint = false} : vector<1x16xf32>, vector<16x272xf32>, vector<1x272xf32> -> vector<1x272xf32>
      %get3A_1083 = arith.index_cast %squeeze3A_1077 : i32 to index
      %get3A_1084 = arith.constant 0 : index
      %get3A_1085 = vector.load %arg4[%get3A_1083, %get3A_1084] : memref<10000x272xf32, #tpu.memory_space<vmem>>, vector<1x272xf32>
      %get3A_1086 = arith.index_cast %squeeze3A_1079 : i32 to index
      %get3A_1087 = arith.constant 0 : index
      %get3A_1088 = vector.load %arg6[%get3A_1086, %get3A_1087] : memref<10000x272xf32, #tpu.memory_space<vmem>>, vector<1x272xf32>
      %mul3A_1089 = arith.mulf %get3A_1085, %dot_general3A_1082 : vector<1x272xf32>
      %add3A_1090 = arith.addf %get3A_1088, %mul3A_1089 : vector<1x272xf32>
      %swap3A_1091 = arith.index_cast %squeeze3A_1079 : i32 to index
      %swap3A_1092 = arith.constant 0 : index
      %swap3A_1093 = vector.load %arg6[%swap3A_1091, %swap3A_1092] : memref<10000x272xf32, #tpu.memory_space<vmem>>, vector<1x272xf32>
      tpu.vector_store %arg6[%swap3A_1091, %swap3A_1092], %add3A_1090 {strides = array<i32>} : memref<10000x272xf32, #tpu.memory_space<vmem>>, vector<1x272xf32>,
      %slice3A_1094 = vector.extract_strided_slice %get3A_12 {offsets = [0, 60], sizes = [1, 1], strides = [1, 1]} : vector<1x128xi32> to vector<1x1xi32>
      %squeeze3A_1095 = vector.extract %slice3A_1094[0, 0] : i32 from vector<1x1xi32>
      %slice3A_1096 = vector.extract_strided_slice %get3A_15 {offsets = [0, 60], sizes = [1, 1], strides = [1, 1]} : vector<1x128xi32> to vector<1x1xi32>
      %squeeze3A_1097 = vector.extract %slice3A_1096[0, 0] : i32 from vector<1x1xi32>
      %slice3A_1098 = vector.extract_strided_slice %get3A_18 {offsets = [0, 960], sizes = [1, 16], strides = [1, 1]} : vector<1x2048xf32> to vector<1x16xf32>
      %dot_general3A_1099 = arith.constant dense<0.000000e+00> : vector<1x272xf32>
      %dot_general3A_1100 = tpu.matmul %slice3A_1098, %get3A_4, %dot_general3A_1099 {dimension_numbers = #tpu.dot_dimension_numbers<[1], [0], [0], [1], [0, 0, 1, 1], [], []>, transpose_lhs_hint = false} : vector<1x16xf32>, vector<16x272xf32>, vector<1x272xf32> -> vector<1x272xf32>
      %get3A_1101 = arith.index_cast %squeeze3A_1095 : i32 to index
      %get3A_1102 = arith.constant 0 : index
      %get3A_1103 = vector.load %arg4[%get3A_1101, %get3A_1102] : memref<10000x272xf32, #tpu.memory_space<vmem>>, vector<1x272xf32>
      %get3A_1104 = arith.index_cast %squeeze3A_1097 : i32 to index
      %get3A_1105 = arith.constant 0 : index
      %get3A_1106 = vector.load %arg6[%get3A_1104, %get3A_1105] : memref<10000x272xf32, #tpu.memory_space<vmem>>, vector<1x272xf32>
      %mul3A_1107 = arith.mulf %get3A_1103, %dot_general3A_1100 : vector<1x272xf32>
      %add3A_1108 = arith.addf %get3A_1106, %mul3A_1107 : vector<1x272xf32>
      %swap3A_1109 = arith.index_cast %squeeze3A_1097 : i32 to index
      %swap3A_1110 = arith.constant 0 : index
      %swap3A_1111 = vector.load %arg6[%swap3A_1109, %swap3A_1110] : memref<10000x272xf32, #tpu.memory_space<vmem>>, vector<1x272xf32>
      tpu.vector_store %arg6[%swap3A_1109, %swap3A_1110], %add3A_1108 {strides = array<i32>} : memref<10000x272xf32, #tpu.memory_space<vmem>>, vector<1x272xf32>,
      %slice3A_1112 = vector.extract_strided_slice %get3A_12 {offsets = [0, 61], sizes = [1, 1], strides = [1, 1]} : vector<1x128xi32> to vector<1x1xi32>
      %squeeze3A_1113 = vector.extract %slice3A_1112[0, 0] : i32 from vector<1x1xi32>
      %slice3A_1114 = vector.extract_strided_slice %get3A_15 {offsets = [0, 61], sizes = [1, 1], strides = [1, 1]} : vector<1x128xi32> to vector<1x1xi32>
      %squeeze3A_1115 = vector.extract %slice3A_1114[0, 0] : i32 from vector<1x1xi32>
      %slice3A_1116 = vector.extract_strided_slice %get3A_18 {offsets = [0, 976], sizes = [1, 16], strides = [1, 1]} : vector<1x2048xf32> to vector<1x16xf32>
      %dot_general3A_1117 = arith.constant dense<0.000000e+00> : vector<1x272xf32>
      %dot_general3A_1118 = tpu.matmul %slice3A_1116, %get3A_4, %dot_general3A_1117 {dimension_numbers = #tpu.dot_dimension_numbers<[1], [0], [0], [1], [0, 0, 1, 1], [], []>, transpose_lhs_hint = false} : vector<1x16xf32>, vector<16x272xf32>, vector<1x272xf32> -> vector<1x272xf32>
      %get3A_1119 = arith.index_cast %squeeze3A_1113 : i32 to index
      %get3A_1120 = arith.constant 0 : index
      %get3A_1121 = vector.load %arg4[%get3A_1119, %get3A_1120] : memref<10000x272xf32, #tpu.memory_space<vmem>>, vector<1x272xf32>
      %get3A_1122 = arith.index_cast %squeeze3A_1115 : i32 to index
      %get3A_1123 = arith.constant 0 : index
      %get3A_1124 = vector.load %arg6[%get3A_1122, %get3A_1123] : memref<10000x272xf32, #tpu.memory_space<vmem>>, vector<1x272xf32>
      %mul3A_1125 = arith.mulf %get3A_1121, %dot_general3A_1118 : vector<1x272xf32>
      %add3A_1126 = arith.addf %get3A_1124, %mul3A_1125 : vector<1x272xf32>
      %swap3A_1127 = arith.index_cast %squeeze3A_1115 : i32 to index
      %swap3A_1128 = arith.constant 0 : index
      %swap3A_1129 = vector.load %arg6[%swap3A_1127, %swap3A_1128] : memref<10000x272xf32, #tpu.memory_space<vmem>>, vector<1x272xf32>
      tpu.vector_store %arg6[%swap3A_1127, %swap3A_1128], %add3A_1126 {strides = array<i32>} : memref<10000x272xf32, #tpu.memory_space<vmem>>, vector<1x272xf32>,
      %slice3A_1130 = vector.extract_strided_slice %get3A_12 {offsets = [0, 62], sizes = [1, 1], strides = [1, 1]} : vector<1x128xi32> to vector<1x1xi32>
      %squeeze3A_1131 = vector.extract %slice3A_1130[0, 0] : i32 from vector<1x1xi32>
      %slice3A_1132 = vector.extract_strided_slice %get3A_15 {offsets = [0, 62], sizes = [1, 1], strides = [1, 1]} : vector<1x128xi32> to vector<1x1xi32>
      %squeeze3A_1133 = vector.extract %slice3A_1132[0, 0] : i32 from vector<1x1xi32>
      %slice3A_1134 = vector.extract_strided_slice %get3A_18 {offsets = [0, 992], sizes = [1, 16], strides = [1, 1]} : vector<1x2048xf32> to vector<1x16xf32>
      %dot_general3A_1135 = arith.constant dense<0.000000e+00> : vector<1x272xf32>
      %dot_general3A_1136 = tpu.matmul %slice3A_1134, %get3A_4, %dot_general3A_1135 {dimension_numbers = #tpu.dot_dimension_numbers<[1], [0], [0], [1], [0, 0, 1, 1], [], []>, transpose_lhs_hint = false} : vector<1x16xf32>, vector<16x272xf32>, vector<1x272xf32> -> vector<1x272xf32>
      %get3A_1137 = arith.index_cast %squeeze3A_1131 : i32 to index
      %get3A_1138 = arith.constant 0 : index
      %get3A_1139 = vector.load %arg4[%get3A_1137, %get3A_1138] : memref<10000x272xf32, #tpu.memory_space<vmem>>, vector<1x272xf32>
      %get3A_1140 = arith.index_cast %squeeze3A_1133 : i32 to index
      %get3A_1141 = arith.constant 0 : index
      %get3A_1142 = vector.load %arg6[%get3A_1140, %get3A_1141] : memref<10000x272xf32, #tpu.memory_space<vmem>>, vector<1x272xf32>
      %mul3A_1143 = arith.mulf %get3A_1139, %dot_general3A_1136 : vector<1x272xf32>
      %add3A_1144 = arith.addf %get3A_1142, %mul3A_1143 : vector<1x272xf32>
      %swap3A_1145 = arith.index_cast %squeeze3A_1133 : i32 to index
      %swap3A_1146 = arith.constant 0 : index
      %swap3A_1147 = vector.load %arg6[%swap3A_1145, %swap3A_1146] : memref<10000x272xf32, #tpu.memory_space<vmem>>, vector<1x272xf32>
      tpu.vector_store %arg6[%swap3A_1145, %swap3A_1146], %add3A_1144 {strides = array<i32>} : memref<10000x272xf32, #tpu.memory_space<vmem>>, vector<1x272xf32>,
      %slice3A_1148 = vector.extract_strided_slice %get3A_12 {offsets = [0, 63], sizes = [1, 1], strides = [1, 1]} : vector<1x128xi32> to vector<1x1xi32>
      %squeeze3A_1149 = vector.extract %slice3A_1148[0, 0] : i32 from vector<1x1xi32>
      %slice3A_1150 = vector.extract_strided_slice %get3A_15 {offsets = [0, 63], sizes = [1, 1], strides = [1, 1]} : vector<1x128xi32> to vector<1x1xi32>
      %squeeze3A_1151 = vector.extract %slice3A_1150[0, 0] : i32 from vector<1x1xi32>
      %slice3A_1152 = vector.extract_strided_slice %get3A_18 {offsets = [0, 1008], sizes = [1, 16], strides = [1, 1]} : vector<1x2048xf32> to vector<1x16xf32>
      %dot_general3A_1153 = arith.constant dense<0.000000e+00> : vector<1x272xf32>
      %dot_general3A_1154 = tpu.matmul %slice3A_1152, %get3A_4, %dot_general3A_1153 {dimension_numbers = #tpu.dot_dimension_numbers<[1], [0], [0], [1], [0, 0, 1, 1], [], []>, transpose_lhs_hint = false} : vector<1x16xf32>, vector<16x272xf32>, vector<1x272xf32> -> vector<1x272xf32>
      %get3A_1155 = arith.index_cast %squeeze3A_1149 : i32 to index
      %get3A_1156 = arith.constant 0 : index
      %get3A_1157 = vector.load %arg4[%get3A_1155, %get3A_1156] : memref<10000x272xf32, #tpu.memory_space<vmem>>, vector<1x272xf32>
      %get3A_1158 = arith.index_cast %squeeze3A_1151 : i32 to index
      %get3A_1159 = arith.constant 0 : index
      %get3A_1160 = vector.load %arg6[%get3A_1158, %get3A_1159] : memref<10000x272xf32, #tpu.memory_space<vmem>>, vector<1x272xf32>
      %mul3A_1161 = arith.mulf %get3A_1157, %dot_general3A_1154 : vector<1x272xf32>
      %add3A_1162 = arith.addf %get3A_1160, %mul3A_1161 : vector<1x272xf32>
      %swap3A_1163 = arith.index_cast %squeeze3A_1151 : i32 to index
      %swap3A_1164 = arith.constant 0 : index
      %swap3A_1165 = vector.load %arg6[%swap3A_1163, %swap3A_1164] : memref<10000x272xf32, #tpu.memory_space<vmem>>, vector<1x272xf32>
      tpu.vector_store %arg6[%swap3A_1163, %swap3A_1164], %add3A_1162 {strides = array<i32>} : memref<10000x272xf32, #tpu.memory_space<vmem>>, vector<1x272xf32>,
      %slice3A_1166 = vector.extract_strided_slice %get3A_12 {offsets = [0, 64], sizes = [1, 1], strides = [1, 1]} : vector<1x128xi32> to vector<1x1xi32>
      %squeeze3A_1167 = vector.extract %slice3A_1166[0, 0] : i32 from vector<1x1xi32>
      %slice3A_1168 = vector.extract_strided_slice %get3A_15 {offsets = [0, 64], sizes = [1, 1], strides = [1, 1]} : vector<1x128xi32> to vector<1x1xi32>
      %squeeze3A_1169 = vector.extract %slice3A_1168[0, 0] : i32 from vector<1x1xi32>
      %slice3A_1170 = vector.extract_strided_slice %get3A_18 {offsets = [0, 1024], sizes = [1, 16], strides = [1, 1]} : vector<1x2048xf32> to vector<1x16xf32>
      %dot_general3A_1171 = arith.constant dense<0.000000e+00> : vector<1x272xf32>
      %dot_general3A_1172 = tpu.matmul %slice3A_1170, %get3A_4, %dot_general3A_1171 {dimension_numbers = #tpu.dot_dimension_numbers<[1], [0], [0], [1], [0, 0, 1, 1], [], []>, transpose_lhs_hint = false} : vector<1x16xf32>, vector<16x272xf32>, vector<1x272xf32> -> vector<1x272xf32>
      %get3A_1173 = arith.index_cast %squeeze3A_1167 : i32 to index
      %get3A_1174 = arith.constant 0 : index
      %get3A_1175 = vector.load %arg4[%get3A_1173, %get3A_1174] : memref<10000x272xf32, #tpu.memory_space<vmem>>, vector<1x272xf32>
      %get3A_1176 = arith.index_cast %squeeze3A_1169 : i32 to index
      %get3A_1177 = arith.constant 0 : index
      %get3A_1178 = vector.load %arg6[%get3A_1176, %get3A_1177] : memref<10000x272xf32, #tpu.memory_space<vmem>>, vector<1x272xf32>
      %mul3A_1179 = arith.mulf %get3A_1175, %dot_general3A_1172 : vector<1x272xf32>
      %add3A_1180 = arith.addf %get3A_1178, %mul3A_1179 : vector<1x272xf32>
      %swap3A_1181 = arith.index_cast %squeeze3A_1169 : i32 to index
      %swap3A_1182 = arith.constant 0 : index
      %swap3A_1183 = vector.load %arg6[%swap3A_1181, %swap3A_1182] : memref<10000x272xf32, #tpu.memory_space<vmem>>, vector<1x272xf32>
      tpu.vector_store %arg6[%swap3A_1181, %swap3A_1182], %add3A_1180 {strides = array<i32>} : memref<10000x272xf32, #tpu.memory_space<vmem>>, vector<1x272xf32>,
      %slice3A_1184 = vector.extract_strided_slice %get3A_12 {offsets = [0, 65], sizes = [1, 1], strides = [1, 1]} : vector<1x128xi32> to vector<1x1xi32>
      %squeeze3A_1185 = vector.extract %slice3A_1184[0, 0] : i32 from vector<1x1xi32>
      %slice3A_1186 = vector.extract_strided_slice %get3A_15 {offsets = [0, 65], sizes = [1, 1], strides = [1, 1]} : vector<1x128xi32> to vector<1x1xi32>
      %squeeze3A_1187 = vector.extract %slice3A_1186[0, 0] : i32 from vector<1x1xi32>
      %slice3A_1188 = vector.extract_strided_slice %get3A_18 {offsets = [0, 1040], sizes = [1, 16], strides = [1, 1]} : vector<1x2048xf32> to vector<1x16xf32>
      %dot_general3A_1189 = arith.constant dense<0.000000e+00> : vector<1x272xf32>
      %dot_general3A_1190 = tpu.matmul %slice3A_1188, %get3A_4, %dot_general3A_1189 {dimension_numbers = #tpu.dot_dimension_numbers<[1], [0], [0], [1], [0, 0, 1, 1], [], []>, transpose_lhs_hint = false} : vector<1x16xf32>, vector<16x272xf32>, vector<1x272xf32> -> vector<1x272xf32>
      %get3A_1191 = arith.index_cast %squeeze3A_1185 : i32 to index
      %get3A_1192 = arith.constant 0 : index
      %get3A_1193 = vector.load %arg4[%get3A_1191, %get3A_1192] : memref<10000x272xf32, #tpu.memory_space<vmem>>, vector<1x272xf32>
      %get3A_1194 = arith.index_cast %squeeze3A_1187 : i32 to index
      %get3A_1195 = arith.constant 0 : index
      %get3A_1196 = vector.load %arg6[%get3A_1194, %get3A_1195] : memref<10000x272xf32, #tpu.memory_space<vmem>>, vector<1x272xf32>
      %mul3A_1197 = arith.mulf %get3A_1193, %dot_general3A_1190 : vector<1x272xf32>
      %add3A_1198 = arith.addf %get3A_1196, %mul3A_1197 : vector<1x272xf32>
      %swap3A_1199 = arith.index_cast %squeeze3A_1187 : i32 to index
      %swap3A_1200 = arith.constant 0 : index
      %swap3A_1201 = vector.load %arg6[%swap3A_1199, %swap3A_1200] : memref<10000x272xf32, #tpu.memory_space<vmem>>, vector<1x272xf32>
      tpu.vector_store %arg6[%swap3A_1199, %swap3A_1200], %add3A_1198 {strides = array<i32>} : memref<10000x272xf32, #tpu.memory_space<vmem>>, vector<1x272xf32>,
      %slice3A_1202 = vector.extract_strided_slice %get3A_12 {offsets = [0, 66], sizes = [1, 1], strides = [1, 1]} : vector<1x128xi32> to vector<1x1xi32>
      %squeeze3A_1203 = vector.extract %slice3A_1202[0, 0] : i32 from vector<1x1xi32>
      %slice3A_1204 = vector.extract_strided_slice %get3A_15 {offsets = [0, 66], sizes = [1, 1], strides = [1, 1]} : vector<1x128xi32> to vector<1x1xi32>
      %squeeze3A_1205 = vector.extract %slice3A_1204[0, 0] : i32 from vector<1x1xi32>
      %slice3A_1206 = vector.extract_strided_slice %get3A_18 {offsets = [0, 1056], sizes = [1, 16], strides = [1, 1]} : vector<1x2048xf32> to vector<1x16xf32>
      %dot_general3A_1207 = arith.constant dense<0.000000e+00> : vector<1x272xf32>
      %dot_general3A_1208 = tpu.matmul %slice3A_1206, %get3A_4, %dot_general3A_1207 {dimension_numbers = #tpu.dot_dimension_numbers<[1], [0], [0], [1], [0, 0, 1, 1], [], []>, transpose_lhs_hint = false} : vector<1x16xf32>, vector<16x272xf32>, vector<1x272xf32> -> vector<1x272xf32>
      %get3A_1209 = arith.index_cast %squeeze3A_1203 : i32 to index
      %get3A_1210 = arith.constant 0 : index
      %get3A_1211 = vector.load %arg4[%get3A_1209, %get3A_1210] : memref<10000x272xf32, #tpu.memory_space<vmem>>, vector<1x272xf32>
      %get3A_1212 = arith.index_cast %squeeze3A_1205 : i32 to index
      %get3A_1213 = arith.constant 0 : index
      %get3A_1214 = vector.load %arg6[%get3A_1212, %get3A_1213] : memref<10000x272xf32, #tpu.memory_space<vmem>>, vector<1x272xf32>
      %mul3A_1215 = arith.mulf %get3A_1211, %dot_general3A_1208 : vector<1x272xf32>
      %add3A_1216 = arith.addf %get3A_1214, %mul3A_1215 : vector<1x272xf32>
      %swap3A_1217 = arith.index_cast %squeeze3A_1205 : i32 to index
      %swap3A_1218 = arith.constant 0 : index
      %swap3A_1219 = vector.load %arg6[%swap3A_1217, %swap3A_1218] : memref<10000x272xf32, #tpu.memory_space<vmem>>, vector<1x272xf32>
      tpu.vector_store %arg6[%swap3A_1217, %swap3A_1218], %add3A_1216 {strides = array<i32>} : memref<10000x272xf32, #tpu.memory_space<vmem>>, vector<1x272xf32>,
      %slice3A_1220 = vector.extract_strided_slice %get3A_12 {offsets = [0, 67], sizes = [1, 1], strides = [1, 1]} : vector<1x128xi32> to vector<1x1xi32>
      %squeeze3A_1221 = vector.extract %slice3A_1220[0, 0] : i32 from vector<1x1xi32>
      %slice3A_1222 = vector.extract_strided_slice %get3A_15 {offsets = [0, 67], sizes = [1, 1], strides = [1, 1]} : vector<1x128xi32> to vector<1x1xi32>
      %squeeze3A_1223 = vector.extract %slice3A_1222[0, 0] : i32 from vector<1x1xi32>
      %slice3A_1224 = vector.extract_strided_slice %get3A_18 {offsets = [0, 1072], sizes = [1, 16], strides = [1, 1]} : vector<1x2048xf32> to vector<1x16xf32>
      %dot_general3A_1225 = arith.constant dense<0.000000e+00> : vector<1x272xf32>
      %dot_general3A_1226 = tpu.matmul %slice3A_1224, %get3A_4, %dot_general3A_1225 {dimension_numbers = #tpu.dot_dimension_numbers<[1], [0], [0], [1], [0, 0, 1, 1], [], []>, transpose_lhs_hint = false} : vector<1x16xf32>, vector<16x272xf32>, vector<1x272xf32> -> vector<1x272xf32>
      %get3A_1227 = arith.index_cast %squeeze3A_1221 : i32 to index
      %get3A_1228 = arith.constant 0 : index
      %get3A_1229 = vector.load %arg4[%get3A_1227, %get3A_1228] : memref<10000x272xf32, #tpu.memory_space<vmem>>, vector<1x272xf32>
      %get3A_1230 = arith.index_cast %squeeze3A_1223 : i32 to index
      %get3A_1231 = arith.constant 0 : index
      %get3A_1232 = vector.load %arg6[%get3A_1230, %get3A_1231] : memref<10000x272xf32, #tpu.memory_space<vmem>>, vector<1x272xf32>
      %mul3A_1233 = arith.mulf %get3A_1229, %dot_general3A_1226 : vector<1x272xf32>
      %add3A_1234 = arith.addf %get3A_1232, %mul3A_1233 : vector<1x272xf32>
      %swap3A_1235 = arith.index_cast %squeeze3A_1223 : i32 to index
      %swap3A_1236 = arith.constant 0 : index
      %swap3A_1237 = vector.load %arg6[%swap3A_1235, %swap3A_1236] : memref<10000x272xf32, #tpu.memory_space<vmem>>, vector<1x272xf32>
      tpu.vector_store %arg6[%swap3A_1235, %swap3A_1236], %add3A_1234 {strides = array<i32>} : memref<10000x272xf32, #tpu.memory_space<vmem>>, vector<1x272xf32>,
      %slice3A_1238 = vector.extract_strided_slice %get3A_12 {offsets = [0, 68], sizes = [1, 1], strides = [1, 1]} : vector<1x128xi32> to vector<1x1xi32>
      %squeeze3A_1239 = vector.extract %slice3A_1238[0, 0] : i32 from vector<1x1xi32>
      %slice3A_1240 = vector.extract_strided_slice %get3A_15 {offsets = [0, 68], sizes = [1, 1], strides = [1, 1]} : vector<1x128xi32> to vector<1x1xi32>
      %squeeze3A_1241 = vector.extract %slice3A_1240[0, 0] : i32 from vector<1x1xi32>
      %slice3A_1242 = vector.extract_strided_slice %get3A_18 {offsets = [0, 1088], sizes = [1, 16], strides = [1, 1]} : vector<1x2048xf32> to vector<1x16xf32>
      %dot_general3A_1243 = arith.constant dense<0.000000e+00> : vector<1x272xf32>
      %dot_general3A_1244 = tpu.matmul %slice3A_1242, %get3A_4, %dot_general3A_1243 {dimension_numbers = #tpu.dot_dimension_numbers<[1], [0], [0], [1], [0, 0, 1, 1], [], []>, transpose_lhs_hint = false} : vector<1x16xf32>, vector<16x272xf32>, vector<1x272xf32> -> vector<1x272xf32>
      %get3A_1245 = arith.index_cast %squeeze3A_1239 : i32 to index
      %get3A_1246 = arith.constant 0 : index
      %get3A_1247 = vector.load %arg4[%get3A_1245, %get3A_1246] : memref<10000x272xf32, #tpu.memory_space<vmem>>, vector<1x272xf32>
      %get3A_1248 = arith.index_cast %squeeze3A_1241 : i32 to index
      %get3A_1249 = arith.constant 0 : index
      %get3A_1250 = vector.load %arg6[%get3A_1248, %get3A_1249] : memref<10000x272xf32, #tpu.memory_space<vmem>>, vector<1x272xf32>
      %mul3A_1251 = arith.mulf %get3A_1247, %dot_general3A_1244 : vector<1x272xf32>
      %add3A_1252 = arith.addf %get3A_1250, %mul3A_1251 : vector<1x272xf32>
      %swap3A_1253 = arith.index_cast %squeeze3A_1241 : i32 to index
      %swap3A_1254 = arith.constant 0 : index
      %swap3A_1255 = vector.load %arg6[%swap3A_1253, %swap3A_1254] : memref<10000x272xf32, #tpu.memory_space<vmem>>, vector<1x272xf32>
      tpu.vector_store %arg6[%swap3A_1253, %swap3A_1254], %add3A_1252 {strides = array<i32>} : memref<10000x272xf32, #tpu.memory_space<vmem>>, vector<1x272xf32>,
      %slice3A_1256 = vector.extract_strided_slice %get3A_12 {offsets = [0, 69], sizes = [1, 1], strides = [1, 1]} : vector<1x128xi32> to vector<1x1xi32>
      %squeeze3A_1257 = vector.extract %slice3A_1256[0, 0] : i32 from vector<1x1xi32>
      %slice3A_1258 = vector.extract_strided_slice %get3A_15 {offsets = [0, 69], sizes = [1, 1], strides = [1, 1]} : vector<1x128xi32> to vector<1x1xi32>
      %squeeze3A_1259 = vector.extract %slice3A_1258[0, 0] : i32 from vector<1x1xi32>
      %slice3A_1260 = vector.extract_strided_slice %get3A_18 {offsets = [0, 1104], sizes = [1, 16], strides = [1, 1]} : vector<1x2048xf32> to vector<1x16xf32>
      %dot_general3A_1261 = arith.constant dense<0.000000e+00> : vector<1x272xf32>
      %dot_general3A_1262 = tpu.matmul %slice3A_1260, %get3A_4, %dot_general3A_1261 {dimension_numbers = #tpu.dot_dimension_numbers<[1], [0], [0], [1], [0, 0, 1, 1], [], []>, transpose_lhs_hint = false} : vector<1x16xf32>, vector<16x272xf32>, vector<1x272xf32> -> vector<1x272xf32>
      %get3A_1263 = arith.index_cast %squeeze3A_1257 : i32 to index
      %get3A_1264 = arith.constant 0 : index
      %get3A_1265 = vector.load %arg4[%get3A_1263, %get3A_1264] : memref<10000x272xf32, #tpu.memory_space<vmem>>, vector<1x272xf32>
      %get3A_1266 = arith.index_cast %squeeze3A_1259 : i32 to index
      %get3A_1267 = arith.constant 0 : index
      %get3A_1268 = vector.load %arg6[%get3A_1266, %get3A_1267] : memref<10000x272xf32, #tpu.memory_space<vmem>>, vector<1x272xf32>
      %mul3A_1269 = arith.mulf %get3A_1265, %dot_general3A_1262 : vector<1x272xf32>
      %add3A_1270 = arith.addf %get3A_1268, %mul3A_1269 : vector<1x272xf32>
      %swap3A_1271 = arith.index_cast %squeeze3A_1259 : i32 to index
      %swap3A_1272 = arith.constant 0 : index
      %swap3A_1273 = vector.load %arg6[%swap3A_1271, %swap3A_1272] : memref<10000x272xf32, #tpu.memory_space<vmem>>, vector<1x272xf32>
      tpu.vector_store %arg6[%swap3A_1271, %swap3A_1272], %add3A_1270 {strides = array<i32>} : memref<10000x272xf32, #tpu.memory_space<vmem>>, vector<1x272xf32>,
      %slice3A_1274 = vector.extract_strided_slice %get3A_12 {offsets = [0, 70], sizes = [1, 1], strides = [1, 1]} : vector<1x128xi32> to vector<1x1xi32>
      %squeeze3A_1275 = vector.extract %slice3A_1274[0, 0] : i32 from vector<1x1xi32>
      %slice3A_1276 = vector.extract_strided_slice %get3A_15 {offsets = [0, 70], sizes = [1, 1], strides = [1, 1]} : vector<1x128xi32> to vector<1x1xi32>
      %squeeze3A_1277 = vector.extract %slice3A_1276[0, 0] : i32 from vector<1x1xi32>
      %slice3A_1278 = vector.extract_strided_slice %get3A_18 {offsets = [0, 1120], sizes = [1, 16], strides = [1, 1]} : vector<1x2048xf32> to vector<1x16xf32>
      %dot_general3A_1279 = arith.constant dense<0.000000e+00> : vector<1x272xf32>
      %dot_general3A_1280 = tpu.matmul %slice3A_1278, %get3A_4, %dot_general3A_1279 {dimension_numbers = #tpu.dot_dimension_numbers<[1], [0], [0], [1], [0, 0, 1, 1], [], []>, transpose_lhs_hint = false} : vector<1x16xf32>, vector<16x272xf32>, vector<1x272xf32> -> vector<1x272xf32>
      %get3A_1281 = arith.index_cast %squeeze3A_1275 : i32 to index
      %get3A_1282 = arith.constant 0 : index
      %get3A_1283 = vector.load %arg4[%get3A_1281, %get3A_1282] : memref<10000x272xf32, #tpu.memory_space<vmem>>, vector<1x272xf32>
      %get3A_1284 = arith.index_cast %squeeze3A_1277 : i32 to index
      %get3A_1285 = arith.constant 0 : index
      %get3A_1286 = vector.load %arg6[%get3A_1284, %get3A_1285] : memref<10000x272xf32, #tpu.memory_space<vmem>>, vector<1x272xf32>
      %mul3A_1287 = arith.mulf %get3A_1283, %dot_general3A_1280 : vector<1x272xf32>
      %add3A_1288 = arith.addf %get3A_1286, %mul3A_1287 : vector<1x272xf32>
      %swap3A_1289 = arith.index_cast %squeeze3A_1277 : i32 to index
      %swap3A_1290 = arith.constant 0 : index
      %swap3A_1291 = vector.load %arg6[%swap3A_1289, %swap3A_1290] : memref<10000x272xf32, #tpu.memory_space<vmem>>, vector<1x272xf32>
      tpu.vector_store %arg6[%swap3A_1289, %swap3A_1290], %add3A_1288 {strides = array<i32>} : memref<10000x272xf32, #tpu.memory_space<vmem>>, vector<1x272xf32>,
      %slice3A_1292 = vector.extract_strided_slice %get3A_12 {offsets = [0, 71], sizes = [1, 1], strides = [1, 1]} : vector<1x128xi32> to vector<1x1xi32>
      %squeeze3A_1293 = vector.extract %slice3A_1292[0, 0] : i32 from vector<1x1xi32>
      %slice3A_1294 = vector.extract_strided_slice %get3A_15 {offsets = [0, 71], sizes = [1, 1], strides = [1, 1]} : vector<1x128xi32> to vector<1x1xi32>
      %squeeze3A_1295 = vector.extract %slice3A_1294[0, 0] : i32 from vector<1x1xi32>
      %slice3A_1296 = vector.extract_strided_slice %get3A_18 {offsets = [0, 1136], sizes = [1, 16], strides = [1, 1]} : vector<1x2048xf32> to vector<1x16xf32>
      %dot_general3A_1297 = arith.constant dense<0.000000e+00> : vector<1x272xf32>
      %dot_general3A_1298 = tpu.matmul %slice3A_1296, %get3A_4, %dot_general3A_1297 {dimension_numbers = #tpu.dot_dimension_numbers<[1], [0], [0], [1], [0, 0, 1, 1], [], []>, transpose_lhs_hint = false} : vector<1x16xf32>, vector<16x272xf32>, vector<1x272xf32> -> vector<1x272xf32>
      %get3A_1299 = arith.index_cast %squeeze3A_1293 : i32 to index
      %get3A_1300 = arith.constant 0 : index
      %get3A_1301 = vector.load %arg4[%get3A_1299, %get3A_1300] : memref<10000x272xf32, #tpu.memory_space<vmem>>, vector<1x272xf32>
      %get3A_1302 = arith.index_cast %squeeze3A_1295 : i32 to index
      %get3A_1303 = arith.constant 0 : index
      %get3A_1304 = vector.load %arg6[%get3A_1302, %get3A_1303] : memref<10000x272xf32, #tpu.memory_space<vmem>>, vector<1x272xf32>
      %mul3A_1305 = arith.mulf %get3A_1301, %dot_general3A_1298 : vector<1x272xf32>
      %add3A_1306 = arith.addf %get3A_1304, %mul3A_1305 : vector<1x272xf32>
      %swap3A_1307 = arith.index_cast %squeeze3A_1295 : i32 to index
      %swap3A_1308 = arith.constant 0 : index
      %swap3A_1309 = vector.load %arg6[%swap3A_1307, %swap3A_1308] : memref<10000x272xf32, #tpu.memory_space<vmem>>, vector<1x272xf32>
      tpu.vector_store %arg6[%swap3A_1307, %swap3A_1308], %add3A_1306 {strides = array<i32>} : memref<10000x272xf32, #tpu.memory_space<vmem>>, vector<1x272xf32>,
      %slice3A_1310 = vector.extract_strided_slice %get3A_12 {offsets = [0, 72], sizes = [1, 1], strides = [1, 1]} : vector<1x128xi32> to vector<1x1xi32>
      %squeeze3A_1311 = vector.extract %slice3A_1310[0, 0] : i32 from vector<1x1xi32>
      %slice3A_1312 = vector.extract_strided_slice %get3A_15 {offsets = [0, 72], sizes = [1, 1], strides = [1, 1]} : vector<1x128xi32> to vector<1x1xi32>
      %squeeze3A_1313 = vector.extract %slice3A_1312[0, 0] : i32 from vector<1x1xi32>
      %slice3A_1314 = vector.extract_strided_slice %get3A_18 {offsets = [0, 1152], sizes = [1, 16], strides = [1, 1]} : vector<1x2048xf32> to vector<1x16xf32>
      %dot_general3A_1315 = arith.constant dense<0.000000e+00> : vector<1x272xf32>
      %dot_general3A_1316 = tpu.matmul %slice3A_1314, %get3A_4, %dot_general3A_1315 {dimension_numbers = #tpu.dot_dimension_numbers<[1], [0], [0], [1], [0, 0, 1, 1], [], []>, transpose_lhs_hint = false} : vector<1x16xf32>, vector<16x272xf32>, vector<1x272xf32> -> vector<1x272xf32>
      %get3A_1317 = arith.index_cast %squeeze3A_1311 : i32 to index
      %get3A_1318 = arith.constant 0 : index
      %get3A_1319 = vector.load %arg4[%get3A_1317, %get3A_1318] : memref<10000x272xf32, #tpu.memory_space<vmem>>, vector<1x272xf32>
      %get3A_1320 = arith.index_cast %squeeze3A_1313 : i32 to index
      %get3A_1321 = arith.constant 0 : index
      %get3A_1322 = vector.load %arg6[%get3A_1320, %get3A_1321] : memref<10000x272xf32, #tpu.memory_space<vmem>>, vector<1x272xf32>
      %mul3A_1323 = arith.mulf %get3A_1319, %dot_general3A_1316 : vector<1x272xf32>
      %add3A_1324 = arith.addf %get3A_1322, %mul3A_1323 : vector<1x272xf32>
      %swap3A_1325 = arith.index_cast %squeeze3A_1313 : i32 to index
      %swap3A_1326 = arith.constant 0 : index
      %swap3A_1327 = vector.load %arg6[%swap3A_1325, %swap3A_1326] : memref<10000x272xf32, #tpu.memory_space<vmem>>, vector<1x272xf32>
      tpu.vector_store %arg6[%swap3A_1325, %swap3A_1326], %add3A_1324 {strides = array<i32>} : memref<10000x272xf32, #tpu.memory_space<vmem>>, vector<1x272xf32>,
      %slice3A_1328 = vector.extract_strided_slice %get3A_12 {offsets = [0, 73], sizes = [1, 1], strides = [1, 1]} : vector<1x128xi32> to vector<1x1xi32>
      %squeeze3A_1329 = vector.extract %slice3A_1328[0, 0] : i32 from vector<1x1xi32>
      %slice3A_1330 = vector.extract_strided_slice %get3A_15 {offsets = [0, 73], sizes = [1, 1], strides = [1, 1]} : vector<1x128xi32> to vector<1x1xi32>
      %squeeze3A_1331 = vector.extract %slice3A_1330[0, 0] : i32 from vector<1x1xi32>
      %slice3A_1332 = vector.extract_strided_slice %get3A_18 {offsets = [0, 1168], sizes = [1, 16], strides = [1, 1]} : vector<1x2048xf32> to vector<1x16xf32>
      %dot_general3A_1333 = arith.constant dense<0.000000e+00> : vector<1x272xf32>
      %dot_general3A_1334 = tpu.matmul %slice3A_1332, %get3A_4, %dot_general3A_1333 {dimension_numbers = #tpu.dot_dimension_numbers<[1], [0], [0], [1], [0, 0, 1, 1], [], []>, transpose_lhs_hint = false} : vector<1x16xf32>, vector<16x272xf32>, vector<1x272xf32> -> vector<1x272xf32>
      %get3A_1335 = arith.index_cast %squeeze3A_1329 : i32 to index
      %get3A_1336 = arith.constant 0 : index
      %get3A_1337 = vector.load %arg4[%get3A_1335, %get3A_1336] : memref<10000x272xf32, #tpu.memory_space<vmem>>, vector<1x272xf32>
      %get3A_1338 = arith.index_cast %squeeze3A_1331 : i32 to index
      %get3A_1339 = arith.constant 0 : index
      %get3A_1340 = vector.load %arg6[%get3A_1338, %get3A_1339] : memref<10000x272xf32, #tpu.memory_space<vmem>>, vector<1x272xf32>
      %mul3A_1341 = arith.mulf %get3A_1337, %dot_general3A_1334 : vector<1x272xf32>
      %add3A_1342 = arith.addf %get3A_1340, %mul3A_1341 : vector<1x272xf32>
      %swap3A_1343 = arith.index_cast %squeeze3A_1331 : i32 to index
      %swap3A_1344 = arith.constant 0 : index
      %swap3A_1345 = vector.load %arg6[%swap3A_1343, %swap3A_1344] : memref<10000x272xf32, #tpu.memory_space<vmem>>, vector<1x272xf32>
      tpu.vector_store %arg6[%swap3A_1343, %swap3A_1344], %add3A_1342 {strides = array<i32>} : memref<10000x272xf32, #tpu.memory_space<vmem>>, vector<1x272xf32>,
      %slice3A_1346 = vector.extract_strided_slice %get3A_12 {offsets = [0, 74], sizes = [1, 1], strides = [1, 1]} : vector<1x128xi32> to vector<1x1xi32>
      %squeeze3A_1347 = vector.extract %slice3A_1346[0, 0] : i32 from vector<1x1xi32>
      %slice3A_1348 = vector.extract_strided_slice %get3A_15 {offsets = [0, 74], sizes = [1, 1], strides = [1, 1]} : vector<1x128xi32> to vector<1x1xi32>
      %squeeze3A_1349 = vector.extract %slice3A_1348[0, 0] : i32 from vector<1x1xi32>
      %slice3A_1350 = vector.extract_strided_slice %get3A_18 {offsets = [0, 1184], sizes = [1, 16], strides = [1, 1]} : vector<1x2048xf32> to vector<1x16xf32>
      %dot_general3A_1351 = arith.constant dense<0.000000e+00> : vector<1x272xf32>
      %dot_general3A_1352 = tpu.matmul %slice3A_1350, %get3A_4, %dot_general3A_1351 {dimension_numbers = #tpu.dot_dimension_numbers<[1], [0], [0], [1], [0, 0, 1, 1], [], []>, transpose_lhs_hint = false} : vector<1x16xf32>, vector<16x272xf32>, vector<1x272xf32> -> vector<1x272xf32>
      %get3A_1353 = arith.index_cast %squeeze3A_1347 : i32 to index
      %get3A_1354 = arith.constant 0 : index
      %get3A_1355 = vector.load %arg4[%get3A_1353, %get3A_1354] : memref<10000x272xf32, #tpu.memory_space<vmem>>, vector<1x272xf32>
      %get3A_1356 = arith.index_cast %squeeze3A_1349 : i32 to index
      %get3A_1357 = arith.constant 0 : index
      %get3A_1358 = vector.load %arg6[%get3A_1356, %get3A_1357] : memref<10000x272xf32, #tpu.memory_space<vmem>>, vector<1x272xf32>
      %mul3A_1359 = arith.mulf %get3A_1355, %dot_general3A_1352 : vector<1x272xf32>
      %add3A_1360 = arith.addf %get3A_1358, %mul3A_1359 : vector<1x272xf32>
      %swap3A_1361 = arith.index_cast %squeeze3A_1349 : i32 to index
      %swap3A_1362 = arith.constant 0 : index
      %swap3A_1363 = vector.load %arg6[%swap3A_1361, %swap3A_1362] : memref<10000x272xf32, #tpu.memory_space<vmem>>, vector<1x272xf32>
      tpu.vector_store %arg6[%swap3A_1361, %swap3A_1362], %add3A_1360 {strides = array<i32>} : memref<10000x272xf32, #tpu.memory_space<vmem>>, vector<1x272xf32>,
      %slice3A_1364 = vector.extract_strided_slice %get3A_12 {offsets = [0, 75], sizes = [1, 1], strides = [1, 1]} : vector<1x128xi32> to vector<1x1xi32>
      %squeeze3A_1365 = vector.extract %slice3A_1364[0, 0] : i32 from vector<1x1xi32>
      %slice3A_1366 = vector.extract_strided_slice %get3A_15 {offsets = [0, 75], sizes = [1, 1], strides = [1, 1]} : vector<1x128xi32> to vector<1x1xi32>
      %squeeze3A_1367 = vector.extract %slice3A_1366[0, 0] : i32 from vector<1x1xi32>
      %slice3A_1368 = vector.extract_strided_slice %get3A_18 {offsets = [0, 1200], sizes = [1, 16], strides = [1, 1]} : vector<1x2048xf32> to vector<1x16xf32>
      %dot_general3A_1369 = arith.constant dense<0.000000e+00> : vector<1x272xf32>
      %dot_general3A_1370 = tpu.matmul %slice3A_1368, %get3A_4, %dot_general3A_1369 {dimension_numbers = #tpu.dot_dimension_numbers<[1], [0], [0], [1], [0, 0, 1, 1], [], []>, transpose_lhs_hint = false} : vector<1x16xf32>, vector<16x272xf32>, vector<1x272xf32> -> vector<1x272xf32>
      %get3A_1371 = arith.index_cast %squeeze3A_1365 : i32 to index
      %get3A_1372 = arith.constant 0 : index
      %get3A_1373 = vector.load %arg4[%get3A_1371, %get3A_1372] : memref<10000x272xf32, #tpu.memory_space<vmem>>, vector<1x272xf32>
      %get3A_1374 = arith.index_cast %squeeze3A_1367 : i32 to index
      %get3A_1375 = arith.constant 0 : index
      %get3A_1376 = vector.load %arg6[%get3A_1374, %get3A_1375] : memref<10000x272xf32, #tpu.memory_space<vmem>>, vector<1x272xf32>
      %mul3A_1377 = arith.mulf %get3A_1373, %dot_general3A_1370 : vector<1x272xf32>
      %add3A_1378 = arith.addf %get3A_1376, %mul3A_1377 : vector<1x272xf32>
      %swap3A_1379 = arith.index_cast %squeeze3A_1367 : i32 to index
      %swap3A_1380 = arith.constant 0 : index
      %swap3A_1381 = vector.load %arg6[%swap3A_1379, %swap3A_1380] : memref<10000x272xf32, #tpu.memory_space<vmem>>, vector<1x272xf32>
      tpu.vector_store %arg6[%swap3A_1379, %swap3A_1380], %add3A_1378 {strides = array<i32>} : memref<10000x272xf32, #tpu.memory_space<vmem>>, vector<1x272xf32>,
      %slice3A_1382 = vector.extract_strided_slice %get3A_12 {offsets = [0, 76], sizes = [1, 1], strides = [1, 1]} : vector<1x128xi32> to vector<1x1xi32>
      %squeeze3A_1383 = vector.extract %slice3A_1382[0, 0] : i32 from vector<1x1xi32>
      %slice3A_1384 = vector.extract_strided_slice %get3A_15 {offsets = [0, 76], sizes = [1, 1], strides = [1, 1]} : vector<1x128xi32> to vector<1x1xi32>
      %squeeze3A_1385 = vector.extract %slice3A_1384[0, 0] : i32 from vector<1x1xi32>
      %slice3A_1386 = vector.extract_strided_slice %get3A_18 {offsets = [0, 1216], sizes = [1, 16], strides = [1, 1]} : vector<1x2048xf32> to vector<1x16xf32>
      %dot_general3A_1387 = arith.constant dense<0.000000e+00> : vector<1x272xf32>
      %dot_general3A_1388 = tpu.matmul %slice3A_1386, %get3A_4, %dot_general3A_1387 {dimension_numbers = #tpu.dot_dimension_numbers<[1], [0], [0], [1], [0, 0, 1, 1], [], []>, transpose_lhs_hint = false} : vector<1x16xf32>, vector<16x272xf32>, vector<1x272xf32> -> vector<1x272xf32>
      %get3A_1389 = arith.index_cast %squeeze3A_1383 : i32 to index
      %get3A_1390 = arith.constant 0 : index
      %get3A_1391 = vector.load %arg4[%get3A_1389, %get3A_1390] : memref<10000x272xf32, #tpu.memory_space<vmem>>, vector<1x272xf32>
      %get3A_1392 = arith.index_cast %squeeze3A_1385 : i32 to index
      %get3A_1393 = arith.constant 0 : index
      %get3A_1394 = vector.load %arg6[%get3A_1392, %get3A_1393] : memref<10000x272xf32, #tpu.memory_space<vmem>>, vector<1x272xf32>
      %mul3A_1395 = arith.mulf %get3A_1391, %dot_general3A_1388 : vector<1x272xf32>
      %add3A_1396 = arith.addf %get3A_1394, %mul3A_1395 : vector<1x272xf32>
      %swap3A_1397 = arith.index_cast %squeeze3A_1385 : i32 to index
      %swap3A_1398 = arith.constant 0 : index
      %swap3A_1399 = vector.load %arg6[%swap3A_1397, %swap3A_1398] : memref<10000x272xf32, #tpu.memory_space<vmem>>, vector<1x272xf32>
      tpu.vector_store %arg6[%swap3A_1397, %swap3A_1398], %add3A_1396 {strides = array<i32>} : memref<10000x272xf32, #tpu.memory_space<vmem>>, vector<1x272xf32>,
      %slice3A_1400 = vector.extract_strided_slice %get3A_12 {offsets = [0, 77], sizes = [1, 1], strides = [1, 1]} : vector<1x128xi32> to vector<1x1xi32>
      %squeeze3A_1401 = vector.extract %slice3A_1400[0, 0] : i32 from vector<1x1xi32>
      %slice3A_1402 = vector.extract_strided_slice %get3A_15 {offsets = [0, 77], sizes = [1, 1], strides = [1, 1]} : vector<1x128xi32> to vector<1x1xi32>
      %squeeze3A_1403 = vector.extract %slice3A_1402[0, 0] : i32 from vector<1x1xi32>
      %slice3A_1404 = vector.extract_strided_slice %get3A_18 {offsets = [0, 1232], sizes = [1, 16], strides = [1, 1]} : vector<1x2048xf32> to vector<1x16xf32>
      %dot_general3A_1405 = arith.constant dense<0.000000e+00> : vector<1x272xf32>
      %dot_general3A_1406 = tpu.matmul %slice3A_1404, %get3A_4, %dot_general3A_1405 {dimension_numbers = #tpu.dot_dimension_numbers<[1], [0], [0], [1], [0, 0, 1, 1], [], []>, transpose_lhs_hint = false} : vector<1x16xf32>, vector<16x272xf32>, vector<1x272xf32> -> vector<1x272xf32>
      %get3A_1407 = arith.index_cast %squeeze3A_1401 : i32 to index
      %get3A_1408 = arith.constant 0 : index
      %get3A_1409 = vector.load %arg4[%get3A_1407, %get3A_1408] : memref<10000x272xf32, #tpu.memory_space<vmem>>, vector<1x272xf32>
      %get3A_1410 = arith.index_cast %squeeze3A_1403 : i32 to index
      %get3A_1411 = arith.constant 0 : index
      %get3A_1412 = vector.load %arg6[%get3A_1410, %get3A_1411] : memref<10000x272xf32, #tpu.memory_space<vmem>>, vector<1x272xf32>
      %mul3A_1413 = arith.mulf %get3A_1409, %dot_general3A_1406 : vector<1x272xf32>
      %add3A_1414 = arith.addf %get3A_1412, %mul3A_1413 : vector<1x272xf32>
      %swap3A_1415 = arith.index_cast %squeeze3A_1403 : i32 to index
      %swap3A_1416 = arith.constant 0 : index
      %swap3A_1417 = vector.load %arg6[%swap3A_1415, %swap3A_1416] : memref<10000x272xf32, #tpu.memory_space<vmem>>, vector<1x272xf32>
      tpu.vector_store %arg6[%swap3A_1415, %swap3A_1416], %add3A_1414 {strides = array<i32>} : memref<10000x272xf32, #tpu.memory_space<vmem>>, vector<1x272xf32>,
      %slice3A_1418 = vector.extract_strided_slice %get3A_12 {offsets = [0, 78], sizes = [1, 1], strides = [1, 1]} : vector<1x128xi32> to vector<1x1xi32>
      %squeeze3A_1419 = vector.extract %slice3A_1418[0, 0] : i32 from vector<1x1xi32>
      %slice3A_1420 = vector.extract_strided_slice %get3A_15 {offsets = [0, 78], sizes = [1, 1], strides = [1, 1]} : vector<1x128xi32> to vector<1x1xi32>
      %squeeze3A_1421 = vector.extract %slice3A_1420[0, 0] : i32 from vector<1x1xi32>
      %slice3A_1422 = vector.extract_strided_slice %get3A_18 {offsets = [0, 1248], sizes = [1, 16], strides = [1, 1]} : vector<1x2048xf32> to vector<1x16xf32>
      %dot_general3A_1423 = arith.constant dense<0.000000e+00> : vector<1x272xf32>
      %dot_general3A_1424 = tpu.matmul %slice3A_1422, %get3A_4, %dot_general3A_1423 {dimension_numbers = #tpu.dot_dimension_numbers<[1], [0], [0], [1], [0, 0, 1, 1], [], []>, transpose_lhs_hint = false} : vector<1x16xf32>, vector<16x272xf32>, vector<1x272xf32> -> vector<1x272xf32>
      %get3A_1425 = arith.index_cast %squeeze3A_1419 : i32 to index
      %get3A_1426 = arith.constant 0 : index
      %get3A_1427 = vector.load %arg4[%get3A_1425, %get3A_1426] : memref<10000x272xf32, #tpu.memory_space<vmem>>, vector<1x272xf32>
      %get3A_1428 = arith.index_cast %squeeze3A_1421 : i32 to index
      %get3A_1429 = arith.constant 0 : index
      %get3A_1430 = vector.load %arg6[%get3A_1428, %get3A_1429] : memref<10000x272xf32, #tpu.memory_space<vmem>>, vector<1x272xf32>
      %mul3A_1431 = arith.mulf %get3A_1427, %dot_general3A_1424 : vector<1x272xf32>
      %add3A_1432 = arith.addf %get3A_1430, %mul3A_1431 : vector<1x272xf32>
      %swap3A_1433 = arith.index_cast %squeeze3A_1421 : i32 to index
      %swap3A_1434 = arith.constant 0 : index
      %swap3A_1435 = vector.load %arg6[%swap3A_1433, %swap3A_1434] : memref<10000x272xf32, #tpu.memory_space<vmem>>, vector<1x272xf32>
      tpu.vector_store %arg6[%swap3A_1433, %swap3A_1434], %add3A_1432 {strides = array<i32>} : memref<10000x272xf32, #tpu.memory_space<vmem>>, vector<1x272xf32>,
      %slice3A_1436 = vector.extract_strided_slice %get3A_12 {offsets = [0, 79], sizes = [1, 1], strides = [1, 1]} : vector<1x128xi32> to vector<1x1xi32>
      %squeeze3A_1437 = vector.extract %slice3A_1436[0, 0] : i32 from vector<1x1xi32>
      %slice3A_1438 = vector.extract_strided_slice %get3A_15 {offsets = [0, 79], sizes = [1, 1], strides = [1, 1]} : vector<1x128xi32> to vector<1x1xi32>
      %squeeze3A_1439 = vector.extract %slice3A_1438[0, 0] : i32 from vector<1x1xi32>
      %slice3A_1440 = vector.extract_strided_slice %get3A_18 {offsets = [0, 1264], sizes = [1, 16], strides = [1, 1]} : vector<1x2048xf32> to vector<1x16xf32>
      %dot_general3A_1441 = arith.constant dense<0.000000e+00> : vector<1x272xf32>
      %dot_general3A_1442 = tpu.matmul %slice3A_1440, %get3A_4, %dot_general3A_1441 {dimension_numbers = #tpu.dot_dimension_numbers<[1], [0], [0], [1], [0, 0, 1, 1], [], []>, transpose_lhs_hint = false} : vector<1x16xf32>, vector<16x272xf32>, vector<1x272xf32> -> vector<1x272xf32>
      %get3A_1443 = arith.index_cast %squeeze3A_1437 : i32 to index
      %get3A_1444 = arith.constant 0 : index
      %get3A_1445 = vector.load %arg4[%get3A_1443, %get3A_1444] : memref<10000x272xf32, #tpu.memory_space<vmem>>, vector<1x272xf32>
      %get3A_1446 = arith.index_cast %squeeze3A_1439 : i32 to index
      %get3A_1447 = arith.constant 0 : index
      %get3A_1448 = vector.load %arg6[%get3A_1446, %get3A_1447] : memref<10000x272xf32, #tpu.memory_space<vmem>>, vector<1x272xf32>
      %mul3A_1449 = arith.mulf %get3A_1445, %dot_general3A_1442 : vector<1x272xf32>
      %add3A_1450 = arith.addf %get3A_1448, %mul3A_1449 : vector<1x272xf32>
      %swap3A_1451 = arith.index_cast %squeeze3A_1439 : i32 to index
      %swap3A_1452 = arith.constant 0 : index
      %swap3A_1453 = vector.load %arg6[%swap3A_1451, %swap3A_1452] : memref<10000x272xf32, #tpu.memory_space<vmem>>, vector<1x272xf32>
      tpu.vector_store %arg6[%swap3A_1451, %swap3A_1452], %add3A_1450 {strides = array<i32>} : memref<10000x272xf32, #tpu.memory_space<vmem>>, vector<1x272xf32>,
      %slice3A_1454 = vector.extract_strided_slice %get3A_12 {offsets = [0, 80], sizes = [1, 1], strides = [1, 1]} : vector<1x128xi32> to vector<1x1xi32>
      %squeeze3A_1455 = vector.extract %slice3A_1454[0, 0] : i32 from vector<1x1xi32>
      %slice3A_1456 = vector.extract_strided_slice %get3A_15 {offsets = [0, 80], sizes = [1, 1], strides = [1, 1]} : vector<1x128xi32> to vector<1x1xi32>
      %squeeze3A_1457 = vector.extract %slice3A_1456[0, 0] : i32 from vector<1x1xi32>
      %slice3A_1458 = vector.extract_strided_slice %get3A_18 {offsets = [0, 1280], sizes = [1, 16], strides = [1, 1]} : vector<1x2048xf32> to vector<1x16xf32>
      %dot_general3A_1459 = arith.constant dense<0.000000e+00> : vector<1x272xf32>
      %dot_general3A_1460 = tpu.matmul %slice3A_1458, %get3A_4, %dot_general3A_1459 {dimension_numbers = #tpu.dot_dimension_numbers<[1], [0], [0], [1], [0, 0, 1, 1], [], []>, transpose_lhs_hint = false} : vector<1x16xf32>, vector<16x272xf32>, vector<1x272xf32> -> vector<1x272xf32>
      %get3A_1461 = arith.index_cast %squeeze3A_1455 : i32 to index
      %get3A_1462 = arith.constant 0 : index
      %get3A_1463 = vector.load %arg4[%get3A_1461, %get3A_1462] : memref<10000x272xf32, #tpu.memory_space<vmem>>, vector<1x272xf32>
      %get3A_1464 = arith.index_cast %squeeze3A_1457 : i32 to index
      %get3A_1465 = arith.constant 0 : index
      %get3A_1466 = vector.load %arg6[%get3A_1464, %get3A_1465] : memref<10000x272xf32, #tpu.memory_space<vmem>>, vector<1x272xf32>
      %mul3A_1467 = arith.mulf %get3A_1463, %dot_general3A_1460 : vector<1x272xf32>
      %add3A_1468 = arith.addf %get3A_1466, %mul3A_1467 : vector<1x272xf32>
      %swap3A_1469 = arith.index_cast %squeeze3A_1457 : i32 to index
      %swap3A_1470 = arith.constant 0 : index
      %swap3A_1471 = vector.load %arg6[%swap3A_1469, %swap3A_1470] : memref<10000x272xf32, #tpu.memory_space<vmem>>, vector<1x272xf32>
      tpu.vector_store %arg6[%swap3A_1469, %swap3A_1470], %add3A_1468 {strides = array<i32>} : memref<10000x272xf32, #tpu.memory_space<vmem>>, vector<1x272xf32>,
      %slice3A_1472 = vector.extract_strided_slice %get3A_12 {offsets = [0, 81], sizes = [1, 1], strides = [1, 1]} : vector<1x128xi32> to vector<1x1xi32>
      %squeeze3A_1473 = vector.extract %slice3A_1472[0, 0] : i32 from vector<1x1xi32>
      %slice3A_1474 = vector.extract_strided_slice %get3A_15 {offsets = [0, 81], sizes = [1, 1], strides = [1, 1]} : vector<1x128xi32> to vector<1x1xi32>
      %squeeze3A_1475 = vector.extract %slice3A_1474[0, 0] : i32 from vector<1x1xi32>
      %slice3A_1476 = vector.extract_strided_slice %get3A_18 {offsets = [0, 1296], sizes = [1, 16], strides = [1, 1]} : vector<1x2048xf32> to vector<1x16xf32>
      %dot_general3A_1477 = arith.constant dense<0.000000e+00> : vector<1x272xf32>
      %dot_general3A_1478 = tpu.matmul %slice3A_1476, %get3A_4, %dot_general3A_1477 {dimension_numbers = #tpu.dot_dimension_numbers<[1], [0], [0], [1], [0, 0, 1, 1], [], []>, transpose_lhs_hint = false} : vector<1x16xf32>, vector<16x272xf32>, vector<1x272xf32> -> vector<1x272xf32>
      %get3A_1479 = arith.index_cast %squeeze3A_1473 : i32 to index
      %get3A_1480 = arith.constant 0 : index
      %get3A_1481 = vector.load %arg4[%get3A_1479, %get3A_1480] : memref<10000x272xf32, #tpu.memory_space<vmem>>, vector<1x272xf32>
      %get3A_1482 = arith.index_cast %squeeze3A_1475 : i32 to index
      %get3A_1483 = arith.constant 0 : index
      %get3A_1484 = vector.load %arg6[%get3A_1482, %get3A_1483] : memref<10000x272xf32, #tpu.memory_space<vmem>>, vector<1x272xf32>
      %mul3A_1485 = arith.mulf %get3A_1481, %dot_general3A_1478 : vector<1x272xf32>
      %add3A_1486 = arith.addf %get3A_1484, %mul3A_1485 : vector<1x272xf32>
      %swap3A_1487 = arith.index_cast %squeeze3A_1475 : i32 to index
      %swap3A_1488 = arith.constant 0 : index
      %swap3A_1489 = vector.load %arg6[%swap3A_1487, %swap3A_1488] : memref<10000x272xf32, #tpu.memory_space<vmem>>, vector<1x272xf32>
      tpu.vector_store %arg6[%swap3A_1487, %swap3A_1488], %add3A_1486 {strides = array<i32>} : memref<10000x272xf32, #tpu.memory_space<vmem>>, vector<1x272xf32>,
      %slice3A_1490 = vector.extract_strided_slice %get3A_12 {offsets = [0, 82], sizes = [1, 1], strides = [1, 1]} : vector<1x128xi32> to vector<1x1xi32>
      %squeeze3A_1491 = vector.extract %slice3A_1490[0, 0] : i32 from vector<1x1xi32>
      %slice3A_1492 = vector.extract_strided_slice %get3A_15 {offsets = [0, 82], sizes = [1, 1], strides = [1, 1]} : vector<1x128xi32> to vector<1x1xi32>
      %squeeze3A_1493 = vector.extract %slice3A_1492[0, 0] : i32 from vector<1x1xi32>
      %slice3A_1494 = vector.extract_strided_slice %get3A_18 {offsets = [0, 1312], sizes = [1, 16], strides = [1, 1]} : vector<1x2048xf32> to vector<1x16xf32>
      %dot_general3A_1495 = arith.constant dense<0.000000e+00> : vector<1x272xf32>
      %dot_general3A_1496 = tpu.matmul %slice3A_1494, %get3A_4, %dot_general3A_1495 {dimension_numbers = #tpu.dot_dimension_numbers<[1], [0], [0], [1], [0, 0, 1, 1], [], []>, transpose_lhs_hint = false} : vector<1x16xf32>, vector<16x272xf32>, vector<1x272xf32> -> vector<1x272xf32>
      %get3A_1497 = arith.index_cast %squeeze3A_1491 : i32 to index
      %get3A_1498 = arith.constant 0 : index
      %get3A_1499 = vector.load %arg4[%get3A_1497, %get3A_1498] : memref<10000x272xf32, #tpu.memory_space<vmem>>, vector<1x272xf32>
      %get3A_1500 = arith.index_cast %squeeze3A_1493 : i32 to index
      %get3A_1501 = arith.constant 0 : index
      %get3A_1502 = vector.load %arg6[%get3A_1500, %get3A_1501] : memref<10000x272xf32, #tpu.memory_space<vmem>>, vector<1x272xf32>
      %mul3A_1503 = arith.mulf %get3A_1499, %dot_general3A_1496 : vector<1x272xf32>
      %add3A_1504 = arith.addf %get3A_1502, %mul3A_1503 : vector<1x272xf32>
      %swap3A_1505 = arith.index_cast %squeeze3A_1493 : i32 to index
      %swap3A_1506 = arith.constant 0 : index
      %swap3A_1507 = vector.load %arg6[%swap3A_1505, %swap3A_1506] : memref<10000x272xf32, #tpu.memory_space<vmem>>, vector<1x272xf32>
      tpu.vector_store %arg6[%swap3A_1505, %swap3A_1506], %add3A_1504 {strides = array<i32>} : memref<10000x272xf32, #tpu.memory_space<vmem>>, vector<1x272xf32>,
      %slice3A_1508 = vector.extract_strided_slice %get3A_12 {offsets = [0, 83], sizes = [1, 1], strides = [1, 1]} : vector<1x128xi32> to vector<1x1xi32>
      %squeeze3A_1509 = vector.extract %slice3A_1508[0, 0] : i32 from vector<1x1xi32>
      %slice3A_1510 = vector.extract_strided_slice %get3A_15 {offsets = [0, 83], sizes = [1, 1], strides = [1, 1]} : vector<1x128xi32> to vector<1x1xi32>
      %squeeze3A_1511 = vector.extract %slice3A_1510[0, 0] : i32 from vector<1x1xi32>
      %slice3A_1512 = vector.extract_strided_slice %get3A_18 {offsets = [0, 1328], sizes = [1, 16], strides = [1, 1]} : vector<1x2048xf32> to vector<1x16xf32>
      %dot_general3A_1513 = arith.constant dense<0.000000e+00> : vector<1x272xf32>
      %dot_general3A_1514 = tpu.matmul %slice3A_1512, %get3A_4, %dot_general3A_1513 {dimension_numbers = #tpu.dot_dimension_numbers<[1], [0], [0], [1], [0, 0, 1, 1], [], []>, transpose_lhs_hint = false} : vector<1x16xf32>, vector<16x272xf32>, vector<1x272xf32> -> vector<1x272xf32>
      %get3A_1515 = arith.index_cast %squeeze3A_1509 : i32 to index
      %get3A_1516 = arith.constant 0 : index
      %get3A_1517 = vector.load %arg4[%get3A_1515, %get3A_1516] : memref<10000x272xf32, #tpu.memory_space<vmem>>, vector<1x272xf32>
      %get3A_1518 = arith.index_cast %squeeze3A_1511 : i32 to index
      %get3A_1519 = arith.constant 0 : index
      %get3A_1520 = vector.load %arg6[%get3A_1518, %get3A_1519] : memref<10000x272xf32, #tpu.memory_space<vmem>>, vector<1x272xf32>
      %mul3A_1521 = arith.mulf %get3A_1517, %dot_general3A_1514 : vector<1x272xf32>
      %add3A_1522 = arith.addf %get3A_1520, %mul3A_1521 : vector<1x272xf32>
      %swap3A_1523 = arith.index_cast %squeeze3A_1511 : i32 to index
      %swap3A_1524 = arith.constant 0 : index
      %swap3A_1525 = vector.load %arg6[%swap3A_1523, %swap3A_1524] : memref<10000x272xf32, #tpu.memory_space<vmem>>, vector<1x272xf32>
      tpu.vector_store %arg6[%swap3A_1523, %swap3A_1524], %add3A_1522 {strides = array<i32>} : memref<10000x272xf32, #tpu.memory_space<vmem>>, vector<1x272xf32>,
      %slice3A_1526 = vector.extract_strided_slice %get3A_12 {offsets = [0, 84], sizes = [1, 1], strides = [1, 1]} : vector<1x128xi32> to vector<1x1xi32>
      %squeeze3A_1527 = vector.extract %slice3A_1526[0, 0] : i32 from vector<1x1xi32>
      %slice3A_1528 = vector.extract_strided_slice %get3A_15 {offsets = [0, 84], sizes = [1, 1], strides = [1, 1]} : vector<1x128xi32> to vector<1x1xi32>
      %squeeze3A_1529 = vector.extract %slice3A_1528[0, 0] : i32 from vector<1x1xi32>
      %slice3A_1530 = vector.extract_strided_slice %get3A_18 {offsets = [0, 1344], sizes = [1, 16], strides = [1, 1]} : vector<1x2048xf32> to vector<1x16xf32>
      %dot_general3A_1531 = arith.constant dense<0.000000e+00> : vector<1x272xf32>
      %dot_general3A_1532 = tpu.matmul %slice3A_1530, %get3A_4, %dot_general3A_1531 {dimension_numbers = #tpu.dot_dimension_numbers<[1], [0], [0], [1], [0, 0, 1, 1], [], []>, transpose_lhs_hint = false} : vector<1x16xf32>, vector<16x272xf32>, vector<1x272xf32> -> vector<1x272xf32>
      %get3A_1533 = arith.index_cast %squeeze3A_1527 : i32 to index
      %get3A_1534 = arith.constant 0 : index
      %get3A_1535 = vector.load %arg4[%get3A_1533, %get3A_1534] : memref<10000x272xf32, #tpu.memory_space<vmem>>, vector<1x272xf32>
      %get3A_1536 = arith.index_cast %squeeze3A_1529 : i32 to index
      %get3A_1537 = arith.constant 0 : index
      %get3A_1538 = vector.load %arg6[%get3A_1536, %get3A_1537] : memref<10000x272xf32, #tpu.memory_space<vmem>>, vector<1x272xf32>
      %mul3A_1539 = arith.mulf %get3A_1535, %dot_general3A_1532 : vector<1x272xf32>
      %add3A_1540 = arith.addf %get3A_1538, %mul3A_1539 : vector<1x272xf32>
      %swap3A_1541 = arith.index_cast %squeeze3A_1529 : i32 to index
      %swap3A_1542 = arith.constant 0 : index
      %swap3A_1543 = vector.load %arg6[%swap3A_1541, %swap3A_1542] : memref<10000x272xf32, #tpu.memory_space<vmem>>, vector<1x272xf32>
      tpu.vector_store %arg6[%swap3A_1541, %swap3A_1542], %add3A_1540 {strides = array<i32>} : memref<10000x272xf32, #tpu.memory_space<vmem>>, vector<1x272xf32>,
      %slice3A_1544 = vector.extract_strided_slice %get3A_12 {offsets = [0, 85], sizes = [1, 1], strides = [1, 1]} : vector<1x128xi32> to vector<1x1xi32>
      %squeeze3A_1545 = vector.extract %slice3A_1544[0, 0] : i32 from vector<1x1xi32>
      %slice3A_1546 = vector.extract_strided_slice %get3A_15 {offsets = [0, 85], sizes = [1, 1], strides = [1, 1]} : vector<1x128xi32> to vector<1x1xi32>
      %squeeze3A_1547 = vector.extract %slice3A_1546[0, 0] : i32 from vector<1x1xi32>
      %slice3A_1548 = vector.extract_strided_slice %get3A_18 {offsets = [0, 1360], sizes = [1, 16], strides = [1, 1]} : vector<1x2048xf32> to vector<1x16xf32>
      %dot_general3A_1549 = arith.constant dense<0.000000e+00> : vector<1x272xf32>
      %dot_general3A_1550 = tpu.matmul %slice3A_1548, %get3A_4, %dot_general3A_1549 {dimension_numbers = #tpu.dot_dimension_numbers<[1], [0], [0], [1], [0, 0, 1, 1], [], []>, transpose_lhs_hint = false} : vector<1x16xf32>, vector<16x272xf32>, vector<1x272xf32> -> vector<1x272xf32>
      %get3A_1551 = arith.index_cast %squeeze3A_1545 : i32 to index
      %get3A_1552 = arith.constant 0 : index
      %get3A_1553 = vector.load %arg4[%get3A_1551, %get3A_1552] : memref<10000x272xf32, #tpu.memory_space<vmem>>, vector<1x272xf32>
      %get3A_1554 = arith.index_cast %squeeze3A_1547 : i32 to index
      %get3A_1555 = arith.constant 0 : index
      %get3A_1556 = vector.load %arg6[%get3A_1554, %get3A_1555] : memref<10000x272xf32, #tpu.memory_space<vmem>>, vector<1x272xf32>
      %mul3A_1557 = arith.mulf %get3A_1553, %dot_general3A_1550 : vector<1x272xf32>
      %add3A_1558 = arith.addf %get3A_1556, %mul3A_1557 : vector<1x272xf32>
      %swap3A_1559 = arith.index_cast %squeeze3A_1547 : i32 to index
      %swap3A_1560 = arith.constant 0 : index
      %swap3A_1561 = vector.load %arg6[%swap3A_1559, %swap3A_1560] : memref<10000x272xf32, #tpu.memory_space<vmem>>, vector<1x272xf32>
      tpu.vector_store %arg6[%swap3A_1559, %swap3A_1560], %add3A_1558 {strides = array<i32>} : memref<10000x272xf32, #tpu.memory_space<vmem>>, vector<1x272xf32>,
      %slice3A_1562 = vector.extract_strided_slice %get3A_12 {offsets = [0, 86], sizes = [1, 1], strides = [1, 1]} : vector<1x128xi32> to vector<1x1xi32>
      %squeeze3A_1563 = vector.extract %slice3A_1562[0, 0] : i32 from vector<1x1xi32>
      %slice3A_1564 = vector.extract_strided_slice %get3A_15 {offsets = [0, 86], sizes = [1, 1], strides = [1, 1]} : vector<1x128xi32> to vector<1x1xi32>
      %squeeze3A_1565 = vector.extract %slice3A_1564[0, 0] : i32 from vector<1x1xi32>
      %slice3A_1566 = vector.extract_strided_slice %get3A_18 {offsets = [0, 1376], sizes = [1, 16], strides = [1, 1]} : vector<1x2048xf32> to vector<1x16xf32>
      %dot_general3A_1567 = arith.constant dense<0.000000e+00> : vector<1x272xf32>
      %dot_general3A_1568 = tpu.matmul %slice3A_1566, %get3A_4, %dot_general3A_1567 {dimension_numbers = #tpu.dot_dimension_numbers<[1], [0], [0], [1], [0, 0, 1, 1], [], []>, transpose_lhs_hint = false} : vector<1x16xf32>, vector<16x272xf32>, vector<1x272xf32> -> vector<1x272xf32>
      %get3A_1569 = arith.index_cast %squeeze3A_1563 : i32 to index
      %get3A_1570 = arith.constant 0 : index
      %get3A_1571 = vector.load %arg4[%get3A_1569, %get3A_1570] : memref<10000x272xf32, #tpu.memory_space<vmem>>, vector<1x272xf32>
      %get3A_1572 = arith.index_cast %squeeze3A_1565 : i32 to index
      %get3A_1573 = arith.constant 0 : index
      %get3A_1574 = vector.load %arg6[%get3A_1572, %get3A_1573] : memref<10000x272xf32, #tpu.memory_space<vmem>>, vector<1x272xf32>
      %mul3A_1575 = arith.mulf %get3A_1571, %dot_general3A_1568 : vector<1x272xf32>
      %add3A_1576 = arith.addf %get3A_1574, %mul3A_1575 : vector<1x272xf32>
      %swap3A_1577 = arith.index_cast %squeeze3A_1565 : i32 to index
      %swap3A_1578 = arith.constant 0 : index
      %swap3A_1579 = vector.load %arg6[%swap3A_1577, %swap3A_1578] : memref<10000x272xf32, #tpu.memory_space<vmem>>, vector<1x272xf32>
      tpu.vector_store %arg6[%swap3A_1577, %swap3A_1578], %add3A_1576 {strides = array<i32>} : memref<10000x272xf32, #tpu.memory_space<vmem>>, vector<1x272xf32>,
      %slice3A_1580 = vector.extract_strided_slice %get3A_12 {offsets = [0, 87], sizes = [1, 1], strides = [1, 1]} : vector<1x128xi32> to vector<1x1xi32>
      %squeeze3A_1581 = vector.extract %slice3A_1580[0, 0] : i32 from vector<1x1xi32>
      %slice3A_1582 = vector.extract_strided_slice %get3A_15 {offsets = [0, 87], sizes = [1, 1], strides = [1, 1]} : vector<1x128xi32> to vector<1x1xi32>
      %squeeze3A_1583 = vector.extract %slice3A_1582[0, 0] : i32 from vector<1x1xi32>
      %slice3A_1584 = vector.extract_strided_slice %get3A_18 {offsets = [0, 1392], sizes = [1, 16], strides = [1, 1]} : vector<1x2048xf32> to vector<1x16xf32>
      %dot_general3A_1585 = arith.constant dense<0.000000e+00> : vector<1x272xf32>
      %dot_general3A_1586 = tpu.matmul %slice3A_1584, %get3A_4, %dot_general3A_1585 {dimension_numbers = #tpu.dot_dimension_numbers<[1], [0], [0], [1], [0, 0, 1, 1], [], []>, transpose_lhs_hint = false} : vector<1x16xf32>, vector<16x272xf32>, vector<1x272xf32> -> vector<1x272xf32>
      %get3A_1587 = arith.index_cast %squeeze3A_1581 : i32 to index
      %get3A_1588 = arith.constant 0 : index
      %get3A_1589 = vector.load %arg4[%get3A_1587, %get3A_1588] : memref<10000x272xf32, #tpu.memory_space<vmem>>, vector<1x272xf32>
      %get3A_1590 = arith.index_cast %squeeze3A_1583 : i32 to index
      %get3A_1591 = arith.constant 0 : index
      %get3A_1592 = vector.load %arg6[%get3A_1590, %get3A_1591] : memref<10000x272xf32, #tpu.memory_space<vmem>>, vector<1x272xf32>
      %mul3A_1593 = arith.mulf %get3A_1589, %dot_general3A_1586 : vector<1x272xf32>
      %add3A_1594 = arith.addf %get3A_1592, %mul3A_1593 : vector<1x272xf32>
      %swap3A_1595 = arith.index_cast %squeeze3A_1583 : i32 to index
      %swap3A_1596 = arith.constant 0 : index
      %swap3A_1597 = vector.load %arg6[%swap3A_1595, %swap3A_1596] : memref<10000x272xf32, #tpu.memory_space<vmem>>, vector<1x272xf32>
      tpu.vector_store %arg6[%swap3A_1595, %swap3A_1596], %add3A_1594 {strides = array<i32>} : memref<10000x272xf32, #tpu.memory_space<vmem>>, vector<1x272xf32>,
      %slice3A_1598 = vector.extract_strided_slice %get3A_12 {offsets = [0, 88], sizes = [1, 1], strides = [1, 1]} : vector<1x128xi32> to vector<1x1xi32>
      %squeeze3A_1599 = vector.extract %slice3A_1598[0, 0] : i32 from vector<1x1xi32>
      %slice3A_1600 = vector.extract_strided_slice %get3A_15 {offsets = [0, 88], sizes = [1, 1], strides = [1, 1]} : vector<1x128xi32> to vector<1x1xi32>
      %squeeze3A_1601 = vector.extract %slice3A_1600[0, 0] : i32 from vector<1x1xi32>
      %slice3A_1602 = vector.extract_strided_slice %get3A_18 {offsets = [0, 1408], sizes = [1, 16], strides = [1, 1]} : vector<1x2048xf32> to vector<1x16xf32>
      %dot_general3A_1603 = arith.constant dense<0.000000e+00> : vector<1x272xf32>
      %dot_general3A_1604 = tpu.matmul %slice3A_1602, %get3A_4, %dot_general3A_1603 {dimension_numbers = #tpu.dot_dimension_numbers<[1], [0], [0], [1], [0, 0, 1, 1], [], []>, transpose_lhs_hint = false} : vector<1x16xf32>, vector<16x272xf32>, vector<1x272xf32> -> vector<1x272xf32>
      %get3A_1605 = arith.index_cast %squeeze3A_1599 : i32 to index
      %get3A_1606 = arith.constant 0 : index
      %get3A_1607 = vector.load %arg4[%get3A_1605, %get3A_1606] : memref<10000x272xf32, #tpu.memory_space<vmem>>, vector<1x272xf32>
      %get3A_1608 = arith.index_cast %squeeze3A_1601 : i32 to index
      %get3A_1609 = arith.constant 0 : index
      %get3A_1610 = vector.load %arg6[%get3A_1608, %get3A_1609] : memref<10000x272xf32, #tpu.memory_space<vmem>>, vector<1x272xf32>
      %mul3A_1611 = arith.mulf %get3A_1607, %dot_general3A_1604 : vector<1x272xf32>
      %add3A_1612 = arith.addf %get3A_1610, %mul3A_1611 : vector<1x272xf32>
      %swap3A_1613 = arith.index_cast %squeeze3A_1601 : i32 to index
      %swap3A_1614 = arith.constant 0 : index
      %swap3A_1615 = vector.load %arg6[%swap3A_1613, %swap3A_1614] : memref<10000x272xf32, #tpu.memory_space<vmem>>, vector<1x272xf32>
      tpu.vector_store %arg6[%swap3A_1613, %swap3A_1614], %add3A_1612 {strides = array<i32>} : memref<10000x272xf32, #tpu.memory_space<vmem>>, vector<1x272xf32>,
      %slice3A_1616 = vector.extract_strided_slice %get3A_12 {offsets = [0, 89], sizes = [1, 1], strides = [1, 1]} : vector<1x128xi32> to vector<1x1xi32>
      %squeeze3A_1617 = vector.extract %slice3A_1616[0, 0] : i32 from vector<1x1xi32>
      %slice3A_1618 = vector.extract_strided_slice %get3A_15 {offsets = [0, 89], sizes = [1, 1], strides = [1, 1]} : vector<1x128xi32> to vector<1x1xi32>
      %squeeze3A_1619 = vector.extract %slice3A_1618[0, 0] : i32 from vector<1x1xi32>
      %slice3A_1620 = vector.extract_strided_slice %get3A_18 {offsets = [0, 1424], sizes = [1, 16], strides = [1, 1]} : vector<1x2048xf32> to vector<1x16xf32>
      %dot_general3A_1621 = arith.constant dense<0.000000e+00> : vector<1x272xf32>
      %dot_general3A_1622 = tpu.matmul %slice3A_1620, %get3A_4, %dot_general3A_1621 {dimension_numbers = #tpu.dot_dimension_numbers<[1], [0], [0], [1], [0, 0, 1, 1], [], []>, transpose_lhs_hint = false} : vector<1x16xf32>, vector<16x272xf32>, vector<1x272xf32> -> vector<1x272xf32>
      %get3A_1623 = arith.index_cast %squeeze3A_1617 : i32 to index
      %get3A_1624 = arith.constant 0 : index
      %get3A_1625 = vector.load %arg4[%get3A_1623, %get3A_1624] : memref<10000x272xf32, #tpu.memory_space<vmem>>, vector<1x272xf32>
      %get3A_1626 = arith.index_cast %squeeze3A_1619 : i32 to index
      %get3A_1627 = arith.constant 0 : index
      %get3A_1628 = vector.load %arg6[%get3A_1626, %get3A_1627] : memref<10000x272xf32, #tpu.memory_space<vmem>>, vector<1x272xf32>
      %mul3A_1629 = arith.mulf %get3A_1625, %dot_general3A_1622 : vector<1x272xf32>
      %add3A_1630 = arith.addf %get3A_1628, %mul3A_1629 : vector<1x272xf32>
      %swap3A_1631 = arith.index_cast %squeeze3A_1619 : i32 to index
      %swap3A_1632 = arith.constant 0 : index
      %swap3A_1633 = vector.load %arg6[%swap3A_1631, %swap3A_1632] : memref<10000x272xf32, #tpu.memory_space<vmem>>, vector<1x272xf32>
      tpu.vector_store %arg6[%swap3A_1631, %swap3A_1632], %add3A_1630 {strides = array<i32>} : memref<10000x272xf32, #tpu.memory_space<vmem>>, vector<1x272xf32>,
      %slice3A_1634 = vector.extract_strided_slice %get3A_12 {offsets = [0, 90], sizes = [1, 1], strides = [1, 1]} : vector<1x128xi32> to vector<1x1xi32>
      %squeeze3A_1635 = vector.extract %slice3A_1634[0, 0] : i32 from vector<1x1xi32>
      %slice3A_1636 = vector.extract_strided_slice %get3A_15 {offsets = [0, 90], sizes = [1, 1], strides = [1, 1]} : vector<1x128xi32> to vector<1x1xi32>
      %squeeze3A_1637 = vector.extract %slice3A_1636[0, 0] : i32 from vector<1x1xi32>
      %slice3A_1638 = vector.extract_strided_slice %get3A_18 {offsets = [0, 1440], sizes = [1, 16], strides = [1, 1]} : vector<1x2048xf32> to vector<1x16xf32>
      %dot_general3A_1639 = arith.constant dense<0.000000e+00> : vector<1x272xf32>
      %dot_general3A_1640 = tpu.matmul %slice3A_1638, %get3A_4, %dot_general3A_1639 {dimension_numbers = #tpu.dot_dimension_numbers<[1], [0], [0], [1], [0, 0, 1, 1], [], []>, transpose_lhs_hint = false} : vector<1x16xf32>, vector<16x272xf32>, vector<1x272xf32> -> vector<1x272xf32>
      %get3A_1641 = arith.index_cast %squeeze3A_1635 : i32 to index
      %get3A_1642 = arith.constant 0 : index
      %get3A_1643 = vector.load %arg4[%get3A_1641, %get3A_1642] : memref<10000x272xf32, #tpu.memory_space<vmem>>, vector<1x272xf32>
      %get3A_1644 = arith.index_cast %squeeze3A_1637 : i32 to index
      %get3A_1645 = arith.constant 0 : index
      %get3A_1646 = vector.load %arg6[%get3A_1644, %get3A_1645] : memref<10000x272xf32, #tpu.memory_space<vmem>>, vector<1x272xf32>
      %mul3A_1647 = arith.mulf %get3A_1643, %dot_general3A_1640 : vector<1x272xf32>
      %add3A_1648 = arith.addf %get3A_1646, %mul3A_1647 : vector<1x272xf32>
      %swap3A_1649 = arith.index_cast %squeeze3A_1637 : i32 to index
      %swap3A_1650 = arith.constant 0 : index
      %swap3A_1651 = vector.load %arg6[%swap3A_1649, %swap3A_1650] : memref<10000x272xf32, #tpu.memory_space<vmem>>, vector<1x272xf32>
      tpu.vector_store %arg6[%swap3A_1649, %swap3A_1650], %add3A_1648 {strides = array<i32>} : memref<10000x272xf32, #tpu.memory_space<vmem>>, vector<1x272xf32>,
      %slice3A_1652 = vector.extract_strided_slice %get3A_12 {offsets = [0, 91], sizes = [1, 1], strides = [1, 1]} : vector<1x128xi32> to vector<1x1xi32>
      %squeeze3A_1653 = vector.extract %slice3A_1652[0, 0] : i32 from vector<1x1xi32>
      %slice3A_1654 = vector.extract_strided_slice %get3A_15 {offsets = [0, 91], sizes = [1, 1], strides = [1, 1]} : vector<1x128xi32> to vector<1x1xi32>
      %squeeze3A_1655 = vector.extract %slice3A_1654[0, 0] : i32 from vector<1x1xi32>
      %slice3A_1656 = vector.extract_strided_slice %get3A_18 {offsets = [0, 1456], sizes = [1, 16], strides = [1, 1]} : vector<1x2048xf32> to vector<1x16xf32>
      %dot_general3A_1657 = arith.constant dense<0.000000e+00> : vector<1x272xf32>
      %dot_general3A_1658 = tpu.matmul %slice3A_1656, %get3A_4, %dot_general3A_1657 {dimension_numbers = #tpu.dot_dimension_numbers<[1], [0], [0], [1], [0, 0, 1, 1], [], []>, transpose_lhs_hint = false} : vector<1x16xf32>, vector<16x272xf32>, vector<1x272xf32> -> vector<1x272xf32>
      %get3A_1659 = arith.index_cast %squeeze3A_1653 : i32 to index
      %get3A_1660 = arith.constant 0 : index
      %get3A_1661 = vector.load %arg4[%get3A_1659, %get3A_1660] : memref<10000x272xf32, #tpu.memory_space<vmem>>, vector<1x272xf32>
      %get3A_1662 = arith.index_cast %squeeze3A_1655 : i32 to index
      %get3A_1663 = arith.constant 0 : index
      %get3A_1664 = vector.load %arg6[%get3A_1662, %get3A_1663] : memref<10000x272xf32, #tpu.memory_space<vmem>>, vector<1x272xf32>
      %mul3A_1665 = arith.mulf %get3A_1661, %dot_general3A_1658 : vector<1x272xf32>
      %add3A_1666 = arith.addf %get3A_1664, %mul3A_1665 : vector<1x272xf32>
      %swap3A_1667 = arith.index_cast %squeeze3A_1655 : i32 to index
      %swap3A_1668 = arith.constant 0 : index
      %swap3A_1669 = vector.load %arg6[%swap3A_1667, %swap3A_1668] : memref<10000x272xf32, #tpu.memory_space<vmem>>, vector<1x272xf32>
      tpu.vector_store %arg6[%swap3A_1667, %swap3A_1668], %add3A_1666 {strides = array<i32>} : memref<10000x272xf32, #tpu.memory_space<vmem>>, vector<1x272xf32>,
      %slice3A_1670 = vector.extract_strided_slice %get3A_12 {offsets = [0, 92], sizes = [1, 1], strides = [1, 1]} : vector<1x128xi32> to vector<1x1xi32>
      %squeeze3A_1671 = vector.extract %slice3A_1670[0, 0] : i32 from vector<1x1xi32>
      %slice3A_1672 = vector.extract_strided_slice %get3A_15 {offsets = [0, 92], sizes = [1, 1], strides = [1, 1]} : vector<1x128xi32> to vector<1x1xi32>
      %squeeze3A_1673 = vector.extract %slice3A_1672[0, 0] : i32 from vector<1x1xi32>
      %slice3A_1674 = vector.extract_strided_slice %get3A_18 {offsets = [0, 1472], sizes = [1, 16], strides = [1, 1]} : vector<1x2048xf32> to vector<1x16xf32>
      %dot_general3A_1675 = arith.constant dense<0.000000e+00> : vector<1x272xf32>
      %dot_general3A_1676 = tpu.matmul %slice3A_1674, %get3A_4, %dot_general3A_1675 {dimension_numbers = #tpu.dot_dimension_numbers<[1], [0], [0], [1], [0, 0, 1, 1], [], []>, transpose_lhs_hint = false} : vector<1x16xf32>, vector<16x272xf32>, vector<1x272xf32> -> vector<1x272xf32>
      %get3A_1677 = arith.index_cast %squeeze3A_1671 : i32 to index
      %get3A_1678 = arith.constant 0 : index
      %get3A_1679 = vector.load %arg4[%get3A_1677, %get3A_1678] : memref<10000x272xf32, #tpu.memory_space<vmem>>, vector<1x272xf32>
      %get3A_1680 = arith.index_cast %squeeze3A_1673 : i32 to index
      %get3A_1681 = arith.constant 0 : index
      %get3A_1682 = vector.load %arg6[%get3A_1680, %get3A_1681] : memref<10000x272xf32, #tpu.memory_space<vmem>>, vector<1x272xf32>
      %mul3A_1683 = arith.mulf %get3A_1679, %dot_general3A_1676 : vector<1x272xf32>
      %add3A_1684 = arith.addf %get3A_1682, %mul3A_1683 : vector<1x272xf32>
      %swap3A_1685 = arith.index_cast %squeeze3A_1673 : i32 to index
      %swap3A_1686 = arith.constant 0 : index
      %swap3A_1687 = vector.load %arg6[%swap3A_1685, %swap3A_1686] : memref<10000x272xf32, #tpu.memory_space<vmem>>, vector<1x272xf32>
      tpu.vector_store %arg6[%swap3A_1685, %swap3A_1686], %add3A_1684 {strides = array<i32>} : memref<10000x272xf32, #tpu.memory_space<vmem>>, vector<1x272xf32>,
      %slice3A_1688 = vector.extract_strided_slice %get3A_12 {offsets = [0, 93], sizes = [1, 1], strides = [1, 1]} : vector<1x128xi32> to vector<1x1xi32>
      %squeeze3A_1689 = vector.extract %slice3A_1688[0, 0] : i32 from vector<1x1xi32>
      %slice3A_1690 = vector.extract_strided_slice %get3A_15 {offsets = [0, 93], sizes = [1, 1], strides = [1, 1]} : vector<1x128xi32> to vector<1x1xi32>
      %squeeze3A_1691 = vector.extract %slice3A_1690[0, 0] : i32 from vector<1x1xi32>
      %slice3A_1692 = vector.extract_strided_slice %get3A_18 {offsets = [0, 1488], sizes = [1, 16], strides = [1, 1]} : vector<1x2048xf32> to vector<1x16xf32>
      %dot_general3A_1693 = arith.constant dense<0.000000e+00> : vector<1x272xf32>
      %dot_general3A_1694 = tpu.matmul %slice3A_1692, %get3A_4, %dot_general3A_1693 {dimension_numbers = #tpu.dot_dimension_numbers<[1], [0], [0], [1], [0, 0, 1, 1], [], []>, transpose_lhs_hint = false} : vector<1x16xf32>, vector<16x272xf32>, vector<1x272xf32> -> vector<1x272xf32>
      %get3A_1695 = arith.index_cast %squeeze3A_1689 : i32 to index
      %get3A_1696 = arith.constant 0 : index
      %get3A_1697 = vector.load %arg4[%get3A_1695, %get3A_1696] : memref<10000x272xf32, #tpu.memory_space<vmem>>, vector<1x272xf32>
      %get3A_1698 = arith.index_cast %squeeze3A_1691 : i32 to index
      %get3A_1699 = arith.constant 0 : index
      %get3A_1700 = vector.load %arg6[%get3A_1698, %get3A_1699] : memref<10000x272xf32, #tpu.memory_space<vmem>>, vector<1x272xf32>
      %mul3A_1701 = arith.mulf %get3A_1697, %dot_general3A_1694 : vector<1x272xf32>
      %add3A_1702 = arith.addf %get3A_1700, %mul3A_1701 : vector<1x272xf32>
      %swap3A_1703 = arith.index_cast %squeeze3A_1691 : i32 to index
      %swap3A_1704 = arith.constant 0 : index
      %swap3A_1705 = vector.load %arg6[%swap3A_1703, %swap3A_1704] : memref<10000x272xf32, #tpu.memory_space<vmem>>, vector<1x272xf32>
      tpu.vector_store %arg6[%swap3A_1703, %swap3A_1704], %add3A_1702 {strides = array<i32>} : memref<10000x272xf32, #tpu.memory_space<vmem>>, vector<1x272xf32>,
      %slice3A_1706 = vector.extract_strided_slice %get3A_12 {offsets = [0, 94], sizes = [1, 1], strides = [1, 1]} : vector<1x128xi32> to vector<1x1xi32>
      %squeeze3A_1707 = vector.extract %slice3A_1706[0, 0] : i32 from vector<1x1xi32>
      %slice3A_1708 = vector.extract_strided_slice %get3A_15 {offsets = [0, 94], sizes = [1, 1], strides = [1, 1]} : vector<1x128xi32> to vector<1x1xi32>
      %squeeze3A_1709 = vector.extract %slice3A_1708[0, 0] : i32 from vector<1x1xi32>
      %slice3A_1710 = vector.extract_strided_slice %get3A_18 {offsets = [0, 1504], sizes = [1, 16], strides = [1, 1]} : vector<1x2048xf32> to vector<1x16xf32>
      %dot_general3A_1711 = arith.constant dense<0.000000e+00> : vector<1x272xf32>
      %dot_general3A_1712 = tpu.matmul %slice3A_1710, %get3A_4, %dot_general3A_1711 {dimension_numbers = #tpu.dot_dimension_numbers<[1], [0], [0], [1], [0, 0, 1, 1], [], []>, transpose_lhs_hint = false} : vector<1x16xf32>, vector<16x272xf32>, vector<1x272xf32> -> vector<1x272xf32>
      %get3A_1713 = arith.index_cast %squeeze3A_1707 : i32 to index
      %get3A_1714 = arith.constant 0 : index
      %get3A_1715 = vector.load %arg4[%get3A_1713, %get3A_1714] : memref<10000x272xf32, #tpu.memory_space<vmem>>, vector<1x272xf32>
      %get3A_1716 = arith.index_cast %squeeze3A_1709 : i32 to index
      %get3A_1717 = arith.constant 0 : index
      %get3A_1718 = vector.load %arg6[%get3A_1716, %get3A_1717] : memref<10000x272xf32, #tpu.memory_space<vmem>>, vector<1x272xf32>
      %mul3A_1719 = arith.mulf %get3A_1715, %dot_general3A_1712 : vector<1x272xf32>
      %add3A_1720 = arith.addf %get3A_1718, %mul3A_1719 : vector<1x272xf32>
      %swap3A_1721 = arith.index_cast %squeeze3A_1709 : i32 to index
      %swap3A_1722 = arith.constant 0 : index
      %swap3A_1723 = vector.load %arg6[%swap3A_1721, %swap3A_1722] : memref<10000x272xf32, #tpu.memory_space<vmem>>, vector<1x272xf32>
      tpu.vector_store %arg6[%swap3A_1721, %swap3A_1722], %add3A_1720 {strides = array<i32>} : memref<10000x272xf32, #tpu.memory_space<vmem>>, vector<1x272xf32>,
      %slice3A_1724 = vector.extract_strided_slice %get3A_12 {offsets = [0, 95], sizes = [1, 1], strides = [1, 1]} : vector<1x128xi32> to vector<1x1xi32>
      %squeeze3A_1725 = vector.extract %slice3A_1724[0, 0] : i32 from vector<1x1xi32>
      %slice3A_1726 = vector.extract_strided_slice %get3A_15 {offsets = [0, 95], sizes = [1, 1], strides = [1, 1]} : vector<1x128xi32> to vector<1x1xi32>
      %squeeze3A_1727 = vector.extract %slice3A_1726[0, 0] : i32 from vector<1x1xi32>
      %slice3A_1728 = vector.extract_strided_slice %get3A_18 {offsets = [0, 1520], sizes = [1, 16], strides = [1, 1]} : vector<1x2048xf32> to vector<1x16xf32>
      %dot_general3A_1729 = arith.constant dense<0.000000e+00> : vector<1x272xf32>
      %dot_general3A_1730 = tpu.matmul %slice3A_1728, %get3A_4, %dot_general3A_1729 {dimension_numbers = #tpu.dot_dimension_numbers<[1], [0], [0], [1], [0, 0, 1, 1], [], []>, transpose_lhs_hint = false} : vector<1x16xf32>, vector<16x272xf32>, vector<1x272xf32> -> vector<1x272xf32>
      %get3A_1731 = arith.index_cast %squeeze3A_1725 : i32 to index
      %get3A_1732 = arith.constant 0 : index
      %get3A_1733 = vector.load %arg4[%get3A_1731, %get3A_1732] : memref<10000x272xf32, #tpu.memory_space<vmem>>, vector<1x272xf32>
      %get3A_1734 = arith.index_cast %squeeze3A_1727 : i32 to index
      %get3A_1735 = arith.constant 0 : index
      %get3A_1736 = vector.load %arg6[%get3A_1734, %get3A_1735] : memref<10000x272xf32, #tpu.memory_space<vmem>>, vector<1x272xf32>
      %mul3A_1737 = arith.mulf %get3A_1733, %dot_general3A_1730 : vector<1x272xf32>
      %add3A_1738 = arith.addf %get3A_1736, %mul3A_1737 : vector<1x272xf32>
      %swap3A_1739 = arith.index_cast %squeeze3A_1727 : i32 to index
      %swap3A_1740 = arith.constant 0 : index
      %swap3A_1741 = vector.load %arg6[%swap3A_1739, %swap3A_1740] : memref<10000x272xf32, #tpu.memory_space<vmem>>, vector<1x272xf32>
      tpu.vector_store %arg6[%swap3A_1739, %swap3A_1740], %add3A_1738 {strides = array<i32>} : memref<10000x272xf32, #tpu.memory_space<vmem>>, vector<1x272xf32>,
      %slice3A_1742 = vector.extract_strided_slice %get3A_12 {offsets = [0, 96], sizes = [1, 1], strides = [1, 1]} : vector<1x128xi32> to vector<1x1xi32>
      %squeeze3A_1743 = vector.extract %slice3A_1742[0, 0] : i32 from vector<1x1xi32>
      %slice3A_1744 = vector.extract_strided_slice %get3A_15 {offsets = [0, 96], sizes = [1, 1], strides = [1, 1]} : vector<1x128xi32> to vector<1x1xi32>
      %squeeze3A_1745 = vector.extract %slice3A_1744[0, 0] : i32 from vector<1x1xi32>
      %slice3A_1746 = vector.extract_strided_slice %get3A_18 {offsets = [0, 1536], sizes = [1, 16], strides = [1, 1]} : vector<1x2048xf32> to vector<1x16xf32>
      %dot_general3A_1747 = arith.constant dense<0.000000e+00> : vector<1x272xf32>
      %dot_general3A_1748 = tpu.matmul %slice3A_1746, %get3A_4, %dot_general3A_1747 {dimension_numbers = #tpu.dot_dimension_numbers<[1], [0], [0], [1], [0, 0, 1, 1], [], []>, transpose_lhs_hint = false} : vector<1x16xf32>, vector<16x272xf32>, vector<1x272xf32> -> vector<1x272xf32>
      %get3A_1749 = arith.index_cast %squeeze3A_1743 : i32 to index
      %get3A_1750 = arith.constant 0 : index
      %get3A_1751 = vector.load %arg4[%get3A_1749, %get3A_1750] : memref<10000x272xf32, #tpu.memory_space<vmem>>, vector<1x272xf32>
      %get3A_1752 = arith.index_cast %squeeze3A_1745 : i32 to index
      %get3A_1753 = arith.constant 0 : index
      %get3A_1754 = vector.load %arg6[%get3A_1752, %get3A_1753] : memref<10000x272xf32, #tpu.memory_space<vmem>>, vector<1x272xf32>
      %mul3A_1755 = arith.mulf %get3A_1751, %dot_general3A_1748 : vector<1x272xf32>
      %add3A_1756 = arith.addf %get3A_1754, %mul3A_1755 : vector<1x272xf32>
      %swap3A_1757 = arith.index_cast %squeeze3A_1745 : i32 to index
      %swap3A_1758 = arith.constant 0 : index
      %swap3A_1759 = vector.load %arg6[%swap3A_1757, %swap3A_1758] : memref<10000x272xf32, #tpu.memory_space<vmem>>, vector<1x272xf32>
      tpu.vector_store %arg6[%swap3A_1757, %swap3A_1758], %add3A_1756 {strides = array<i32>} : memref<10000x272xf32, #tpu.memory_space<vmem>>, vector<1x272xf32>,
      %slice3A_1760 = vector.extract_strided_slice %get3A_12 {offsets = [0, 97], sizes = [1, 1], strides = [1, 1]} : vector<1x128xi32> to vector<1x1xi32>
      %squeeze3A_1761 = vector.extract %slice3A_1760[0, 0] : i32 from vector<1x1xi32>
      %slice3A_1762 = vector.extract_strided_slice %get3A_15 {offsets = [0, 97], sizes = [1, 1], strides = [1, 1]} : vector<1x128xi32> to vector<1x1xi32>
      %squeeze3A_1763 = vector.extract %slice3A_1762[0, 0] : i32 from vector<1x1xi32>
      %slice3A_1764 = vector.extract_strided_slice %get3A_18 {offsets = [0, 1552], sizes = [1, 16], strides = [1, 1]} : vector<1x2048xf32> to vector<1x16xf32>
      %dot_general3A_1765 = arith.constant dense<0.000000e+00> : vector<1x272xf32>
      %dot_general3A_1766 = tpu.matmul %slice3A_1764, %get3A_4, %dot_general3A_1765 {dimension_numbers = #tpu.dot_dimension_numbers<[1], [0], [0], [1], [0, 0, 1, 1], [], []>, transpose_lhs_hint = false} : vector<1x16xf32>, vector<16x272xf32>, vector<1x272xf32> -> vector<1x272xf32>
      %get3A_1767 = arith.index_cast %squeeze3A_1761 : i32 to index
      %get3A_1768 = arith.constant 0 : index
      %get3A_1769 = vector.load %arg4[%get3A_1767, %get3A_1768] : memref<10000x272xf32, #tpu.memory_space<vmem>>, vector<1x272xf32>
      %get3A_1770 = arith.index_cast %squeeze3A_1763 : i32 to index
      %get3A_1771 = arith.constant 0 : index
      %get3A_1772 = vector.load %arg6[%get3A_1770, %get3A_1771] : memref<10000x272xf32, #tpu.memory_space<vmem>>, vector<1x272xf32>
      %mul3A_1773 = arith.mulf %get3A_1769, %dot_general3A_1766 : vector<1x272xf32>
      %add3A_1774 = arith.addf %get3A_1772, %mul3A_1773 : vector<1x272xf32>
      %swap3A_1775 = arith.index_cast %squeeze3A_1763 : i32 to index
      %swap3A_1776 = arith.constant 0 : index
      %swap3A_1777 = vector.load %arg6[%swap3A_1775, %swap3A_1776] : memref<10000x272xf32, #tpu.memory_space<vmem>>, vector<1x272xf32>
      tpu.vector_store %arg6[%swap3A_1775, %swap3A_1776], %add3A_1774 {strides = array<i32>} : memref<10000x272xf32, #tpu.memory_space<vmem>>, vector<1x272xf32>,
      %slice3A_1778 = vector.extract_strided_slice %get3A_12 {offsets = [0, 98], sizes = [1, 1], strides = [1, 1]} : vector<1x128xi32> to vector<1x1xi32>
      %squeeze3A_1779 = vector.extract %slice3A_1778[0, 0] : i32 from vector<1x1xi32>
      %slice3A_1780 = vector.extract_strided_slice %get3A_15 {offsets = [0, 98], sizes = [1, 1], strides = [1, 1]} : vector<1x128xi32> to vector<1x1xi32>
      %squeeze3A_1781 = vector.extract %slice3A_1780[0, 0] : i32 from vector<1x1xi32>
      %slice3A_1782 = vector.extract_strided_slice %get3A_18 {offsets = [0, 1568], sizes = [1, 16], strides = [1, 1]} : vector<1x2048xf32> to vector<1x16xf32>
      %dot_general3A_1783 = arith.constant dense<0.000000e+00> : vector<1x272xf32>
      %dot_general3A_1784 = tpu.matmul %slice3A_1782, %get3A_4, %dot_general3A_1783 {dimension_numbers = #tpu.dot_dimension_numbers<[1], [0], [0], [1], [0, 0, 1, 1], [], []>, transpose_lhs_hint = false} : vector<1x16xf32>, vector<16x272xf32>, vector<1x272xf32> -> vector<1x272xf32>
      %get3A_1785 = arith.index_cast %squeeze3A_1779 : i32 to index
      %get3A_1786 = arith.constant 0 : index
      %get3A_1787 = vector.load %arg4[%get3A_1785, %get3A_1786] : memref<10000x272xf32, #tpu.memory_space<vmem>>, vector<1x272xf32>
      %get3A_1788 = arith.index_cast %squeeze3A_1781 : i32 to index
      %get3A_1789 = arith.constant 0 : index
      %get3A_1790 = vector.load %arg6[%get3A_1788, %get3A_1789] : memref<10000x272xf32, #tpu.memory_space<vmem>>, vector<1x272xf32>
      %mul3A_1791 = arith.mulf %get3A_1787, %dot_general3A_1784 : vector<1x272xf32>
      %add3A_1792 = arith.addf %get3A_1790, %mul3A_1791 : vector<1x272xf32>
      %swap3A_1793 = arith.index_cast %squeeze3A_1781 : i32 to index
      %swap3A_1794 = arith.constant 0 : index
      %swap3A_1795 = vector.load %arg6[%swap3A_1793, %swap3A_1794] : memref<10000x272xf32, #tpu.memory_space<vmem>>, vector<1x272xf32>
      tpu.vector_store %arg6[%swap3A_1793, %swap3A_1794], %add3A_1792 {strides = array<i32>} : memref<10000x272xf32, #tpu.memory_space<vmem>>, vector<1x272xf32>,
      %slice3A_1796 = vector.extract_strided_slice %get3A_12 {offsets = [0, 99], sizes = [1, 1], strides = [1, 1]} : vector<1x128xi32> to vector<1x1xi32>
      %squeeze3A_1797 = vector.extract %slice3A_1796[0, 0] : i32 from vector<1x1xi32>
      %slice3A_1798 = vector.extract_strided_slice %get3A_15 {offsets = [0, 99], sizes = [1, 1], strides = [1, 1]} : vector<1x128xi32> to vector<1x1xi32>
      %squeeze3A_1799 = vector.extract %slice3A_1798[0, 0] : i32 from vector<1x1xi32>
      %slice3A_1800 = vector.extract_strided_slice %get3A_18 {offsets = [0, 1584], sizes = [1, 16], strides = [1, 1]} : vector<1x2048xf32> to vector<1x16xf32>
      %dot_general3A_1801 = arith.constant dense<0.000000e+00> : vector<1x272xf32>
      %dot_general3A_1802 = tpu.matmul %slice3A_1800, %get3A_4, %dot_general3A_1801 {dimension_numbers = #tpu.dot_dimension_numbers<[1], [0], [0], [1], [0, 0, 1, 1], [], []>, transpose_lhs_hint = false} : vector<1x16xf32>, vector<16x272xf32>, vector<1x272xf32> -> vector<1x272xf32>
      %get3A_1803 = arith.index_cast %squeeze3A_1797 : i32 to index
      %get3A_1804 = arith.constant 0 : index
      %get3A_1805 = vector.load %arg4[%get3A_1803, %get3A_1804] : memref<10000x272xf32, #tpu.memory_space<vmem>>, vector<1x272xf32>
      %get3A_1806 = arith.index_cast %squeeze3A_1799 : i32 to index
      %get3A_1807 = arith.constant 0 : index
      %get3A_1808 = vector.load %arg6[%get3A_1806, %get3A_1807] : memref<10000x272xf32, #tpu.memory_space<vmem>>, vector<1x272xf32>
      %mul3A_1809 = arith.mulf %get3A_1805, %dot_general3A_1802 : vector<1x272xf32>
      %add3A_1810 = arith.addf %get3A_1808, %mul3A_1809 : vector<1x272xf32>
      %swap3A_1811 = arith.index_cast %squeeze3A_1799 : i32 to index
      %swap3A_1812 = arith.constant 0 : index
      %swap3A_1813 = vector.load %arg6[%swap3A_1811, %swap3A_1812] : memref<10000x272xf32, #tpu.memory_space<vmem>>, vector<1x272xf32>
      tpu.vector_store %arg6[%swap3A_1811, %swap3A_1812], %add3A_1810 {strides = array<i32>} : memref<10000x272xf32, #tpu.memory_space<vmem>>, vector<1x272xf32>,
      %slice3A_1814 = vector.extract_strided_slice %get3A_12 {offsets = [0, 100], sizes = [1, 1], strides = [1, 1]} : vector<1x128xi32> to vector<1x1xi32>
      %squeeze3A_1815 = vector.extract %slice3A_1814[0, 0] : i32 from vector<1x1xi32>
      %slice3A_1816 = vector.extract_strided_slice %get3A_15 {offsets = [0, 100], sizes = [1, 1], strides = [1, 1]} : vector<1x128xi32> to vector<1x1xi32>
      %squeeze3A_1817 = vector.extract %slice3A_1816[0, 0] : i32 from vector<1x1xi32>
      %slice3A_1818 = vector.extract_strided_slice %get3A_18 {offsets = [0, 1600], sizes = [1, 16], strides = [1, 1]} : vector<1x2048xf32> to vector<1x16xf32>
      %dot_general3A_1819 = arith.constant dense<0.000000e+00> : vector<1x272xf32>
      %dot_general3A_1820 = tpu.matmul %slice3A_1818, %get3A_4, %dot_general3A_1819 {dimension_numbers = #tpu.dot_dimension_numbers<[1], [0], [0], [1], [0, 0, 1, 1], [], []>, transpose_lhs_hint = false} : vector<1x16xf32>, vector<16x272xf32>, vector<1x272xf32> -> vector<1x272xf32>
      %get3A_1821 = arith.index_cast %squeeze3A_1815 : i32 to index
      %get3A_1822 = arith.constant 0 : index
      %get3A_1823 = vector.load %arg4[%get3A_1821, %get3A_1822] : memref<10000x272xf32, #tpu.memory_space<vmem>>, vector<1x272xf32>
      %get3A_1824 = arith.index_cast %squeeze3A_1817 : i32 to index
      %get3A_1825 = arith.constant 0 : index
      %get3A_1826 = vector.load %arg6[%get3A_1824, %get3A_1825] : memref<10000x272xf32, #tpu.memory_space<vmem>>, vector<1x272xf32>
      %mul3A_1827 = arith.mulf %get3A_1823, %dot_general3A_1820 : vector<1x272xf32>
      %add3A_1828 = arith.addf %get3A_1826, %mul3A_1827 : vector<1x272xf32>
      %swap3A_1829 = arith.index_cast %squeeze3A_1817 : i32 to index
      %swap3A_1830 = arith.constant 0 : index
      %swap3A_1831 = vector.load %arg6[%swap3A_1829, %swap3A_1830] : memref<10000x272xf32, #tpu.memory_space<vmem>>, vector<1x272xf32>
      tpu.vector_store %arg6[%swap3A_1829, %swap3A_1830], %add3A_1828 {strides = array<i32>} : memref<10000x272xf32, #tpu.memory_space<vmem>>, vector<1x272xf32>,
      %slice3A_1832 = vector.extract_strided_slice %get3A_12 {offsets = [0, 101], sizes = [1, 1], strides = [1, 1]} : vector<1x128xi32> to vector<1x1xi32>
      %squeeze3A_1833 = vector.extract %slice3A_1832[0, 0] : i32 from vector<1x1xi32>
      %slice3A_1834 = vector.extract_strided_slice %get3A_15 {offsets = [0, 101], sizes = [1, 1], strides = [1, 1]} : vector<1x128xi32> to vector<1x1xi32>
      %squeeze3A_1835 = vector.extract %slice3A_1834[0, 0] : i32 from vector<1x1xi32>
      %slice3A_1836 = vector.extract_strided_slice %get3A_18 {offsets = [0, 1616], sizes = [1, 16], strides = [1, 1]} : vector<1x2048xf32> to vector<1x16xf32>
      %dot_general3A_1837 = arith.constant dense<0.000000e+00> : vector<1x272xf32>
      %dot_general3A_1838 = tpu.matmul %slice3A_1836, %get3A_4, %dot_general3A_1837 {dimension_numbers = #tpu.dot_dimension_numbers<[1], [0], [0], [1], [0, 0, 1, 1], [], []>, transpose_lhs_hint = false} : vector<1x16xf32>, vector<16x272xf32>, vector<1x272xf32> -> vector<1x272xf32>
      %get3A_1839 = arith.index_cast %squeeze3A_1833 : i32 to index
      %get3A_1840 = arith.constant 0 : index
      %get3A_1841 = vector.load %arg4[%get3A_1839, %get3A_1840] : memref<10000x272xf32, #tpu.memory_space<vmem>>, vector<1x272xf32>
      %get3A_1842 = arith.index_cast %squeeze3A_1835 : i32 to index
      %get3A_1843 = arith.constant 0 : index
      %get3A_1844 = vector.load %arg6[%get3A_1842, %get3A_1843] : memref<10000x272xf32, #tpu.memory_space<vmem>>, vector<1x272xf32>
      %mul3A_1845 = arith.mulf %get3A_1841, %dot_general3A_1838 : vector<1x272xf32>
      %add3A_1846 = arith.addf %get3A_1844, %mul3A_1845 : vector<1x272xf32>
      %swap3A_1847 = arith.index_cast %squeeze3A_1835 : i32 to index
      %swap3A_1848 = arith.constant 0 : index
      %swap3A_1849 = vector.load %arg6[%swap3A_1847, %swap3A_1848] : memref<10000x272xf32, #tpu.memory_space<vmem>>, vector<1x272xf32>
      tpu.vector_store %arg6[%swap3A_1847, %swap3A_1848], %add3A_1846 {strides = array<i32>} : memref<10000x272xf32, #tpu.memory_space<vmem>>, vector<1x272xf32>,
      %slice3A_1850 = vector.extract_strided_slice %get3A_12 {offsets = [0, 102], sizes = [1, 1], strides = [1, 1]} : vector<1x128xi32> to vector<1x1xi32>
      %squeeze3A_1851 = vector.extract %slice3A_1850[0, 0] : i32 from vector<1x1xi32>
      %slice3A_1852 = vector.extract_strided_slice %get3A_15 {offsets = [0, 102], sizes = [1, 1], strides = [1, 1]} : vector<1x128xi32> to vector<1x1xi32>
      %squeeze3A_1853 = vector.extract %slice3A_1852[0, 0] : i32 from vector<1x1xi32>
      %slice3A_1854 = vector.extract_strided_slice %get3A_18 {offsets = [0, 1632], sizes = [1, 16], strides = [1, 1]} : vector<1x2048xf32> to vector<1x16xf32>
      %dot_general3A_1855 = arith.constant dense<0.000000e+00> : vector<1x272xf32>
      %dot_general3A_1856 = tpu.matmul %slice3A_1854, %get3A_4, %dot_general3A_1855 {dimension_numbers = #tpu.dot_dimension_numbers<[1], [0], [0], [1], [0, 0, 1, 1], [], []>, transpose_lhs_hint = false} : vector<1x16xf32>, vector<16x272xf32>, vector<1x272xf32> -> vector<1x272xf32>
      %get3A_1857 = arith.index_cast %squeeze3A_1851 : i32 to index
      %get3A_1858 = arith.constant 0 : index
      %get3A_1859 = vector.load %arg4[%get3A_1857, %get3A_1858] : memref<10000x272xf32, #tpu.memory_space<vmem>>, vector<1x272xf32>
      %get3A_1860 = arith.index_cast %squeeze3A_1853 : i32 to index
      %get3A_1861 = arith.constant 0 : index
      %get3A_1862 = vector.load %arg6[%get3A_1860, %get3A_1861] : memref<10000x272xf32, #tpu.memory_space<vmem>>, vector<1x272xf32>
      %mul3A_1863 = arith.mulf %get3A_1859, %dot_general3A_1856 : vector<1x272xf32>
      %add3A_1864 = arith.addf %get3A_1862, %mul3A_1863 : vector<1x272xf32>
      %swap3A_1865 = arith.index_cast %squeeze3A_1853 : i32 to index
      %swap3A_1866 = arith.constant 0 : index
      %swap3A_1867 = vector.load %arg6[%swap3A_1865, %swap3A_1866] : memref<10000x272xf32, #tpu.memory_space<vmem>>, vector<1x272xf32>
      tpu.vector_store %arg6[%swap3A_1865, %swap3A_1866], %add3A_1864 {strides = array<i32>} : memref<10000x272xf32, #tpu.memory_space<vmem>>, vector<1x272xf32>,
      %slice3A_1868 = vector.extract_strided_slice %get3A_12 {offsets = [0, 103], sizes = [1, 1], strides = [1, 1]} : vector<1x128xi32> to vector<1x1xi32>
      %squeeze3A_1869 = vector.extract %slice3A_1868[0, 0] : i32 from vector<1x1xi32>
      %slice3A_1870 = vector.extract_strided_slice %get3A_15 {offsets = [0, 103], sizes = [1, 1], strides = [1, 1]} : vector<1x128xi32> to vector<1x1xi32>
      %squeeze3A_1871 = vector.extract %slice3A_1870[0, 0] : i32 from vector<1x1xi32>
      %slice3A_1872 = vector.extract_strided_slice %get3A_18 {offsets = [0, 1648], sizes = [1, 16], strides = [1, 1]} : vector<1x2048xf32> to vector<1x16xf32>
      %dot_general3A_1873 = arith.constant dense<0.000000e+00> : vector<1x272xf32>
      %dot_general3A_1874 = tpu.matmul %slice3A_1872, %get3A_4, %dot_general3A_1873 {dimension_numbers = #tpu.dot_dimension_numbers<[1], [0], [0], [1], [0, 0, 1, 1], [], []>, transpose_lhs_hint = false} : vector<1x16xf32>, vector<16x272xf32>, vector<1x272xf32> -> vector<1x272xf32>
      %get3A_1875 = arith.index_cast %squeeze3A_1869 : i32 to index
      %get3A_1876 = arith.constant 0 : index
      %get3A_1877 = vector.load %arg4[%get3A_1875, %get3A_1876] : memref<10000x272xf32, #tpu.memory_space<vmem>>, vector<1x272xf32>
      %get3A_1878 = arith.index_cast %squeeze3A_1871 : i32 to index
      %get3A_1879 = arith.constant 0 : index
      %get3A_1880 = vector.load %arg6[%get3A_1878, %get3A_1879] : memref<10000x272xf32, #tpu.memory_space<vmem>>, vector<1x272xf32>
      %mul3A_1881 = arith.mulf %get3A_1877, %dot_general3A_1874 : vector<1x272xf32>
      %add3A_1882 = arith.addf %get3A_1880, %mul3A_1881 : vector<1x272xf32>
      %swap3A_1883 = arith.index_cast %squeeze3A_1871 : i32 to index
      %swap3A_1884 = arith.constant 0 : index
      %swap3A_1885 = vector.load %arg6[%swap3A_1883, %swap3A_1884] : memref<10000x272xf32, #tpu.memory_space<vmem>>, vector<1x272xf32>
      tpu.vector_store %arg6[%swap3A_1883, %swap3A_1884], %add3A_1882 {strides = array<i32>} : memref<10000x272xf32, #tpu.memory_space<vmem>>, vector<1x272xf32>,
      %slice3A_1886 = vector.extract_strided_slice %get3A_12 {offsets = [0, 104], sizes = [1, 1], strides = [1, 1]} : vector<1x128xi32> to vector<1x1xi32>
      %squeeze3A_1887 = vector.extract %slice3A_1886[0, 0] : i32 from vector<1x1xi32>
      %slice3A_1888 = vector.extract_strided_slice %get3A_15 {offsets = [0, 104], sizes = [1, 1], strides = [1, 1]} : vector<1x128xi32> to vector<1x1xi32>
      %squeeze3A_1889 = vector.extract %slice3A_1888[0, 0] : i32 from vector<1x1xi32>
      %slice3A_1890 = vector.extract_strided_slice %get3A_18 {offsets = [0, 1664], sizes = [1, 16], strides = [1, 1]} : vector<1x2048xf32> to vector<1x16xf32>
      %dot_general3A_1891 = arith.constant dense<0.000000e+00> : vector<1x272xf32>
      %dot_general3A_1892 = tpu.matmul %slice3A_1890, %get3A_4, %dot_general3A_1891 {dimension_numbers = #tpu.dot_dimension_numbers<[1], [0], [0], [1], [0, 0, 1, 1], [], []>, transpose_lhs_hint = false} : vector<1x16xf32>, vector<16x272xf32>, vector<1x272xf32> -> vector<1x272xf32>
      %get3A_1893 = arith.index_cast %squeeze3A_1887 : i32 to index
      %get3A_1894 = arith.constant 0 : index
      %get3A_1895 = vector.load %arg4[%get3A_1893, %get3A_1894] : memref<10000x272xf32, #tpu.memory_space<vmem>>, vector<1x272xf32>
      %get3A_1896 = arith.index_cast %squeeze3A_1889 : i32 to index
      %get3A_1897 = arith.constant 0 : index
      %get3A_1898 = vector.load %arg6[%get3A_1896, %get3A_1897] : memref<10000x272xf32, #tpu.memory_space<vmem>>, vector<1x272xf32>
      %mul3A_1899 = arith.mulf %get3A_1895, %dot_general3A_1892 : vector<1x272xf32>
      %add3A_1900 = arith.addf %get3A_1898, %mul3A_1899 : vector<1x272xf32>
      %swap3A_1901 = arith.index_cast %squeeze3A_1889 : i32 to index
      %swap3A_1902 = arith.constant 0 : index
      %swap3A_1903 = vector.load %arg6[%swap3A_1901, %swap3A_1902] : memref<10000x272xf32, #tpu.memory_space<vmem>>, vector<1x272xf32>
      tpu.vector_store %arg6[%swap3A_1901, %swap3A_1902], %add3A_1900 {strides = array<i32>} : memref<10000x272xf32, #tpu.memory_space<vmem>>, vector<1x272xf32>,
      %slice3A_1904 = vector.extract_strided_slice %get3A_12 {offsets = [0, 105], sizes = [1, 1], strides = [1, 1]} : vector<1x128xi32> to vector<1x1xi32>
      %squeeze3A_1905 = vector.extract %slice3A_1904[0, 0] : i32 from vector<1x1xi32>
      %slice3A_1906 = vector.extract_strided_slice %get3A_15 {offsets = [0, 105], sizes = [1, 1], strides = [1, 1]} : vector<1x128xi32> to vector<1x1xi32>
      %squeeze3A_1907 = vector.extract %slice3A_1906[0, 0] : i32 from vector<1x1xi32>
      %slice3A_1908 = vector.extract_strided_slice %get3A_18 {offsets = [0, 1680], sizes = [1, 16], strides = [1, 1]} : vector<1x2048xf32> to vector<1x16xf32>
      %dot_general3A_1909 = arith.constant dense<0.000000e+00> : vector<1x272xf32>
      %dot_general3A_1910 = tpu.matmul %slice3A_1908, %get3A_4, %dot_general3A_1909 {dimension_numbers = #tpu.dot_dimension_numbers<[1], [0], [0], [1], [0, 0, 1, 1], [], []>, transpose_lhs_hint = false} : vector<1x16xf32>, vector<16x272xf32>, vector<1x272xf32> -> vector<1x272xf32>
      %get3A_1911 = arith.index_cast %squeeze3A_1905 : i32 to index
      %get3A_1912 = arith.constant 0 : index
      %get3A_1913 = vector.load %arg4[%get3A_1911, %get3A_1912] : memref<10000x272xf32, #tpu.memory_space<vmem>>, vector<1x272xf32>
      %get3A_1914 = arith.index_cast %squeeze3A_1907 : i32 to index
      %get3A_1915 = arith.constant 0 : index
      %get3A_1916 = vector.load %arg6[%get3A_1914, %get3A_1915] : memref<10000x272xf32, #tpu.memory_space<vmem>>, vector<1x272xf32>
      %mul3A_1917 = arith.mulf %get3A_1913, %dot_general3A_1910 : vector<1x272xf32>
      %add3A_1918 = arith.addf %get3A_1916, %mul3A_1917 : vector<1x272xf32>
      %swap3A_1919 = arith.index_cast %squeeze3A_1907 : i32 to index
      %swap3A_1920 = arith.constant 0 : index
      %swap3A_1921 = vector.load %arg6[%swap3A_1919, %swap3A_1920] : memref<10000x272xf32, #tpu.memory_space<vmem>>, vector<1x272xf32>
      tpu.vector_store %arg6[%swap3A_1919, %swap3A_1920], %add3A_1918 {strides = array<i32>} : memref<10000x272xf32, #tpu.memory_space<vmem>>, vector<1x272xf32>,
      %slice3A_1922 = vector.extract_strided_slice %get3A_12 {offsets = [0, 106], sizes = [1, 1], strides = [1, 1]} : vector<1x128xi32> to vector<1x1xi32>
      %squeeze3A_1923 = vector.extract %slice3A_1922[0, 0] : i32 from vector<1x1xi32>
      %slice3A_1924 = vector.extract_strided_slice %get3A_15 {offsets = [0, 106], sizes = [1, 1], strides = [1, 1]} : vector<1x128xi32> to vector<1x1xi32>
      %squeeze3A_1925 = vector.extract %slice3A_1924[0, 0] : i32 from vector<1x1xi32>
      %slice3A_1926 = vector.extract_strided_slice %get3A_18 {offsets = [0, 1696], sizes = [1, 16], strides = [1, 1]} : vector<1x2048xf32> to vector<1x16xf32>
      %dot_general3A_1927 = arith.constant dense<0.000000e+00> : vector<1x272xf32>
      %dot_general3A_1928 = tpu.matmul %slice3A_1926, %get3A_4, %dot_general3A_1927 {dimension_numbers = #tpu.dot_dimension_numbers<[1], [0], [0], [1], [0, 0, 1, 1], [], []>, transpose_lhs_hint = false} : vector<1x16xf32>, vector<16x272xf32>, vector<1x272xf32> -> vector<1x272xf32>
      %get3A_1929 = arith.index_cast %squeeze3A_1923 : i32 to index
      %get3A_1930 = arith.constant 0 : index
      %get3A_1931 = vector.load %arg4[%get3A_1929, %get3A_1930] : memref<10000x272xf32, #tpu.memory_space<vmem>>, vector<1x272xf32>
      %get3A_1932 = arith.index_cast %squeeze3A_1925 : i32 to index
      %get3A_1933 = arith.constant 0 : index
      %get3A_1934 = vector.load %arg6[%get3A_1932, %get3A_1933] : memref<10000x272xf32, #tpu.memory_space<vmem>>, vector<1x272xf32>
      %mul3A_1935 = arith.mulf %get3A_1931, %dot_general3A_1928 : vector<1x272xf32>
      %add3A_1936 = arith.addf %get3A_1934, %mul3A_1935 : vector<1x272xf32>
      %swap3A_1937 = arith.index_cast %squeeze3A_1925 : i32 to index
      %swap3A_1938 = arith.constant 0 : index
      %swap3A_1939 = vector.load %arg6[%swap3A_1937, %swap3A_1938] : memref<10000x272xf32, #tpu.memory_space<vmem>>, vector<1x272xf32>
      tpu.vector_store %arg6[%swap3A_1937, %swap3A_1938], %add3A_1936 {strides = array<i32>} : memref<10000x272xf32, #tpu.memory_space<vmem>>, vector<1x272xf32>,
      %slice3A_1940 = vector.extract_strided_slice %get3A_12 {offsets = [0, 107], sizes = [1, 1], strides = [1, 1]} : vector<1x128xi32> to vector<1x1xi32>
      %squeeze3A_1941 = vector.extract %slice3A_1940[0, 0] : i32 from vector<1x1xi32>
      %slice3A_1942 = vector.extract_strided_slice %get3A_15 {offsets = [0, 107], sizes = [1, 1], strides = [1, 1]} : vector<1x128xi32> to vector<1x1xi32>
      %squeeze3A_1943 = vector.extract %slice3A_1942[0, 0] : i32 from vector<1x1xi32>
      %slice3A_1944 = vector.extract_strided_slice %get3A_18 {offsets = [0, 1712], sizes = [1, 16], strides = [1, 1]} : vector<1x2048xf32> to vector<1x16xf32>
      %dot_general3A_1945 = arith.constant dense<0.000000e+00> : vector<1x272xf32>
      %dot_general3A_1946 = tpu.matmul %slice3A_1944, %get3A_4, %dot_general3A_1945 {dimension_numbers = #tpu.dot_dimension_numbers<[1], [0], [0], [1], [0, 0, 1, 1], [], []>, transpose_lhs_hint = false} : vector<1x16xf32>, vector<16x272xf32>, vector<1x272xf32> -> vector<1x272xf32>
      %get3A_1947 = arith.index_cast %squeeze3A_1941 : i32 to index
      %get3A_1948 = arith.constant 0 : index
      %get3A_1949 = vector.load %arg4[%get3A_1947, %get3A_1948] : memref<10000x272xf32, #tpu.memory_space<vmem>>, vector<1x272xf32>
      %get3A_1950 = arith.index_cast %squeeze3A_1943 : i32 to index
      %get3A_1951 = arith.constant 0 : index
      %get3A_1952 = vector.load %arg6[%get3A_1950, %get3A_1951] : memref<10000x272xf32, #tpu.memory_space<vmem>>, vector<1x272xf32>
      %mul3A_1953 = arith.mulf %get3A_1949, %dot_general3A_1946 : vector<1x272xf32>
      %add3A_1954 = arith.addf %get3A_1952, %mul3A_1953 : vector<1x272xf32>
      %swap3A_1955 = arith.index_cast %squeeze3A_1943 : i32 to index
      %swap3A_1956 = arith.constant 0 : index
      %swap3A_1957 = vector.load %arg6[%swap3A_1955, %swap3A_1956] : memref<10000x272xf32, #tpu.memory_space<vmem>>, vector<1x272xf32>
      tpu.vector_store %arg6[%swap3A_1955, %swap3A_1956], %add3A_1954 {strides = array<i32>} : memref<10000x272xf32, #tpu.memory_space<vmem>>, vector<1x272xf32>,
      %slice3A_1958 = vector.extract_strided_slice %get3A_12 {offsets = [0, 108], sizes = [1, 1], strides = [1, 1]} : vector<1x128xi32> to vector<1x1xi32>
      %squeeze3A_1959 = vector.extract %slice3A_1958[0, 0] : i32 from vector<1x1xi32>
      %slice3A_1960 = vector.extract_strided_slice %get3A_15 {offsets = [0, 108], sizes = [1, 1], strides = [1, 1]} : vector<1x128xi32> to vector<1x1xi32>
      %squeeze3A_1961 = vector.extract %slice3A_1960[0, 0] : i32 from vector<1x1xi32>
      %slice3A_1962 = vector.extract_strided_slice %get3A_18 {offsets = [0, 1728], sizes = [1, 16], strides = [1, 1]} : vector<1x2048xf32> to vector<1x16xf32>
      %dot_general3A_1963 = arith.constant dense<0.000000e+00> : vector<1x272xf32>
      %dot_general3A_1964 = tpu.matmul %slice3A_1962, %get3A_4, %dot_general3A_1963 {dimension_numbers = #tpu.dot_dimension_numbers<[1], [0], [0], [1], [0, 0, 1, 1], [], []>, transpose_lhs_hint = false} : vector<1x16xf32>, vector<16x272xf32>, vector<1x272xf32> -> vector<1x272xf32>
      %get3A_1965 = arith.index_cast %squeeze3A_1959 : i32 to index
      %get3A_1966 = arith.constant 0 : index
      %get3A_1967 = vector.load %arg4[%get3A_1965, %get3A_1966] : memref<10000x272xf32, #tpu.memory_space<vmem>>, vector<1x272xf32>
      %get3A_1968 = arith.index_cast %squeeze3A_1961 : i32 to index
      %get3A_1969 = arith.constant 0 : index
      %get3A_1970 = vector.load %arg6[%get3A_1968, %get3A_1969] : memref<10000x272xf32, #tpu.memory_space<vmem>>, vector<1x272xf32>
      %mul3A_1971 = arith.mulf %get3A_1967, %dot_general3A_1964 : vector<1x272xf32>
      %add3A_1972 = arith.addf %get3A_1970, %mul3A_1971 : vector<1x272xf32>
      %swap3A_1973 = arith.index_cast %squeeze3A_1961 : i32 to index
      %swap3A_1974 = arith.constant 0 : index
      %swap3A_1975 = vector.load %arg6[%swap3A_1973, %swap3A_1974] : memref<10000x272xf32, #tpu.memory_space<vmem>>, vector<1x272xf32>
      tpu.vector_store %arg6[%swap3A_1973, %swap3A_1974], %add3A_1972 {strides = array<i32>} : memref<10000x272xf32, #tpu.memory_space<vmem>>, vector<1x272xf32>,
      %slice3A_1976 = vector.extract_strided_slice %get3A_12 {offsets = [0, 109], sizes = [1, 1], strides = [1, 1]} : vector<1x128xi32> to vector<1x1xi32>
      %squeeze3A_1977 = vector.extract %slice3A_1976[0, 0] : i32 from vector<1x1xi32>
      %slice3A_1978 = vector.extract_strided_slice %get3A_15 {offsets = [0, 109], sizes = [1, 1], strides = [1, 1]} : vector<1x128xi32> to vector<1x1xi32>
      %squeeze3A_1979 = vector.extract %slice3A_1978[0, 0] : i32 from vector<1x1xi32>
      %slice3A_1980 = vector.extract_strided_slice %get3A_18 {offsets = [0, 1744], sizes = [1, 16], strides = [1, 1]} : vector<1x2048xf32> to vector<1x16xf32>
      %dot_general3A_1981 = arith.constant dense<0.000000e+00> : vector<1x272xf32>
      %dot_general3A_1982 = tpu.matmul %slice3A_1980, %get3A_4, %dot_general3A_1981 {dimension_numbers = #tpu.dot_dimension_numbers<[1], [0], [0], [1], [0, 0, 1, 1], [], []>, transpose_lhs_hint = false} : vector<1x16xf32>, vector<16x272xf32>, vector<1x272xf32> -> vector<1x272xf32>
      %get3A_1983 = arith.index_cast %squeeze3A_1977 : i32 to index
      %get3A_1984 = arith.constant 0 : index
      %get3A_1985 = vector.load %arg4[%get3A_1983, %get3A_1984] : memref<10000x272xf32, #tpu.memory_space<vmem>>, vector<1x272xf32>
      %get3A_1986 = arith.index_cast %squeeze3A_1979 : i32 to index
      %get3A_1987 = arith.constant 0 : index
      %get3A_1988 = vector.load %arg6[%get3A_1986, %get3A_1987] : memref<10000x272xf32, #tpu.memory_space<vmem>>, vector<1x272xf32>
      %mul3A_1989 = arith.mulf %get3A_1985, %dot_general3A_1982 : vector<1x272xf32>
      %add3A_1990 = arith.addf %get3A_1988, %mul3A_1989 : vector<1x272xf32>
      %swap3A_1991 = arith.index_cast %squeeze3A_1979 : i32 to index
      %swap3A_1992 = arith.constant 0 : index
      %swap3A_1993 = vector.load %arg6[%swap3A_1991, %swap3A_1992] : memref<10000x272xf32, #tpu.memory_space<vmem>>, vector<1x272xf32>
      tpu.vector_store %arg6[%swap3A_1991, %swap3A_1992], %add3A_1990 {strides = array<i32>} : memref<10000x272xf32, #tpu.memory_space<vmem>>, vector<1x272xf32>,
      %slice3A_1994 = vector.extract_strided_slice %get3A_12 {offsets = [0, 110], sizes = [1, 1], strides = [1, 1]} : vector<1x128xi32> to vector<1x1xi32>
      %squeeze3A_1995 = vector.extract %slice3A_1994[0, 0] : i32 from vector<1x1xi32>
      %slice3A_1996 = vector.extract_strided_slice %get3A_15 {offsets = [0, 110], sizes = [1, 1], strides = [1, 1]} : vector<1x128xi32> to vector<1x1xi32>
      %squeeze3A_1997 = vector.extract %slice3A_1996[0, 0] : i32 from vector<1x1xi32>
      %slice3A_1998 = vector.extract_strided_slice %get3A_18 {offsets = [0, 1760], sizes = [1, 16], strides = [1, 1]} : vector<1x2048xf32> to vector<1x16xf32>
      %dot_general3A_1999 = arith.constant dense<0.000000e+00> : vector<1x272xf32>
      %dot_general3A_2000 = tpu.matmul %slice3A_1998, %get3A_4, %dot_general3A_1999 {dimension_numbers = #tpu.dot_dimension_numbers<[1], [0], [0], [1], [0, 0, 1, 1], [], []>, transpose_lhs_hint = false} : vector<1x16xf32>, vector<16x272xf32>, vector<1x272xf32> -> vector<1x272xf32>
      %get3A_2001 = arith.index_cast %squeeze3A_1995 : i32 to index
      %get3A_2002 = arith.constant 0 : index
      %get3A_2003 = vector.load %arg4[%get3A_2001, %get3A_2002] : memref<10000x272xf32, #tpu.memory_space<vmem>>, vector<1x272xf32>
      %get3A_2004 = arith.index_cast %squeeze3A_1997 : i32 to index
      %get3A_2005 = arith.constant 0 : index
      %get3A_2006 = vector.load %arg6[%get3A_2004, %get3A_2005] : memref<10000x272xf32, #tpu.memory_space<vmem>>, vector<1x272xf32>
      %mul3A_2007 = arith.mulf %get3A_2003, %dot_general3A_2000 : vector<1x272xf32>
      %add3A_2008 = arith.addf %get3A_2006, %mul3A_2007 : vector<1x272xf32>
      %swap3A_2009 = arith.index_cast %squeeze3A_1997 : i32 to index
      %swap3A_2010 = arith.constant 0 : index
      %swap3A_2011 = vector.load %arg6[%swap3A_2009, %swap3A_2010] : memref<10000x272xf32, #tpu.memory_space<vmem>>, vector<1x272xf32>
      tpu.vector_store %arg6[%swap3A_2009, %swap3A_2010], %add3A_2008 {strides = array<i32>} : memref<10000x272xf32, #tpu.memory_space<vmem>>, vector<1x272xf32>,
      %slice3A_2012 = vector.extract_strided_slice %get3A_12 {offsets = [0, 111], sizes = [1, 1], strides = [1, 1]} : vector<1x128xi32> to vector<1x1xi32>
      %squeeze3A_2013 = vector.extract %slice3A_2012[0, 0] : i32 from vector<1x1xi32>
      %slice3A_2014 = vector.extract_strided_slice %get3A_15 {offsets = [0, 111], sizes = [1, 1], strides = [1, 1]} : vector<1x128xi32> to vector<1x1xi32>
      %squeeze3A_2015 = vector.extract %slice3A_2014[0, 0] : i32 from vector<1x1xi32>
      %slice3A_2016 = vector.extract_strided_slice %get3A_18 {offsets = [0, 1776], sizes = [1, 16], strides = [1, 1]} : vector<1x2048xf32> to vector<1x16xf32>
      %dot_general3A_2017 = arith.constant dense<0.000000e+00> : vector<1x272xf32>
      %dot_general3A_2018 = tpu.matmul %slice3A_2016, %get3A_4, %dot_general3A_2017 {dimension_numbers = #tpu.dot_dimension_numbers<[1], [0], [0], [1], [0, 0, 1, 1], [], []>, transpose_lhs_hint = false} : vector<1x16xf32>, vector<16x272xf32>, vector<1x272xf32> -> vector<1x272xf32>
      %get3A_2019 = arith.index_cast %squeeze3A_2013 : i32 to index
      %get3A_2020 = arith.constant 0 : index
      %get3A_2021 = vector.load %arg4[%get3A_2019, %get3A_2020] : memref<10000x272xf32, #tpu.memory_space<vmem>>, vector<1x272xf32>
      %get3A_2022 = arith.index_cast %squeeze3A_2015 : i32 to index
      %get3A_2023 = arith.constant 0 : index
      %get3A_2024 = vector.load %arg6[%get3A_2022, %get3A_2023] : memref<10000x272xf32, #tpu.memory_space<vmem>>, vector<1x272xf32>
      %mul3A_2025 = arith.mulf %get3A_2021, %dot_general3A_2018 : vector<1x272xf32>
      %add3A_2026 = arith.addf %get3A_2024, %mul3A_2025 : vector<1x272xf32>
      %swap3A_2027 = arith.index_cast %squeeze3A_2015 : i32 to index
      %swap3A_2028 = arith.constant 0 : index
      %swap3A_2029 = vector.load %arg6[%swap3A_2027, %swap3A_2028] : memref<10000x272xf32, #tpu.memory_space<vmem>>, vector<1x272xf32>
      tpu.vector_store %arg6[%swap3A_2027, %swap3A_2028], %add3A_2026 {strides = array<i32>} : memref<10000x272xf32, #tpu.memory_space<vmem>>, vector<1x272xf32>,
      %slice3A_2030 = vector.extract_strided_slice %get3A_12 {offsets = [0, 112], sizes = [1, 1], strides = [1, 1]} : vector<1x128xi32> to vector<1x1xi32>
      %squeeze3A_2031 = vector.extract %slice3A_2030[0, 0] : i32 from vector<1x1xi32>
      %slice3A_2032 = vector.extract_strided_slice %get3A_15 {offsets = [0, 112], sizes = [1, 1], strides = [1, 1]} : vector<1x128xi32> to vector<1x1xi32>
      %squeeze3A_2033 = vector.extract %slice3A_2032[0, 0] : i32 from vector<1x1xi32>
      %slice3A_2034 = vector.extract_strided_slice %get3A_18 {offsets = [0, 1792], sizes = [1, 16], strides = [1, 1]} : vector<1x2048xf32> to vector<1x16xf32>
      %dot_general3A_2035 = arith.constant dense<0.000000e+00> : vector<1x272xf32>
      %dot_general3A_2036 = tpu.matmul %slice3A_2034, %get3A_4, %dot_general3A_2035 {dimension_numbers = #tpu.dot_dimension_numbers<[1], [0], [0], [1], [0, 0, 1, 1], [], []>, transpose_lhs_hint = false} : vector<1x16xf32>, vector<16x272xf32>, vector<1x272xf32> -> vector<1x272xf32>
      %get3A_2037 = arith.index_cast %squeeze3A_2031 : i32 to index
      %get3A_2038 = arith.constant 0 : index
      %get3A_2039 = vector.load %arg4[%get3A_2037, %get3A_2038] : memref<10000x272xf32, #tpu.memory_space<vmem>>, vector<1x272xf32>
      %get3A_2040 = arith.index_cast %squeeze3A_2033 : i32 to index
      %get3A_2041 = arith.constant 0 : index
      %get3A_2042 = vector.load %arg6[%get3A_2040, %get3A_2041] : memref<10000x272xf32, #tpu.memory_space<vmem>>, vector<1x272xf32>
      %mul3A_2043 = arith.mulf %get3A_2039, %dot_general3A_2036 : vector<1x272xf32>
      %add3A_2044 = arith.addf %get3A_2042, %mul3A_2043 : vector<1x272xf32>
      %swap3A_2045 = arith.index_cast %squeeze3A_2033 : i32 to index
      %swap3A_2046 = arith.constant 0 : index
      %swap3A_2047 = vector.load %arg6[%swap3A_2045, %swap3A_2046] : memref<10000x272xf32, #tpu.memory_space<vmem>>, vector<1x272xf32>
      tpu.vector_store %arg6[%swap3A_2045, %swap3A_2046], %add3A_2044 {strides = array<i32>} : memref<10000x272xf32, #tpu.memory_space<vmem>>, vector<1x272xf32>,
      %slice3A_2048 = vector.extract_strided_slice %get3A_12 {offsets = [0, 113], sizes = [1, 1], strides = [1, 1]} : vector<1x128xi32> to vector<1x1xi32>
      %squeeze3A_2049 = vector.extract %slice3A_2048[0, 0] : i32 from vector<1x1xi32>
      %slice3A_2050 = vector.extract_strided_slice %get3A_15 {offsets = [0, 113], sizes = [1, 1], strides = [1, 1]} : vector<1x128xi32> to vector<1x1xi32>
      %squeeze3A_2051 = vector.extract %slice3A_2050[0, 0] : i32 from vector<1x1xi32>
      %slice3A_2052 = vector.extract_strided_slice %get3A_18 {offsets = [0, 1808], sizes = [1, 16], strides = [1, 1]} : vector<1x2048xf32> to vector<1x16xf32>
      %dot_general3A_2053 = arith.constant dense<0.000000e+00> : vector<1x272xf32>
      %dot_general3A_2054 = tpu.matmul %slice3A_2052, %get3A_4, %dot_general3A_2053 {dimension_numbers = #tpu.dot_dimension_numbers<[1], [0], [0], [1], [0, 0, 1, 1], [], []>, transpose_lhs_hint = false} : vector<1x16xf32>, vector<16x272xf32>, vector<1x272xf32> -> vector<1x272xf32>
      %get3A_2055 = arith.index_cast %squeeze3A_2049 : i32 to index
      %get3A_2056 = arith.constant 0 : index
      %get3A_2057 = vector.load %arg4[%get3A_2055, %get3A_2056] : memref<10000x272xf32, #tpu.memory_space<vmem>>, vector<1x272xf32>
      %get3A_2058 = arith.index_cast %squeeze3A_2051 : i32 to index
      %get3A_2059 = arith.constant 0 : index
      %get3A_2060 = vector.load %arg6[%get3A_2058, %get3A_2059] : memref<10000x272xf32, #tpu.memory_space<vmem>>, vector<1x272xf32>
      %mul3A_2061 = arith.mulf %get3A_2057, %dot_general3A_2054 : vector<1x272xf32>
      %add3A_2062 = arith.addf %get3A_2060, %mul3A_2061 : vector<1x272xf32>
      %swap3A_2063 = arith.index_cast %squeeze3A_2051 : i32 to index
      %swap3A_2064 = arith.constant 0 : index
      %swap3A_2065 = vector.load %arg6[%swap3A_2063, %swap3A_2064] : memref<10000x272xf32, #tpu.memory_space<vmem>>, vector<1x272xf32>
      tpu.vector_store %arg6[%swap3A_2063, %swap3A_2064], %add3A_2062 {strides = array<i32>} : memref<10000x272xf32, #tpu.memory_space<vmem>>, vector<1x272xf32>,
      %slice3A_2066 = vector.extract_strided_slice %get3A_12 {offsets = [0, 114], sizes = [1, 1], strides = [1, 1]} : vector<1x128xi32> to vector<1x1xi32>
      %squeeze3A_2067 = vector.extract %slice3A_2066[0, 0] : i32 from vector<1x1xi32>
      %slice3A_2068 = vector.extract_strided_slice %get3A_15 {offsets = [0, 114], sizes = [1, 1], strides = [1, 1]} : vector<1x128xi32> to vector<1x1xi32>
      %squeeze3A_2069 = vector.extract %slice3A_2068[0, 0] : i32 from vector<1x1xi32>
      %slice3A_2070 = vector.extract_strided_slice %get3A_18 {offsets = [0, 1824], sizes = [1, 16], strides = [1, 1]} : vector<1x2048xf32> to vector<1x16xf32>
      %dot_general3A_2071 = arith.constant dense<0.000000e+00> : vector<1x272xf32>
      %dot_general3A_2072 = tpu.matmul %slice3A_2070, %get3A_4, %dot_general3A_2071 {dimension_numbers = #tpu.dot_dimension_numbers<[1], [0], [0], [1], [0, 0, 1, 1], [], []>, transpose_lhs_hint = false} : vector<1x16xf32>, vector<16x272xf32>, vector<1x272xf32> -> vector<1x272xf32>
      %get3A_2073 = arith.index_cast %squeeze3A_2067 : i32 to index
      %get3A_2074 = arith.constant 0 : index
      %get3A_2075 = vector.load %arg4[%get3A_2073, %get3A_2074] : memref<10000x272xf32, #tpu.memory_space<vmem>>, vector<1x272xf32>
      %get3A_2076 = arith.index_cast %squeeze3A_2069 : i32 to index
      %get3A_2077 = arith.constant 0 : index
      %get3A_2078 = vector.load %arg6[%get3A_2076, %get3A_2077] : memref<10000x272xf32, #tpu.memory_space<vmem>>, vector<1x272xf32>
      %mul3A_2079 = arith.mulf %get3A_2075, %dot_general3A_2072 : vector<1x272xf32>
      %add3A_2080 = arith.addf %get3A_2078, %mul3A_2079 : vector<1x272xf32>
      %swap3A_2081 = arith.index_cast %squeeze3A_2069 : i32 to index
      %swap3A_2082 = arith.constant 0 : index
      %swap3A_2083 = vector.load %arg6[%swap3A_2081, %swap3A_2082] : memref<10000x272xf32, #tpu.memory_space<vmem>>, vector<1x272xf32>
      tpu.vector_store %arg6[%swap3A_2081, %swap3A_2082], %add3A_2080 {strides = array<i32>} : memref<10000x272xf32, #tpu.memory_space<vmem>>, vector<1x272xf32>,
      %slice3A_2084 = vector.extract_strided_slice %get3A_12 {offsets = [0, 115], sizes = [1, 1], strides = [1, 1]} : vector<1x128xi32> to vector<1x1xi32>
      %squeeze3A_2085 = vector.extract %slice3A_2084[0, 0] : i32 from vector<1x1xi32>
      %slice3A_2086 = vector.extract_strided_slice %get3A_15 {offsets = [0, 115], sizes = [1, 1], strides = [1, 1]} : vector<1x128xi32> to vector<1x1xi32>
      %squeeze3A_2087 = vector.extract %slice3A_2086[0, 0] : i32 from vector<1x1xi32>
      %slice3A_2088 = vector.extract_strided_slice %get3A_18 {offsets = [0, 1840], sizes = [1, 16], strides = [1, 1]} : vector<1x2048xf32> to vector<1x16xf32>
      %dot_general3A_2089 = arith.constant dense<0.000000e+00> : vector<1x272xf32>
      %dot_general3A_2090 = tpu.matmul %slice3A_2088, %get3A_4, %dot_general3A_2089 {dimension_numbers = #tpu.dot_dimension_numbers<[1], [0], [0], [1], [0, 0, 1, 1], [], []>, transpose_lhs_hint = false} : vector<1x16xf32>, vector<16x272xf32>, vector<1x272xf32> -> vector<1x272xf32>
      %get3A_2091 = arith.index_cast %squeeze3A_2085 : i32 to index
      %get3A_2092 = arith.constant 0 : index
      %get3A_2093 = vector.load %arg4[%get3A_2091, %get3A_2092] : memref<10000x272xf32, #tpu.memory_space<vmem>>, vector<1x272xf32>
      %get3A_2094 = arith.index_cast %squeeze3A_2087 : i32 to index
      %get3A_2095 = arith.constant 0 : index
      %get3A_2096 = vector.load %arg6[%get3A_2094, %get3A_2095] : memref<10000x272xf32, #tpu.memory_space<vmem>>, vector<1x272xf32>
      %mul3A_2097 = arith.mulf %get3A_2093, %dot_general3A_2090 : vector<1x272xf32>
      %add3A_2098 = arith.addf %get3A_2096, %mul3A_2097 : vector<1x272xf32>
      %swap3A_2099 = arith.index_cast %squeeze3A_2087 : i32 to index
      %swap3A_2100 = arith.constant 0 : index
      %swap3A_2101 = vector.load %arg6[%swap3A_2099, %swap3A_2100] : memref<10000x272xf32, #tpu.memory_space<vmem>>, vector<1x272xf32>
      tpu.vector_store %arg6[%swap3A_2099, %swap3A_2100], %add3A_2098 {strides = array<i32>} : memref<10000x272xf32, #tpu.memory_space<vmem>>, vector<1x272xf32>,
      %slice3A_2102 = vector.extract_strided_slice %get3A_12 {offsets = [0, 116], sizes = [1, 1], strides = [1, 1]} : vector<1x128xi32> to vector<1x1xi32>
      %squeeze3A_2103 = vector.extract %slice3A_2102[0, 0] : i32 from vector<1x1xi32>
      %slice3A_2104 = vector.extract_strided_slice %get3A_15 {offsets = [0, 116], sizes = [1, 1], strides = [1, 1]} : vector<1x128xi32> to vector<1x1xi32>
      %squeeze3A_2105 = vector.extract %slice3A_2104[0, 0] : i32 from vector<1x1xi32>
      %slice3A_2106 = vector.extract_strided_slice %get3A_18 {offsets = [0, 1856], sizes = [1, 16], strides = [1, 1]} : vector<1x2048xf32> to vector<1x16xf32>
      %dot_general3A_2107 = arith.constant dense<0.000000e+00> : vector<1x272xf32>
      %dot_general3A_2108 = tpu.matmul %slice3A_2106, %get3A_4, %dot_general3A_2107 {dimension_numbers = #tpu.dot_dimension_numbers<[1], [0], [0], [1], [0, 0, 1, 1], [], []>, transpose_lhs_hint = false} : vector<1x16xf32>, vector<16x272xf32>, vector<1x272xf32> -> vector<1x272xf32>
      %get3A_2109 = arith.index_cast %squeeze3A_2103 : i32 to index
      %get3A_2110 = arith.constant 0 : index
      %get3A_2111 = vector.load %arg4[%get3A_2109, %get3A_2110] : memref<10000x272xf32, #tpu.memory_space<vmem>>, vector<1x272xf32>
      %get3A_2112 = arith.index_cast %squeeze3A_2105 : i32 to index
      %get3A_2113 = arith.constant 0 : index
      %get3A_2114 = vector.load %arg6[%get3A_2112, %get3A_2113] : memref<10000x272xf32, #tpu.memory_space<vmem>>, vector<1x272xf32>
      %mul3A_2115 = arith.mulf %get3A_2111, %dot_general3A_2108 : vector<1x272xf32>
      %add3A_2116 = arith.addf %get3A_2114, %mul3A_2115 : vector<1x272xf32>
      %swap3A_2117 = arith.index_cast %squeeze3A_2105 : i32 to index
      %swap3A_2118 = arith.constant 0 : index
      %swap3A_2119 = vector.load %arg6[%swap3A_2117, %swap3A_2118] : memref<10000x272xf32, #tpu.memory_space<vmem>>, vector<1x272xf32>
      tpu.vector_store %arg6[%swap3A_2117, %swap3A_2118], %add3A_2116 {strides = array<i32>} : memref<10000x272xf32, #tpu.memory_space<vmem>>, vector<1x272xf32>,
      %slice3A_2120 = vector.extract_strided_slice %get3A_12 {offsets = [0, 117], sizes = [1, 1], strides = [1, 1]} : vector<1x128xi32> to vector<1x1xi32>
      %squeeze3A_2121 = vector.extract %slice3A_2120[0, 0] : i32 from vector<1x1xi32>
      %slice3A_2122 = vector.extract_strided_slice %get3A_15 {offsets = [0, 117], sizes = [1, 1], strides = [1, 1]} : vector<1x128xi32> to vector<1x1xi32>
      %squeeze3A_2123 = vector.extract %slice3A_2122[0, 0] : i32 from vector<1x1xi32>
      %slice3A_2124 = vector.extract_strided_slice %get3A_18 {offsets = [0, 1872], sizes = [1, 16], strides = [1, 1]} : vector<1x2048xf32> to vector<1x16xf32>
      %dot_general3A_2125 = arith.constant dense<0.000000e+00> : vector<1x272xf32>
      %dot_general3A_2126 = tpu.matmul %slice3A_2124, %get3A_4, %dot_general3A_2125 {dimension_numbers = #tpu.dot_dimension_numbers<[1], [0], [0], [1], [0, 0, 1, 1], [], []>, transpose_lhs_hint = false} : vector<1x16xf32>, vector<16x272xf32>, vector<1x272xf32> -> vector<1x272xf32>
      %get3A_2127 = arith.index_cast %squeeze3A_2121 : i32 to index
      %get3A_2128 = arith.constant 0 : index
      %get3A_2129 = vector.load %arg4[%get3A_2127, %get3A_2128] : memref<10000x272xf32, #tpu.memory_space<vmem>>, vector<1x272xf32>
      %get3A_2130 = arith.index_cast %squeeze3A_2123 : i32 to index
      %get3A_2131 = arith.constant 0 : index
      %get3A_2132 = vector.load %arg6[%get3A_2130, %get3A_2131] : memref<10000x272xf32, #tpu.memory_space<vmem>>, vector<1x272xf32>
      %mul3A_2133 = arith.mulf %get3A_2129, %dot_general3A_2126 : vector<1x272xf32>
      %add3A_2134 = arith.addf %get3A_2132, %mul3A_2133 : vector<1x272xf32>
      %swap3A_2135 = arith.index_cast %squeeze3A_2123 : i32 to index
      %swap3A_2136 = arith.constant 0 : index
      %swap3A_2137 = vector.load %arg6[%swap3A_2135, %swap3A_2136] : memref<10000x272xf32, #tpu.memory_space<vmem>>, vector<1x272xf32>
      tpu.vector_store %arg6[%swap3A_2135, %swap3A_2136], %add3A_2134 {strides = array<i32>} : memref<10000x272xf32, #tpu.memory_space<vmem>>, vector<1x272xf32>,
      %slice3A_2138 = vector.extract_strided_slice %get3A_12 {offsets = [0, 118], sizes = [1, 1], strides = [1, 1]} : vector<1x128xi32> to vector<1x1xi32>
      %squeeze3A_2139 = vector.extract %slice3A_2138[0, 0] : i32 from vector<1x1xi32>
      %slice3A_2140 = vector.extract_strided_slice %get3A_15 {offsets = [0, 118], sizes = [1, 1], strides = [1, 1]} : vector<1x128xi32> to vector<1x1xi32>
      %squeeze3A_2141 = vector.extract %slice3A_2140[0, 0] : i32 from vector<1x1xi32>
      %slice3A_2142 = vector.extract_strided_slice %get3A_18 {offsets = [0, 1888], sizes = [1, 16], strides = [1, 1]} : vector<1x2048xf32> to vector<1x16xf32>
      %dot_general3A_2143 = arith.constant dense<0.000000e+00> : vector<1x272xf32>
      %dot_general3A_2144 = tpu.matmul %slice3A_2142, %get3A_4, %dot_general3A_2143 {dimension_numbers = #tpu.dot_dimension_numbers<[1], [0], [0], [1], [0, 0, 1, 1], [], []>, transpose_lhs_hint = false} : vector<1x16xf32>, vector<16x272xf32>, vector<1x272xf32> -> vector<1x272xf32>
      %get3A_2145 = arith.index_cast %squeeze3A_2139 : i32 to index
      %get3A_2146 = arith.constant 0 : index
      %get3A_2147 = vector.load %arg4[%get3A_2145, %get3A_2146] : memref<10000x272xf32, #tpu.memory_space<vmem>>, vector<1x272xf32>
      %get3A_2148 = arith.index_cast %squeeze3A_2141 : i32 to index
      %get3A_2149 = arith.constant 0 : index
      %get3A_2150 = vector.load %arg6[%get3A_2148, %get3A_2149] : memref<10000x272xf32, #tpu.memory_space<vmem>>, vector<1x272xf32>
      %mul3A_2151 = arith.mulf %get3A_2147, %dot_general3A_2144 : vector<1x272xf32>
      %add3A_2152 = arith.addf %get3A_2150, %mul3A_2151 : vector<1x272xf32>
      %swap3A_2153 = arith.index_cast %squeeze3A_2141 : i32 to index
      %swap3A_2154 = arith.constant 0 : index
      %swap3A_2155 = vector.load %arg6[%swap3A_2153, %swap3A_2154] : memref<10000x272xf32, #tpu.memory_space<vmem>>, vector<1x272xf32>
      tpu.vector_store %arg6[%swap3A_2153, %swap3A_2154], %add3A_2152 {strides = array<i32>} : memref<10000x272xf32, #tpu.memory_space<vmem>>, vector<1x272xf32>,
      %slice3A_2156 = vector.extract_strided_slice %get3A_12 {offsets = [0, 119], sizes = [1, 1], strides = [1, 1]} : vector<1x128xi32> to vector<1x1xi32>
      %squeeze3A_2157 = vector.extract %slice3A_2156[0, 0] : i32 from vector<1x1xi32>
      %slice3A_2158 = vector.extract_strided_slice %get3A_15 {offsets = [0, 119], sizes = [1, 1], strides = [1, 1]} : vector<1x128xi32> to vector<1x1xi32>
      %squeeze3A_2159 = vector.extract %slice3A_2158[0, 0] : i32 from vector<1x1xi32>
      %slice3A_2160 = vector.extract_strided_slice %get3A_18 {offsets = [0, 1904], sizes = [1, 16], strides = [1, 1]} : vector<1x2048xf32> to vector<1x16xf32>
      %dot_general3A_2161 = arith.constant dense<0.000000e+00> : vector<1x272xf32>
      %dot_general3A_2162 = tpu.matmul %slice3A_2160, %get3A_4, %dot_general3A_2161 {dimension_numbers = #tpu.dot_dimension_numbers<[1], [0], [0], [1], [0, 0, 1, 1], [], []>, transpose_lhs_hint = false} : vector<1x16xf32>, vector<16x272xf32>, vector<1x272xf32> -> vector<1x272xf32>
      %get3A_2163 = arith.index_cast %squeeze3A_2157 : i32 to index
      %get3A_2164 = arith.constant 0 : index
      %get3A_2165 = vector.load %arg4[%get3A_2163, %get3A_2164] : memref<10000x272xf32, #tpu.memory_space<vmem>>, vector<1x272xf32>
      %get3A_2166 = arith.index_cast %squeeze3A_2159 : i32 to index
      %get3A_2167 = arith.constant 0 : index
      %get3A_2168 = vector.load %arg6[%get3A_2166, %get3A_2167] : memref<10000x272xf32, #tpu.memory_space<vmem>>, vector<1x272xf32>
      %mul3A_2169 = arith.mulf %get3A_2165, %dot_general3A_2162 : vector<1x272xf32>
      %add3A_2170 = arith.addf %get3A_2168, %mul3A_2169 : vector<1x272xf32>
      %swap3A_2171 = arith.index_cast %squeeze3A_2159 : i32 to index
      %swap3A_2172 = arith.constant 0 : index
      %swap3A_2173 = vector.load %arg6[%swap3A_2171, %swap3A_2172] : memref<10000x272xf32, #tpu.memory_space<vmem>>, vector<1x272xf32>
      tpu.vector_store %arg6[%swap3A_2171, %swap3A_2172], %add3A_2170 {strides = array<i32>} : memref<10000x272xf32, #tpu.memory_space<vmem>>, vector<1x272xf32>,
      %slice3A_2174 = vector.extract_strided_slice %get3A_12 {offsets = [0, 120], sizes = [1, 1], strides = [1, 1]} : vector<1x128xi32> to vector<1x1xi32>
      %squeeze3A_2175 = vector.extract %slice3A_2174[0, 0] : i32 from vector<1x1xi32>
      %slice3A_2176 = vector.extract_strided_slice %get3A_15 {offsets = [0, 120], sizes = [1, 1], strides = [1, 1]} : vector<1x128xi32> to vector<1x1xi32>
      %squeeze3A_2177 = vector.extract %slice3A_2176[0, 0] : i32 from vector<1x1xi32>
      %slice3A_2178 = vector.extract_strided_slice %get3A_18 {offsets = [0, 1920], sizes = [1, 16], strides = [1, 1]} : vector<1x2048xf32> to vector<1x16xf32>
      %dot_general3A_2179 = arith.constant dense<0.000000e+00> : vector<1x272xf32>
      %dot_general3A_2180 = tpu.matmul %slice3A_2178, %get3A_4, %dot_general3A_2179 {dimension_numbers = #tpu.dot_dimension_numbers<[1], [0], [0], [1], [0, 0, 1, 1], [], []>, transpose_lhs_hint = false} : vector<1x16xf32>, vector<16x272xf32>, vector<1x272xf32> -> vector<1x272xf32>
      %get3A_2181 = arith.index_cast %squeeze3A_2175 : i32 to index
      %get3A_2182 = arith.constant 0 : index
      %get3A_2183 = vector.load %arg4[%get3A_2181, %get3A_2182] : memref<10000x272xf32, #tpu.memory_space<vmem>>, vector<1x272xf32>
      %get3A_2184 = arith.index_cast %squeeze3A_2177 : i32 to index
      %get3A_2185 = arith.constant 0 : index
      %get3A_2186 = vector.load %arg6[%get3A_2184, %get3A_2185] : memref<10000x272xf32, #tpu.memory_space<vmem>>, vector<1x272xf32>
      %mul3A_2187 = arith.mulf %get3A_2183, %dot_general3A_2180 : vector<1x272xf32>
      %add3A_2188 = arith.addf %get3A_2186, %mul3A_2187 : vector<1x272xf32>
      %swap3A_2189 = arith.index_cast %squeeze3A_2177 : i32 to index
      %swap3A_2190 = arith.constant 0 : index
      %swap3A_2191 = vector.load %arg6[%swap3A_2189, %swap3A_2190] : memref<10000x272xf32, #tpu.memory_space<vmem>>, vector<1x272xf32>
      tpu.vector_store %arg6[%swap3A_2189, %swap3A_2190], %add3A_2188 {strides = array<i32>} : memref<10000x272xf32, #tpu.memory_space<vmem>>, vector<1x272xf32>,
      %slice3A_2192 = vector.extract_strided_slice %get3A_12 {offsets = [0, 121], sizes = [1, 1], strides = [1, 1]} : vector<1x128xi32> to vector<1x1xi32>
      %squeeze3A_2193 = vector.extract %slice3A_2192[0, 0] : i32 from vector<1x1xi32>
      %slice3A_2194 = vector.extract_strided_slice %get3A_15 {offsets = [0, 121], sizes = [1, 1], strides = [1, 1]} : vector<1x128xi32> to vector<1x1xi32>
      %squeeze3A_2195 = vector.extract %slice3A_2194[0, 0] : i32 from vector<1x1xi32>
      %slice3A_2196 = vector.extract_strided_slice %get3A_18 {offsets = [0, 1936], sizes = [1, 16], strides = [1, 1]} : vector<1x2048xf32> to vector<1x16xf32>
      %dot_general3A_2197 = arith.constant dense<0.000000e+00> : vector<1x272xf32>
      %dot_general3A_2198 = tpu.matmul %slice3A_2196, %get3A_4, %dot_general3A_2197 {dimension_numbers = #tpu.dot_dimension_numbers<[1], [0], [0], [1], [0, 0, 1, 1], [], []>, transpose_lhs_hint = false} : vector<1x16xf32>, vector<16x272xf32>, vector<1x272xf32> -> vector<1x272xf32>
      %get3A_2199 = arith.index_cast %squeeze3A_2193 : i32 to index
      %get3A_2200 = arith.constant 0 : index
      %get3A_2201 = vector.load %arg4[%get3A_2199, %get3A_2200] : memref<10000x272xf32, #tpu.memory_space<vmem>>, vector<1x272xf32>
      %get3A_2202 = arith.index_cast %squeeze3A_2195 : i32 to index
      %get3A_2203 = arith.constant 0 : index
      %get3A_2204 = vector.load %arg6[%get3A_2202, %get3A_2203] : memref<10000x272xf32, #tpu.memory_space<vmem>>, vector<1x272xf32>
      %mul3A_2205 = arith.mulf %get3A_2201, %dot_general3A_2198 : vector<1x272xf32>
      %add3A_2206 = arith.addf %get3A_2204, %mul3A_2205 : vector<1x272xf32>
      %swap3A_2207 = arith.index_cast %squeeze3A_2195 : i32 to index
      %swap3A_2208 = arith.constant 0 : index
      %swap3A_2209 = vector.load %arg6[%swap3A_2207, %swap3A_2208] : memref<10000x272xf32, #tpu.memory_space<vmem>>, vector<1x272xf32>
      tpu.vector_store %arg6[%swap3A_2207, %swap3A_2208], %add3A_2206 {strides = array<i32>} : memref<10000x272xf32, #tpu.memory_space<vmem>>, vector<1x272xf32>,
      %slice3A_2210 = vector.extract_strided_slice %get3A_12 {offsets = [0, 122], sizes = [1, 1], strides = [1, 1]} : vector<1x128xi32> to vector<1x1xi32>
      %squeeze3A_2211 = vector.extract %slice3A_2210[0, 0] : i32 from vector<1x1xi32>
      %slice3A_2212 = vector.extract_strided_slice %get3A_15 {offsets = [0, 122], sizes = [1, 1], strides = [1, 1]} : vector<1x128xi32> to vector<1x1xi32>
      %squeeze3A_2213 = vector.extract %slice3A_2212[0, 0] : i32 from vector<1x1xi32>
      %slice3A_2214 = vector.extract_strided_slice %get3A_18 {offsets = [0, 1952], sizes = [1, 16], strides = [1, 1]} : vector<1x2048xf32> to vector<1x16xf32>
      %dot_general3A_2215 = arith.constant dense<0.000000e+00> : vector<1x272xf32>
      %dot_general3A_2216 = tpu.matmul %slice3A_2214, %get3A_4, %dot_general3A_2215 {dimension_numbers = #tpu.dot_dimension_numbers<[1], [0], [0], [1], [0, 0, 1, 1], [], []>, transpose_lhs_hint = false} : vector<1x16xf32>, vector<16x272xf32>, vector<1x272xf32> -> vector<1x272xf32>
      %get3A_2217 = arith.index_cast %squeeze3A_2211 : i32 to index
      %get3A_2218 = arith.constant 0 : index
      %get3A_2219 = vector.load %arg4[%get3A_2217, %get3A_2218] : memref<10000x272xf32, #tpu.memory_space<vmem>>, vector<1x272xf32>
      %get3A_2220 = arith.index_cast %squeeze3A_2213 : i32 to index
      %get3A_2221 = arith.constant 0 : index
      %get3A_2222 = vector.load %arg6[%get3A_2220, %get3A_2221] : memref<10000x272xf32, #tpu.memory_space<vmem>>, vector<1x272xf32>
      %mul3A_2223 = arith.mulf %get3A_2219, %dot_general3A_2216 : vector<1x272xf32>
      %add3A_2224 = arith.addf %get3A_2222, %mul3A_2223 : vector<1x272xf32>
      %swap3A_2225 = arith.index_cast %squeeze3A_2213 : i32 to index
      %swap3A_2226 = arith.constant 0 : index
      %swap3A_2227 = vector.load %arg6[%swap3A_2225, %swap3A_2226] : memref<10000x272xf32, #tpu.memory_space<vmem>>, vector<1x272xf32>
      tpu.vector_store %arg6[%swap3A_2225, %swap3A_2226], %add3A_2224 {strides = array<i32>} : memref<10000x272xf32, #tpu.memory_space<vmem>>, vector<1x272xf32>,
      %slice3A_2228 = vector.extract_strided_slice %get3A_12 {offsets = [0, 123], sizes = [1, 1], strides = [1, 1]} : vector<1x128xi32> to vector<1x1xi32>
      %squeeze3A_2229 = vector.extract %slice3A_2228[0, 0] : i32 from vector<1x1xi32>
      %slice3A_2230 = vector.extract_strided_slice %get3A_15 {offsets = [0, 123], sizes = [1, 1], strides = [1, 1]} : vector<1x128xi32> to vector<1x1xi32>
      %squeeze3A_2231 = vector.extract %slice3A_2230[0, 0] : i32 from vector<1x1xi32>
      %slice3A_2232 = vector.extract_strided_slice %get3A_18 {offsets = [0, 1968], sizes = [1, 16], strides = [1, 1]} : vector<1x2048xf32> to vector<1x16xf32>
      %dot_general3A_2233 = arith.constant dense<0.000000e+00> : vector<1x272xf32>
      %dot_general3A_2234 = tpu.matmul %slice3A_2232, %get3A_4, %dot_general3A_2233 {dimension_numbers = #tpu.dot_dimension_numbers<[1], [0], [0], [1], [0, 0, 1, 1], [], []>, transpose_lhs_hint = false} : vector<1x16xf32>, vector<16x272xf32>, vector<1x272xf32> -> vector<1x272xf32>
      %get3A_2235 = arith.index_cast %squeeze3A_2229 : i32 to index
      %get3A_2236 = arith.constant 0 : index
      %get3A_2237 = vector.load %arg4[%get3A_2235, %get3A_2236] : memref<10000x272xf32, #tpu.memory_space<vmem>>, vector<1x272xf32>
      %get3A_2238 = arith.index_cast %squeeze3A_2231 : i32 to index
      %get3A_2239 = arith.constant 0 : index
      %get3A_2240 = vector.load %arg6[%get3A_2238, %get3A_2239] : memref<10000x272xf32, #tpu.memory_space<vmem>>, vector<1x272xf32>
      %mul3A_2241 = arith.mulf %get3A_2237, %dot_general3A_2234 : vector<1x272xf32>
      %add3A_2242 = arith.addf %get3A_2240, %mul3A_2241 : vector<1x272xf32>
      %swap3A_2243 = arith.index_cast %squeeze3A_2231 : i32 to index
      %swap3A_2244 = arith.constant 0 : index
      %swap3A_2245 = vector.load %arg6[%swap3A_2243, %swap3A_2244] : memref<10000x272xf32, #tpu.memory_space<vmem>>, vector<1x272xf32>
      tpu.vector_store %arg6[%swap3A_2243, %swap3A_2244], %add3A_2242 {strides = array<i32>} : memref<10000x272xf32, #tpu.memory_space<vmem>>, vector<1x272xf32>,
      %slice3A_2246 = vector.extract_strided_slice %get3A_12 {offsets = [0, 124], sizes = [1, 1], strides = [1, 1]} : vector<1x128xi32> to vector<1x1xi32>
      %squeeze3A_2247 = vector.extract %slice3A_2246[0, 0] : i32 from vector<1x1xi32>
      %slice3A_2248 = vector.extract_strided_slice %get3A_15 {offsets = [0, 124], sizes = [1, 1], strides = [1, 1]} : vector<1x128xi32> to vector<1x1xi32>
      %squeeze3A_2249 = vector.extract %slice3A_2248[0, 0] : i32 from vector<1x1xi32>
      %slice3A_2250 = vector.extract_strided_slice %get3A_18 {offsets = [0, 1984], sizes = [1, 16], strides = [1, 1]} : vector<1x2048xf32> to vector<1x16xf32>
      %dot_general3A_2251 = arith.constant dense<0.000000e+00> : vector<1x272xf32>
      %dot_general3A_2252 = tpu.matmul %slice3A_2250, %get3A_4, %dot_general3A_2251 {dimension_numbers = #tpu.dot_dimension_numbers<[1], [0], [0], [1], [0, 0, 1, 1], [], []>, transpose_lhs_hint = false} : vector<1x16xf32>, vector<16x272xf32>, vector<1x272xf32> -> vector<1x272xf32>
      %get3A_2253 = arith.index_cast %squeeze3A_2247 : i32 to index
      %get3A_2254 = arith.constant 0 : index
      %get3A_2255 = vector.load %arg4[%get3A_2253, %get3A_2254] : memref<10000x272xf32, #tpu.memory_space<vmem>>, vector<1x272xf32>
      %get3A_2256 = arith.index_cast %squeeze3A_2249 : i32 to index
      %get3A_2257 = arith.constant 0 : index
      %get3A_2258 = vector.load %arg6[%get3A_2256, %get3A_2257] : memref<10000x272xf32, #tpu.memory_space<vmem>>, vector<1x272xf32>
      %mul3A_2259 = arith.mulf %get3A_2255, %dot_general3A_2252 : vector<1x272xf32>
      %add3A_2260 = arith.addf %get3A_2258, %mul3A_2259 : vector<1x272xf32>
      %swap3A_2261 = arith.index_cast %squeeze3A_2249 : i32 to index
      %swap3A_2262 = arith.constant 0 : index
      %swap3A_2263 = vector.load %arg6[%swap3A_2261, %swap3A_2262] : memref<10000x272xf32, #tpu.memory_space<vmem>>, vector<1x272xf32>
      tpu.vector_store %arg6[%swap3A_2261, %swap3A_2262], %add3A_2260 {strides = array<i32>} : memref<10000x272xf32, #tpu.memory_space<vmem>>, vector<1x272xf32>,
      %slice3A_2264 = vector.extract_strided_slice %get3A_12 {offsets = [0, 125], sizes = [1, 1], strides = [1, 1]} : vector<1x128xi32> to vector<1x1xi32>
      %squeeze3A_2265 = vector.extract %slice3A_2264[0, 0] : i32 from vector<1x1xi32>
      %slice3A_2266 = vector.extract_strided_slice %get3A_15 {offsets = [0, 125], sizes = [1, 1], strides = [1, 1]} : vector<1x128xi32> to vector<1x1xi32>
      %squeeze3A_2267 = vector.extract %slice3A_2266[0, 0] : i32 from vector<1x1xi32>
      %slice3A_2268 = vector.extract_strided_slice %get3A_18 {offsets = [0, 2000], sizes = [1, 16], strides = [1, 1]} : vector<1x2048xf32> to vector<1x16xf32>
      %dot_general3A_2269 = arith.constant dense<0.000000e+00> : vector<1x272xf32>
      %dot_general3A_2270 = tpu.matmul %slice3A_2268, %get3A_4, %dot_general3A_2269 {dimension_numbers = #tpu.dot_dimension_numbers<[1], [0], [0], [1], [0, 0, 1, 1], [], []>, transpose_lhs_hint = false} : vector<1x16xf32>, vector<16x272xf32>, vector<1x272xf32> -> vector<1x272xf32>
      %get3A_2271 = arith.index_cast %squeeze3A_2265 : i32 to index
      %get3A_2272 = arith.constant 0 : index
      %get3A_2273 = vector.load %arg4[%get3A_2271, %get3A_2272] : memref<10000x272xf32, #tpu.memory_space<vmem>>, vector<1x272xf32>
      %get3A_2274 = arith.index_cast %squeeze3A_2267 : i32 to index
      %get3A_2275 = arith.constant 0 : index
      %get3A_2276 = vector.load %arg6[%get3A_2274, %get3A_2275] : memref<10000x272xf32, #tpu.memory_space<vmem>>, vector<1x272xf32>
      %mul3A_2277 = arith.mulf %get3A_2273, %dot_general3A_2270 : vector<1x272xf32>
      %add3A_2278 = arith.addf %get3A_2276, %mul3A_2277 : vector<1x272xf32>
      %swap3A_2279 = arith.index_cast %squeeze3A_2267 : i32 to index
      %swap3A_2280 = arith.constant 0 : index
      %swap3A_2281 = vector.load %arg6[%swap3A_2279, %swap3A_2280] : memref<10000x272xf32, #tpu.memory_space<vmem>>, vector<1x272xf32>
      tpu.vector_store %arg6[%swap3A_2279, %swap3A_2280], %add3A_2278 {strides = array<i32>} : memref<10000x272xf32, #tpu.memory_space<vmem>>, vector<1x272xf32>,
      %slice3A_2282 = vector.extract_strided_slice %get3A_12 {offsets = [0, 126], sizes = [1, 1], strides = [1, 1]} : vector<1x128xi32> to vector<1x1xi32>
      %squeeze3A_2283 = vector.extract %slice3A_2282[0, 0] : i32 from vector<1x1xi32>
      %slice3A_2284 = vector.extract_strided_slice %get3A_15 {offsets = [0, 126], sizes = [1, 1], strides = [1, 1]} : vector<1x128xi32> to vector<1x1xi32>
      %squeeze3A_2285 = vector.extract %slice3A_2284[0, 0] : i32 from vector<1x1xi32>
      %slice3A_2286 = vector.extract_strided_slice %get3A_18 {offsets = [0, 2016], sizes = [1, 16], strides = [1, 1]} : vector<1x2048xf32> to vector<1x16xf32>
      %dot_general3A_2287 = arith.constant dense<0.000000e+00> : vector<1x272xf32>
      %dot_general3A_2288 = tpu.matmul %slice3A_2286, %get3A_4, %dot_general3A_2287 {dimension_numbers = #tpu.dot_dimension_numbers<[1], [0], [0], [1], [0, 0, 1, 1], [], []>, transpose_lhs_hint = false} : vector<1x16xf32>, vector<16x272xf32>, vector<1x272xf32> -> vector<1x272xf32>
      %get3A_2289 = arith.index_cast %squeeze3A_2283 : i32 to index
      %get3A_2290 = arith.constant 0 : index
      %get3A_2291 = vector.load %arg4[%get3A_2289, %get3A_2290] : memref<10000x272xf32, #tpu.memory_space<vmem>>, vector<1x272xf32>
      %get3A_2292 = arith.index_cast %squeeze3A_2285 : i32 to index
      %get3A_2293 = arith.constant 0 : index
      %get3A_2294 = vector.load %arg6[%get3A_2292, %get3A_2293] : memref<10000x272xf32, #tpu.memory_space<vmem>>, vector<1x272xf32>
      %mul3A_2295 = arith.mulf %get3A_2291, %dot_general3A_2288 : vector<1x272xf32>
      %add3A_2296 = arith.addf %get3A_2294, %mul3A_2295 : vector<1x272xf32>
      %swap3A_2297 = arith.index_cast %squeeze3A_2285 : i32 to index
      %swap3A_2298 = arith.constant 0 : index
      %swap3A_2299 = vector.load %arg6[%swap3A_2297, %swap3A_2298] : memref<10000x272xf32, #tpu.memory_space<vmem>>, vector<1x272xf32>
      tpu.vector_store %arg6[%swap3A_2297, %swap3A_2298], %add3A_2296 {strides = array<i32>} : memref<10000x272xf32, #tpu.memory_space<vmem>>, vector<1x272xf32>,
      %slice3A_2300 = vector.extract_strided_slice %get3A_12 {offsets = [0, 127], sizes = [1, 1], strides = [1, 1]} : vector<1x128xi32> to vector<1x1xi32>
      %squeeze3A_2301 = vector.extract %slice3A_2300[0, 0] : i32 from vector<1x1xi32>
      %slice3A_2302 = vector.extract_strided_slice %get3A_15 {offsets = [0, 127], sizes = [1, 1], strides = [1, 1]} : vector<1x128xi32> to vector<1x1xi32>
      %squeeze3A_2303 = vector.extract %slice3A_2302[0, 0] : i32 from vector<1x1xi32>
      %slice3A_2304 = vector.extract_strided_slice %get3A_18 {offsets = [0, 2032], sizes = [1, 16], strides = [1, 1]} : vector<1x2048xf32> to vector<1x16xf32>
      %dot_general3A_2305 = arith.constant dense<0.000000e+00> : vector<1x272xf32>
      %dot_general3A_2306 = tpu.matmul %slice3A_2304, %get3A_4, %dot_general3A_2305 {dimension_numbers = #tpu.dot_dimension_numbers<[1], [0], [0], [1], [0, 0, 1, 1], [], []>, transpose_lhs_hint = false} : vector<1x16xf32>, vector<16x272xf32>, vector<1x272xf32> -> vector<1x272xf32>
      %get3A_2307 = arith.index_cast %squeeze3A_2301 : i32 to index
      %get3A_2308 = arith.constant 0 : index
      %get3A_2309 = vector.load %arg4[%get3A_2307, %get3A_2308] : memref<10000x272xf32, #tpu.memory_space<vmem>>, vector<1x272xf32>
      %get3A_2310 = arith.index_cast %squeeze3A_2303 : i32 to index
      %get3A_2311 = arith.constant 0 : index
      %get3A_2312 = vector.load %arg6[%get3A_2310, %get3A_2311] : memref<10000x272xf32, #tpu.memory_space<vmem>>, vector<1x272xf32>
      %mul3A_2313 = arith.mulf %get3A_2309, %dot_general3A_2306 : vector<1x272xf32>
      %add3A_2314 = arith.addf %get3A_2312, %mul3A_2313 : vector<1x272xf32>
      %swap3A_2315 = arith.index_cast %squeeze3A_2303 : i32 to index
      %swap3A_2316 = arith.constant 0 : index
      %swap3A_2317 = vector.load %arg6[%swap3A_2315, %swap3A_2316] : memref<10000x272xf32, #tpu.memory_space<vmem>>, vector<1x272xf32>
      tpu.vector_store %arg6[%swap3A_2315, %swap3A_2316], %add3A_2314 {strides = array<i32>} : memref<10000x272xf32, #tpu.memory_space<vmem>>, vector<1x272xf32>,
    }
    %scan3A_8 = arith.constant 1250 : i32
    return
  }
  func.func @transform_0(%arg0: i32) -> (i32, i32) {
    %c0_i32 = arith.constant 0 : i32
    %c0_i32_0 = arith.constant 0 : i32
    %c0_i32_1 = arith.constant 0 : i32
    return %c0_i32, %c0_i32_0 : i32, i32
  }
  func.func @transform_1(%arg0: i32) -> (i32, i32) {
    %c0_i32 = arith.constant 0 : i32
    %c0_i32_0 = arith.constant 0 : i32
    %c0_i32_1 = arith.constant 0 : i32
    return %c0_i32, %c0_i32_0 : i32, i32
  }
  func.func @transform_2(%arg0: i32) -> (i32, i32) {
    %c0_i32 = arith.constant 0 : i32
    %c0_i32_0 = arith.constant 0 : i32
    %c0_i32_1 = arith.constant 0 : i32
    return %c0_i32, %c0_i32_0 : i32, i32
  }
  func.func @transform_3(%arg0: i32) -> (i32, i32) {
    %c0_i32 = arith.constant 0 : i32
    %c0_i32_0 = arith.constant 0 : i32
    %c0_i32_1 = arith.constant 0 : i32
    return %c0_i32, %c0_i32_0 : i32, i32
  }
  func.func @transform_4(%arg0: i32) -> (i32, i32) {
    %c0_i32 = arith.constant 0 : i32
    %c0_i32_0 = arith.constant 0 : i32
    %c0_i32_1 = arith.constant 0 : i32
    return %c0_i32, %c0_i32_0 : i32, i32
  }
  func.func @transform_5(%arg0: i32) -> (i32, i32) {
    %c0_i32 = arith.constant 0 : i32
    %c0_i32_0 = arith.constant 0 : i32
    %c0_i32_1 = arith.constant 0 : i32
    return %c0_i32, %c0_i32_0 : i32, i32
  }
}

module attributes {stable_mosaic.version = 14 : i64} {
  func.func @_fin_kernel(%arg0: i32, %arg1: memref<1000x272xf32, #tpu.memory_space<vmem>>, %arg2: memref<1000x272xf32, #tpu.memory_space<vmem>>, %arg3: memref<1000x128xf32, #tpu.memory_space<vmem>>, %arg4: memref<1x16xf32, #tpu.memory_space<vmem>>, %arg5: memref<16x256xf32, #tpu.memory_space<vmem>>, %arg6: memref<1x256xf32, #tpu.memory_space<vmem>>, %arg7: memref<1x256xf32, #tpu.memory_space<vmem>>, %arg8: memref<1x256xf32, #tpu.memory_space<vmem>>, %arg9: memref<256x1024xf32, #tpu.memory_space<vmem>>, %arg10: memref<1x1024xf32, #tpu.memory_space<vmem>>, %arg11: memref<1024x256xf32, #tpu.memory_space<vmem>>, %arg12: memref<1x256xf32, #tpu.memory_space<vmem>>, %arg13: memref<1000x256xf32, #tpu.memory_space<vmem>>) attributes {dimension_semantics = [#tpu.dimension_semantics<arbitrary>], iteration_bounds = array<i64: 10>, scalar_prefetch = 0 : i64, scratch_operands = 0 : i64, tpu.core_type = #tpu.core_type<tc>, window_params = [{transform_indices = @transform_0, window_bounds = array<i64: 1000, 272>}, {transform_indices = @transform_1, window_bounds = array<i64: 1000, 272>}, {transform_indices = @transform_2, window_bounds = array<i64: 1000, 128>}, {pipeline_mode = #tpu.pipeline_mode<synchronous>, transform_indices = @transform_3, window_bounds = array<i64: 1, 16>}, {pipeline_mode = #tpu.pipeline_mode<synchronous>, transform_indices = @transform_4, window_bounds = array<i64: 16, 256>}, {pipeline_mode = #tpu.pipeline_mode<synchronous>, transform_indices = @transform_5, window_bounds = array<i64: 1, 256>}, {pipeline_mode = #tpu.pipeline_mode<synchronous>, transform_indices = @transform_6, window_bounds = array<i64: 1, 256>}, {pipeline_mode = #tpu.pipeline_mode<synchronous>, transform_indices = @transform_7, window_bounds = array<i64: 1, 256>}, {pipeline_mode = #tpu.pipeline_mode<synchronous>, transform_indices = @transform_8, window_bounds = array<i64: 256, 1024>}, {pipeline_mode = #tpu.pipeline_mode<synchronous>, transform_indices = @transform_9, window_bounds = array<i64: 1, 1024>}, {pipeline_mode = #tpu.pipeline_mode<synchronous>, transform_indices = @transform_10, window_bounds = array<i64: 1024, 256>}, {pipeline_mode = #tpu.pipeline_mode<synchronous>, transform_indices = @transform_11, window_bounds = array<i64: 1, 256>}, {transform_indices = @transform_12, window_bounds = array<i64: 1000, 256>}]} {
    %get3A = arith.constant 0 : index
    %get3A_0 = arith.constant 0 : index
    %get3A_1 = vector.load %arg3[%get3A, %get3A_0] : memref<1000x128xf32, #tpu.memory_space<vmem>>, vector<1000x128xf32>
    %slice3A = vector.extract_strided_slice %get3A_1 {offsets = [0, 0], sizes = [1000, 16], strides = [1, 1]} : vector<1000x128xf32> to vector<1000x16xf32>
    %slice3A_2 = vector.extract_strided_slice %get3A_1 {offsets = [0, 16], sizes = [1000, 16], strides = [1, 1]} : vector<1000x128xf32> to vector<1000x16xf32>
    %add3A = arith.addf %slice3A, %slice3A_2 : vector<1000x16xf32>
    %get3A_3 = arith.constant 0 : index
    %get3A_4 = arith.constant 0 : index
    %get3A_5 = vector.load %arg4[%get3A_3, %get3A_4] : memref<1x16xf32, #tpu.memory_space<vmem>>, vector<1x16xf32>
    %add3A_6 = vector.broadcast %get3A_5 : vector<1x16xf32> to vector<1000x16xf32>
    %add3A_7 = arith.addf %add3A, %add3A_6 : vector<1000x16xf32>
    %mul3A = arith.constant 2.000000e-01 : f32
    %mul3A_8 = vector.broadcast %mul3A : f32 to vector<1000x16xf32>
    %mul3A_9 = arith.mulf %mul3A_8, %add3A_7 : vector<1000x16xf32>
    %max3A = arith.maximumf %add3A_7, %mul3A_9 : vector<1000x16xf32>
    %exp3A = math.exp %max3A : vector<1000x16xf32>
    %get3A_10 = arith.constant 0 : index
    %get3A_11 = arith.constant 256 : index
    %get3A_12 = vector.load %arg1[%get3A_10, %get3A_11] : memref<1000x272xf32, #tpu.memory_space<vmem>>, vector<1000x16xf32>
    %add3A_13 = arith.addf %get3A_12, %exp3A : vector<1000x16xf32>
    %get3A_14 = arith.constant 0 : index
    %get3A_15 = arith.constant 0 : index
    %get3A_16 = vector.load %arg5[%get3A_14, %get3A_15] : memref<16x256xf32, #tpu.memory_space<vmem>>, vector<16x256xf32>
    %dot_general3A = arith.constant dense<0.000000e+00> : vector<1000x256xf32>
    %dot_general3A_17 = tpu.matmul %exp3A, %get3A_16, %dot_general3A {dimension_numbers = #tpu.dot_dimension_numbers<[1], [0], [0], [1], [0, 0, 1, 1], [], []>, transpose_lhs_hint = false} : vector<1000x16xf32>, vector<16x256xf32>, vector<1000x256xf32> -> vector<1000x256xf32>
    %get3A_18 = arith.constant 0 : index
    %get3A_19 = arith.constant 0 : index
    %get3A_20 = vector.load %arg5[%get3A_18, %get3A_19] : memref<16x256xf32, #tpu.memory_space<vmem>>, vector<16x256xf32>
    %dot_general3A_21 = arith.constant dense<0.000000e+00> : vector<1000x256xf32>
    %dot_general3A_22 = tpu.matmul %add3A_13, %get3A_20, %dot_general3A_21 {dimension_numbers = #tpu.dot_dimension_numbers<[1], [0], [0], [1], [0, 0, 1, 1], [], []>, transpose_lhs_hint = false} : vector<1000x16xf32>, vector<16x256xf32>, vector<1000x256xf32> -> vector<1000x256xf32>
    %get3A_23 = arith.constant 0 : index
    %get3A_24 = arith.constant 0 : index
    %get3A_25 = vector.load %arg2[%get3A_23, %get3A_24] : memref<1000x272xf32, #tpu.memory_space<vmem>>, vector<1000x256xf32>
    %get3A_26 = arith.constant 0 : index
    %get3A_27 = arith.constant 0 : index
    %get3A_28 = vector.load %arg1[%get3A_26, %get3A_27] : memref<1000x272xf32, #tpu.memory_space<vmem>>, vector<1000x256xf32>
    %mul3A_29 = arith.mulf %dot_general3A_17, %get3A_25 : vector<1000x256xf32>
    %add3A_30 = arith.addf %get3A_28, %mul3A_29 : vector<1000x256xf32>
    %div3A = arith.divf %add3A_30, %dot_general3A_22 : vector<1000x256xf32>
    %get3A_31 = arith.constant 0 : index
    %get3A_32 = arith.constant 0 : index
    %get3A_33 = vector.load %arg6[%get3A_31, %get3A_32] : memref<1x256xf32, #tpu.memory_space<vmem>>, vector<1x256xf32>
    %add3A_34 = vector.broadcast %get3A_33 : vector<1x256xf32> to vector<1000x256xf32>
    %add3A_35 = arith.addf %div3A, %add3A_34 : vector<1000x256xf32>
    %reduce_sum3A = arith.constant dense<0.000000e+00> : vector<1000xf32>
    %reduce_sum3A_36 = vector.multi_reduction <add>, %add3A_35, %reduce_sum3A [1] : vector<1000x256xf32> to vector<1000xf32>
    %broadcast_in_dim3A = vector.shape_cast %reduce_sum3A_36 : vector<1000xf32> to vector<1000x1xf32>
    %div3A_37 = arith.constant 2.560000e+02 : f32
    %div3A_38 = vector.broadcast %div3A_37 : f32 to vector<1000x1xf32>
    %div3A_39 = arith.divf %broadcast_in_dim3A, %div3A_38 : vector<1000x1xf32>
    %sub3A = vector.broadcast %div3A_39 : vector<1000x1xf32> to vector<1000x256xf32>
    %sub3A_40 = arith.subf %add3A_35, %sub3A : vector<1000x256xf32>
    %integer_pow3A = arith.mulf %sub3A_40, %sub3A_40 : vector<1000x256xf32>
    %reduce_sum3A_41 = arith.constant dense<0.000000e+00> : vector<1000xf32>
    %reduce_sum3A_42 = vector.multi_reduction <add>, %integer_pow3A, %reduce_sum3A_41 [1] : vector<1000x256xf32> to vector<1000xf32>
    %broadcast_in_dim3A_43 = vector.shape_cast %reduce_sum3A_42 : vector<1000xf32> to vector<1000x1xf32>
    %div3A_44 = arith.constant 2.560000e+02 : f32
    %div3A_45 = vector.broadcast %div3A_44 : f32 to vector<1000x1xf32>
    %div3A_46 = arith.divf %broadcast_in_dim3A_43, %div3A_45 : vector<1000x1xf32>
    %sub3A_47 = vector.broadcast %div3A_39 : vector<1000x1xf32> to vector<1000x256xf32>
    %sub3A_48 = arith.subf %add3A_35, %sub3A_47 : vector<1000x256xf32>
    %add3A_49 = arith.constant 9.99999974E-6 : f32
    %add3A_50 = vector.broadcast %add3A_49 : f32 to vector<1000x1xf32>
    %add3A_51 = arith.addf %div3A_46, %add3A_50 : vector<1000x1xf32>
    %rsqrt3A = math.rsqrt %add3A_51 : vector<1000x1xf32>
    %mul3A_52 = vector.broadcast %rsqrt3A : vector<1000x1xf32> to vector<1000x256xf32>
    %mul3A_53 = arith.mulf %sub3A_48, %mul3A_52 : vector<1000x256xf32>
    %get3A_54 = arith.constant 0 : index
    %get3A_55 = arith.constant 0 : index
    %get3A_56 = vector.load %arg7[%get3A_54, %get3A_55] : memref<1x256xf32, #tpu.memory_space<vmem>>, vector<1x256xf32>
    %mul3A_57 = vector.broadcast %get3A_56 : vector<1x256xf32> to vector<1000x256xf32>
    %mul3A_58 = arith.mulf %mul3A_53, %mul3A_57 : vector<1000x256xf32>
    %get3A_59 = arith.constant 0 : index
    %get3A_60 = arith.constant 0 : index
    %get3A_61 = vector.load %arg8[%get3A_59, %get3A_60] : memref<1x256xf32, #tpu.memory_space<vmem>>, vector<1x256xf32>
    %add3A_62 = vector.broadcast %get3A_61 : vector<1x256xf32> to vector<1000x256xf32>
    %add3A_63 = arith.addf %mul3A_58, %add3A_62 : vector<1000x256xf32>
    %get3A_64 = arith.constant 0 : index
    %get3A_65 = arith.constant 0 : index
    %get3A_66 = vector.load %arg9[%get3A_64, %get3A_65] : memref<256x1024xf32, #tpu.memory_space<vmem>>, vector<256x1024xf32>
    %dot_general3A_67 = arith.constant dense<0.000000e+00> : vector<1000x1024xf32>
    %dot_general3A_68 = tpu.matmul %add3A_63, %get3A_66, %dot_general3A_67 {dimension_numbers = #tpu.dot_dimension_numbers<[1], [0], [0], [1], [0, 0, 1, 1], [], []>, transpose_lhs_hint = false} : vector<1000x256xf32>, vector<256x1024xf32>, vector<1000x1024xf32> -> vector<1000x1024xf32>
    %get3A_69 = arith.constant 0 : index
    %get3A_70 = arith.constant 0 : index
    %get3A_71 = vector.load %arg10[%get3A_69, %get3A_70] : memref<1x1024xf32, #tpu.memory_space<vmem>>, vector<1x1024xf32>
    %add3A_72 = vector.broadcast %get3A_71 : vector<1x1024xf32> to vector<1000x1024xf32>
    %add3A_73 = arith.addf %dot_general3A_68, %add3A_72 : vector<1000x1024xf32>
    %mul3A_74 = arith.constant 5.000000e-01 : f32
    %mul3A_75 = vector.broadcast %mul3A_74 : f32 to vector<1000x1024xf32>
    %mul3A_76 = arith.mulf %add3A_73, %mul3A_75 : vector<1000x1024xf32>
    %mul3A_77 = arith.constant 0.707106769 : f32
    %mul3A_78 = vector.broadcast %mul3A_77 : f32 to vector<1000x1024xf32>
    %mul3A_79 = arith.mulf %add3A_73, %mul3A_78 : vector<1000x1024xf32>
    %erf3A = math.erf %mul3A_79 : vector<1000x1024xf32>
    %add3A_80 = arith.constant 1.000000e+00 : f32
    %add3A_81 = vector.broadcast %add3A_80 : f32 to vector<1000x1024xf32>
    %add3A_82 = arith.addf %add3A_81, %erf3A : vector<1000x1024xf32>
    %mul3A_83 = arith.mulf %mul3A_76, %add3A_82 : vector<1000x1024xf32>
    %get3A_84 = arith.constant 0 : index
    %get3A_85 = arith.constant 0 : index
    %get3A_86 = vector.load %arg11[%get3A_84, %get3A_85] : memref<1024x256xf32, #tpu.memory_space<vmem>>, vector<1024x256xf32>
    %dot_general3A_87 = arith.constant dense<0.000000e+00> : vector<1000x256xf32>
    %dot_general3A_88 = tpu.matmul %mul3A_83, %get3A_86, %dot_general3A_87 {dimension_numbers = #tpu.dot_dimension_numbers<[1], [0], [0], [1], [0, 0, 1, 1], [], []>, transpose_lhs_hint = false} : vector<1000x1024xf32>, vector<1024x256xf32>, vector<1000x256xf32> -> vector<1000x256xf32>
    %get3A_89 = arith.constant 0 : index
    %get3A_90 = arith.constant 0 : index
    %get3A_91 = vector.load %arg12[%get3A_89, %get3A_90] : memref<1x256xf32, #tpu.memory_space<vmem>>, vector<1x256xf32>
    %add3A_92 = vector.broadcast %get3A_91 : vector<1x256xf32> to vector<1000x256xf32>
    %add3A_93 = arith.addf %dot_general3A_88, %add3A_92 : vector<1000x256xf32>
    %swap3A = arith.constant 0 : index
    %swap3A_94 = arith.constant 0 : index
    %swap3A_95 = vector.load %arg13[%swap3A, %swap3A_94] : memref<1000x256xf32, #tpu.memory_space<vmem>>, vector<1000x256xf32>
    tpu.vector_store %arg13[%swap3A, %swap3A_94], %add3A_93 {strides = array<i32>} : memref<1000x256xf32, #tpu.memory_space<vmem>>, vector<1000x256xf32>,
    return
  }
  func.func @transform_0(%arg0: i32) -> (i32, i32) {
    %c0_i32 = arith.constant 0 : i32
    %c0_i32_0 = arith.constant 0 : i32
    return %arg0, %c0_i32 : i32, i32
  }
  func.func @transform_1(%arg0: i32) -> (i32, i32) {
    %c0_i32 = arith.constant 0 : i32
    %c0_i32_0 = arith.constant 0 : i32
    return %arg0, %c0_i32 : i32, i32
  }
  func.func @transform_2(%arg0: i32) -> (i32, i32) {
    %c0_i32 = arith.constant 0 : i32
    %c0_i32_0 = arith.constant 0 : i32
    return %arg0, %c0_i32 : i32, i32
  }
  func.func @transform_3(%arg0: i32) -> (i32, i32) {
    %c0_i32 = arith.constant 0 : i32
    %c0_i32_0 = arith.constant 0 : i32
    %c0_i32_1 = arith.constant 0 : i32
    return %c0_i32, %c0_i32_0 : i32, i32
  }
  func.func @transform_4(%arg0: i32) -> (i32, i32) {
    %c0_i32 = arith.constant 0 : i32
    %c0_i32_0 = arith.constant 0 : i32
    %c0_i32_1 = arith.constant 0 : i32
    return %c0_i32, %c0_i32_0 : i32, i32
  }
  func.func @transform_5(%arg0: i32) -> (i32, i32) {
    %c0_i32 = arith.constant 0 : i32
    %c0_i32_0 = arith.constant 0 : i32
    %c0_i32_1 = arith.constant 0 : i32
    return %c0_i32, %c0_i32_0 : i32, i32
  }
  func.func @transform_6(%arg0: i32) -> (i32, i32) {
    %c0_i32 = arith.constant 0 : i32
    %c0_i32_0 = arith.constant 0 : i32
    %c0_i32_1 = arith.constant 0 : i32
    return %c0_i32, %c0_i32_0 : i32, i32
  }
  func.func @transform_7(%arg0: i32) -> (i32, i32) {
    %c0_i32 = arith.constant 0 : i32
    %c0_i32_0 = arith.constant 0 : i32
    %c0_i32_1 = arith.constant 0 : i32
    return %c0_i32, %c0_i32_0 : i32, i32
  }
  func.func @transform_8(%arg0: i32) -> (i32, i32) {
    %c0_i32 = arith.constant 0 : i32
    %c0_i32_0 = arith.constant 0 : i32
    %c0_i32_1 = arith.constant 0 : i32
    return %c0_i32, %c0_i32_0 : i32, i32
  }
  func.func @transform_9(%arg0: i32) -> (i32, i32) {
    %c0_i32 = arith.constant 0 : i32
    %c0_i32_0 = arith.constant 0 : i32
    %c0_i32_1 = arith.constant 0 : i32
    return %c0_i32, %c0_i32_0 : i32, i32
  }
  func.func @transform_10(%arg0: i32) -> (i32, i32) {
    %c0_i32 = arith.constant 0 : i32
    %c0_i32_0 = arith.constant 0 : i32
    %c0_i32_1 = arith.constant 0 : i32
    return %c0_i32, %c0_i32_0 : i32, i32
  }
  func.func @transform_11(%arg0: i32) -> (i32, i32) {
    %c0_i32 = arith.constant 0 : i32
    %c0_i32_0 = arith.constant 0 : i32
    %c0_i32_1 = arith.constant 0 : i32
    return %c0_i32, %c0_i32_0 : i32, i32
  }
  func.func @transform_12(%arg0: i32) -> (i32, i32) {
    %c0_i32 = arith.constant 0 : i32
    %c0_i32_0 = arith.constant 0 : i32
    return %arg0, %c0_i32 : i32, i32
  }
}

</mosaic_0001>

<sc_bundles>
// kernel: kernel.13.cloned.1.call-start
scs
__scs_entry_jumppad:
0x0: {  	(pc) =	sbr.rel $0x88, $3  }
0x1: {  	(tag) =	ssettag $0x0;
	lr =	simm.s32 $0x1  }
0x2: {  	[smem:$0x3F83] =	sst lr;
	_ =	strace $0xD0000000  }
0x3: {  	_ = 	snop  }
0x4: {  	_ = 	snop  }
0x5: {  	_ = 	snop  }
0x6: {  	_ = 	snop  }
0x7: {  	_ = 	snop  }
__scs_overlays_trampoline_lowered:
0x8: {  	[smem:$0x3F92] =	sst s0  }
0x9: {  	[smem:$0x3F93] =	sst s1  }
0xa: {  	[smem:$0x3F94] =	sst s2  }
0xb: {  	[smem:$0x3F95] =	sst s3  }
0xc: {  	[smem:$0x3F96] =	sst s4  }
0xd: {  	[smem:$0x3F97] =	sst s5  }
0xe: {  	[smem:$0x3F98] =	sst s6  }
0xf: {  	[smem:$0x3F99] =	sst s7  }
0x10: {  	[smem:$0x3F9A] =	sst s8  }
0x11: {  	[smem:$0x3F9B] =	sst s9;
	s0 =	simm.s32 @!p0 $0x0  }
0x12: {  	s1 =	sld [smem:$0x3F81];
	s0 =	simm.s32 @p0 $0x1  }
0x13: {  	[smem:$0x3F9C] =	sst s0;
	s0 =	simm.s32 @!p1 $0x0  }
0x14: {  	s2 =	sld [smem:$0x3F80];
	s0 =	simm.s32 @p1 $0x1  }
0x15: {  	[smem:$0x3F9D] =	sst s0;
	s0 =	simm.s32 @!p2 $0x0  }
0x16: {  	s3 =	sld [smem:$0x3FDB];
	s0 =	simm.s32 @p2 $0x1  }
0x17: {  	s4 =	simm.s32 $0x1BF5;
	[smem:$0x3F9F] =	sst s0  }
0x18: {  	s0 =	sld [smem:$0x3F82];
	_ =	swait.ge [sflag:s4], $0x0  }
0x19: {  	s7 =	sld [smem:$0x3F83]  }
0x1a: {  	s8 =	sadd.s32 $0xFFFFE003, lr  }
0x1b: {  	s9 =	sadd.s32 $0xFFFFFEF7, lr;
	s5 =	simm.s32 $0xFFFFFFFF;
	p2 =	slt.u32 s8, $0xFFFFF086  }
0x1c: {  	p1 =	slt.u32 s9, $0xF7A;
	s5 =	simm.s32 @!p2 $0x0  }
0x1d: {  	s5 =	simm.s32 @p1 $0x1;
	p0 =	seq.s32 s7, s2  }
0x1e: {  	s7 =	smul.u32 @!p0 $0xF7A, s2;
	p2 =	seq.s32 @!p0 s5, $0x0  }
0x1f: {  	s9 =	smul.u32 $0xF7A, s1;
	s8 =	simm.s32 @!p0 $0x1BF5;
	p2 =	por !p2, p0  }
0x20: {  	[sflag:s8] =	ssyncset.s32 @!p0 $0xFFFFF086;
	s6 =	sadd.s32 @!p0 s3, s7;
	s7 =	simm.s32 @!p0 $0x108  }
0x21: {  	s3 =	sadd.s32 s3, s9;
	s6 =	sadd.s32 @!p0 $0x88, s6;
	s7 =	simm.s32 @p2 $0x1082  }
0x22: {  	[simem:s7], [sflag:s8] =	dma.local @!p0 [hbm:s6], $0xF7A  }
0x23: {  	s9 =	sor.u32 $0xD0000000, s2;
	s6 =	simm.s32 $0x108;
	_ =	swait.ge @!p0 [sflag:s8], $0x0  }
0x24: {  	s3 =	sadd.s32 $0x88, s3;
	s6 =	simm.s32 @!p1 $0x1082;
	[sflag:s4] =	ssyncset.s32 $0xFFFFF086  }
0x25: {  	[simem:s6], [sflag:s4] =	dma.local [hbm:s3], $0xF7A  }
0x26: {  	[smem:$0x3F83] =	sst s1;
	(tag) =	ssettag s2;
	_ =	strace s9  }
0x27: {  	s1 =	sld [smem:$0x3F93]  }
0x28: {  	s2 =	sld [smem:$0x3F94]  }
0x29: {  	s4 =	sld [smem:$0x3F96]  }
0x2a: {  	p0 =	seq.s32 s5, $0x0;
	s5 =	sld [smem:$0x3F97]  }
0x2b: {  	s6 =	sld [smem:$0x3F98]  }
0x2c: {  	s7 =	sld [smem:$0x3F99]  }
0x2d: {  	s3 =	simm.s32 $0x108;
	s8 =	sld [smem:$0x3F9A]  }
0x2e: {  	s3 =	simm.s32 @!p0 $0x1082;
	s9 =	sld [smem:$0x3F9B]  }
0x2f: {  	lr =	sadd.s32 s0, s3;
	s0 =	sld [smem:$0x3F92]  }
0x30: {  	s3 =	sld [smem:$0x3F95]  }
0x31: {  	[smem:$0x3F9E] =	sst s10  }
0x32: {  	s10 =	sld [smem:$0x3F9C];
	_ =	sdelay $0x3  }
0x33: {  	p0 =	seq.s32 s10, $0x1;
	s10 =	sld [smem:$0x3F9E];
	_ =	sdelay $0x3  }
0x34: {  	[smem:$0x3F9E] =	sst s10  }
0x35: {  	s10 =	sld [smem:$0x3F9D];
	_ =	sdelay $0x3  }
0x36: {  	p1 =	seq.s32 s10, $0x1;
	s10 =	sld [smem:$0x3F9E];
	_ =	sdelay $0x3  }
0x37: {  	[smem:$0x3F9E] =	sst s10  }
0x38: {  	s10 =	sld [smem:$0x3F9F]  }
0x39: {  	_ = 	snop;
	(pc) =	sbr.ind lr, $3  }
0x3a: {  	_ = 	snop  }
0x3b: {  	_ = 	snop  }
0x3c: {  	p2 =	seq.s32 s10, $0x1;
	s10 =	sld [smem:$0x3F9E]  }
0x3d: {  	_ =	shalt  }
0x3e: {  	_ =	shalt  }
0x3f: {  	_ =	shalt  }
0x40: {  	_ =	shalt  }
0x41: {  	_ =	shalt  }
0x42: {  	_ =	shalt  }
0x43: {  	_ =	shalt  }
0x44: {  	_ =	shalt  }
0x45: {  	_ =	shalt  }
0x46: {  	_ =	shalt  }
0x47: {  	_ =	shalt  }
0x48: {  	_ =	shalt  }
0x49: {  	_ =	shalt  }
0x4a: {  	_ =	shalt  }
0x4b: {  	_ =	shalt  }
0x4c: {  	_ =	shalt  }
0x4d: {  	_ =	shalt  }
0x4e: {  	_ =	shalt  }
0x4f: {  	_ =	shalt  }
0x50: {  	_ =	shalt  }
0x51: {  	_ =	shalt  }
0x52: {  	_ =	shalt  }
0x53: {  	_ =	shalt  }
0x54: {  	_ =	shalt  }
0x55: {  	_ =	shalt  }
0x56: {  	_ =	shalt  }
0x57: {  	_ =	shalt  }
0x58: {  	_ =	shalt  }
0x59: {  	_ =	shalt  }
0x5a: {  	_ =	shalt  }
0x5b: {  	_ =	shalt  }
0x5c: {  	_ =	shalt  }
0x5d: {  	_ =	shalt  }
0x5e: {  	_ =	shalt  }
0x5f: {  	_ =	shalt  }
0x60: {  	_ =	shalt  }
0x61: {  	_ =	shalt  }
0x62: {  	_ =	shalt  }
0x63: {  	_ =	shalt  }
0x64: {  	_ =	shalt  }
0x65: {  	_ =	shalt  }
0x66: {  	_ =	shalt  }
0x67: {  	_ =	shalt  }
0x68: {  	_ =	shalt  }
0x69: {  	_ =	shalt  }
0x6a: {  	_ =	shalt  }
0x6b: {  	_ =	shalt  }
0x6c: {  	_ =	shalt  }
0x6d: {  	_ =	shalt  }
0x6e: {  	_ =	shalt  }
0x6f: {  	_ =	shalt  }
0x70: {  	_ =	shalt  }
0x71: {  	_ =	shalt  }
0x72: {  	_ =	shalt  }
0x73: {  	_ =	shalt  }
0x74: {  	_ =	shalt  }
0x75: {  	_ =	shalt  }
0x76: {  	_ =	shalt  }
0x77: {  	_ =	shalt  }
0x78: {  	_ =	shalt  }
0x79: {  	_ =	shalt  }
0x7a: {  	_ =	shalt  }
0x7b: {  	_ =	shalt  }
0x7c: {  	_ =	shalt  }
0x7d: {  	_ =	shalt  }
0x7e: {  	_ =	shalt  }
0x7f: {  	_ =	shalt  }
0x80: {  	_ =	shalt  }
0x81: {  	_ =	shalt  }
0x82: {  	_ =	shalt  }
0x83: {  	_ =	shalt  }
0x84: {  	_ =	shalt  }
0x85: {  	_ =	shalt  }
0x86: {  	_ =	shalt  }
0x87: {  	_ =	shalt  }
.Lfunc_end0:
.L_simem_size_0:
called_computation_lowered:
.L_overlay_start_0:
0x88: {  	s2 =	sld [smem:$0x3FD9]  }
0x89: {  	s3 =	sld [smem:$0x3FFE];
	_ =	sdelay $0x1  }
0x8a: {  	s1 =	srdreg.scid  }
0x8b: {  	s0 =	sand.u32 $0x1, s1  }
0x8c: {  	s17 =	sshll.u32 s0, $0xA;
	s2 =	sadd.s32 s3, s2  }
0x8d: {  	s2 =	sadd.s32 s2, s17  }
0x8e: {  	[smem:$0x3FAA] =	sst s2  }
0x8f: {  	_ = 	snop  }
0x90: {  	s2 =	sld [smem:$0x3FD0];
	(tm) =	ssettm $0x1  }
0x91: {  	s18 =	sld [smem:$0x3FFB];
	_ =	sdelay $0x3  }
0x92: {  	_ =	strace s18  }
0x93: {  	s3 =	sld [smem:$0x3FFC];
	_ =	sdelay $0x3  }
0x94: {  	_ =	strace s3  }
0x95: {  	s3 =	sld [smem:$0x3FFD];
	_ =	sdelay $0x3  }
0x96: {  	_ =	strace s3  }
0x97: {  	_ =	strace $0x8FFFFFFF  }
0x98: {  	s19 =	sld [smem:$0x3FDB];
	_ =	sdelay $0x1  }
0x99: {  	s4 =	simm.s32 $_scs_section_size  }
0x9a: {  	s5 =	simm.s32 $_size__tile_overlayer_lowered;
	s6 =	simm.s32 $_tile_overlayer_lowered  }
0x9b: {  	s22 =	simm.s32 $0x1BFF;
	s21 =	sshll.u32 s6, $0x1;
	s3 =	sadd.s32 s4, s19  }
0x9c: {  	s7 =	simm.s32 $0x0;
	s20 =	sshll.u32 s5, $0x1;
	s5 =	sadd.s32 s21, s3  }
0x9d: {  	[timem:s7], [sflag:s22] =	dma.local [hbm:s5], s20  }
0x9e: {  	_ =	swait.ge [sflag:s22], s20  }
0x9f: {  	s4 =	ssub.s32 $0x0, s20;
	[sflag:s22] =	ssyncset.done $0x0  }
0xa0: {  	[sflag:s22] =	ssyncadd.s32 s4;
	_ =	sdelay $0x1  }
0xa1: {  	s23 =	simm.s32 $0x1B8B  }
0xa2: {  	_ =	swait.ge [sflag:s23], $0x1  }
0xa3: {  	[sflag:s23] =	ssyncset.done $0x0  }
0xa4: {  	s25 =	simm.s32 $0x1B8E;
	s24 =	sld [smem:$0x3FFE];
	[sflag:s23] =	ssyncadd.s32 $0xFFFFFFFF  }
0xa5: {  	s26 =	simm.s32 $execute0_lowered;
	[smem:$0x3FD2] =	sst s25  }
0xa6: {  	s5 =	sshll.u32 s26, $0x1;
	_ =	strace $0x80000046;
	[dreg:$0x1] =	wrdreg $0xFFFFFFFF  }
0xa7: {  	s28 =	simm.s32 $_size_execute0_lowered;
	s3 =	sadd.s32 s3, s5;
	[dreg:$0x0] =	wrdreg $0x0  }
0xa8: {  	s5 =	sshll.u32 s28, $0x1;
	[dreg:$0x2] =	wrdreg s3  }
0xa9: {  	[dreg:$0x3] =	wrdreg s5  }
0xaa: {  	[dreg:$0x4] =	wrdreg $0xC0  }
0xab: {  	_ =	task [dreg:s7], $0x5FFFF  }
0xac: {  	[dreg:$0x1] =	wrdreg $0xFFFFFFFF  }
0xad: {  	[dreg:$0x0] =	wrdreg $0x60  }
0xae: {  	[dreg:$0x2] =	wrdreg s2  }
0xaf: {  	[dreg:$0x3] =	wrdreg s24  }
0xb0: {  	[dreg:$0x4] =	wrdreg $0x9  }
0xb1: {  	_ =	task.clear_ibuf [dreg:s7], $0x5FFFF;
	_ =	strace $0x90000046  }
0xb2: {  	s29 =	simm.s32 $0x9;
	_ =	strace $0x80000048  }
0xb3: {  	_ =	swait.ge [sflag:s29], $0x1  }
0xb4: {  	[sflag:s29] =	ssyncadd.s32 $0xFFFFFFFF  }
0xb5: {  	_ =	strace $0x90000048  }
0xb6: {  	_ =	sfence  }
0xb7: {  	s30 =	sld [smem:$0x0];
	_ =	sdelay $0x2  }
0xb8: {  	s31 =	sshll.u32 s1, $0xD;
	s1 =	sshrl.u32 s1, $0x2  }
0xb9: {  	s3 =	sand.u32 $0x4000, s31;
	s1 =	sadd.s32 s1, s30  }
0xba: {  	s0 =	sor.u32 s3, s0;
	s1 =	sshll.u32 s1, $0x11  }
0xbb: {  	s0 =	sor.u32 s1, s0  }
0xbc: {  	s0 =	sadd.s32 $0x8F2B, s0  }
0xbd: {  	[sflag:s0] =	ssyncadd.remote.s32 $0x1  }
0xbe: {  	_ =	sfence.sel $0xFFFF  }
0xbf: {  	[dreg:$0x0] =	wrdreg $0xFFFFFFFF;
	(pc) =	sbr.abs _section_cstart, $3  }
0xc0: {  	[dreg:$0x1] =	wrdreg $0xFFFFFFFF  }
0xc1: {  	_ =	task.clear_ibuf [dreg:s7], $0x2FFFF;
	_ =	strace $0x9FFFFFFF  }
0xc2: {  	(tm) =	ssettm $0x7FFFFFFF  }
0xc3: {  	_ =	shalt  }
tec
execute0_lowered:
.L_overlay_start_1:
0x0: {  	(tag) =	ssettag $0x1  }
0x1: {  	s1 =	rddreg [dreg:$0x0]  }
0x2: {  	s5 =	rddreg [dreg:$0x1]  }
0x3: {  	s0 =	rddreg [dreg:$0x2]  }
0x4: {  	s2 =	simm.s32 $0x0;
	s4 =	srdreg.scid;
	s12 =	simm.s32 $0x2  }
0x5: {  	s13 =	simm.s32 $0x100;
	s14 =	simm.s32 $0xA200;
	s15 =	simm.s32 $0xA0  }
0x6: {  	s16 =	simm.s32 $0x200;
	s17 =	simm.s32 $0x1;
	s18 =	simm.s32 $0x5200  }
0x7: {  	s19 =	simm.s32 $0xF200;
	s20 =	simm.s32 $0x0;
	[smem:$0x7FF] =	sst s2  }
0x8: {  	s3 =	sadd.s32 $0x36BE00, s5;
	s4 =	sand.u32 $0x1, s4;
	s6 =	sadd.s32 $0x2F1A00, s5  }
0x9: {  	s7 =	sadd.s32 $0x2ECA00, s5;
	s8 =	sadd.s32 $0x5DCE00, s5;
	s9 =	ssub.s32 $0x2, s4  }
0xa: {  	s5 =	stileid.u32;
	_ =	strace $0x80000047;
	s10 =	sshrl.u32 s9, $0x1  }
0xb: {  	p0 =	slt.u32 s5, $0x4;
	s11 =	ssub.s32 s9, s10;
	s9 =	simm.s32 $0x20  }
0xc: {  	s10 =	sshll.u32 s5, $0x1;
	s9 =	simm.s32 @!p0 $0x1F;
	s11 =	smax.u32 s11, $0x1  }
.LBB2_1:
0xd: {  	s21 =	simm.s32 $0x0  }
.LBB2_2:
0xe: {  	s22 =	sshll.u32 s21, $0x5  }
0xf: {  	s22 =	sor.u32 s22, s10  }
0x10: {  	s22 =	sor.u32 s4, s22  }
0x11: {  	s23 =	smul.u32 $0xA0, s22;
	_ =	sdelay $0x1  }
0x12: {  	s23 =	sshrl.u32 s23, $0x3  }
0x13: {  	s25 =	simm.s32 $0x0;
	s24 =	sadd.s32 s6, s23  }
0x14: {  	[tilespmem:s25], [sflag:$0x2] =	stream.linear.gather [hbm4b:s24+s25], $0xA0, $0x38;
	[tilespmem:$0x14200] =	vst v63  }
0x15: {  	_ =	swait.ge [sflag:s12], $0xA0  }
0x16: {  	[sflag:s12] =	ssyncset.done $0x0  }
0x17: {  	s22 =	smul.u32 $0x5000, s22;
	s23 =	sadd.s32 s7, s23;
	[sflag:s12] =	ssyncadd.s32 $0xFFFFFF60  }
0x18: {  	[tilespmem:s13], [sflag:$0x2] =	stream.linear.gather [hbm4b:s23+s25], $0xA0, $0x38;
	[tilespmem:$0x14200] =	vst v63  }
0x19: {  	_ =	swait.ge [sflag:s12], $0xA0  }
0x1a: {  	s22 =	sshrl.u32 s22, $0x3;
	[sflag:s12] =	ssyncset.done $0x0  }
0x1b: {  	s31 =	sadd.s32 s3, s22;
	[sflag:s12] =	ssyncadd.s32 $0xFFFFFF60  }
0x1c: {  	[tilespmem:s14], [sflag:$0x2] =	stream.linear.gather [hbm4b:s31+s25], $0x5000, $0x38;
	[tilespmem:$0x14200] =	vst v63  }
0x1d: {  	_ =	swait.ge [sflag:s12], $0x5000  }
0x1e: {  	[sflag:s12] =	ssyncset.done $0x0  }
0x1f: {  	[sflag:s12] =	ssyncadd.s32 $0xFFFFB000  }
0x20: {  	[tilespmem:s16], [sflag:$0x1] =	stream.indirect.gather [hbm4b:s1+s15], $0x80, s25, s15, $0xb8;
	[tilespmem:$0x14200] =	vst v63  }
0x21: {  	_ =	swait.ge [sflag:s17], $0x5000  }
0x22: {  	[sflag:s17] =	ssyncset.done $0x0  }
0x23: {  	[sflag:s17] =	ssyncadd.s32 $0xFFFFB000  }
0x24: {  	[tilespmem:s18], [sflag:$0x1] =	stream.indirect.gather [hbm4b:s1+s15], $0x80, s13, s15, $0xb8;
	[tilespmem:$0x14200] =	vst v63  }
0x25: {  	_ =	swait.ge [sflag:s17], $0x5000  }
0x26: {  	[sflag:s17] =	ssyncset.done $0x0  }
0x27: {  	s23 =	simm.s32 $0x0;
	[sflag:s17] =	ssyncadd.s32 $0xFFFFB000  }
0x28: {  	v0 =	vld [tilespmem:s23+$0x200]  }
0x29: {  	s24 =	simm.s32 $0x80;
	v1 =	vld [tilespmem:s23+$0x5210]  }
0x2a: {  	v2 =	vld [tilespmem:s24+$0x200]  }
0x2b: {  	v3 =	vld [tilespmem:s24+$0x5210]  }
0x2c: {  	v4 =	vld [tilespmem:s23+$0xA200];
	_ =	sdelay $0x1  }
0x2d: {  	v5 =	vld [tilespmem:s24+$0xA200]  }
0x2e: {  	v0 =	vadd.f32 v1, v0;
	_ =	sdelay $0x1  }
0x2f: {  	v2 =	vadd.f32 v3, v2;
	v0 =	vadd.f32 v4, v0;
	_ =	sdelay $0x1  }
0x30: {  	v2 =	vadd.f32 v5, v2;
	v5 =	vmul.f32 $2.000000030e-01, v0  }
0x31: {  	s25 =	simm.s32 $0x100  }
0x32: {  	v1 =	vld [tilespmem:s25+$0x200];
	v0 =	vmax.f32 v0, v5  }
0x33: {  	v3 =	vld [tilespmem:s25+$0x5210];
	v5 =	vmul.f32 $1.442695020e+00, v0  }
0x34: {  	v6 =	vmul.f32 $2.000000030e-01, v2  }
0x35: {  	v4 =	vld [tilespmem:s25+$0xA200];
	(erf) = vpow2.f32 v5  }
0x36: {  	v2 =	vmax.f32 v2, v6  }
0x37: {  	s26 =	simm.s32 $0x180;
	v6 =	vmul.f32 $1.442695020e+00, v2  }
0x38: {  	v1 =	vadd.f32 v3, v1;
	v0 =	vld [tilespmem:s26+$0x200]  }
0x39: {  	v2 =	vld [tilespmem:s26+$0x5210];
	(erf) = vpow2.f32 v6  }
0x3a: {  	v3 =	vadd.f32 v4, v1  }
0x3b: {  	v1 =	vld [tilespmem:s26+$0xA200]  }
0x3c: {  	s28 =	simm.s32 $0x800;
	v4 =	vmul.f32 $2.000000030e-01, v3  }
.LBB2_3:
0x3d: {  	s29 =	sshra.s32 s28, $0x2;
	p0 =	sne.s32 s28, $0x13E00  }
.Ltmp0:
0x3e: {  	s28 =	sadd.s32 $0x200, s28;
	v5 =	vadd.f32 v2, v0;
	v0 =	vld [tilespmem:s29+$0x200];
	v3 =	vmax.f32 v3, v4;
	v4 =	vpop (erf);
	(pc) =	sbr.rel @p0 .LBB2_3-.Ltmp0, $4  }
0x3f: {  	v2 =	vld [tilespmem:s29+$0x5210];
	v6 =	vmul.f32 $1.442695020e+00, v3;
	[tilespmem:s23+$0xF200] =	vst v4;
	s23 =	smov.u32 s24;
	s24 =	smov.u32 s25;
	s25 =	smov.u32 s26  }
0x40: {  	s26 =	smov.u32 s29;
	v3 =	vadd.f32 v1, v5  }
0x41: {  	v1 =	vld [tilespmem:s26+$0xA200];
	(erf) = vpow2.f32 v6  }
0x42: {  	v4 =	vmul.f32 $2.000000030e-01, v3  }
0x43: {  	_ = 	snop  }
0x44: {  	v0 =	vadd.f32 v2, v0;
	_ =	sdelay $0x1  }
0x45: {  	v0 =	vadd.f32 v1, v0;
	_ =	sdelay $0x1  }
0x46: {  	v1 =	vmul.f32 $2.000000030e-01, v0  }
0x47: {  	v59 =	vmax.f32 v3, v4  }
0x48: {  	v2 =	vmul.f32 $1.442695020e+00, v59;
	v0 =	vmax.f32 v0, v1  }
0x49: {  	v0 =	vmul.f32 $1.442695020e+00, v0  }
0x4a: {  	(erf) = vpow2.f32 v2  }
0x4b: {  	(erf) = vpow2.f32 v0;
	_ =	sdelay $0x5  }
0x4c: {  	v60 =	vpop (erf)  }
0x4d: {  	[tilespmem:s23+$0xF200] =	vst v60;
	v61 =	vpop (erf)  }
0x4e: {  	s21 =	sadd.s32 $0x1, s21;
	[tilespmem:s24+$0xF200] =	vst v61;
	v62 =	vpop (erf)  }
0x4f: {  	p0 =	sne.s32 s21, s9;
	[tilespmem:s25+$0xF200] =	vst v62;
	v63 =	vpop (erf)  }
.Ltmp1:
0x50: {  	s22 =	sadd.s32 s8, s22;
	[tilespmem:s26+$0xF200] =	vst v63;
	(pc) =	sbr.rel @p0 .LBB2_2-.Ltmp1, $4  }
0x51: {  	[hbm4b:s22+s2] =	stream.linear.scatter [tilespmem:s19], [sflag:$0x2], $0x5000, $0x38;
	[tilespmem:$0x14200] =	vst v63  }
0x52: {  	_ =	swait.ge [sflag:s12], $0x5000  }
0x53: {  	[sflag:s12] =	ssyncset.done $0x0  }
0x54: {  	[sflag:s12] =	ssyncadd.s32 $0xFFFFB000  }
0x55: {  	s20 =	sadd.s32 $0x1, s20  }
0x56: {  	p0 =	sne.s32 s20, s11  }
.Ltmp2:
0x57: {  	_ = 	snop;
	(pc) =	sbr.rel @p0 .LBB2_1-.Ltmp2, $1  }
0x58: {  	_ =	sdelay $0x3  }
0x59: {  	_ =	sfence.sel $0x180000  }
0x5a: {  	[bflag:$0x0] =	sbarrier.arrive $0xFFFF  }
0x5b: {  	p0 =	sne.s32 s5, $0x0;
	_ =	strace $0x90000047  }
0x5c: {  	s0 =	sadd.s32 @!p0 $0x100000, s0;
	[bflag:$0x2] =	sbarrier.arrive $0xFFFF  }
0x5d: {  	[sflag:s0] =	ssyncadd.tile.s32 @!p0 $0x1;
	_ =	shalt  }
.Lfunc_end2:
_tile_overlayer_lowered:
.L_overlay_start_2:
0x5e: {  	(tag) =	ssettag $0x2  }
0x5f: {  	s0 =	rddreg [dreg:$0x0];
	s2 =	stileid.u32  }
0x60: {  	s1 =	rddreg [dreg:$0x1];
	p0 =	sne.s32 s2, $0x0  }
0x61: {  	s3 =	rddreg [dreg:$0x2];
	[bflag:$0x3] =	sbarrier.arrive $0xFFFF;
	s2 =	simm.s32 @!p0 $0x1C02  }
0x62: {  	[timem:s3], [sflag:s2] =	dma.local @!p0 [hbm:s0], s1  }
0x63: {  	s0 =	simm.s32 @!p0 $0x2  }
0x64: {  	_ =	swait.ge @!p0 [sflag:s0], s1  }
0x65: {  	s1 =	ssub.s32 @!p0 $0x0, s1;
	[sflag:s0] =	ssyncset.done @!p0 $0x0  }
0x66: {  	[sflag:s0] =	ssyncadd.s32 @!p0 s1  }
0x67: {  	[bflag:$0x3] =	sbarrier.arrive $0xFFFF  }
0x68: {  	_ =	shalt  }

// kernel: kernel.16.cloned.1.call-start
scs
__scs_entry_jumppad:
0x0: {  	(pc) =	sbr.rel $0x88, $3  }
0x1: {  	(tag) =	ssettag $0x0;
	lr =	simm.s32 $0x1  }
0x2: {  	[smem:$0x3F83] =	sst lr;
	_ =	strace $0xD0000000  }
0x3: {  	_ = 	snop  }
0x4: {  	_ = 	snop  }
0x5: {  	_ = 	snop  }
0x6: {  	_ = 	snop  }
0x7: {  	_ = 	snop  }
__scs_overlays_trampoline_lowered:
0x8: {  	[smem:$0x3F92] =	sst s0  }
0x9: {  	[smem:$0x3F93] =	sst s1  }
0xa: {  	[smem:$0x3F94] =	sst s2  }
0xb: {  	[smem:$0x3F95] =	sst s3  }
0xc: {  	[smem:$0x3F96] =	sst s4  }
0xd: {  	[smem:$0x3F97] =	sst s5  }
0xe: {  	[smem:$0x3F98] =	sst s6  }
0xf: {  	[smem:$0x3F99] =	sst s7  }
0x10: {  	[smem:$0x3F9A] =	sst s8  }
0x11: {  	[smem:$0x3F9B] =	sst s9;
	s0 =	simm.s32 @!p0 $0x0  }
0x12: {  	s1 =	sld [smem:$0x3F81];
	s0 =	simm.s32 @p0 $0x1  }
0x13: {  	[smem:$0x3F9C] =	sst s0;
	s0 =	simm.s32 @!p1 $0x0  }
0x14: {  	s2 =	sld [smem:$0x3F80];
	s0 =	simm.s32 @p1 $0x1  }
0x15: {  	[smem:$0x3F9D] =	sst s0;
	s0 =	simm.s32 @!p2 $0x0  }
0x16: {  	s3 =	sld [smem:$0x3FDB];
	s0 =	simm.s32 @p2 $0x1  }
0x17: {  	s4 =	simm.s32 $0x1BF5;
	[smem:$0x3F9F] =	sst s0  }
0x18: {  	s0 =	sld [smem:$0x3F82];
	_ =	swait.ge [sflag:s4], $0x0  }
0x19: {  	s7 =	sld [smem:$0x3F83]  }
0x1a: {  	s8 =	sadd.s32 $0xFFFFE003, lr  }
0x1b: {  	s9 =	sadd.s32 $0xFFFFFEF7, lr;
	s5 =	simm.s32 $0xFFFFFFFF;
	p2 =	slt.u32 s8, $0xFFFFF086  }
0x1c: {  	p1 =	slt.u32 s9, $0xF7A;
	s5 =	simm.s32 @!p2 $0x0  }
0x1d: {  	s5 =	simm.s32 @p1 $0x1;
	p0 =	seq.s32 s7, s2  }
0x1e: {  	s7 =	smul.u32 @!p0 $0xF7A, s2;
	p2 =	seq.s32 @!p0 s5, $0x0  }
0x1f: {  	s9 =	smul.u32 $0xF7A, s1;
	s8 =	simm.s32 @!p0 $0x1BF5;
	p2 =	por !p2, p0  }
0x20: {  	[sflag:s8] =	ssyncset.s32 @!p0 $0xFFFFF086;
	s6 =	sadd.s32 @!p0 s3, s7;
	s7 =	simm.s32 @!p0 $0x108  }
0x21: {  	s3 =	sadd.s32 s3, s9;
	s6 =	sadd.s32 @!p0 $0x88, s6;
	s7 =	simm.s32 @p2 $0x1082  }
0x22: {  	[simem:s7], [sflag:s8] =	dma.local @!p0 [hbm:s6], $0xF7A  }
0x23: {  	s9 =	sor.u32 $0xD0000000, s2;
	s6 =	simm.s32 $0x108;
	_ =	swait.ge @!p0 [sflag:s8], $0x0  }
0x24: {  	s3 =	sadd.s32 $0x88, s3;
	s6 =	simm.s32 @!p1 $0x1082;
	[sflag:s4] =	ssyncset.s32 $0xFFFFF086  }
0x25: {  	[simem:s6], [sflag:s4] =	dma.local [hbm:s3], $0xF7A  }
0x26: {  	[smem:$0x3F83] =	sst s1;
	(tag) =	ssettag s2;
	_ =	strace s9  }
0x27: {  	s1 =	sld [smem:$0x3F93]  }
0x28: {  	s2 =	sld [smem:$0x3F94]  }
0x29: {  	s4 =	sld [smem:$0x3F96]  }
0x2a: {  	p0 =	seq.s32 s5, $0x0;
	s5 =	sld [smem:$0x3F97]  }
0x2b: {  	s6 =	sld [smem:$0x3F98]  }
0x2c: {  	s7 =	sld [smem:$0x3F99]  }
0x2d: {  	s3 =	simm.s32 $0x108;
	s8 =	sld [smem:$0x3F9A]  }
0x2e: {  	s3 =	simm.s32 @!p0 $0x1082;
	s9 =	sld [smem:$0x3F9B]  }
0x2f: {  	lr =	sadd.s32 s0, s3;
	s0 =	sld [smem:$0x3F92]  }
0x30: {  	s3 =	sld [smem:$0x3F95]  }
0x31: {  	[smem:$0x3F9E] =	sst s10  }
0x32: {  	s10 =	sld [smem:$0x3F9C];
	_ =	sdelay $0x3  }
0x33: {  	p0 =	seq.s32 s10, $0x1;
	s10 =	sld [smem:$0x3F9E];
	_ =	sdelay $0x3  }
0x34: {  	[smem:$0x3F9E] =	sst s10  }
0x35: {  	s10 =	sld [smem:$0x3F9D];
	_ =	sdelay $0x3  }
0x36: {  	p1 =	seq.s32 s10, $0x1;
	s10 =	sld [smem:$0x3F9E];
	_ =	sdelay $0x3  }
0x37: {  	[smem:$0x3F9E] =	sst s10  }
0x38: {  	s10 =	sld [smem:$0x3F9F]  }
0x39: {  	_ = 	snop;
	(pc) =	sbr.ind lr, $3  }
0x3a: {  	_ = 	snop  }
0x3b: {  	_ = 	snop  }
0x3c: {  	p2 =	seq.s32 s10, $0x1;
	s10 =	sld [smem:$0x3F9E]  }
0x3d: {  	_ =	shalt  }
0x3e: {  	_ =	shalt  }
0x3f: {  	_ =	shalt  }
0x40: {  	_ =	shalt  }
0x41: {  	_ =	shalt  }
0x42: {  	_ =	shalt  }
0x43: {  	_ =	shalt  }
0x44: {  	_ =	shalt  }
0x45: {  	_ =	shalt  }
0x46: {  	_ =	shalt  }
0x47: {  	_ =	shalt  }
0x48: {  	_ =	shalt  }
0x49: {  	_ =	shalt  }
0x4a: {  	_ =	shalt  }
0x4b: {  	_ =	shalt  }
0x4c: {  	_ =	shalt  }
0x4d: {  	_ =	shalt  }
0x4e: {  	_ =	shalt  }
0x4f: {  	_ =	shalt  }
0x50: {  	_ =	shalt  }
0x51: {  	_ =	shalt  }
0x52: {  	_ =	shalt  }
0x53: {  	_ =	shalt  }
0x54: {  	_ =	shalt  }
0x55: {  	_ =	shalt  }
0x56: {  	_ =	shalt  }
0x57: {  	_ =	shalt  }
0x58: {  	_ =	shalt  }
0x59: {  	_ =	shalt  }
0x5a: {  	_ =	shalt  }
0x5b: {  	_ =	shalt  }
0x5c: {  	_ =	shalt  }
0x5d: {  	_ =	shalt  }
0x5e: {  	_ =	shalt  }
0x5f: {  	_ =	shalt  }
0x60: {  	_ =	shalt  }
0x61: {  	_ =	shalt  }
0x62: {  	_ =	shalt  }
0x63: {  	_ =	shalt  }
0x64: {  	_ =	shalt  }
0x65: {  	_ =	shalt  }
0x66: {  	_ =	shalt  }
0x67: {  	_ =	shalt  }
0x68: {  	_ =	shalt  }
0x69: {  	_ =	shalt  }
0x6a: {  	_ =	shalt  }
0x6b: {  	_ =	shalt  }
0x6c: {  	_ =	shalt  }
0x6d: {  	_ =	shalt  }
0x6e: {  	_ =	shalt  }
0x6f: {  	_ =	shalt  }
0x70: {  	_ =	shalt  }
0x71: {  	_ =	shalt  }
0x72: {  	_ =	shalt  }
0x73: {  	_ =	shalt  }
0x74: {  	_ =	shalt  }
0x75: {  	_ =	shalt  }
0x76: {  	_ =	shalt  }
0x77: {  	_ =	shalt  }
0x78: {  	_ =	shalt  }
0x79: {  	_ =	shalt  }
0x7a: {  	_ =	shalt  }
0x7b: {  	_ =	shalt  }
0x7c: {  	_ =	shalt  }
0x7d: {  	_ =	shalt  }
0x7e: {  	_ =	shalt  }
0x7f: {  	_ =	shalt  }
0x80: {  	_ =	shalt  }
0x81: {  	_ =	shalt  }
0x82: {  	_ =	shalt  }
0x83: {  	_ =	shalt  }
0x84: {  	_ =	shalt  }
0x85: {  	_ =	shalt  }
0x86: {  	_ =	shalt  }
0x87: {  	_ =	shalt  }
.Lfunc_end0:
.L_simem_size_0:
called_computation.1_lowered:
.L_overlay_start_0:
0x88: {  	s2 =	sld [smem:$0x3FD9]  }
0x89: {  	s3 =	sld [smem:$0x3FFE];
	_ =	sdelay $0x1  }
0x8a: {  	s1 =	srdreg.scid  }
0x8b: {  	s0 =	sand.u32 $0x1, s1  }
0x8c: {  	s17 =	sshll.u32 s0, $0xA;
	s2 =	sadd.s32 s3, s2  }
0x8d: {  	s2 =	sadd.s32 s2, s17  }
0x8e: {  	[smem:$0x3FAA] =	sst s2  }
0x8f: {  	_ = 	snop  }
0x90: {  	s2 =	sld [smem:$0x3FD0];
	(tm) =	ssettm $0x1  }
0x91: {  	s18 =	sld [smem:$0x3FFB];
	_ =	sdelay $0x3  }
0x92: {  	_ =	strace s18  }
0x93: {  	s3 =	sld [smem:$0x3FFC];
	_ =	sdelay $0x3  }
0x94: {  	_ =	strace s3  }
0x95: {  	s3 =	sld [smem:$0x3FFD];
	_ =	sdelay $0x3  }
0x96: {  	_ =	strace s3  }
0x97: {  	_ =	strace $0x8FFFFFFF  }
0x98: {  	s19 =	sld [smem:$0x3FDB];
	_ =	sdelay $0x1  }
0x99: {  	s4 =	simm.s32 $_scs_section_size  }
0x9a: {  	s5 =	simm.s32 $_size__tile_overlayer_lowered;
	s6 =	simm.s32 $_tile_overlayer_lowered  }
0x9b: {  	s22 =	simm.s32 $0x1BFF;
	s21 =	sshll.u32 s6, $0x1;
	s3 =	sadd.s32 s4, s19  }
0x9c: {  	s7 =	simm.s32 $0x0;
	s20 =	sshll.u32 s5, $0x1;
	s5 =	sadd.s32 s21, s3  }
0x9d: {  	[timem:s7], [sflag:s22] =	dma.local [hbm:s5], s20  }
0x9e: {  	_ =	swait.ge [sflag:s22], s20  }
0x9f: {  	s4 =	ssub.s32 $0x0, s20;
	[sflag:s22] =	ssyncset.done $0x0  }
0xa0: {  	[sflag:s22] =	ssyncadd.s32 s4;
	_ =	sdelay $0x1  }
0xa1: {  	s23 =	simm.s32 $0x1B8B  }
0xa2: {  	_ =	swait.ge [sflag:s23], $0x1  }
0xa3: {  	[sflag:s23] =	ssyncset.done $0x0  }
0xa4: {  	s25 =	simm.s32 $0x1B8E;
	s24 =	sld [smem:$0x3FFE];
	[sflag:s23] =	ssyncadd.s32 $0xFFFFFFFF  }
0xa5: {  	s26 =	simm.s32 $execute0_lowered;
	[smem:$0x3FD2] =	sst s25  }
0xa6: {  	s5 =	sshll.u32 s26, $0x1;
	_ =	strace $0x80000049;
	[dreg:$0x1] =	wrdreg $0xFFFFFFFF  }
0xa7: {  	s28 =	simm.s32 $_size_execute0_lowered;
	s3 =	sadd.s32 s3, s5;
	[dreg:$0x0] =	wrdreg $0x0  }
0xa8: {  	s5 =	sshll.u32 s28, $0x1;
	[dreg:$0x2] =	wrdreg s3  }
0xa9: {  	[dreg:$0x3] =	wrdreg s5  }
0xaa: {  	[dreg:$0x4] =	wrdreg $0xC0  }
0xab: {  	_ =	task [dreg:s7], $0x5FFFF  }
0xac: {  	[dreg:$0x1] =	wrdreg $0xFFFFFFFF  }
0xad: {  	[dreg:$0x0] =	wrdreg $0x60  }
0xae: {  	[dreg:$0x2] =	wrdreg s2  }
0xaf: {  	[dreg:$0x3] =	wrdreg s24  }
0xb0: {  	[dreg:$0x4] =	wrdreg $0x9  }
0xb1: {  	_ =	task.clear_ibuf [dreg:s7], $0x5FFFF;
	_ =	strace $0x90000049  }
0xb2: {  	s29 =	simm.s32 $0x9;
	_ =	strace $0x8000004B  }
0xb3: {  	_ =	swait.ge [sflag:s29], $0x1  }
0xb4: {  	[sflag:s29] =	ssyncadd.s32 $0xFFFFFFFF  }
0xb5: {  	_ =	strace $0x9000004B  }
0xb6: {  	_ =	sfence  }
0xb7: {  	s30 =	sld [smem:$0x0];
	_ =	sdelay $0x2  }
0xb8: {  	s31 =	sshll.u32 s1, $0xD;
	s1 =	sshrl.u32 s1, $0x2  }
0xb9: {  	s3 =	sand.u32 $0x4000, s31;
	s1 =	sadd.s32 s1, s30  }
0xba: {  	s0 =	sor.u32 s3, s0;
	s1 =	sshll.u32 s1, $0x11  }
0xbb: {  	s0 =	sor.u32 s1, s0  }
0xbc: {  	s0 =	sadd.s32 $0x8F2B, s0  }
0xbd: {  	[sflag:s0] =	ssyncadd.remote.s32 $0x1  }
0xbe: {  	_ =	sfence.sel $0xFFFF  }
0xbf: {  	[dreg:$0x0] =	wrdreg $0xFFFFFFFF;
	(pc) =	sbr.abs _section_cstart, $3  }
0xc0: {  	[dreg:$0x1] =	wrdreg $0xFFFFFFFF  }
0xc1: {  	_ =	task.clear_ibuf [dreg:s7], $0x2FFFF;
	_ =	strace $0x9FFFFFFF  }
0xc2: {  	(tm) =	ssettm $0x7FFFFFFF  }
0xc3: {  	_ =	shalt  }
tec
execute0_lowered:
.L_overlay_start_1:
0x0: {  	(tag) =	ssettag $0x1  }
0x1: {  	s1 =	rddreg [dreg:$0x0]  }
0x2: {  	s5 =	rddreg [dreg:$0x1]  }
0x3: {  	s0 =	rddreg [dreg:$0x2]  }
0x4: {  	s2 =	simm.s32 $0x0;
	s4 =	srdreg.scid;
	s12 =	simm.s32 $0x2  }
0x5: {  	s13 =	simm.s32 $0x100;
	s14 =	simm.s32 $0xA200;
	s15 =	simm.s32 $0xA0  }
0x6: {  	s16 =	simm.s32 $0x200;
	s17 =	simm.s32 $0x1;
	s18 =	simm.s32 $0x5200  }
0x7: {  	s19 =	simm.s32 $0xF200;
	s20 =	simm.s32 $0x0;
	[smem:$0x7FF] =	sst s2  }
0x8: {  	s3 =	sadd.s32 $0x84DE00, s5;
	s4 =	sand.u32 $0x1, s4;
	s6 =	sadd.s32 $0x2F1A00, s5  }
0x9: {  	s7 =	sadd.s32 $0x2ECA00, s5;
	s8 =	sadd.s32 $0x2F6A00, s5;
	s9 =	ssub.s32 $0x2, s4  }
0xa: {  	s5 =	stileid.u32;
	_ =	strace $0x8000004A;
	s10 =	sshrl.u32 s9, $0x1  }
0xb: {  	p0 =	slt.u32 s5, $0x4;
	s11 =	ssub.s32 s9, s10;
	s9 =	simm.s32 $0x20  }
0xc: {  	s10 =	sshll.u32 s5, $0x1;
	s9 =	simm.s32 @!p0 $0x1F;
	s11 =	smax.u32 s11, $0x1  }
.LBB2_1:
0xd: {  	s21 =	simm.s32 $0x0  }
.LBB2_2:
0xe: {  	s22 =	sshll.u32 s21, $0x5  }
0xf: {  	s22 =	sor.u32 s22, s10  }
0x10: {  	s22 =	sor.u32 s4, s22  }
0x11: {  	s23 =	smul.u32 $0xA0, s22;
	_ =	sdelay $0x1  }
0x12: {  	s23 =	sshrl.u32 s23, $0x3  }
0x13: {  	s25 =	simm.s32 $0x0;
	s24 =	sadd.s32 s6, s23  }
0x14: {  	[tilespmem:s25], [sflag:$0x2] =	stream.linear.gather [hbm4b:s24+s25], $0xA0, $0x38;
	[tilespmem:$0x14200] =	vst v63  }
0x15: {  	_ =	swait.ge [sflag:s12], $0xA0  }
0x16: {  	[sflag:s12] =	ssyncset.done $0x0  }
0x17: {  	s22 =	smul.u32 $0x5000, s22;
	s23 =	sadd.s32 s7, s23;
	[sflag:s12] =	ssyncadd.s32 $0xFFFFFF60  }
0x18: {  	[tilespmem:s13], [sflag:$0x2] =	stream.linear.gather [hbm4b:s23+s25], $0xA0, $0x38;
	[tilespmem:$0x14200] =	vst v63  }
0x19: {  	_ =	swait.ge [sflag:s12], $0xA0  }
0x1a: {  	s22 =	sshrl.u32 s22, $0x3;
	[sflag:s12] =	ssyncset.done $0x0  }
0x1b: {  	s31 =	sadd.s32 s3, s22;
	[sflag:s12] =	ssyncadd.s32 $0xFFFFFF60  }
0x1c: {  	[tilespmem:s14], [sflag:$0x2] =	stream.linear.gather [hbm4b:s31+s25], $0x5000, $0x38;
	[tilespmem:$0x14200] =	vst v63  }
0x1d: {  	_ =	swait.ge [sflag:s12], $0x5000  }
0x1e: {  	[sflag:s12] =	ssyncset.done $0x0  }
0x1f: {  	[sflag:s12] =	ssyncadd.s32 $0xFFFFB000  }
0x20: {  	[tilespmem:s16], [sflag:$0x1] =	stream.indirect.gather [hbm4b:s1+s15], $0x80, s25, s15, $0xb8;
	[tilespmem:$0x14200] =	vst v63  }
0x21: {  	_ =	swait.ge [sflag:s17], $0x5000  }
0x22: {  	[sflag:s17] =	ssyncset.done $0x0  }
0x23: {  	[sflag:s17] =	ssyncadd.s32 $0xFFFFB000  }
0x24: {  	[tilespmem:s18], [sflag:$0x1] =	stream.indirect.gather [hbm4b:s1+s15], $0x80, s13, s15, $0xb8;
	[tilespmem:$0x14200] =	vst v63  }
0x25: {  	_ =	swait.ge [sflag:s17], $0x5000  }
0x26: {  	[sflag:s17] =	ssyncset.done $0x0  }
0x27: {  	s23 =	simm.s32 $0x0;
	[sflag:s17] =	ssyncadd.s32 $0xFFFFB000  }
0x28: {  	v0 =	vld [tilespmem:s23+$0x200]  }
0x29: {  	s24 =	simm.s32 $0x80;
	v1 =	vld [tilespmem:s23+$0x5210]  }
0x2a: {  	v2 =	vld [tilespmem:s24+$0x200]  }
0x2b: {  	v3 =	vld [tilespmem:s24+$0x5210]  }
0x2c: {  	v4 =	vld [tilespmem:s23+$0xA200];
	_ =	sdelay $0x1  }
0x2d: {  	v5 =	vld [tilespmem:s24+$0xA200]  }
0x2e: {  	v0 =	vadd.f32 v1, v0;
	_ =	sdelay $0x1  }
0x2f: {  	v2 =	vadd.f32 v3, v2;
	v0 =	vadd.f32 v4, v0;
	_ =	sdelay $0x1  }
0x30: {  	v2 =	vadd.f32 v5, v2;
	v5 =	vmul.f32 $2.000000030e-01, v0  }
0x31: {  	s25 =	simm.s32 $0x100  }
0x32: {  	v1 =	vld [tilespmem:s25+$0x200];
	v0 =	vmax.f32 v0, v5  }
0x33: {  	v3 =	vld [tilespmem:s25+$0x5210];
	v5 =	vmul.f32 $1.442695020e+00, v0  }
0x34: {  	v6 =	vmul.f32 $2.000000030e-01, v2  }
0x35: {  	v4 =	vld [tilespmem:s25+$0xA200];
	(erf) = vpow2.f32 v5  }
0x36: {  	v2 =	vmax.f32 v2, v6  }
0x37: {  	s26 =	simm.s32 $0x180;
	v6 =	vmul.f32 $1.442695020e+00, v2  }
0x38: {  	v1 =	vadd.f32 v3, v1;
	v0 =	vld [tilespmem:s26+$0x200]  }
0x39: {  	v2 =	vld [tilespmem:s26+$0x5210];
	(erf) = vpow2.f32 v6  }
0x3a: {  	v3 =	vadd.f32 v4, v1  }
0x3b: {  	v1 =	vld [tilespmem:s26+$0xA200]  }
0x3c: {  	s28 =	simm.s32 $0x800;
	v4 =	vmul.f32 $2.000000030e-01, v3  }
.LBB2_3:
0x3d: {  	s29 =	sshra.s32 s28, $0x2;
	p0 =	sne.s32 s28, $0x13E00  }
.Ltmp0:
0x3e: {  	s28 =	sadd.s32 $0x200, s28;
	v5 =	vadd.f32 v2, v0;
	v0 =	vld [tilespmem:s29+$0x200];
	v3 =	vmax.f32 v3, v4;
	v4 =	vpop (erf);
	(pc) =	sbr.rel @p0 .LBB2_3-.Ltmp0, $4  }
0x3f: {  	v2 =	vld [tilespmem:s29+$0x5210];
	v6 =	vmul.f32 $1.442695020e+00, v3;
	[tilespmem:s23+$0xF200] =	vst v4;
	s23 =	smov.u32 s24;
	s24 =	smov.u32 s25;
	s25 =	smov.u32 s26  }
0x40: {  	s26 =	smov.u32 s29;
	v3 =	vadd.f32 v1, v5  }
0x41: {  	v1 =	vld [tilespmem:s26+$0xA200];
	(erf) = vpow2.f32 v6  }
0x42: {  	v4 =	vmul.f32 $2.000000030e-01, v3  }
0x43: {  	_ = 	snop  }
0x44: {  	v0 =	vadd.f32 v2, v0;
	_ =	sdelay $0x1  }
0x45: {  	v0 =	vadd.f32 v1, v0;
	_ =	sdelay $0x1  }
0x46: {  	v1 =	vmul.f32 $2.000000030e-01, v0  }
0x47: {  	v59 =	vmax.f32 v3, v4  }
0x48: {  	v2 =	vmul.f32 $1.442695020e+00, v59;
	v0 =	vmax.f32 v0, v1  }
0x49: {  	v0 =	vmul.f32 $1.442695020e+00, v0  }
0x4a: {  	(erf) = vpow2.f32 v2  }
0x4b: {  	(erf) = vpow2.f32 v0;
	_ =	sdelay $0x5  }
0x4c: {  	v60 =	vpop (erf)  }
0x4d: {  	[tilespmem:s23+$0xF200] =	vst v60;
	v61 =	vpop (erf)  }
0x4e: {  	s21 =	sadd.s32 $0x1, s21;
	[tilespmem:s24+$0xF200] =	vst v61;
	v62 =	vpop (erf)  }
0x4f: {  	p0 =	sne.s32 s21, s9;
	[tilespmem:s25+$0xF200] =	vst v62;
	v63 =	vpop (erf)  }
.Ltmp1:
0x50: {  	s22 =	sadd.s32 s8, s22;
	[tilespmem:s26+$0xF200] =	vst v63;
	(pc) =	sbr.rel @p0 .LBB2_2-.Ltmp1, $4  }
0x51: {  	[hbm4b:s22+s2] =	stream.linear.scatter [tilespmem:s19], [sflag:$0x2], $0x5000, $0x38;
	[tilespmem:$0x14200] =	vst v63  }
0x52: {  	_ =	swait.ge [sflag:s12], $0x5000  }
0x53: {  	[sflag:s12] =	ssyncset.done $0x0  }
0x54: {  	[sflag:s12] =	ssyncadd.s32 $0xFFFFB000  }
0x55: {  	s20 =	sadd.s32 $0x1, s20  }
0x56: {  	p0 =	sne.s32 s20, s11  }
.Ltmp2:
0x57: {  	_ = 	snop;
	(pc) =	sbr.rel @p0 .LBB2_1-.Ltmp2, $1  }
0x58: {  	_ =	sdelay $0x3  }
0x59: {  	_ =	sfence.sel $0x180000  }
0x5a: {  	[bflag:$0x0] =	sbarrier.arrive $0xFFFF  }
0x5b: {  	p0 =	sne.s32 s5, $0x0;
	_ =	strace $0x9000004A  }
0x5c: {  	s0 =	sadd.s32 @!p0 $0x100000, s0;
	[bflag:$0x2] =	sbarrier.arrive $0xFFFF  }
0x5d: {  	[sflag:s0] =	ssyncadd.tile.s32 @!p0 $0x1;
	_ =	shalt  }
.Lfunc_end2:
_tile_overlayer_lowered:
.L_overlay_start_2:
0x5e: {  	(tag) =	ssettag $0x2  }
0x5f: {  	s0 =	rddreg [dreg:$0x0];
	s2 =	stileid.u32  }
0x60: {  	s1 =	rddreg [dreg:$0x1];
	p0 =	sne.s32 s2, $0x0  }
0x61: {  	s3 =	rddreg [dreg:$0x2];
	[bflag:$0x3] =	sbarrier.arrive $0xFFFF;
	s2 =	simm.s32 @!p0 $0x1C02  }
0x62: {  	[timem:s3], [sflag:s2] =	dma.local @!p0 [hbm:s0], s1  }
0x63: {  	s0 =	simm.s32 @!p0 $0x2  }
0x64: {  	_ =	swait.ge @!p0 [sflag:s0], s1  }
0x65: {  	s1 =	ssub.s32 @!p0 $0x0, s1;
	[sflag:s0] =	ssyncset.done @!p0 $0x0  }
0x66: {  	[sflag:s0] =	ssyncadd.s32 @!p0 s1  }
0x67: {  	[bflag:$0x3] =	sbarrier.arrive $0xFFFF  }
0x68: {  	_ =	shalt  }

</sc_bundles>
